<compile_context>
chip_gen: v7x
topology: tpu7x:2x2x1
jax: 0.10.2.dev20260603
libtpu: 0.0.44.dev20260713+nightly
codegen_flags: <defaults>
</compile_context>

<pallas_src>
import functools

import jax
import jax.numpy as jnp
from jax import lax
from jax.experimental import pallas as pl
from jax.experimental.pallas import tpu as pltpu
from jax.experimental.pallas import tpu_sc as plsc

N = 10000
E = 320000
D = 128

NC = 2
NS = 16

K = 80
EPT = E // NS
NCHUNK = EPT // K
NCH = NCHUNK // 2

NP = 10240
NPH = NP // 2
NDUMP = 8
ACR = NPH + NDUMP
RPT = NPH // NS
HRPT = NP // NS

_mesh = plsc.VectorSubcoreMesh(core_axis_name="c", subcore_axis_name="s")


@functools.partial(
    pl.kernel,
    out_type=jax.ShapeDtypeStruct((NC, NP), jnp.float32),
    mesh=_mesh,
    scratch_types=[
        pltpu.VMEM((NCH, K), jnp.int32),
        pltpu.VMEM((NCH, K), jnp.int32),
        pltpu.VMEM((K,), jnp.float32),
        pltpu.VMEM((HRPT,), jnp.float32),
        pltpu.VMEM_SHARED((NP,), jnp.float32),
    ],
)
def _degree_pass(eidx_hbm, deg_hbm, idx_v, idx_v2, ones_v, zbuf, hist):
    c = lax.axis_index("c")
    s = lax.axis_index("s")

    pltpu.sync_copy(eidx_hbm.at[c, s, 0], idx_v)
    pltpu.sync_copy(eidx_hbm.at[c, s, 1], idx_v2)

    one = jnp.ones((16,), jnp.float32)
    zero = jnp.zeros((16,), jnp.float32)
    for t in range(K // 16):
        ones_v[pl.ds(t * 16, 16)] = one
    for t in range(HRPT // 16):
        zbuf[pl.ds(t * 16, 16)] = zero

    pltpu.sync_copy(zbuf, hist.at[pl.ds(s * HRPT, HRPT)])
    plsc.subcore_barrier()

    def body(j, _):
        pltpu.sync_copy(ones_v, hist.at[idx_v.at[j]], add=True)
        return 0

    def body2(j, _):
        pltpu.sync_copy(ones_v, hist.at[idx_v2.at[j]], add=True)
        return 0

    lax.fori_loop(0, NCH, body, 0)
    lax.fori_loop(0, NCH, body2, 0)
    plsc.subcore_barrier()

    pltpu.sync_copy(hist.at[pl.ds(s * HRPT, HRPT)], deg_hbm.at[c, pl.ds(s * HRPT, HRPT)])


@functools.partial(
    pl.kernel,
    out_type=jax.ShapeDtypeStruct((NP, D), jnp.float32),
    mesh=_mesh,
    scratch_types=[
        pltpu.VMEM((NCH, K), jnp.int32),
        pltpu.VMEM((NCH, K), jnp.int32),
        pltpu.VMEM((K, D), jnp.float32),
        pltpu.VMEM((K, D), jnp.float32),
        pltpu.VMEM((K, D), jnp.float32),
        pltpu.VMEM((K, D), jnp.float32),
        pltpu.VMEM((8, D), jnp.float32),
        pltpu.VMEM_SHARED((ACR, D), jnp.float32),
        pltpu.SemaphoreType.DMA,
        pltpu.SemaphoreType.DMA,
        pltpu.SemaphoreType.DMA,
        pltpu.SemaphoreType.DMA,
    ],
)
def _edge_pass(h_hbm, eidx_hbm, out_hbm, src_v, dst_v,
               b0, b1, b2, b3, zbuf, acc, g0, g1, g2, g3):
    c = lax.axis_index("c")
    s = lax.axis_index("s")

    zero = jnp.zeros((16,), jnp.float32)
    for r in range(8):
        for t in range(D // 16):
            zbuf[r, pl.ds(t * 16, 16)] = zero

    base = c * NPH
    dump = NPH + (lax.iota(jnp.int32, 16) & (NDUMP - 1))

    bufs = (b0, b1, b2, b3)
    sems = (g0, g1, g2, g3)

    def gather(j, u):
        pltpu.async_copy(h_hbm.at[src_v.at[j]], bufs[u], sems[u])

    def wait_scatter(j, u):
        pltpu.make_async_copy(h_hbm.at[src_v.at[j]], bufs[u], sems[u]).wait()
        pltpu.sync_copy(bufs[u], acc.at[dst_v.at[j]], add=True)

    for half in range(2):
        pltpu.sync_copy(eidx_hbm.at[0, s, half], src_v)
        pltpu.sync_copy(eidx_hbm.at[1, s, half], dst_v)

        def remap(j, _):
            for t in range(K // 16):
                d = dst_v[j, pl.ds(t * 16, 16)]
                local = d - base
                ok = (local >= 0) & (local < NPH)
                dst_v[j, pl.ds(t * 16, 16)] = jnp.where(ok, local, dump)
            return 0

        lax.fori_loop(0, NCH, remap, 0)

        if half == 0:
            def zcopy(i, _):
                pltpu.sync_copy(zbuf, acc.at[pl.ds(s * RPT + i * 8, 8)])
                return 0

            lax.fori_loop(0, RPT // 8 + 1, zcopy, 0)
            plsc.subcore_barrier()

        gather(0, 0)
        gather(1, 1)

        def body(i, _):
            j = 4 * i
            wait_scatter(j, 0)
            gather(j + 2, 2)
            wait_scatter(j + 1, 1)
            gather(j + 3, 3)
            wait_scatter(j + 2, 2)

            @pl.when(j + 4 < NCH)
            def _():
                gather(j + 4, 0)

            wait_scatter(j + 3, 3)

            @pl.when(j + 5 < NCH)
            def _():
                gather(j + 5, 1)

            return 0

        lax.fori_loop(0, NCH // 4, body, 0)
        wait_scatter(NCH - 1, 0)

    plsc.subcore_barrier()

    pltpu.sync_copy(acc.at[pl.ds(s * RPT, RPT)],
                    out_hbm.at[pl.ds(c * NPH + s * RPT, RPT)])


def _scale1_body(emb_ref, w_ref, degs_ref, out_ref):
    scale = lax.rsqrt(jnp.maximum(degs_ref[...], 1.0))
    out_ref[...] = jnp.dot(emb_ref[...] * scale, w_ref[...],
                           preferred_element_type=jnp.float32,
                           precision=lax.Precision.HIGHEST)


def _mid_body(p_ref, degs_ref, degd_ref, b1_ref, w2_ref, out_ref):
    agg = p_ref[:N]
    sin = lax.rsqrt(jnp.maximum(degd_ref[...], 1.0))
    h = jnp.maximum(agg * sin + b1_ref[...], 0.0)
    sout = lax.rsqrt(jnp.maximum(degs_ref[...], 1.0))
    out_ref[...] = jnp.dot(h * sout, w2_ref[...],
                           preferred_element_type=jnp.float32,
                           precision=lax.Precision.HIGHEST)


def _final_body(p_ref, degd_ref, b2_ref, out_ref):
    agg = p_ref[:N]
    sin = lax.rsqrt(jnp.maximum(degd_ref[...], 1.0))
    out_ref[...] = agg * sin + b2_ref[...]


_tc1 = pl.pallas_call(
    _scale1_body, out_shape=jax.ShapeDtypeStruct((N, D), jnp.float32))
_tc2 = pl.pallas_call(
    _mid_body, out_shape=jax.ShapeDtypeStruct((N, D), jnp.float32))
_tc3 = pl.pallas_call(
    _final_body, out_shape=jax.ShapeDtypeStruct((N, D), jnp.float32))


def kernel(edge_index, emb, W1, b1, W2, b2):
    eidx = edge_index.reshape(2, NS, 2, NCH, K)
    deg = _degree_pass(eidx)
    degs = deg[0, :N].reshape(N, 1)
    degd = deg[1, :N].reshape(N, 1)
    h1 = _tc1(emb, W1, degs)
    p1 = _edge_pass(h1, eidx)
    h2 = _tc2(p1, degs, degd, b1.reshape(1, D), W2)
    p2 = _edge_pass(h2, eidx)
    out = _tc3(p2, degd, b2.reshape(1, D))
    return out

# --- scband reference (transcript-rebuilt; emitter-appended) ---
"""Pipeline reference for scband-dglrgcnmodel-55817394978937 (READ-ONLY COPY).

The authoritative reference and input builder live on the scoring server;
editing this copy changes nothing except your own understanding.
"""

import jax, jax.numpy as jnp
import numpy as np

N = 10000
E = 320000
D_IN = 128
D_H = 128
D_OUT = 128


def setup_inputs(seed: int = 0) -> dict:
    key = jax.random.key(seed)
    k1, k2, k3, k4 = jax.random.split(key, 4)
    # graph structure: single ntype 'node', single etype 'rel'
    edge_index = jax.random.randint(k1, (2, E), 0, N, dtype=jnp.int32)
    # learned params: per-ntype embedding table (DGLREmbedding) + two GraphConv layers
    emb = jax.random.normal(k2, (N, D_IN), dtype=jnp.float32)
    W1 = jax.random.normal(k3, (D_IN, D_H), dtype=jnp.float32) * (1.0 / np.sqrt(D_IN))
    b1 = jnp.zeros((D_H,), dtype=jnp.float32)
    W2 = jax.random.normal(k4, (D_H, D_OUT), dtype=jnp.float32) * (1.0 / np.sqrt(D_H))
    b2 = jnp.zeros((D_OUT,), dtype=jnp.float32)
    return {"edge_index": edge_index, "emb": emb, "W1": W1, "b1": b1, "W2": W2, "b2": b2}


def _graph_conv(h, src, dst, W, b):
    # dgl.nn.GraphConv with norm='both', bias=True, allow_zero_in_degree=True
    # degrees clamped to min 1 (as in DGL implementation)
    deg_out = jnp.maximum(jnp.bincount(src, length=N), 1).astype(h.dtype)
    deg_in = jnp.maximum(jnp.bincount(dst, length=N), 1).astype(h.dtype)
    h = h * jax.lax.rsqrt(deg_out)[:, None]
    h = h @ W  # in_feats == out_feats so mult-then-aggregate == aggregate-then-mult
    msg = jnp.take(h, src, axis=0)  # gather along edges
    agg = jnp.zeros((N, W.shape[1]), dtype=h.dtype).at[dst].add(msg)  # scatter-add
    return agg * jax.lax.rsqrt(deg_in)[:, None] + b


def reference(edge_index, emb, W1, b1, W2, b2):
    src = edge_index[0]
    dst = edge_index[1]
    # DGLREmbedding: xs = {'node': emb}
    # i2h HeteroGraphConv (single etype, aggregate='mean' -> identity over one etype)
    h = _graph_conv(emb, src, dst, W1, b1)
    # activation = Dropout(0.5) + ReLU; dropout is identity in eval mode
    h = jax.nn.relu(h)
    # h2o HeteroGraphConv
    h = _graph_conv(h, src, dst, W2, b2)
    return h

if __name__ == "__main__":
    import jax
    _d = setup_inputs()
    print(jax.jit(kernel)(*tuple(_d.values())))

</pallas_src>

<mosaic_0001>
#map = affine_map<(d0, d1) -> (0, 0)>
#map1 = affine_map<(d0, d1) -> (0, 0, 0, 0, 0)>
module attributes {stable_mosaic.version = 14 : i64} {
  func.func @_edge_pass(%arg0: i32, %arg1: i32, %arg2: memref<10000x128xf32, #tpu.memory_space<hbm>>, %arg3: memref<2x16x2x125x80xi32, #tpu.memory_space<hbm>>, %arg4: memref<10240x128xf32, #tpu.memory_space<hbm>>, %arg5: memref<125x80xi32, #tpu.memory_space<vmem>>, %arg6: memref<125x80xi32, #tpu.memory_space<vmem>>, %arg7: memref<80x128xf32, #tpu.memory_space<vmem>>, %arg8: memref<80x128xf32, #tpu.memory_space<vmem>>, %arg9: memref<80x128xf32, #tpu.memory_space<vmem>>, %arg10: memref<80x128xf32, #tpu.memory_space<vmem>>, %arg11: memref<8x128xf32, #tpu.memory_space<vmem>>, %arg12: memref<5128x128xf32, #tpu.memory_space<vmem_shared>>, %arg13: memref<!tpu.dma_semaphore, #tpu.memory_space<semaphore_mem>>, %arg14: memref<!tpu.dma_semaphore, #tpu.memory_space<semaphore_mem>>, %arg15: memref<!tpu.dma_semaphore, #tpu.memory_space<semaphore_mem>>, %arg16: memref<!tpu.dma_semaphore, #tpu.memory_space<semaphore_mem>>) attributes {dimension_semantics = [#tpu.dimension_semantics<core_parallel>, #tpu.dimension_semantics<subcore_parallel>], iteration_bounds = array<i64: 2, 16>, scalar_prefetch = 0 : i64, scratch_operands = 12 : i64, tpu.core_type = #tpu.core_type<sc_vector_subcore>, window_params = [{transform_indices = #map}, {transform_indices = #map1}, {transform_indices = #map}]} {
    %broadcast_in_dim3A = arith.constant 0.000000e+00 : f32
    %broadcast_in_dim3A_0 = vector.broadcast %broadcast_in_dim3A : f32 to vector<16xf32>
    %swap3A = arith.constant 0 : i32
    %swap3A_1 = arith.index_cast %swap3A : i32 to index
    %swap3A_2 = arith.constant 0 : index
    %swap3A_3 = tpu.vector_load %arg11[%swap3A_1, %swap3A_2] {strides = array<i32>} : memref<8x128xf32, #tpu.memory_space<vmem>>, vector<1x16xf32>,
    %swap3A_4 = vector.shape_cast %swap3A_3 : vector<1x16xf32> to vector<16xf32>
    %swap3A_5 = vector.shape_cast %broadcast_in_dim3A_0 : vector<16xf32> to vector<1x16xf32>
    tpu.vector_store %arg11[%swap3A_1, %swap3A_2], %swap3A_5 {strides = array<i32>} : memref<8x128xf32, #tpu.memory_space<vmem>>, vector<1x16xf32>,
    %swap3A_6 = arith.constant 0 : i32
    %swap3A_7 = arith.index_cast %swap3A_6 : i32 to index
    %swap3A_8 = arith.constant 16 : index
    %swap3A_9 = tpu.vector_load %arg11[%swap3A_7, %swap3A_8] {strides = array<i32>} : memref<8x128xf32, #tpu.memory_space<vmem>>, vector<1x16xf32>,
    %swap3A_10 = vector.shape_cast %swap3A_9 : vector<1x16xf32> to vector<16xf32>
    %swap3A_11 = vector.shape_cast %broadcast_in_dim3A_0 : vector<16xf32> to vector<1x16xf32>
    tpu.vector_store %arg11[%swap3A_7, %swap3A_8], %swap3A_11 {strides = array<i32>} : memref<8x128xf32, #tpu.memory_space<vmem>>, vector<1x16xf32>,
    %swap3A_12 = arith.constant 0 : i32
    %swap3A_13 = arith.index_cast %swap3A_12 : i32 to index
    %swap3A_14 = arith.constant 32 : index
    %swap3A_15 = tpu.vector_load %arg11[%swap3A_13, %swap3A_14] {strides = array<i32>} : memref<8x128xf32, #tpu.memory_space<vmem>>, vector<1x16xf32>,
    %swap3A_16 = vector.shape_cast %swap3A_15 : vector<1x16xf32> to vector<16xf32>
    %swap3A_17 = vector.shape_cast %broadcast_in_dim3A_0 : vector<16xf32> to vector<1x16xf32>
    tpu.vector_store %arg11[%swap3A_13, %swap3A_14], %swap3A_17 {strides = array<i32>} : memref<8x128xf32, #tpu.memory_space<vmem>>, vector<1x16xf32>,
    %swap3A_18 = arith.constant 0 : i32
    %swap3A_19 = arith.index_cast %swap3A_18 : i32 to index
    %swap3A_20 = arith.constant 48 : index
    %swap3A_21 = tpu.vector_load %arg11[%swap3A_19, %swap3A_20] {strides = array<i32>} : memref<8x128xf32, #tpu.memory_space<vmem>>, vector<1x16xf32>,
    %swap3A_22 = vector.shape_cast %swap3A_21 : vector<1x16xf32> to vector<16xf32>
    %swap3A_23 = vector.shape_cast %broadcast_in_dim3A_0 : vector<16xf32> to vector<1x16xf32>
    tpu.vector_store %arg11[%swap3A_19, %swap3A_20], %swap3A_23 {strides = array<i32>} : memref<8x128xf32, #tpu.memory_space<vmem>>, vector<1x16xf32>,
    %swap3A_24 = arith.constant 0 : i32
    %swap3A_25 = arith.index_cast %swap3A_24 : i32 to index
    %swap3A_26 = arith.constant 64 : index
    %swap3A_27 = tpu.vector_load %arg11[%swap3A_25, %swap3A_26] {strides = array<i32>} : memref<8x128xf32, #tpu.memory_space<vmem>>, vector<1x16xf32>,
    %swap3A_28 = vector.shape_cast %swap3A_27 : vector<1x16xf32> to vector<16xf32>
    %swap3A_29 = vector.shape_cast %broadcast_in_dim3A_0 : vector<16xf32> to vector<1x16xf32>
    tpu.vector_store %arg11[%swap3A_25, %swap3A_26], %swap3A_29 {strides = array<i32>} : memref<8x128xf32, #tpu.memory_space<vmem>>, vector<1x16xf32>,
    %swap3A_30 = arith.constant 0 : i32
    %swap3A_31 = arith.index_cast %swap3A_30 : i32 to index
    %swap3A_32 = arith.constant 80 : index
    %swap3A_33 = tpu.vector_load %arg11[%swap3A_31, %swap3A_32] {strides = array<i32>} : memref<8x128xf32, #tpu.memory_space<vmem>>, vector<1x16xf32>,
    %swap3A_34 = vector.shape_cast %swap3A_33 : vector<1x16xf32> to vector<16xf32>
    %swap3A_35 = vector.shape_cast %broadcast_in_dim3A_0 : vector<16xf32> to vector<1x16xf32>
    tpu.vector_store %arg11[%swap3A_31, %swap3A_32], %swap3A_35 {strides = array<i32>} : memref<8x128xf32, #tpu.memory_space<vmem>>, vector<1x16xf32>,
    %swap3A_36 = arith.constant 0 : i32
    %swap3A_37 = arith.index_cast %swap3A_36 : i32 to index
    %swap3A_38 = arith.constant 96 : index
    %swap3A_39 = tpu.vector_load %arg11[%swap3A_37, %swap3A_38] {strides = array<i32>} : memref<8x128xf32, #tpu.memory_space<vmem>>, vector<1x16xf32>,
    %swap3A_40 = vector.shape_cast %swap3A_39 : vector<1x16xf32> to vector<16xf32>
    %swap3A_41 = vector.shape_cast %broadcast_in_dim3A_0 : vector<16xf32> to vector<1x16xf32>
    tpu.vector_store %arg11[%swap3A_37, %swap3A_38], %swap3A_41 {strides = array<i32>} : memref<8x128xf32, #tpu.memory_space<vmem>>, vector<1x16xf32>,
    %swap3A_42 = arith.constant 0 : i32
    %swap3A_43 = arith.index_cast %swap3A_42 : i32 to index
    %swap3A_44 = arith.constant 112 : index
    %swap3A_45 = tpu.vector_load %arg11[%swap3A_43, %swap3A_44] {strides = array<i32>} : memref<8x128xf32, #tpu.memory_space<vmem>>, vector<1x16xf32>,
    %swap3A_46 = vector.shape_cast %swap3A_45 : vector<1x16xf32> to vector<16xf32>
    %swap3A_47 = vector.shape_cast %broadcast_in_dim3A_0 : vector<16xf32> to vector<1x16xf32>
    tpu.vector_store %arg11[%swap3A_43, %swap3A_44], %swap3A_47 {strides = array<i32>} : memref<8x128xf32, #tpu.memory_space<vmem>>, vector<1x16xf32>,
    %swap3A_48 = arith.constant 1 : i32
    %swap3A_49 = arith.index_cast %swap3A_48 : i32 to index
    %swap3A_50 = arith.constant 0 : index
    %swap3A_51 = tpu.vector_load %arg11[%swap3A_49, %swap3A_50] {strides = array<i32>} : memref<8x128xf32, #tpu.memory_space<vmem>>, vector<1x16xf32>,
    %swap3A_52 = vector.shape_cast %swap3A_51 : vector<1x16xf32> to vector<16xf32>
    %swap3A_53 = vector.shape_cast %broadcast_in_dim3A_0 : vector<16xf32> to vector<1x16xf32>
    tpu.vector_store %arg11[%swap3A_49, %swap3A_50], %swap3A_53 {strides = array<i32>} : memref<8x128xf32, #tpu.memory_space<vmem>>, vector<1x16xf32>,
    %swap3A_54 = arith.constant 1 : i32
    %swap3A_55 = arith.index_cast %swap3A_54 : i32 to index
    %swap3A_56 = arith.constant 16 : index
    %swap3A_57 = tpu.vector_load %arg11[%swap3A_55, %swap3A_56] {strides = array<i32>} : memref<8x128xf32, #tpu.memory_space<vmem>>, vector<1x16xf32>,
    %swap3A_58 = vector.shape_cast %swap3A_57 : vector<1x16xf32> to vector<16xf32>
    %swap3A_59 = vector.shape_cast %broadcast_in_dim3A_0 : vector<16xf32> to vector<1x16xf32>
    tpu.vector_store %arg11[%swap3A_55, %swap3A_56], %swap3A_59 {strides = array<i32>} : memref<8x128xf32, #tpu.memory_space<vmem>>, vector<1x16xf32>,
    %swap3A_60 = arith.constant 1 : i32
    %swap3A_61 = arith.index_cast %swap3A_60 : i32 to index
    %swap3A_62 = arith.constant 32 : index
    %swap3A_63 = tpu.vector_load %arg11[%swap3A_61, %swap3A_62] {strides = array<i32>} : memref<8x128xf32, #tpu.memory_space<vmem>>, vector<1x16xf32>,
    %swap3A_64 = vector.shape_cast %swap3A_63 : vector<1x16xf32> to vector<16xf32>
    %swap3A_65 = vector.shape_cast %broadcast_in_dim3A_0 : vector<16xf32> to vector<1x16xf32>
    tpu.vector_store %arg11[%swap3A_61, %swap3A_62], %swap3A_65 {strides = array<i32>} : memref<8x128xf32, #tpu.memory_space<vmem>>, vector<1x16xf32>,
    %swap3A_66 = arith.constant 1 : i32
    %swap3A_67 = arith.index_cast %swap3A_66 : i32 to index
    %swap3A_68 = arith.constant 48 : index
    %swap3A_69 = tpu.vector_load %arg11[%swap3A_67, %swap3A_68] {strides = array<i32>} : memref<8x128xf32, #tpu.memory_space<vmem>>, vector<1x16xf32>,
    %swap3A_70 = vector.shape_cast %swap3A_69 : vector<1x16xf32> to vector<16xf32>
    %swap3A_71 = vector.shape_cast %broadcast_in_dim3A_0 : vector<16xf32> to vector<1x16xf32>
    tpu.vector_store %arg11[%swap3A_67, %swap3A_68], %swap3A_71 {strides = array<i32>} : memref<8x128xf32, #tpu.memory_space<vmem>>, vector<1x16xf32>,
    %swap3A_72 = arith.constant 1 : i32
    %swap3A_73 = arith.index_cast %swap3A_72 : i32 to index
    %swap3A_74 = arith.constant 64 : index
    %swap3A_75 = tpu.vector_load %arg11[%swap3A_73, %swap3A_74] {strides = array<i32>} : memref<8x128xf32, #tpu.memory_space<vmem>>, vector<1x16xf32>,
    %swap3A_76 = vector.shape_cast %swap3A_75 : vector<1x16xf32> to vector<16xf32>
    %swap3A_77 = vector.shape_cast %broadcast_in_dim3A_0 : vector<16xf32> to vector<1x16xf32>
    tpu.vector_store %arg11[%swap3A_73, %swap3A_74], %swap3A_77 {strides = array<i32>} : memref<8x128xf32, #tpu.memory_space<vmem>>, vector<1x16xf32>,
    %swap3A_78 = arith.constant 1 : i32
    %swap3A_79 = arith.index_cast %swap3A_78 : i32 to index
    %swap3A_80 = arith.constant 80 : index
    %swap3A_81 = tpu.vector_load %arg11[%swap3A_79, %swap3A_80] {strides = array<i32>} : memref<8x128xf32, #tpu.memory_space<vmem>>, vector<1x16xf32>,
    %swap3A_82 = vector.shape_cast %swap3A_81 : vector<1x16xf32> to vector<16xf32>
    %swap3A_83 = vector.shape_cast %broadcast_in_dim3A_0 : vector<16xf32> to vector<1x16xf32>
    tpu.vector_store %arg11[%swap3A_79, %swap3A_80], %swap3A_83 {strides = array<i32>} : memref<8x128xf32, #tpu.memory_space<vmem>>, vector<1x16xf32>,
    %swap3A_84 = arith.constant 1 : i32
    %swap3A_85 = arith.index_cast %swap3A_84 : i32 to index
    %swap3A_86 = arith.constant 96 : index
    %swap3A_87 = tpu.vector_load %arg11[%swap3A_85, %swap3A_86] {strides = array<i32>} : memref<8x128xf32, #tpu.memory_space<vmem>>, vector<1x16xf32>,
    %swap3A_88 = vector.shape_cast %swap3A_87 : vector<1x16xf32> to vector<16xf32>
    %swap3A_89 = vector.shape_cast %broadcast_in_dim3A_0 : vector<16xf32> to vector<1x16xf32>
    tpu.vector_store %arg11[%swap3A_85, %swap3A_86], %swap3A_89 {strides = array<i32>} : memref<8x128xf32, #tpu.memory_space<vmem>>, vector<1x16xf32>,
    %swap3A_90 = arith.constant 1 : i32
    %swap3A_91 = arith.index_cast %swap3A_90 : i32 to index
    %swap3A_92 = arith.constant 112 : index
    %swap3A_93 = tpu.vector_load %arg11[%swap3A_91, %swap3A_92] {strides = array<i32>} : memref<8x128xf32, #tpu.memory_space<vmem>>, vector<1x16xf32>,
    %swap3A_94 = vector.shape_cast %swap3A_93 : vector<1x16xf32> to vector<16xf32>
    %swap3A_95 = vector.shape_cast %broadcast_in_dim3A_0 : vector<16xf32> to vector<1x16xf32>
    tpu.vector_store %arg11[%swap3A_91, %swap3A_92], %swap3A_95 {strides = array<i32>} : memref<8x128xf32, #tpu.memory_space<vmem>>, vector<1x16xf32>,
    %swap3A_96 = arith.constant 2 : i32
    %swap3A_97 = arith.index_cast %swap3A_96 : i32 to index
    %swap3A_98 = arith.constant 0 : index
    %swap3A_99 = tpu.vector_load %arg11[%swap3A_97, %swap3A_98] {strides = array<i32>} : memref<8x128xf32, #tpu.memory_space<vmem>>, vector<1x16xf32>,
    %swap3A_100 = vector.shape_cast %swap3A_99 : vector<1x16xf32> to vector<16xf32>
    %swap3A_101 = vector.shape_cast %broadcast_in_dim3A_0 : vector<16xf32> to vector<1x16xf32>
    tpu.vector_store %arg11[%swap3A_97, %swap3A_98], %swap3A_101 {strides = array<i32>} : memref<8x128xf32, #tpu.memory_space<vmem>>, vector<1x16xf32>,
    %swap3A_102 = arith.constant 2 : i32
    %swap3A_103 = arith.index_cast %swap3A_102 : i32 to index
    %swap3A_104 = arith.constant 16 : index
    %swap3A_105 = tpu.vector_load %arg11[%swap3A_103, %swap3A_104] {strides = array<i32>} : memref<8x128xf32, #tpu.memory_space<vmem>>, vector<1x16xf32>,
    %swap3A_106 = vector.shape_cast %swap3A_105 : vector<1x16xf32> to vector<16xf32>
    %swap3A_107 = vector.shape_cast %broadcast_in_dim3A_0 : vector<16xf32> to vector<1x16xf32>
    tpu.vector_store %arg11[%swap3A_103, %swap3A_104], %swap3A_107 {strides = array<i32>} : memref<8x128xf32, #tpu.memory_space<vmem>>, vector<1x16xf32>,
    %swap3A_108 = arith.constant 2 : i32
    %swap3A_109 = arith.index_cast %swap3A_108 : i32 to index
    %swap3A_110 = arith.constant 32 : index
    %swap3A_111 = tpu.vector_load %arg11[%swap3A_109, %swap3A_110] {strides = array<i32>} : memref<8x128xf32, #tpu.memory_space<vmem>>, vector<1x16xf32>,
    %swap3A_112 = vector.shape_cast %swap3A_111 : vector<1x16xf32> to vector<16xf32>
    %swap3A_113 = vector.shape_cast %broadcast_in_dim3A_0 : vector<16xf32> to vector<1x16xf32>
    tpu.vector_store %arg11[%swap3A_109, %swap3A_110], %swap3A_113 {strides = array<i32>} : memref<8x128xf32, #tpu.memory_space<vmem>>, vector<1x16xf32>,
    %swap3A_114 = arith.constant 2 : i32
    %swap3A_115 = arith.index_cast %swap3A_114 : i32 to index
    %swap3A_116 = arith.constant 48 : index
    %swap3A_117 = tpu.vector_load %arg11[%swap3A_115, %swap3A_116] {strides = array<i32>} : memref<8x128xf32, #tpu.memory_space<vmem>>, vector<1x16xf32>,
    %swap3A_118 = vector.shape_cast %swap3A_117 : vector<1x16xf32> to vector<16xf32>
    %swap3A_119 = vector.shape_cast %broadcast_in_dim3A_0 : vector<16xf32> to vector<1x16xf32>
    tpu.vector_store %arg11[%swap3A_115, %swap3A_116], %swap3A_119 {strides = array<i32>} : memref<8x128xf32, #tpu.memory_space<vmem>>, vector<1x16xf32>,
    %swap3A_120 = arith.constant 2 : i32
    %swap3A_121 = arith.index_cast %swap3A_120 : i32 to index
    %swap3A_122 = arith.constant 64 : index
    %swap3A_123 = tpu.vector_load %arg11[%swap3A_121, %swap3A_122] {strides = array<i32>} : memref<8x128xf32, #tpu.memory_space<vmem>>, vector<1x16xf32>,
    %swap3A_124 = vector.shape_cast %swap3A_123 : vector<1x16xf32> to vector<16xf32>
    %swap3A_125 = vector.shape_cast %broadcast_in_dim3A_0 : vector<16xf32> to vector<1x16xf32>
    tpu.vector_store %arg11[%swap3A_121, %swap3A_122], %swap3A_125 {strides = array<i32>} : memref<8x128xf32, #tpu.memory_space<vmem>>, vector<1x16xf32>,
    %swap3A_126 = arith.constant 2 : i32
    %swap3A_127 = arith.index_cast %swap3A_126 : i32 to index
    %swap3A_128 = arith.constant 80 : index
    %swap3A_129 = tpu.vector_load %arg11[%swap3A_127, %swap3A_128] {strides = array<i32>} : memref<8x128xf32, #tpu.memory_space<vmem>>, vector<1x16xf32>,
    %swap3A_130 = vector.shape_cast %swap3A_129 : vector<1x16xf32> to vector<16xf32>
    %swap3A_131 = vector.shape_cast %broadcast_in_dim3A_0 : vector<16xf32> to vector<1x16xf32>
    tpu.vector_store %arg11[%swap3A_127, %swap3A_128], %swap3A_131 {strides = array<i32>} : memref<8x128xf32, #tpu.memory_space<vmem>>, vector<1x16xf32>,
    %swap3A_132 = arith.constant 2 : i32
    %swap3A_133 = arith.index_cast %swap3A_132 : i32 to index
    %swap3A_134 = arith.constant 96 : index
    %swap3A_135 = tpu.vector_load %arg11[%swap3A_133, %swap3A_134] {strides = array<i32>} : memref<8x128xf32, #tpu.memory_space<vmem>>, vector<1x16xf32>,
    %swap3A_136 = vector.shape_cast %swap3A_135 : vector<1x16xf32> to vector<16xf32>
    %swap3A_137 = vector.shape_cast %broadcast_in_dim3A_0 : vector<16xf32> to vector<1x16xf32>
    tpu.vector_store %arg11[%swap3A_133, %swap3A_134], %swap3A_137 {strides = array<i32>} : memref<8x128xf32, #tpu.memory_space<vmem>>, vector<1x16xf32>,
    %swap3A_138 = arith.constant 2 : i32
    %swap3A_139 = arith.index_cast %swap3A_138 : i32 to index
    %swap3A_140 = arith.constant 112 : index
    %swap3A_141 = tpu.vector_load %arg11[%swap3A_139, %swap3A_140] {strides = array<i32>} : memref<8x128xf32, #tpu.memory_space<vmem>>, vector<1x16xf32>,
    %swap3A_142 = vector.shape_cast %swap3A_141 : vector<1x16xf32> to vector<16xf32>
    %swap3A_143 = vector.shape_cast %broadcast_in_dim3A_0 : vector<16xf32> to vector<1x16xf32>
    tpu.vector_store %arg11[%swap3A_139, %swap3A_140], %swap3A_143 {strides = array<i32>} : memref<8x128xf32, #tpu.memory_space<vmem>>, vector<1x16xf32>,
    %swap3A_144 = arith.constant 3 : i32
    %swap3A_145 = arith.index_cast %swap3A_144 : i32 to index
    %swap3A_146 = arith.constant 0 : index
    %swap3A_147 = tpu.vector_load %arg11[%swap3A_145, %swap3A_146] {strides = array<i32>} : memref<8x128xf32, #tpu.memory_space<vmem>>, vector<1x16xf32>,
    %swap3A_148 = vector.shape_cast %swap3A_147 : vector<1x16xf32> to vector<16xf32>
    %swap3A_149 = vector.shape_cast %broadcast_in_dim3A_0 : vector<16xf32> to vector<1x16xf32>
    tpu.vector_store %arg11[%swap3A_145, %swap3A_146], %swap3A_149 {strides = array<i32>} : memref<8x128xf32, #tpu.memory_space<vmem>>, vector<1x16xf32>,
    %swap3A_150 = arith.constant 3 : i32
    %swap3A_151 = arith.index_cast %swap3A_150 : i32 to index
    %swap3A_152 = arith.constant 16 : index
    %swap3A_153 = tpu.vector_load %arg11[%swap3A_151, %swap3A_152] {strides = array<i32>} : memref<8x128xf32, #tpu.memory_space<vmem>>, vector<1x16xf32>,
    %swap3A_154 = vector.shape_cast %swap3A_153 : vector<1x16xf32> to vector<16xf32>
    %swap3A_155 = vector.shape_cast %broadcast_in_dim3A_0 : vector<16xf32> to vector<1x16xf32>
    tpu.vector_store %arg11[%swap3A_151, %swap3A_152], %swap3A_155 {strides = array<i32>} : memref<8x128xf32, #tpu.memory_space<vmem>>, vector<1x16xf32>,
    %swap3A_156 = arith.constant 3 : i32
    %swap3A_157 = arith.index_cast %swap3A_156 : i32 to index
    %swap3A_158 = arith.constant 32 : index
    %swap3A_159 = tpu.vector_load %arg11[%swap3A_157, %swap3A_158] {strides = array<i32>} : memref<8x128xf32, #tpu.memory_space<vmem>>, vector<1x16xf32>,
    %swap3A_160 = vector.shape_cast %swap3A_159 : vector<1x16xf32> to vector<16xf32>
    %swap3A_161 = vector.shape_cast %broadcast_in_dim3A_0 : vector<16xf32> to vector<1x16xf32>
    tpu.vector_store %arg11[%swap3A_157, %swap3A_158], %swap3A_161 {strides = array<i32>} : memref<8x128xf32, #tpu.memory_space<vmem>>, vector<1x16xf32>,
    %swap3A_162 = arith.constant 3 : i32
    %swap3A_163 = arith.index_cast %swap3A_162 : i32 to index
    %swap3A_164 = arith.constant 48 : index
    %swap3A_165 = tpu.vector_load %arg11[%swap3A_163, %swap3A_164] {strides = array<i32>} : memref<8x128xf32, #tpu.memory_space<vmem>>, vector<1x16xf32>,
    %swap3A_166 = vector.shape_cast %swap3A_165 : vector<1x16xf32> to vector<16xf32>
    %swap3A_167 = vector.shape_cast %broadcast_in_dim3A_0 : vector<16xf32> to vector<1x16xf32>
    tpu.vector_store %arg11[%swap3A_163, %swap3A_164], %swap3A_167 {strides = array<i32>} : memref<8x128xf32, #tpu.memory_space<vmem>>, vector<1x16xf32>,
    %swap3A_168 = arith.constant 3 : i32
    %swap3A_169 = arith.index_cast %swap3A_168 : i32 to index
    %swap3A_170 = arith.constant 64 : index
    %swap3A_171 = tpu.vector_load %arg11[%swap3A_169, %swap3A_170] {strides = array<i32>} : memref<8x128xf32, #tpu.memory_space<vmem>>, vector<1x16xf32>,
    %swap3A_172 = vector.shape_cast %swap3A_171 : vector<1x16xf32> to vector<16xf32>
    %swap3A_173 = vector.shape_cast %broadcast_in_dim3A_0 : vector<16xf32> to vector<1x16xf32>
    tpu.vector_store %arg11[%swap3A_169, %swap3A_170], %swap3A_173 {strides = array<i32>} : memref<8x128xf32, #tpu.memory_space<vmem>>, vector<1x16xf32>,
    %swap3A_174 = arith.constant 3 : i32
    %swap3A_175 = arith.index_cast %swap3A_174 : i32 to index
    %swap3A_176 = arith.constant 80 : index
    %swap3A_177 = tpu.vector_load %arg11[%swap3A_175, %swap3A_176] {strides = array<i32>} : memref<8x128xf32, #tpu.memory_space<vmem>>, vector<1x16xf32>,
    %swap3A_178 = vector.shape_cast %swap3A_177 : vector<1x16xf32> to vector<16xf32>
    %swap3A_179 = vector.shape_cast %broadcast_in_dim3A_0 : vector<16xf32> to vector<1x16xf32>
    tpu.vector_store %arg11[%swap3A_175, %swap3A_176], %swap3A_179 {strides = array<i32>} : memref<8x128xf32, #tpu.memory_space<vmem>>, vector<1x16xf32>,
    %swap3A_180 = arith.constant 3 : i32
    %swap3A_181 = arith.index_cast %swap3A_180 : i32 to index
    %swap3A_182 = arith.constant 96 : index
    %swap3A_183 = tpu.vector_load %arg11[%swap3A_181, %swap3A_182] {strides = array<i32>} : memref<8x128xf32, #tpu.memory_space<vmem>>, vector<1x16xf32>,
    %swap3A_184 = vector.shape_cast %swap3A_183 : vector<1x16xf32> to vector<16xf32>
    %swap3A_185 = vector.shape_cast %broadcast_in_dim3A_0 : vector<16xf32> to vector<1x16xf32>
    tpu.vector_store %arg11[%swap3A_181, %swap3A_182], %swap3A_185 {strides = array<i32>} : memref<8x128xf32, #tpu.memory_space<vmem>>, vector<1x16xf32>,
    %swap3A_186 = arith.constant 3 : i32
    %swap3A_187 = arith.index_cast %swap3A_186 : i32 to index
    %swap3A_188 = arith.constant 112 : index
    %swap3A_189 = tpu.vector_load %arg11[%swap3A_187, %swap3A_188] {strides = array<i32>} : memref<8x128xf32, #tpu.memory_space<vmem>>, vector<1x16xf32>,
    %swap3A_190 = vector.shape_cast %swap3A_189 : vector<1x16xf32> to vector<16xf32>
    %swap3A_191 = vector.shape_cast %broadcast_in_dim3A_0 : vector<16xf32> to vector<1x16xf32>
    tpu.vector_store %arg11[%swap3A_187, %swap3A_188], %swap3A_191 {strides = array<i32>} : memref<8x128xf32, #tpu.memory_space<vmem>>, vector<1x16xf32>,
    %swap3A_192 = arith.constant 4 : i32
    %swap3A_193 = arith.index_cast %swap3A_192 : i32 to index
    %swap3A_194 = arith.constant 0 : index
    %swap3A_195 = tpu.vector_load %arg11[%swap3A_193, %swap3A_194] {strides = array<i32>} : memref<8x128xf32, #tpu.memory_space<vmem>>, vector<1x16xf32>,
    %swap3A_196 = vector.shape_cast %swap3A_195 : vector<1x16xf32> to vector<16xf32>
    %swap3A_197 = vector.shape_cast %broadcast_in_dim3A_0 : vector<16xf32> to vector<1x16xf32>
    tpu.vector_store %arg11[%swap3A_193, %swap3A_194], %swap3A_197 {strides = array<i32>} : memref<8x128xf32, #tpu.memory_space<vmem>>, vector<1x16xf32>,
    %swap3A_198 = arith.constant 4 : i32
    %swap3A_199 = arith.index_cast %swap3A_198 : i32 to index
    %swap3A_200 = arith.constant 16 : index
    %swap3A_201 = tpu.vector_load %arg11[%swap3A_199, %swap3A_200] {strides = array<i32>} : memref<8x128xf32, #tpu.memory_space<vmem>>, vector<1x16xf32>,
    %swap3A_202 = vector.shape_cast %swap3A_201 : vector<1x16xf32> to vector<16xf32>
    %swap3A_203 = vector.shape_cast %broadcast_in_dim3A_0 : vector<16xf32> to vector<1x16xf32>
    tpu.vector_store %arg11[%swap3A_199, %swap3A_200], %swap3A_203 {strides = array<i32>} : memref<8x128xf32, #tpu.memory_space<vmem>>, vector<1x16xf32>,
    %swap3A_204 = arith.constant 4 : i32
    %swap3A_205 = arith.index_cast %swap3A_204 : i32 to index
    %swap3A_206 = arith.constant 32 : index
    %swap3A_207 = tpu.vector_load %arg11[%swap3A_205, %swap3A_206] {strides = array<i32>} : memref<8x128xf32, #tpu.memory_space<vmem>>, vector<1x16xf32>,
    %swap3A_208 = vector.shape_cast %swap3A_207 : vector<1x16xf32> to vector<16xf32>
    %swap3A_209 = vector.shape_cast %broadcast_in_dim3A_0 : vector<16xf32> to vector<1x16xf32>
    tpu.vector_store %arg11[%swap3A_205, %swap3A_206], %swap3A_209 {strides = array<i32>} : memref<8x128xf32, #tpu.memory_space<vmem>>, vector<1x16xf32>,
    %swap3A_210 = arith.constant 4 : i32
    %swap3A_211 = arith.index_cast %swap3A_210 : i32 to index
    %swap3A_212 = arith.constant 48 : index
    %swap3A_213 = tpu.vector_load %arg11[%swap3A_211, %swap3A_212] {strides = array<i32>} : memref<8x128xf32, #tpu.memory_space<vmem>>, vector<1x16xf32>,
    %swap3A_214 = vector.shape_cast %swap3A_213 : vector<1x16xf32> to vector<16xf32>
    %swap3A_215 = vector.shape_cast %broadcast_in_dim3A_0 : vector<16xf32> to vector<1x16xf32>
    tpu.vector_store %arg11[%swap3A_211, %swap3A_212], %swap3A_215 {strides = array<i32>} : memref<8x128xf32, #tpu.memory_space<vmem>>, vector<1x16xf32>,
    %swap3A_216 = arith.constant 4 : i32
    %swap3A_217 = arith.index_cast %swap3A_216 : i32 to index
    %swap3A_218 = arith.constant 64 : index
    %swap3A_219 = tpu.vector_load %arg11[%swap3A_217, %swap3A_218] {strides = array<i32>} : memref<8x128xf32, #tpu.memory_space<vmem>>, vector<1x16xf32>,
    %swap3A_220 = vector.shape_cast %swap3A_219 : vector<1x16xf32> to vector<16xf32>
    %swap3A_221 = vector.shape_cast %broadcast_in_dim3A_0 : vector<16xf32> to vector<1x16xf32>
    tpu.vector_store %arg11[%swap3A_217, %swap3A_218], %swap3A_221 {strides = array<i32>} : memref<8x128xf32, #tpu.memory_space<vmem>>, vector<1x16xf32>,
    %swap3A_222 = arith.constant 4 : i32
    %swap3A_223 = arith.index_cast %swap3A_222 : i32 to index
    %swap3A_224 = arith.constant 80 : index
    %swap3A_225 = tpu.vector_load %arg11[%swap3A_223, %swap3A_224] {strides = array<i32>} : memref<8x128xf32, #tpu.memory_space<vmem>>, vector<1x16xf32>,
    %swap3A_226 = vector.shape_cast %swap3A_225 : vector<1x16xf32> to vector<16xf32>
    %swap3A_227 = vector.shape_cast %broadcast_in_dim3A_0 : vector<16xf32> to vector<1x16xf32>
    tpu.vector_store %arg11[%swap3A_223, %swap3A_224], %swap3A_227 {strides = array<i32>} : memref<8x128xf32, #tpu.memory_space<vmem>>, vector<1x16xf32>,
    %swap3A_228 = arith.constant 4 : i32
    %swap3A_229 = arith.index_cast %swap3A_228 : i32 to index
    %swap3A_230 = arith.constant 96 : index
    %swap3A_231 = tpu.vector_load %arg11[%swap3A_229, %swap3A_230] {strides = array<i32>} : memref<8x128xf32, #tpu.memory_space<vmem>>, vector<1x16xf32>,
    %swap3A_232 = vector.shape_cast %swap3A_231 : vector<1x16xf32> to vector<16xf32>
    %swap3A_233 = vector.shape_cast %broadcast_in_dim3A_0 : vector<16xf32> to vector<1x16xf32>
    tpu.vector_store %arg11[%swap3A_229, %swap3A_230], %swap3A_233 {strides = array<i32>} : memref<8x128xf32, #tpu.memory_space<vmem>>, vector<1x16xf32>,
    %swap3A_234 = arith.constant 4 : i32
    %swap3A_235 = arith.index_cast %swap3A_234 : i32 to index
    %swap3A_236 = arith.constant 112 : index
    %swap3A_237 = tpu.vector_load %arg11[%swap3A_235, %swap3A_236] {strides = array<i32>} : memref<8x128xf32, #tpu.memory_space<vmem>>, vector<1x16xf32>,
    %swap3A_238 = vector.shape_cast %swap3A_237 : vector<1x16xf32> to vector<16xf32>
    %swap3A_239 = vector.shape_cast %broadcast_in_dim3A_0 : vector<16xf32> to vector<1x16xf32>
    tpu.vector_store %arg11[%swap3A_235, %swap3A_236], %swap3A_239 {strides = array<i32>} : memref<8x128xf32, #tpu.memory_space<vmem>>, vector<1x16xf32>,
    %swap3A_240 = arith.constant 5 : i32
    %swap3A_241 = arith.index_cast %swap3A_240 : i32 to index
    %swap3A_242 = arith.constant 0 : index
    %swap3A_243 = tpu.vector_load %arg11[%swap3A_241, %swap3A_242] {strides = array<i32>} : memref<8x128xf32, #tpu.memory_space<vmem>>, vector<1x16xf32>,
    %swap3A_244 = vector.shape_cast %swap3A_243 : vector<1x16xf32> to vector<16xf32>
    %swap3A_245 = vector.shape_cast %broadcast_in_dim3A_0 : vector<16xf32> to vector<1x16xf32>
    tpu.vector_store %arg11[%swap3A_241, %swap3A_242], %swap3A_245 {strides = array<i32>} : memref<8x128xf32, #tpu.memory_space<vmem>>, vector<1x16xf32>,
    %swap3A_246 = arith.constant 5 : i32
    %swap3A_247 = arith.index_cast %swap3A_246 : i32 to index
    %swap3A_248 = arith.constant 16 : index
    %swap3A_249 = tpu.vector_load %arg11[%swap3A_247, %swap3A_248] {strides = array<i32>} : memref<8x128xf32, #tpu.memory_space<vmem>>, vector<1x16xf32>,
    %swap3A_250 = vector.shape_cast %swap3A_249 : vector<1x16xf32> to vector<16xf32>
    %swap3A_251 = vector.shape_cast %broadcast_in_dim3A_0 : vector<16xf32> to vector<1x16xf32>
    tpu.vector_store %arg11[%swap3A_247, %swap3A_248], %swap3A_251 {strides = array<i32>} : memref<8x128xf32, #tpu.memory_space<vmem>>, vector<1x16xf32>,
    %swap3A_252 = arith.constant 5 : i32
    %swap3A_253 = arith.index_cast %swap3A_252 : i32 to index
    %swap3A_254 = arith.constant 32 : index
    %swap3A_255 = tpu.vector_load %arg11[%swap3A_253, %swap3A_254] {strides = array<i32>} : memref<8x128xf32, #tpu.memory_space<vmem>>, vector<1x16xf32>,
    %swap3A_256 = vector.shape_cast %swap3A_255 : vector<1x16xf32> to vector<16xf32>
    %swap3A_257 = vector.shape_cast %broadcast_in_dim3A_0 : vector<16xf32> to vector<1x16xf32>
    tpu.vector_store %arg11[%swap3A_253, %swap3A_254], %swap3A_257 {strides = array<i32>} : memref<8x128xf32, #tpu.memory_space<vmem>>, vector<1x16xf32>,
    %swap3A_258 = arith.constant 5 : i32
    %swap3A_259 = arith.index_cast %swap3A_258 : i32 to index
    %swap3A_260 = arith.constant 48 : index
    %swap3A_261 = tpu.vector_load %arg11[%swap3A_259, %swap3A_260] {strides = array<i32>} : memref<8x128xf32, #tpu.memory_space<vmem>>, vector<1x16xf32>,
    %swap3A_262 = vector.shape_cast %swap3A_261 : vector<1x16xf32> to vector<16xf32>
    %swap3A_263 = vector.shape_cast %broadcast_in_dim3A_0 : vector<16xf32> to vector<1x16xf32>
    tpu.vector_store %arg11[%swap3A_259, %swap3A_260], %swap3A_263 {strides = array<i32>} : memref<8x128xf32, #tpu.memory_space<vmem>>, vector<1x16xf32>,
    %swap3A_264 = arith.constant 5 : i32
    %swap3A_265 = arith.index_cast %swap3A_264 : i32 to index
    %swap3A_266 = arith.constant 64 : index
    %swap3A_267 = tpu.vector_load %arg11[%swap3A_265, %swap3A_266] {strides = array<i32>} : memref<8x128xf32, #tpu.memory_space<vmem>>, vector<1x16xf32>,
    %swap3A_268 = vector.shape_cast %swap3A_267 : vector<1x16xf32> to vector<16xf32>
    %swap3A_269 = vector.shape_cast %broadcast_in_dim3A_0 : vector<16xf32> to vector<1x16xf32>
    tpu.vector_store %arg11[%swap3A_265, %swap3A_266], %swap3A_269 {strides = array<i32>} : memref<8x128xf32, #tpu.memory_space<vmem>>, vector<1x16xf32>,
    %swap3A_270 = arith.constant 5 : i32
    %swap3A_271 = arith.index_cast %swap3A_270 : i32 to index
    %swap3A_272 = arith.constant 80 : index
    %swap3A_273 = tpu.vector_load %arg11[%swap3A_271, %swap3A_272] {strides = array<i32>} : memref<8x128xf32, #tpu.memory_space<vmem>>, vector<1x16xf32>,
    %swap3A_274 = vector.shape_cast %swap3A_273 : vector<1x16xf32> to vector<16xf32>
    %swap3A_275 = vector.shape_cast %broadcast_in_dim3A_0 : vector<16xf32> to vector<1x16xf32>
    tpu.vector_store %arg11[%swap3A_271, %swap3A_272], %swap3A_275 {strides = array<i32>} : memref<8x128xf32, #tpu.memory_space<vmem>>, vector<1x16xf32>,
    %swap3A_276 = arith.constant 5 : i32
    %swap3A_277 = arith.index_cast %swap3A_276 : i32 to index
    %swap3A_278 = arith.constant 96 : index
    %swap3A_279 = tpu.vector_load %arg11[%swap3A_277, %swap3A_278] {strides = array<i32>} : memref<8x128xf32, #tpu.memory_space<vmem>>, vector<1x16xf32>,
    %swap3A_280 = vector.shape_cast %swap3A_279 : vector<1x16xf32> to vector<16xf32>
    %swap3A_281 = vector.shape_cast %broadcast_in_dim3A_0 : vector<16xf32> to vector<1x16xf32>
    tpu.vector_store %arg11[%swap3A_277, %swap3A_278], %swap3A_281 {strides = array<i32>} : memref<8x128xf32, #tpu.memory_space<vmem>>, vector<1x16xf32>,
    %swap3A_282 = arith.constant 5 : i32
    %swap3A_283 = arith.index_cast %swap3A_282 : i32 to index
    %swap3A_284 = arith.constant 112 : index
    %swap3A_285 = tpu.vector_load %arg11[%swap3A_283, %swap3A_284] {strides = array<i32>} : memref<8x128xf32, #tpu.memory_space<vmem>>, vector<1x16xf32>,
    %swap3A_286 = vector.shape_cast %swap3A_285 : vector<1x16xf32> to vector<16xf32>
    %swap3A_287 = vector.shape_cast %broadcast_in_dim3A_0 : vector<16xf32> to vector<1x16xf32>
    tpu.vector_store %arg11[%swap3A_283, %swap3A_284], %swap3A_287 {strides = array<i32>} : memref<8x128xf32, #tpu.memory_space<vmem>>, vector<1x16xf32>,
    %swap3A_288 = arith.constant 6 : i32
    %swap3A_289 = arith.index_cast %swap3A_288 : i32 to index
    %swap3A_290 = arith.constant 0 : index
    %swap3A_291 = tpu.vector_load %arg11[%swap3A_289, %swap3A_290] {strides = array<i32>} : memref<8x128xf32, #tpu.memory_space<vmem>>, vector<1x16xf32>,
    %swap3A_292 = vector.shape_cast %swap3A_291 : vector<1x16xf32> to vector<16xf32>
    %swap3A_293 = vector.shape_cast %broadcast_in_dim3A_0 : vector<16xf32> to vector<1x16xf32>
    tpu.vector_store %arg11[%swap3A_289, %swap3A_290], %swap3A_293 {strides = array<i32>} : memref<8x128xf32, #tpu.memory_space<vmem>>, vector<1x16xf32>,
    %swap3A_294 = arith.constant 6 : i32
    %swap3A_295 = arith.index_cast %swap3A_294 : i32 to index
    %swap3A_296 = arith.constant 16 : index
    %swap3A_297 = tpu.vector_load %arg11[%swap3A_295, %swap3A_296] {strides = array<i32>} : memref<8x128xf32, #tpu.memory_space<vmem>>, vector<1x16xf32>,
    %swap3A_298 = vector.shape_cast %swap3A_297 : vector<1x16xf32> to vector<16xf32>
    %swap3A_299 = vector.shape_cast %broadcast_in_dim3A_0 : vector<16xf32> to vector<1x16xf32>
    tpu.vector_store %arg11[%swap3A_295, %swap3A_296], %swap3A_299 {strides = array<i32>} : memref<8x128xf32, #tpu.memory_space<vmem>>, vector<1x16xf32>,
    %swap3A_300 = arith.constant 6 : i32
    %swap3A_301 = arith.index_cast %swap3A_300 : i32 to index
    %swap3A_302 = arith.constant 32 : index
    %swap3A_303 = tpu.vector_load %arg11[%swap3A_301, %swap3A_302] {strides = array<i32>} : memref<8x128xf32, #tpu.memory_space<vmem>>, vector<1x16xf32>,
    %swap3A_304 = vector.shape_cast %swap3A_303 : vector<1x16xf32> to vector<16xf32>
    %swap3A_305 = vector.shape_cast %broadcast_in_dim3A_0 : vector<16xf32> to vector<1x16xf32>
    tpu.vector_store %arg11[%swap3A_301, %swap3A_302], %swap3A_305 {strides = array<i32>} : memref<8x128xf32, #tpu.memory_space<vmem>>, vector<1x16xf32>,
    %swap3A_306 = arith.constant 6 : i32
    %swap3A_307 = arith.index_cast %swap3A_306 : i32 to index
    %swap3A_308 = arith.constant 48 : index
    %swap3A_309 = tpu.vector_load %arg11[%swap3A_307, %swap3A_308] {strides = array<i32>} : memref<8x128xf32, #tpu.memory_space<vmem>>, vector<1x16xf32>,
    %swap3A_310 = vector.shape_cast %swap3A_309 : vector<1x16xf32> to vector<16xf32>
    %swap3A_311 = vector.shape_cast %broadcast_in_dim3A_0 : vector<16xf32> to vector<1x16xf32>
    tpu.vector_store %arg11[%swap3A_307, %swap3A_308], %swap3A_311 {strides = array<i32>} : memref<8x128xf32, #tpu.memory_space<vmem>>, vector<1x16xf32>,
    %swap3A_312 = arith.constant 6 : i32
    %swap3A_313 = arith.index_cast %swap3A_312 : i32 to index
    %swap3A_314 = arith.constant 64 : index
    %swap3A_315 = tpu.vector_load %arg11[%swap3A_313, %swap3A_314] {strides = array<i32>} : memref<8x128xf32, #tpu.memory_space<vmem>>, vector<1x16xf32>,
    %swap3A_316 = vector.shape_cast %swap3A_315 : vector<1x16xf32> to vector<16xf32>
    %swap3A_317 = vector.shape_cast %broadcast_in_dim3A_0 : vector<16xf32> to vector<1x16xf32>
    tpu.vector_store %arg11[%swap3A_313, %swap3A_314], %swap3A_317 {strides = array<i32>} : memref<8x128xf32, #tpu.memory_space<vmem>>, vector<1x16xf32>,
    %swap3A_318 = arith.constant 6 : i32
    %swap3A_319 = arith.index_cast %swap3A_318 : i32 to index
    %swap3A_320 = arith.constant 80 : index
    %swap3A_321 = tpu.vector_load %arg11[%swap3A_319, %swap3A_320] {strides = array<i32>} : memref<8x128xf32, #tpu.memory_space<vmem>>, vector<1x16xf32>,
    %swap3A_322 = vector.shape_cast %swap3A_321 : vector<1x16xf32> to vector<16xf32>
    %swap3A_323 = vector.shape_cast %broadcast_in_dim3A_0 : vector<16xf32> to vector<1x16xf32>
    tpu.vector_store %arg11[%swap3A_319, %swap3A_320], %swap3A_323 {strides = array<i32>} : memref<8x128xf32, #tpu.memory_space<vmem>>, vector<1x16xf32>,
    %swap3A_324 = arith.constant 6 : i32
    %swap3A_325 = arith.index_cast %swap3A_324 : i32 to index
    %swap3A_326 = arith.constant 96 : index
    %swap3A_327 = tpu.vector_load %arg11[%swap3A_325, %swap3A_326] {strides = array<i32>} : memref<8x128xf32, #tpu.memory_space<vmem>>, vector<1x16xf32>,
    %swap3A_328 = vector.shape_cast %swap3A_327 : vector<1x16xf32> to vector<16xf32>
    %swap3A_329 = vector.shape_cast %broadcast_in_dim3A_0 : vector<16xf32> to vector<1x16xf32>
    tpu.vector_store %arg11[%swap3A_325, %swap3A_326], %swap3A_329 {strides = array<i32>} : memref<8x128xf32, #tpu.memory_space<vmem>>, vector<1x16xf32>,
    %swap3A_330 = arith.constant 6 : i32
    %swap3A_331 = arith.index_cast %swap3A_330 : i32 to index
    %swap3A_332 = arith.constant 112 : index
    %swap3A_333 = tpu.vector_load %arg11[%swap3A_331, %swap3A_332] {strides = array<i32>} : memref<8x128xf32, #tpu.memory_space<vmem>>, vector<1x16xf32>,
    %swap3A_334 = vector.shape_cast %swap3A_333 : vector<1x16xf32> to vector<16xf32>
    %swap3A_335 = vector.shape_cast %broadcast_in_dim3A_0 : vector<16xf32> to vector<1x16xf32>
    tpu.vector_store %arg11[%swap3A_331, %swap3A_332], %swap3A_335 {strides = array<i32>} : memref<8x128xf32, #tpu.memory_space<vmem>>, vector<1x16xf32>,
    %swap3A_336 = arith.constant 7 : i32
    %swap3A_337 = arith.index_cast %swap3A_336 : i32 to index
    %swap3A_338 = arith.constant 0 : index
    %swap3A_339 = tpu.vector_load %arg11[%swap3A_337, %swap3A_338] {strides = array<i32>} : memref<8x128xf32, #tpu.memory_space<vmem>>, vector<1x16xf32>,
    %swap3A_340 = vector.shape_cast %swap3A_339 : vector<1x16xf32> to vector<16xf32>
    %swap3A_341 = vector.shape_cast %broadcast_in_dim3A_0 : vector<16xf32> to vector<1x16xf32>
    tpu.vector_store %arg11[%swap3A_337, %swap3A_338], %swap3A_341 {strides = array<i32>} : memref<8x128xf32, #tpu.memory_space<vmem>>, vector<1x16xf32>,
    %swap3A_342 = arith.constant 7 : i32
    %swap3A_343 = arith.index_cast %swap3A_342 : i32 to index
    %swap3A_344 = arith.constant 16 : index
    %swap3A_345 = tpu.vector_load %arg11[%swap3A_343, %swap3A_344] {strides = array<i32>} : memref<8x128xf32, #tpu.memory_space<vmem>>, vector<1x16xf32>,
    %swap3A_346 = vector.shape_cast %swap3A_345 : vector<1x16xf32> to vector<16xf32>
    %swap3A_347 = vector.shape_cast %broadcast_in_dim3A_0 : vector<16xf32> to vector<1x16xf32>
    tpu.vector_store %arg11[%swap3A_343, %swap3A_344], %swap3A_347 {strides = array<i32>} : memref<8x128xf32, #tpu.memory_space<vmem>>, vector<1x16xf32>,
    %swap3A_348 = arith.constant 7 : i32
    %swap3A_349 = arith.index_cast %swap3A_348 : i32 to index
    %swap3A_350 = arith.constant 32 : index
    %swap3A_351 = tpu.vector_load %arg11[%swap3A_349, %swap3A_350] {strides = array<i32>} : memref<8x128xf32, #tpu.memory_space<vmem>>, vector<1x16xf32>,
    %swap3A_352 = vector.shape_cast %swap3A_351 : vector<1x16xf32> to vector<16xf32>
    %swap3A_353 = vector.shape_cast %broadcast_in_dim3A_0 : vector<16xf32> to vector<1x16xf32>
    tpu.vector_store %arg11[%swap3A_349, %swap3A_350], %swap3A_353 {strides = array<i32>} : memref<8x128xf32, #tpu.memory_space<vmem>>, vector<1x16xf32>,
    %swap3A_354 = arith.constant 7 : i32
    %swap3A_355 = arith.index_cast %swap3A_354 : i32 to index
    %swap3A_356 = arith.constant 48 : index
    %swap3A_357 = tpu.vector_load %arg11[%swap3A_355, %swap3A_356] {strides = array<i32>} : memref<8x128xf32, #tpu.memory_space<vmem>>, vector<1x16xf32>,
    %swap3A_358 = vector.shape_cast %swap3A_357 : vector<1x16xf32> to vector<16xf32>
    %swap3A_359 = vector.shape_cast %broadcast_in_dim3A_0 : vector<16xf32> to vector<1x16xf32>
    tpu.vector_store %arg11[%swap3A_355, %swap3A_356], %swap3A_359 {strides = array<i32>} : memref<8x128xf32, #tpu.memory_space<vmem>>, vector<1x16xf32>,
    %swap3A_360 = arith.constant 7 : i32
    %swap3A_361 = arith.index_cast %swap3A_360 : i32 to index
    %swap3A_362 = arith.constant 64 : index
    %swap3A_363 = tpu.vector_load %arg11[%swap3A_361, %swap3A_362] {strides = array<i32>} : memref<8x128xf32, #tpu.memory_space<vmem>>, vector<1x16xf32>,
    %swap3A_364 = vector.shape_cast %swap3A_363 : vector<1x16xf32> to vector<16xf32>
    %swap3A_365 = vector.shape_cast %broadcast_in_dim3A_0 : vector<16xf32> to vector<1x16xf32>
    tpu.vector_store %arg11[%swap3A_361, %swap3A_362], %swap3A_365 {strides = array<i32>} : memref<8x128xf32, #tpu.memory_space<vmem>>, vector<1x16xf32>,
    %swap3A_366 = arith.constant 7 : i32
    %swap3A_367 = arith.index_cast %swap3A_366 : i32 to index
    %swap3A_368 = arith.constant 80 : index
    %swap3A_369 = tpu.vector_load %arg11[%swap3A_367, %swap3A_368] {strides = array<i32>} : memref<8x128xf32, #tpu.memory_space<vmem>>, vector<1x16xf32>,
    %swap3A_370 = vector.shape_cast %swap3A_369 : vector<1x16xf32> to vector<16xf32>
    %swap3A_371 = vector.shape_cast %broadcast_in_dim3A_0 : vector<16xf32> to vector<1x16xf32>
    tpu.vector_store %arg11[%swap3A_367, %swap3A_368], %swap3A_371 {strides = array<i32>} : memref<8x128xf32, #tpu.memory_space<vmem>>, vector<1x16xf32>,
    %swap3A_372 = arith.constant 7 : i32
    %swap3A_373 = arith.index_cast %swap3A_372 : i32 to index
    %swap3A_374 = arith.constant 96 : index
    %swap3A_375 = tpu.vector_load %arg11[%swap3A_373, %swap3A_374] {strides = array<i32>} : memref<8x128xf32, #tpu.memory_space<vmem>>, vector<1x16xf32>,
    %swap3A_376 = vector.shape_cast %swap3A_375 : vector<1x16xf32> to vector<16xf32>
    %swap3A_377 = vector.shape_cast %broadcast_in_dim3A_0 : vector<16xf32> to vector<1x16xf32>
    tpu.vector_store %arg11[%swap3A_373, %swap3A_374], %swap3A_377 {strides = array<i32>} : memref<8x128xf32, #tpu.memory_space<vmem>>, vector<1x16xf32>,
    %swap3A_378 = arith.constant 7 : i32
    %swap3A_379 = arith.index_cast %swap3A_378 : i32 to index
    %swap3A_380 = arith.constant 112 : index
    %swap3A_381 = tpu.vector_load %arg11[%swap3A_379, %swap3A_380] {strides = array<i32>} : memref<8x128xf32, #tpu.memory_space<vmem>>, vector<1x16xf32>,
    %swap3A_382 = vector.shape_cast %swap3A_381 : vector<1x16xf32> to vector<16xf32>
    %swap3A_383 = vector.shape_cast %broadcast_in_dim3A_0 : vector<16xf32> to vector<1x16xf32>
    tpu.vector_store %arg11[%swap3A_379, %swap3A_380], %swap3A_383 {strides = array<i32>} : memref<8x128xf32, #tpu.memory_space<vmem>>, vector<1x16xf32>,
    %mul3A = arith.constant 5120 : i32
    %mul3A_384 = arith.muli %arg0, %mul3A : i32
    %iota3A = tpu.iota {dimensions = array<i32: 0>} : vector<16xi32>
    %and3A = arith.constant 7 : i32
    %and3A_385 = vector.broadcast %and3A : i32 to vector<16xi32>
    %and3A_386 = arith.andi %iota3A, %and3A_385 : vector<16xi32>
    %add3A = arith.constant 5120 : i32
    %add3A_387 = vector.broadcast %add3A : i32 to vector<16xi32>
    %add3A_388 = arith.addi %add3A_387, %and3A_386 : vector<16xi32>
    %run_scoped3A = arith.constant 0 : i32
    %run_scoped3A_389 = arith.constant 0 : i32
    "tpu.region"() ({
      %run_scoped3A_480 = tpu.sem_alloc : memref<!tpu.dma_semaphore, #tpu.memory_space<semaphore_mem>>
      %dma_start3A_481 = arith.constant 0 : i32
      %dma_start3A_482 = arith.constant 0 : i32
      %dma_start3A_483 = tpu.memref_slice %arg3[%run_scoped3A, %arg1, %run_scoped3A_389, %dma_start3A_481, %dma_start3A_482] : memref<2x16x2x125x80xi32, #tpu.memory_space<hbm>> -> memref<1x1x1x125x80xi32, #tpu.memory_space<hbm>>
      %dma_start3A_484 = tpu.memref_squeeze %dma_start3A_483 : memref<1x1x1x125x80xi32, #tpu.memory_space<hbm>> -> memref<125x80xi32, #tpu.memory_space<hbm>>
      %dma_start3A_485 = arith.constant 0 : i32
      %dma_start3A_486 = arith.constant 0 : i32
      %dma_start3A_487 = tpu.memref_slice %arg3[%run_scoped3A, %arg1, %run_scoped3A_389, %dma_start3A_485, %dma_start3A_486] : memref<2x16x2x125x80xi32, #tpu.memory_space<hbm>> -> memref<1x1x1x125x80xi32, #tpu.memory_space<hbm>>
      %dma_start3A_488 = tpu.memref_squeeze %dma_start3A_487 : memref<1x1x1x125x80xi32, #tpu.memory_space<hbm>> -> memref<125x80xi32, #tpu.memory_space<hbm>>
      tpu.enqueue_dma source(%dma_start3A_488 : memref<125x80xi32, #tpu.memory_space<hbm>>) target(%arg5 : memref<125x80xi32, #tpu.memory_space<vmem>>) target_semaphore(%run_scoped3A_480 : memref<!tpu.dma_semaphore, #tpu.memory_space<semaphore_mem>>)
      %dma_wait3A_489 = arith.constant 0 : i32
      %dma_wait3A_490 = arith.constant 0 : i32
      %dma_wait3A_491 = tpu.memref_slice %arg3[%run_scoped3A, %arg1, %run_scoped3A_389, %dma_wait3A_489, %dma_wait3A_490] : memref<2x16x2x125x80xi32, #tpu.memory_space<hbm>> -> memref<1x1x1x125x80xi32, #tpu.memory_space<hbm>>
      %dma_wait3A_492 = tpu.memref_squeeze %dma_wait3A_491 : memref<1x1x1x125x80xi32, #tpu.memory_space<hbm>> -> memref<125x80xi32, #tpu.memory_space<hbm>>
      %dma_wait3A_493 = arith.constant 0 : i32
      %dma_wait3A_494 = arith.constant 0 : i32
      %dma_wait3A_495 = tpu.memref_slice %arg3[%run_scoped3A, %arg1, %run_scoped3A_389, %dma_wait3A_493, %dma_wait3A_494] : memref<2x16x2x125x80xi32, #tpu.memory_space<hbm>> -> memref<1x1x1x125x80xi32, #tpu.memory_space<hbm>>
      %dma_wait3A_496 = tpu.memref_squeeze %dma_wait3A_495 : memref<1x1x1x125x80xi32, #tpu.memory_space<hbm>> -> memref<125x80xi32, #tpu.memory_space<hbm>>
      tpu.wait_dma2 semaphore(%run_scoped3A_480 : memref<!tpu.dma_semaphore, #tpu.memory_space<semaphore_mem>>) src(%dma_wait3A_496 : memref<125x80xi32, #tpu.memory_space<hbm>>) dst(%arg5 : memref<125x80xi32, #tpu.memory_space<vmem>>)
      tpu.yield
    }) : () -> ()
    %run_scoped3A_390 = arith.constant 1 : i32
    %run_scoped3A_391 = arith.constant 0 : i32
    "tpu.region"() ({
      %run_scoped3A_480 = tpu.sem_alloc : memref<!tpu.dma_semaphore, #tpu.memory_space<semaphore_mem>>
      %dma_start3A_481 = arith.constant 0 : i32
      %dma_start3A_482 = arith.constant 0 : i32
      %dma_start3A_483 = tpu.memref_slice %arg3[%run_scoped3A_390, %arg1, %run_scoped3A_391, %dma_start3A_481, %dma_start3A_482] : memref<2x16x2x125x80xi32, #tpu.memory_space<hbm>> -> memref<1x1x1x125x80xi32, #tpu.memory_space<hbm>>
      %dma_start3A_484 = tpu.memref_squeeze %dma_start3A_483 : memref<1x1x1x125x80xi32, #tpu.memory_space<hbm>> -> memref<125x80xi32, #tpu.memory_space<hbm>>
      %dma_start3A_485 = arith.constant 0 : i32
      %dma_start3A_486 = arith.constant 0 : i32
      %dma_start3A_487 = tpu.memref_slice %arg3[%run_scoped3A_390, %arg1, %run_scoped3A_391, %dma_start3A_485, %dma_start3A_486] : memref<2x16x2x125x80xi32, #tpu.memory_space<hbm>> -> memref<1x1x1x125x80xi32, #tpu.memory_space<hbm>>
      %dma_start3A_488 = tpu.memref_squeeze %dma_start3A_487 : memref<1x1x1x125x80xi32, #tpu.memory_space<hbm>> -> memref<125x80xi32, #tpu.memory_space<hbm>>
      tpu.enqueue_dma source(%dma_start3A_488 : memref<125x80xi32, #tpu.memory_space<hbm>>) target(%arg6 : memref<125x80xi32, #tpu.memory_space<vmem>>) target_semaphore(%run_scoped3A_480 : memref<!tpu.dma_semaphore, #tpu.memory_space<semaphore_mem>>)
      %dma_wait3A_489 = arith.constant 0 : i32
      %dma_wait3A_490 = arith.constant 0 : i32
      %dma_wait3A_491 = tpu.memref_slice %arg3[%run_scoped3A_390, %arg1, %run_scoped3A_391, %dma_wait3A_489, %dma_wait3A_490] : memref<2x16x2x125x80xi32, #tpu.memory_space<hbm>> -> memref<1x1x1x125x80xi32, #tpu.memory_space<hbm>>
      %dma_wait3A_492 = tpu.memref_squeeze %dma_wait3A_491 : memref<1x1x1x125x80xi32, #tpu.memory_space<hbm>> -> memref<125x80xi32, #tpu.memory_space<hbm>>
      %dma_wait3A_493 = arith.constant 0 : i32
      %dma_wait3A_494 = arith.constant 0 : i32
      %dma_wait3A_495 = tpu.memref_slice %arg3[%run_scoped3A_390, %arg1, %run_scoped3A_391, %dma_wait3A_493, %dma_wait3A_494] : memref<2x16x2x125x80xi32, #tpu.memory_space<hbm>> -> memref<1x1x1x125x80xi32, #tpu.memory_space<hbm>>
      %dma_wait3A_496 = tpu.memref_squeeze %dma_wait3A_495 : memref<1x1x1x125x80xi32, #tpu.memory_space<hbm>> -> memref<125x80xi32, #tpu.memory_space<hbm>>
      tpu.wait_dma2 semaphore(%run_scoped3A_480 : memref<!tpu.dma_semaphore, #tpu.memory_space<semaphore_mem>>) src(%dma_wait3A_496 : memref<125x80xi32, #tpu.memory_space<hbm>>) dst(%arg6 : memref<125x80xi32, #tpu.memory_space<vmem>>)
      tpu.yield
    }) : () -> ()
    %scan3A = arith.constant 0 : i32
    %scan3A_392 = arith.constant 0 : i32
    %scan3A_393 = arith.constant 125 : i32
    %scan3A_394 = arith.addi %scan3A_392, %scan3A_393 : i32
    %scan3A_395 = arith.constant 1 : i32
    %scan3A_396 = scf.for %scan3A_480 = %scan3A_392 to %scan3A_394 step %scan3A_395 iter_args(%scan3A_481 = %scan3A) -> (i32)  : i32 {
      %get3A = arith.index_cast %scan3A_480 : i32 to index
      %get3A_482 = arith.constant 0 : index
      %get3A_483 = tpu.vector_load %arg6[%get3A, %get3A_482] {strides = array<i32>} : memref<125x80xi32, #tpu.memory_space<vmem>>, vector<1x16xi32>,
      %get3A_484 = vector.shape_cast %get3A_483 : vector<1x16xi32> to vector<16xi32>
      %sub3A = vector.broadcast %mul3A_384 : i32 to vector<16xi32>
      %sub3A_485 = arith.subi %get3A_484, %sub3A : vector<16xi32>
      %ge3A = arith.constant 0 : i32
      %ge3A_486 = vector.broadcast %ge3A : i32 to vector<16xi32>
      %ge3A_487 = arith.cmpi sge, %sub3A_485, %ge3A_486 : vector<16xi32>
      %lt3A = arith.constant 5120 : i32
      %lt3A_488 = vector.broadcast %lt3A : i32 to vector<16xi32>
      %lt3A_489 = arith.cmpi slt, %sub3A_485, %lt3A_488 : vector<16xi32>
      %and3A_490 = arith.andi %ge3A_487, %lt3A_489 : vector<16xi1>
      %select_n3A = arith.select %and3A_490, %sub3A_485, %add3A_388 : vector<16xi1>, vector<16xi32>
      %swap3A_491 = arith.index_cast %scan3A_480 : i32 to index
      %swap3A_492 = arith.constant 0 : index
      %swap3A_493 = tpu.vector_load %arg6[%swap3A_491, %swap3A_492] {strides = array<i32>} : memref<125x80xi32, #tpu.memory_space<vmem>>, vector<1x16xi32>,
      %swap3A_494 = vector.shape_cast %swap3A_493 : vector<1x16xi32> to vector<16xi32>
      %swap3A_495 = vector.shape_cast %select_n3A : vector<16xi32> to vector<1x16xi32>
      tpu.vector_store %arg6[%swap3A_491, %swap3A_492], %swap3A_495 {strides = array<i32>} : memref<125x80xi32, #tpu.memory_space<vmem>>, vector<1x16xi32>,
      %get3A_496 = arith.index_cast %scan3A_480 : i32 to index
      %get3A_497 = arith.constant 16 : index
      %get3A_498 = tpu.vector_load %arg6[%get3A_496, %get3A_497] {strides = array<i32>} : memref<125x80xi32, #tpu.memory_space<vmem>>, vector<1x16xi32>,
      %get3A_499 = vector.shape_cast %get3A_498 : vector<1x16xi32> to vector<16xi32>
      %sub3A_500 = vector.broadcast %mul3A_384 : i32 to vector<16xi32>
      %sub3A_501 = arith.subi %get3A_499, %sub3A_500 : vector<16xi32>
      %ge3A_502 = arith.constant 0 : i32
      %ge3A_503 = vector.broadcast %ge3A_502 : i32 to vector<16xi32>
      %ge3A_504 = arith.cmpi sge, %sub3A_501, %ge3A_503 : vector<16xi32>
      %lt3A_505 = arith.constant 5120 : i32
      %lt3A_506 = vector.broadcast %lt3A_505 : i32 to vector<16xi32>
      %lt3A_507 = arith.cmpi slt, %sub3A_501, %lt3A_506 : vector<16xi32>
      %and3A_508 = arith.andi %ge3A_504, %lt3A_507 : vector<16xi1>
      %select_n3A_509 = arith.select %and3A_508, %sub3A_501, %add3A_388 : vector<16xi1>, vector<16xi32>
      %swap3A_510 = arith.index_cast %scan3A_480 : i32 to index
      %swap3A_511 = arith.constant 16 : index
      %swap3A_512 = tpu.vector_load %arg6[%swap3A_510, %swap3A_511] {strides = array<i32>} : memref<125x80xi32, #tpu.memory_space<vmem>>, vector<1x16xi32>,
      %swap3A_513 = vector.shape_cast %swap3A_512 : vector<1x16xi32> to vector<16xi32>
      %swap3A_514 = vector.shape_cast %select_n3A_509 : vector<16xi32> to vector<1x16xi32>
      tpu.vector_store %arg6[%swap3A_510, %swap3A_511], %swap3A_514 {strides = array<i32>} : memref<125x80xi32, #tpu.memory_space<vmem>>, vector<1x16xi32>,
      %get3A_515 = arith.index_cast %scan3A_480 : i32 to index
      %get3A_516 = arith.constant 32 : index
      %get3A_517 = tpu.vector_load %arg6[%get3A_515, %get3A_516] {strides = array<i32>} : memref<125x80xi32, #tpu.memory_space<vmem>>, vector<1x16xi32>,
      %get3A_518 = vector.shape_cast %get3A_517 : vector<1x16xi32> to vector<16xi32>
      %sub3A_519 = vector.broadcast %mul3A_384 : i32 to vector<16xi32>
      %sub3A_520 = arith.subi %get3A_518, %sub3A_519 : vector<16xi32>
      %ge3A_521 = arith.constant 0 : i32
      %ge3A_522 = vector.broadcast %ge3A_521 : i32 to vector<16xi32>
      %ge3A_523 = arith.cmpi sge, %sub3A_520, %ge3A_522 : vector<16xi32>
      %lt3A_524 = arith.constant 5120 : i32
      %lt3A_525 = vector.broadcast %lt3A_524 : i32 to vector<16xi32>
      %lt3A_526 = arith.cmpi slt, %sub3A_520, %lt3A_525 : vector<16xi32>
      %and3A_527 = arith.andi %ge3A_523, %lt3A_526 : vector<16xi1>
      %select_n3A_528 = arith.select %and3A_527, %sub3A_520, %add3A_388 : vector<16xi1>, vector<16xi32>
      %swap3A_529 = arith.index_cast %scan3A_480 : i32 to index
      %swap3A_530 = arith.constant 32 : index
      %swap3A_531 = tpu.vector_load %arg6[%swap3A_529, %swap3A_530] {strides = array<i32>} : memref<125x80xi32, #tpu.memory_space<vmem>>, vector<1x16xi32>,
      %swap3A_532 = vector.shape_cast %swap3A_531 : vector<1x16xi32> to vector<16xi32>
      %swap3A_533 = vector.shape_cast %select_n3A_528 : vector<16xi32> to vector<1x16xi32>
      tpu.vector_store %arg6[%swap3A_529, %swap3A_530], %swap3A_533 {strides = array<i32>} : memref<125x80xi32, #tpu.memory_space<vmem>>, vector<1x16xi32>,
      %get3A_534 = arith.index_cast %scan3A_480 : i32 to index
      %get3A_535 = arith.constant 48 : index
      %get3A_536 = tpu.vector_load %arg6[%get3A_534, %get3A_535] {strides = array<i32>} : memref<125x80xi32, #tpu.memory_space<vmem>>, vector<1x16xi32>,
      %get3A_537 = vector.shape_cast %get3A_536 : vector<1x16xi32> to vector<16xi32>
      %sub3A_538 = vector.broadcast %mul3A_384 : i32 to vector<16xi32>
      %sub3A_539 = arith.subi %get3A_537, %sub3A_538 : vector<16xi32>
      %ge3A_540 = arith.constant 0 : i32
      %ge3A_541 = vector.broadcast %ge3A_540 : i32 to vector<16xi32>
      %ge3A_542 = arith.cmpi sge, %sub3A_539, %ge3A_541 : vector<16xi32>
      %lt3A_543 = arith.constant 5120 : i32
      %lt3A_544 = vector.broadcast %lt3A_543 : i32 to vector<16xi32>
      %lt3A_545 = arith.cmpi slt, %sub3A_539, %lt3A_544 : vector<16xi32>
      %and3A_546 = arith.andi %ge3A_542, %lt3A_545 : vector<16xi1>
      %select_n3A_547 = arith.select %and3A_546, %sub3A_539, %add3A_388 : vector<16xi1>, vector<16xi32>
      %swap3A_548 = arith.index_cast %scan3A_480 : i32 to index
      %swap3A_549 = arith.constant 48 : index
      %swap3A_550 = tpu.vector_load %arg6[%swap3A_548, %swap3A_549] {strides = array<i32>} : memref<125x80xi32, #tpu.memory_space<vmem>>, vector<1x16xi32>,
      %swap3A_551 = vector.shape_cast %swap3A_550 : vector<1x16xi32> to vector<16xi32>
      %swap3A_552 = vector.shape_cast %select_n3A_547 : vector<16xi32> to vector<1x16xi32>
      tpu.vector_store %arg6[%swap3A_548, %swap3A_549], %swap3A_552 {strides = array<i32>} : memref<125x80xi32, #tpu.memory_space<vmem>>, vector<1x16xi32>,
      %get3A_553 = arith.index_cast %scan3A_480 : i32 to index
      %get3A_554 = arith.constant 64 : index
      %get3A_555 = tpu.vector_load %arg6[%get3A_553, %get3A_554] {strides = array<i32>} : memref<125x80xi32, #tpu.memory_space<vmem>>, vector<1x16xi32>,
      %get3A_556 = vector.shape_cast %get3A_555 : vector<1x16xi32> to vector<16xi32>
      %sub3A_557 = vector.broadcast %mul3A_384 : i32 to vector<16xi32>
      %sub3A_558 = arith.subi %get3A_556, %sub3A_557 : vector<16xi32>
      %ge3A_559 = arith.constant 0 : i32
      %ge3A_560 = vector.broadcast %ge3A_559 : i32 to vector<16xi32>
      %ge3A_561 = arith.cmpi sge, %sub3A_558, %ge3A_560 : vector<16xi32>
      %lt3A_562 = arith.constant 5120 : i32
      %lt3A_563 = vector.broadcast %lt3A_562 : i32 to vector<16xi32>
      %lt3A_564 = arith.cmpi slt, %sub3A_558, %lt3A_563 : vector<16xi32>
      %and3A_565 = arith.andi %ge3A_561, %lt3A_564 : vector<16xi1>
      %select_n3A_566 = arith.select %and3A_565, %sub3A_558, %add3A_388 : vector<16xi1>, vector<16xi32>
      %swap3A_567 = arith.index_cast %scan3A_480 : i32 to index
      %swap3A_568 = arith.constant 64 : index
      %swap3A_569 = tpu.vector_load %arg6[%swap3A_567, %swap3A_568] {strides = array<i32>} : memref<125x80xi32, #tpu.memory_space<vmem>>, vector<1x16xi32>,
      %swap3A_570 = vector.shape_cast %swap3A_569 : vector<1x16xi32> to vector<16xi32>
      %swap3A_571 = vector.shape_cast %select_n3A_566 : vector<16xi32> to vector<1x16xi32>
      tpu.vector_store %arg6[%swap3A_567, %swap3A_568], %swap3A_571 {strides = array<i32>} : memref<125x80xi32, #tpu.memory_space<vmem>>, vector<1x16xi32>,
      %scan3A_572 = arith.constant 0 : i32
      scf.yield %scan3A_572 : i32
    }
    %scan3A_397 = arith.constant 125 : i32
    %scan3A_398 = arith.constant 0 : i32
    %scan3A_399 = arith.constant 0 : i32
    %scan3A_400 = arith.constant 41 : i32
    %scan3A_401 = arith.addi %scan3A_399, %scan3A_400 : i32
    %scan3A_402 = arith.constant 1 : i32
    %scan3A_403 = scf.for %scan3A_480 = %scan3A_399 to %scan3A_401 step %scan3A_402 iter_args(%scan3A_481 = %scan3A_398) -> (i32)  : i32 {
      %mul3A_482 = arith.constant 320 : i32
      %mul3A_483 = arith.muli %arg1, %mul3A_482 : i32
      %mul3A_484 = arith.constant 8 : i32
      %mul3A_485 = arith.muli %scan3A_480, %mul3A_484 : i32
      %add3A_486 = arith.addi %mul3A_483, %mul3A_485 : i32
      "tpu.region"() ({
        %run_scoped3A_488 = tpu.sem_alloc : memref<!tpu.dma_semaphore, #tpu.memory_space<semaphore_mem>>
        %dma_start3A_489 = arith.constant 0 : i32
        %dma_start3A_490 = tpu.memref_slice %arg12[%add3A_486, %dma_start3A_489] : memref<5128x128xf32, #tpu.memory_space<vmem_shared>> -> memref<8x128xf32, #tpu.memory_space<vmem_shared>>
        %dma_start3A_491 = arith.constant 0 : i32
        %dma_start3A_492 = tpu.memref_slice %arg12[%add3A_486, %dma_start3A_491] : memref<5128x128xf32, #tpu.memory_space<vmem_shared>> -> memref<8x128xf32, #tpu.memory_space<vmem_shared>>
        tpu.enqueue_dma source(%arg11 : memref<8x128xf32, #tpu.memory_space<vmem>>) target(%dma_start3A_492 : memref<8x128xf32, #tpu.memory_space<vmem_shared>>) target_semaphore(%run_scoped3A_488 : memref<!tpu.dma_semaphore, #tpu.memory_space<semaphore_mem>>)
        %dma_wait3A_493 = arith.constant 0 : i32
        %dma_wait3A_494 = tpu.memref_slice %arg12[%add3A_486, %dma_wait3A_493] : memref<5128x128xf32, #tpu.memory_space<vmem_shared>> -> memref<8x128xf32, #tpu.memory_space<vmem_shared>>
        %dma_wait3A_495 = arith.constant 0 : i32
        %dma_wait3A_496 = tpu.memref_slice %arg12[%add3A_486, %dma_wait3A_495] : memref<5128x128xf32, #tpu.memory_space<vmem_shared>> -> memref<8x128xf32, #tpu.memory_space<vmem_shared>>
        tpu.wait_dma2 semaphore(%run_scoped3A_488 : memref<!tpu.dma_semaphore, #tpu.memory_space<semaphore_mem>>) src(%arg11 : memref<8x128xf32, #tpu.memory_space<vmem>>) dst(%dma_wait3A_496 : memref<8x128xf32, #tpu.memory_space<vmem_shared>>)
        tpu.yield
      }) : () -> ()
      %scan3A_487 = arith.constant 0 : i32
      scf.yield %scan3A_487 : i32
    }
    %scan3A_404 = arith.constant 41 : i32
    %barrier3A = arith.constant 0 : index
    tpu.barrier barrier_id(%barrier3A)
    %dma_start3A = arith.constant 0 : i32
    %dma_start3A_405 = arith.constant 0 : i32
    %dma_start3A_406 = tpu.memref_slice %arg5[%dma_start3A, %dma_start3A_405] : memref<125x80xi32, #tpu.memory_space<vmem>> -> memref<1x80xi32, #tpu.memory_space<vmem>>
    %dma_start3A_407 = tpu.memref_squeeze %dma_start3A_406 : memref<1x80xi32, #tpu.memory_space<vmem>> -> memref<80xi32, #tpu.memory_space<vmem>>
    %dma_start3A_408 = arith.constant 0 : i32
    %dma_start3A_409 = arith.constant 0 : i32
    %dma_start3A_410 = tpu.memref_slice %arg2[%dma_start3A_408, %dma_start3A_409] : memref<10000x128xf32, #tpu.memory_space<hbm>> -> memref<10000x128xf32, #tpu.memory_space<hbm>>
    tpu.enqueue_indirect_dma source(%dma_start3A_410 : memref<10000x128xf32, #tpu.memory_space<hbm>>) target(%arg7 : memref<80x128xf32, #tpu.memory_space<vmem>>) offsets(%dma_start3A_407 : memref<80xi32, #tpu.memory_space<vmem>>) semaphore(%arg13 : memref<!tpu.dma_semaphore, #tpu.memory_space<semaphore_mem>>)
    %dma_start3A_411 = arith.constant 1 : i32
    %dma_start3A_412 = arith.constant 0 : i32
    %dma_start3A_413 = tpu.memref_slice %arg5[%dma_start3A_411, %dma_start3A_412] : memref<125x80xi32, #tpu.memory_space<vmem>> -> memref<1x80xi32, #tpu.memory_space<vmem>>
    %dma_start3A_414 = tpu.memref_squeeze %dma_start3A_413 : memref<1x80xi32, #tpu.memory_space<vmem>> -> memref<80xi32, #tpu.memory_space<vmem>>
    %dma_start3A_415 = arith.constant 0 : i32
    %dma_start3A_416 = arith.constant 0 : i32
    %dma_start3A_417 = tpu.memref_slice %arg2[%dma_start3A_415, %dma_start3A_416] : memref<10000x128xf32, #tpu.memory_space<hbm>> -> memref<10000x128xf32, #tpu.memory_space<hbm>>
    tpu.enqueue_indirect_dma source(%dma_start3A_417 : memref<10000x128xf32, #tpu.memory_space<hbm>>) target(%arg8 : memref<80x128xf32, #tpu.memory_space<vmem>>) offsets(%dma_start3A_414 : memref<80xi32, #tpu.memory_space<vmem>>) semaphore(%arg14 : memref<!tpu.dma_semaphore, #tpu.memory_space<semaphore_mem>>)
    %scan3A_418 = arith.constant 0 : i32
    %scan3A_419 = arith.constant 0 : i32
    %scan3A_420 = arith.constant 31 : i32
    %scan3A_421 = arith.addi %scan3A_419, %scan3A_420 : i32
    %scan3A_422 = arith.constant 1 : i32
    %scan3A_423 = scf.for %scan3A_480 = %scan3A_419 to %scan3A_421 step %scan3A_422 iter_args(%scan3A_481 = %scan3A_418) -> (i32)  : i32 {
      %mul3A_482 = arith.constant 4 : i32
      %mul3A_483 = arith.muli %mul3A_482, %scan3A_480 : i32
      %dma_wait3A_484 = arith.constant 0 : i32
      %dma_wait3A_485 = tpu.memref_slice %arg5[%mul3A_483, %dma_wait3A_484] : memref<125x80xi32, #tpu.memory_space<vmem>> -> memref<1x80xi32, #tpu.memory_space<vmem>>
      %dma_wait3A_486 = tpu.memref_squeeze %dma_wait3A_485 : memref<1x80xi32, #tpu.memory_space<vmem>> -> memref<80xi32, #tpu.memory_space<vmem>>
      %dma_wait3A_487 = arith.constant 0 : i32
      %dma_wait3A_488 = arith.constant 0 : i32
      %dma_wait3A_489 = tpu.memref_slice %arg2[%dma_wait3A_487, %dma_wait3A_488] : memref<10000x128xf32, #tpu.memory_space<hbm>> -> memref<10000x128xf32, #tpu.memory_space<hbm>>
      tpu.wait_indirect_dma semaphore(%arg13 : memref<!tpu.dma_semaphore, #tpu.memory_space<semaphore_mem>>) src(%dma_wait3A_489 : memref<10000x128xf32, #tpu.memory_space<hbm>>) dst(%arg7 : memref<80x128xf32, #tpu.memory_space<vmem>>)
      "tpu.region"() ({
        %run_scoped3A_542 = tpu.sem_alloc : memref<!tpu.dma_semaphore, #tpu.memory_space<semaphore_mem>>
        %dma_start3A_543 = arith.constant 0 : i32
        %dma_start3A_544 = tpu.memref_slice %arg6[%mul3A_483, %dma_start3A_543] : memref<125x80xi32, #tpu.memory_space<vmem>> -> memref<1x80xi32, #tpu.memory_space<vmem>>
        %dma_start3A_545 = tpu.memref_squeeze %dma_start3A_544 : memref<1x80xi32, #tpu.memory_space<vmem>> -> memref<80xi32, #tpu.memory_space<vmem>>
        %dma_start3A_546 = arith.constant 0 : i32
        %dma_start3A_547 = arith.constant 0 : i32
        %dma_start3A_548 = tpu.memref_slice %arg12[%dma_start3A_546, %dma_start3A_547] : memref<5128x128xf32, #tpu.memory_space<vmem_shared>> -> memref<5128x128xf32, #tpu.memory_space<vmem_shared>>
        tpu.enqueue_indirect_dma source(%arg7 : memref<80x128xf32, #tpu.memory_space<vmem>>) target(%dma_start3A_548 : memref<5128x128xf32, #tpu.memory_space<vmem_shared>>) offsets(%dma_start3A_545 : memref<80xi32, #tpu.memory_space<vmem>>) semaphore(%run_scoped3A_542 : memref<!tpu.dma_semaphore, #tpu.memory_space<semaphore_mem>>) {add = true}
        %dma_wait3A_549 = arith.constant 0 : i32
        %dma_wait3A_550 = tpu.memref_slice %arg6[%mul3A_483, %dma_wait3A_549] : memref<125x80xi32, #tpu.memory_space<vmem>> -> memref<1x80xi32, #tpu.memory_space<vmem>>
        %dma_wait3A_551 = tpu.memref_squeeze %dma_wait3A_550 : memref<1x80xi32, #tpu.memory_space<vmem>> -> memref<80xi32, #tpu.memory_space<vmem>>
        %dma_wait3A_552 = arith.constant 0 : i32
        %dma_wait3A_553 = arith.constant 0 : i32
        %dma_wait3A_554 = tpu.memref_slice %arg12[%dma_wait3A_552, %dma_wait3A_553] : memref<5128x128xf32, #tpu.memory_space<vmem_shared>> -> memref<5128x128xf32, #tpu.memory_space<vmem_shared>>
        tpu.wait_indirect_dma semaphore(%run_scoped3A_542 : memref<!tpu.dma_semaphore, #tpu.memory_space<semaphore_mem>>) src(%arg7 : memref<80x128xf32, #tpu.memory_space<vmem>>) dst(%dma_wait3A_554 : memref<5128x128xf32, #tpu.memory_space<vmem_shared>>)
        tpu.yield
      }) : () -> ()
      %add3A_490 = arith.constant 2 : i32
      %add3A_491 = arith.addi %mul3A_483, %add3A_490 : i32
      %dma_start3A_492 = arith.constant 0 : i32
      %dma_start3A_493 = tpu.memref_slice %arg5[%add3A_491, %dma_start3A_492] : memref<125x80xi32, #tpu.memory_space<vmem>> -> memref<1x80xi32, #tpu.memory_space<vmem>>
      %dma_start3A_494 = tpu.memref_squeeze %dma_start3A_493 : memref<1x80xi32, #tpu.memory_space<vmem>> -> memref<80xi32, #tpu.memory_space<vmem>>
      %dma_start3A_495 = arith.constant 0 : i32
      %dma_start3A_496 = arith.constant 0 : i32
      %dma_start3A_497 = tpu.memref_slice %arg2[%dma_start3A_495, %dma_start3A_496] : memref<10000x128xf32, #tpu.memory_space<hbm>> -> memref<10000x128xf32, #tpu.memory_space<hbm>>
      tpu.enqueue_indirect_dma source(%dma_start3A_497 : memref<10000x128xf32, #tpu.memory_space<hbm>>) target(%arg9 : memref<80x128xf32, #tpu.memory_space<vmem>>) offsets(%dma_start3A_494 : memref<80xi32, #tpu.memory_space<vmem>>) semaphore(%arg15 : memref<!tpu.dma_semaphore, #tpu.memory_space<semaphore_mem>>)
      %add3A_498 = arith.constant 1 : i32
      %add3A_499 = arith.addi %mul3A_483, %add3A_498 : i32
      %dma_wait3A_500 = arith.constant 0 : i32
      %dma_wait3A_501 = tpu.memref_slice %arg5[%add3A_499, %dma_wait3A_500] : memref<125x80xi32, #tpu.memory_space<vmem>> -> memref<1x80xi32, #tpu.memory_space<vmem>>
      %dma_wait3A_502 = tpu.memref_squeeze %dma_wait3A_501 : memref<1x80xi32, #tpu.memory_space<vmem>> -> memref<80xi32, #tpu.memory_space<vmem>>
      %dma_wait3A_503 = arith.constant 0 : i32
      %dma_wait3A_504 = arith.constant 0 : i32
      %dma_wait3A_505 = tpu.memref_slice %arg2[%dma_wait3A_503, %dma_wait3A_504] : memref<10000x128xf32, #tpu.memory_space<hbm>> -> memref<10000x128xf32, #tpu.memory_space<hbm>>
      tpu.wait_indirect_dma semaphore(%arg14 : memref<!tpu.dma_semaphore, #tpu.memory_space<semaphore_mem>>) src(%dma_wait3A_505 : memref<10000x128xf32, #tpu.memory_space<hbm>>) dst(%arg8 : memref<80x128xf32, #tpu.memory_space<vmem>>)
      "tpu.region"() ({
        %run_scoped3A_542 = tpu.sem_alloc : memref<!tpu.dma_semaphore, #tpu.memory_space<semaphore_mem>>
        %dma_start3A_543 = arith.constant 0 : i32
        %dma_start3A_544 = tpu.memref_slice %arg6[%add3A_499, %dma_start3A_543] : memref<125x80xi32, #tpu.memory_space<vmem>> -> memref<1x80xi32, #tpu.memory_space<vmem>>
        %dma_start3A_545 = tpu.memref_squeeze %dma_start3A_544 : memref<1x80xi32, #tpu.memory_space<vmem>> -> memref<80xi32, #tpu.memory_space<vmem>>
        %dma_start3A_546 = arith.constant 0 : i32
        %dma_start3A_547 = arith.constant 0 : i32
        %dma_start3A_548 = tpu.memref_slice %arg12[%dma_start3A_546, %dma_start3A_547] : memref<5128x128xf32, #tpu.memory_space<vmem_shared>> -> memref<5128x128xf32, #tpu.memory_space<vmem_shared>>
        tpu.enqueue_indirect_dma source(%arg8 : memref<80x128xf32, #tpu.memory_space<vmem>>) target(%dma_start3A_548 : memref<5128x128xf32, #tpu.memory_space<vmem_shared>>) offsets(%dma_start3A_545 : memref<80xi32, #tpu.memory_space<vmem>>) semaphore(%run_scoped3A_542 : memref<!tpu.dma_semaphore, #tpu.memory_space<semaphore_mem>>) {add = true}
        %dma_wait3A_549 = arith.constant 0 : i32
        %dma_wait3A_550 = tpu.memref_slice %arg6[%add3A_499, %dma_wait3A_549] : memref<125x80xi32, #tpu.memory_space<vmem>> -> memref<1x80xi32, #tpu.memory_space<vmem>>
        %dma_wait3A_551 = tpu.memref_squeeze %dma_wait3A_550 : memref<1x80xi32, #tpu.memory_space<vmem>> -> memref<80xi32, #tpu.memory_space<vmem>>
        %dma_wait3A_552 = arith.constant 0 : i32
        %dma_wait3A_553 = arith.constant 0 : i32
        %dma_wait3A_554 = tpu.memref_slice %arg12[%dma_wait3A_552, %dma_wait3A_553] : memref<5128x128xf32, #tpu.memory_space<vmem_shared>> -> memref<5128x128xf32, #tpu.memory_space<vmem_shared>>
        tpu.wait_indirect_dma semaphore(%run_scoped3A_542 : memref<!tpu.dma_semaphore, #tpu.memory_space<semaphore_mem>>) src(%arg8 : memref<80x128xf32, #tpu.memory_space<vmem>>) dst(%dma_wait3A_554 : memref<5128x128xf32, #tpu.memory_space<vmem_shared>>)
        tpu.yield
      }) : () -> ()
      %add3A_506 = arith.constant 3 : i32
      %add3A_507 = arith.addi %mul3A_483, %add3A_506 : i32
      %dma_start3A_508 = arith.constant 0 : i32
      %dma_start3A_509 = tpu.memref_slice %arg5[%add3A_507, %dma_start3A_508] : memref<125x80xi32, #tpu.memory_space<vmem>> -> memref<1x80xi32, #tpu.memory_space<vmem>>
      %dma_start3A_510 = tpu.memref_squeeze %dma_start3A_509 : memref<1x80xi32, #tpu.memory_space<vmem>> -> memref<80xi32, #tpu.memory_space<vmem>>
      %dma_start3A_511 = arith.constant 0 : i32
      %dma_start3A_512 = arith.constant 0 : i32
      %dma_start3A_513 = tpu.memref_slice %arg2[%dma_start3A_511, %dma_start3A_512] : memref<10000x128xf32, #tpu.memory_space<hbm>> -> memref<10000x128xf32, #tpu.memory_space<hbm>>
      tpu.enqueue_indirect_dma source(%dma_start3A_513 : memref<10000x128xf32, #tpu.memory_space<hbm>>) target(%arg10 : memref<80x128xf32, #tpu.memory_space<vmem>>) offsets(%dma_start3A_510 : memref<80xi32, #tpu.memory_space<vmem>>) semaphore(%arg16 : memref<!tpu.dma_semaphore, #tpu.memory_space<semaphore_mem>>)
      %add3A_514 = arith.constant 2 : i32
      %add3A_515 = arith.addi %mul3A_483, %add3A_514 : i32
      %dma_wait3A_516 = arith.constant 0 : i32
      %dma_wait3A_517 = tpu.memref_slice %arg5[%add3A_515, %dma_wait3A_516] : memref<125x80xi32, #tpu.memory_space<vmem>> -> memref<1x80xi32, #tpu.memory_space<vmem>>
      %dma_wait3A_518 = tpu.memref_squeeze %dma_wait3A_517 : memref<1x80xi32, #tpu.memory_space<vmem>> -> memref<80xi32, #tpu.memory_space<vmem>>
      %dma_wait3A_519 = arith.constant 0 : i32
      %dma_wait3A_520 = arith.constant 0 : i32
      %dma_wait3A_521 = tpu.memref_slice %arg2[%dma_wait3A_519, %dma_wait3A_520] : memref<10000x128xf32, #tpu.memory_space<hbm>> -> memref<10000x128xf32, #tpu.memory_space<hbm>>
      tpu.wait_indirect_dma semaphore(%arg15 : memref<!tpu.dma_semaphore, #tpu.memory_space<semaphore_mem>>) src(%dma_wait3A_521 : memref<10000x128xf32, #tpu.memory_space<hbm>>) dst(%arg9 : memref<80x128xf32, #tpu.memory_space<vmem>>)
      "tpu.region"() ({
        %run_scoped3A_542 = tpu.sem_alloc : memref<!tpu.dma_semaphore, #tpu.memory_space<semaphore_mem>>
        %dma_start3A_543 = arith.constant 0 : i32
        %dma_start3A_544 = tpu.memref_slice %arg6[%add3A_515, %dma_start3A_543] : memref<125x80xi32, #tpu.memory_space<vmem>> -> memref<1x80xi32, #tpu.memory_space<vmem>>
        %dma_start3A_545 = tpu.memref_squeeze %dma_start3A_544 : memref<1x80xi32, #tpu.memory_space<vmem>> -> memref<80xi32, #tpu.memory_space<vmem>>
        %dma_start3A_546 = arith.constant 0 : i32
        %dma_start3A_547 = arith.constant 0 : i32
        %dma_start3A_548 = tpu.memref_slice %arg12[%dma_start3A_546, %dma_start3A_547] : memref<5128x128xf32, #tpu.memory_space<vmem_shared>> -> memref<5128x128xf32, #tpu.memory_space<vmem_shared>>
        tpu.enqueue_indirect_dma source(%arg9 : memref<80x128xf32, #tpu.memory_space<vmem>>) target(%dma_start3A_548 : memref<5128x128xf32, #tpu.memory_space<vmem_shared>>) offsets(%dma_start3A_545 : memref<80xi32, #tpu.memory_space<vmem>>) semaphore(%run_scoped3A_542 : memref<!tpu.dma_semaphore, #tpu.memory_space<semaphore_mem>>) {add = true}
        %dma_wait3A_549 = arith.constant 0 : i32
        %dma_wait3A_550 = tpu.memref_slice %arg6[%add3A_515, %dma_wait3A_549] : memref<125x80xi32, #tpu.memory_space<vmem>> -> memref<1x80xi32, #tpu.memory_space<vmem>>
        %dma_wait3A_551 = tpu.memref_squeeze %dma_wait3A_550 : memref<1x80xi32, #tpu.memory_space<vmem>> -> memref<80xi32, #tpu.memory_space<vmem>>
        %dma_wait3A_552 = arith.constant 0 : i32
        %dma_wait3A_553 = arith.constant 0 : i32
        %dma_wait3A_554 = tpu.memref_slice %arg12[%dma_wait3A_552, %dma_wait3A_553] : memref<5128x128xf32, #tpu.memory_space<vmem_shared>> -> memref<5128x128xf32, #tpu.memory_space<vmem_shared>>
        tpu.wait_indirect_dma semaphore(%run_scoped3A_542 : memref<!tpu.dma_semaphore, #tpu.memory_space<semaphore_mem>>) src(%arg9 : memref<80x128xf32, #tpu.memory_space<vmem>>) dst(%dma_wait3A_554 : memref<5128x128xf32, #tpu.memory_space<vmem_shared>>)
        tpu.yield
      }) : () -> ()
      %add3A_522 = arith.constant 4 : i32
      %add3A_523 = arith.addi %mul3A_483, %add3A_522 : i32
      %lt3A = arith.constant 125 : i32
      %lt3A_524 = arith.cmpi slt, %add3A_523, %lt3A : i32
      %convert_element_type3A = arith.extui %lt3A_524 : i1 to i32
      %cond3A = arith.constant 0 : i32
      %cond3A_525 = arith.cmpi ne, %convert_element_type3A, %cond3A : i32
      scf.if %cond3A_525 {
        %add3A_542 = arith.constant 4 : i32
        %add3A_543 = arith.addi %mul3A_483, %add3A_542 : i32
        %dma_start3A_544 = arith.constant 0 : i32
        %dma_start3A_545 = tpu.memref_slice %arg5[%add3A_543, %dma_start3A_544] : memref<125x80xi32, #tpu.memory_space<vmem>> -> memref<1x80xi32, #tpu.memory_space<vmem>>
        %dma_start3A_546 = tpu.memref_squeeze %dma_start3A_545 : memref<1x80xi32, #tpu.memory_space<vmem>> -> memref<80xi32, #tpu.memory_space<vmem>>
        %dma_start3A_547 = arith.constant 0 : i32
        %dma_start3A_548 = arith.constant 0 : i32
        %dma_start3A_549 = tpu.memref_slice %arg2[%dma_start3A_547, %dma_start3A_548] : memref<10000x128xf32, #tpu.memory_space<hbm>> -> memref<10000x128xf32, #tpu.memory_space<hbm>>
        tpu.enqueue_indirect_dma source(%dma_start3A_549 : memref<10000x128xf32, #tpu.memory_space<hbm>>) target(%arg7 : memref<80x128xf32, #tpu.memory_space<vmem>>) offsets(%dma_start3A_546 : memref<80xi32, #tpu.memory_space<vmem>>) semaphore(%arg13 : memref<!tpu.dma_semaphore, #tpu.memory_space<semaphore_mem>>)
      } else {
      }
      %add3A_526 = arith.constant 3 : i32
      %add3A_527 = arith.addi %mul3A_483, %add3A_526 : i32
      %dma_wait3A_528 = arith.constant 0 : i32
      %dma_wait3A_529 = tpu.memref_slice %arg5[%add3A_527, %dma_wait3A_528] : memref<125x80xi32, #tpu.memory_space<vmem>> -> memref<1x80xi32, #tpu.memory_space<vmem>>
      %dma_wait3A_530 = tpu.memref_squeeze %dma_wait3A_529 : memref<1x80xi32, #tpu.memory_space<vmem>> -> memref<80xi32, #tpu.memory_space<vmem>>
      %dma_wait3A_531 = arith.constant 0 : i32
      %dma_wait3A_532 = arith.constant 0 : i32
      %dma_wait3A_533 = tpu.memref_slice %arg2[%dma_wait3A_531, %dma_wait3A_532] : memref<10000x128xf32, #tpu.memory_space<hbm>> -> memref<10000x128xf32, #tpu.memory_space<hbm>>
      tpu.wait_indirect_dma semaphore(%arg16 : memref<!tpu.dma_semaphore, #tpu.memory_space<semaphore_mem>>) src(%dma_wait3A_533 : memref<10000x128xf32, #tpu.memory_space<hbm>>) dst(%arg10 : memref<80x128xf32, #tpu.memory_space<vmem>>)
      "tpu.region"() ({
        %run_scoped3A_542 = tpu.sem_alloc : memref<!tpu.dma_semaphore, #tpu.memory_space<semaphore_mem>>
        %dma_start3A_543 = arith.constant 0 : i32
        %dma_start3A_544 = tpu.memref_slice %arg6[%add3A_527, %dma_start3A_543] : memref<125x80xi32, #tpu.memory_space<vmem>> -> memref<1x80xi32, #tpu.memory_space<vmem>>
        %dma_start3A_545 = tpu.memref_squeeze %dma_start3A_544 : memref<1x80xi32, #tpu.memory_space<vmem>> -> memref<80xi32, #tpu.memory_space<vmem>>
        %dma_start3A_546 = arith.constant 0 : i32
        %dma_start3A_547 = arith.constant 0 : i32
        %dma_start3A_548 = tpu.memref_slice %arg12[%dma_start3A_546, %dma_start3A_547] : memref<5128x128xf32, #tpu.memory_space<vmem_shared>> -> memref<5128x128xf32, #tpu.memory_space<vmem_shared>>
        tpu.enqueue_indirect_dma source(%arg10 : memref<80x128xf32, #tpu.memory_space<vmem>>) target(%dma_start3A_548 : memref<5128x128xf32, #tpu.memory_space<vmem_shared>>) offsets(%dma_start3A_545 : memref<80xi32, #tpu.memory_space<vmem>>) semaphore(%run_scoped3A_542 : memref<!tpu.dma_semaphore, #tpu.memory_space<semaphore_mem>>) {add = true}
        %dma_wait3A_549 = arith.constant 0 : i32
        %dma_wait3A_550 = tpu.memref_slice %arg6[%add3A_527, %dma_wait3A_549] : memref<125x80xi32, #tpu.memory_space<vmem>> -> memref<1x80xi32, #tpu.memory_space<vmem>>
        %dma_wait3A_551 = tpu.memref_squeeze %dma_wait3A_550 : memref<1x80xi32, #tpu.memory_space<vmem>> -> memref<80xi32, #tpu.memory_space<vmem>>
        %dma_wait3A_552 = arith.constant 0 : i32
        %dma_wait3A_553 = arith.constant 0 : i32
        %dma_wait3A_554 = tpu.memref_slice %arg12[%dma_wait3A_552, %dma_wait3A_553] : memref<5128x128xf32, #tpu.memory_space<vmem_shared>> -> memref<5128x128xf32, #tpu.memory_space<vmem_shared>>
        tpu.wait_indirect_dma semaphore(%run_scoped3A_542 : memref<!tpu.dma_semaphore, #tpu.memory_space<semaphore_mem>>) src(%arg10 : memref<80x128xf32, #tpu.memory_space<vmem>>) dst(%dma_wait3A_554 : memref<5128x128xf32, #tpu.memory_space<vmem_shared>>)
        tpu.yield
      }) : () -> ()
      %add3A_534 = arith.constant 5 : i32
      %add3A_535 = arith.addi %mul3A_483, %add3A_534 : i32
      %lt3A_536 = arith.constant 125 : i32
      %lt3A_537 = arith.cmpi slt, %add3A_535, %lt3A_536 : i32
      %convert_element_type3A_538 = arith.extui %lt3A_537 : i1 to i32
      %cond3A_539 = arith.constant 0 : i32
      %cond3A_540 = arith.cmpi ne, %convert_element_type3A_538, %cond3A_539 : i32
      scf.if %cond3A_540 {
        %add3A_542 = arith.constant 5 : i32
        %add3A_543 = arith.addi %mul3A_483, %add3A_542 : i32
        %dma_start3A_544 = arith.constant 0 : i32
        %dma_start3A_545 = tpu.memref_slice %arg5[%add3A_543, %dma_start3A_544] : memref<125x80xi32, #tpu.memory_space<vmem>> -> memref<1x80xi32, #tpu.memory_space<vmem>>
        %dma_start3A_546 = tpu.memref_squeeze %dma_start3A_545 : memref<1x80xi32, #tpu.memory_space<vmem>> -> memref<80xi32, #tpu.memory_space<vmem>>
        %dma_start3A_547 = arith.constant 0 : i32
        %dma_start3A_548 = arith.constant 0 : i32
        %dma_start3A_549 = tpu.memref_slice %arg2[%dma_start3A_547, %dma_start3A_548] : memref<10000x128xf32, #tpu.memory_space<hbm>> -> memref<10000x128xf32, #tpu.memory_space<hbm>>
        tpu.enqueue_indirect_dma source(%dma_start3A_549 : memref<10000x128xf32, #tpu.memory_space<hbm>>) target(%arg8 : memref<80x128xf32, #tpu.memory_space<vmem>>) offsets(%dma_start3A_546 : memref<80xi32, #tpu.memory_space<vmem>>) semaphore(%arg14 : memref<!tpu.dma_semaphore, #tpu.memory_space<semaphore_mem>>)
      } else {
      }
      %scan3A_541 = arith.constant 0 : i32
      scf.yield %scan3A_541 : i32
    }
    %scan3A_424 = arith.constant 31 : i32
    %dma_wait3A = arith.constant 124 : i32
    %dma_wait3A_425 = arith.constant 0 : i32
    %dma_wait3A_426 = tpu.memref_slice %arg5[%dma_wait3A, %dma_wait3A_425] : memref<125x80xi32, #tpu.memory_space<vmem>> -> memref<1x80xi32, #tpu.memory_space<vmem>>
    %dma_wait3A_427 = tpu.memref_squeeze %dma_wait3A_426 : memref<1x80xi32, #tpu.memory_space<vmem>> -> memref<80xi32, #tpu.memory_space<vmem>>
    %dma_wait3A_428 = arith.constant 0 : i32
    %dma_wait3A_429 = arith.constant 0 : i32
    %dma_wait3A_430 = tpu.memref_slice %arg2[%dma_wait3A_428, %dma_wait3A_429] : memref<10000x128xf32, #tpu.memory_space<hbm>> -> memref<10000x128xf32, #tpu.memory_space<hbm>>
    tpu.wait_indirect_dma semaphore(%arg13 : memref<!tpu.dma_semaphore, #tpu.memory_space<semaphore_mem>>) src(%dma_wait3A_430 : memref<10000x128xf32, #tpu.memory_space<hbm>>) dst(%arg7 : memref<80x128xf32, #tpu.memory_space<vmem>>)
    %run_scoped3A_431 = arith.constant 124 : i32
    "tpu.region"() ({
      %run_scoped3A_480 = tpu.sem_alloc : memref<!tpu.dma_semaphore, #tpu.memory_space<semaphore_mem>>
      %dma_start3A_481 = arith.constant 0 : i32
      %dma_start3A_482 = tpu.memref_slice %arg6[%run_scoped3A_431, %dma_start3A_481] : memref<125x80xi32, #tpu.memory_space<vmem>> -> memref<1x80xi32, #tpu.memory_space<vmem>>
      %dma_start3A_483 = tpu.memref_squeeze %dma_start3A_482 : memref<1x80xi32, #tpu.memory_space<vmem>> -> memref<80xi32, #tpu.memory_space<vmem>>
      %dma_start3A_484 = arith.constant 0 : i32
      %dma_start3A_485 = arith.constant 0 : i32
      %dma_start3A_486 = tpu.memref_slice %arg12[%dma_start3A_484, %dma_start3A_485] : memref<5128x128xf32, #tpu.memory_space<vmem_shared>> -> memref<5128x128xf32, #tpu.memory_space<vmem_shared>>
      tpu.enqueue_indirect_dma source(%arg7 : memref<80x128xf32, #tpu.memory_space<vmem>>) target(%dma_start3A_486 : memref<5128x128xf32, #tpu.memory_space<vmem_shared>>) offsets(%dma_start3A_483 : memref<80xi32, #tpu.memory_space<vmem>>) semaphore(%run_scoped3A_480 : memref<!tpu.dma_semaphore, #tpu.memory_space<semaphore_mem>>) {add = true}
      %dma_wait3A_487 = arith.constant 0 : i32
      %dma_wait3A_488 = tpu.memref_slice %arg6[%run_scoped3A_431, %dma_wait3A_487] : memref<125x80xi32, #tpu.memory_space<vmem>> -> memref<1x80xi32, #tpu.memory_space<vmem>>
      %dma_wait3A_489 = tpu.memref_squeeze %dma_wait3A_488 : memref<1x80xi32, #tpu.memory_space<vmem>> -> memref<80xi32, #tpu.memory_space<vmem>>
      %dma_wait3A_490 = arith.constant 0 : i32
      %dma_wait3A_491 = arith.constant 0 : i32
      %dma_wait3A_492 = tpu.memref_slice %arg12[%dma_wait3A_490, %dma_wait3A_491] : memref<5128x128xf32, #tpu.memory_space<vmem_shared>> -> memref<5128x128xf32, #tpu.memory_space<vmem_shared>>
      tpu.wait_indirect_dma semaphore(%run_scoped3A_480 : memref<!tpu.dma_semaphore, #tpu.memory_space<semaphore_mem>>) src(%arg7 : memref<80x128xf32, #tpu.memory_space<vmem>>) dst(%dma_wait3A_492 : memref<5128x128xf32, #tpu.memory_space<vmem_shared>>)
      tpu.yield
    }) : () -> ()
    %run_scoped3A_432 = arith.constant 0 : i32
    %run_scoped3A_433 = arith.constant 1 : i32
    "tpu.region"() ({
      %run_scoped3A_480 = tpu.sem_alloc : memref<!tpu.dma_semaphore, #tpu.memory_space<semaphore_mem>>
      %dma_start3A_481 = arith.constant 0 : i32
      %dma_start3A_482 = arith.constant 0 : i32
      %dma_start3A_483 = tpu.memref_slice %arg3[%run_scoped3A_432, %arg1, %run_scoped3A_433, %dma_start3A_481, %dma_start3A_482] : memref<2x16x2x125x80xi32, #tpu.memory_space<hbm>> -> memref<1x1x1x125x80xi32, #tpu.memory_space<hbm>>
      %dma_start3A_484 = tpu.memref_squeeze %dma_start3A_483 : memref<1x1x1x125x80xi32, #tpu.memory_space<hbm>> -> memref<125x80xi32, #tpu.memory_space<hbm>>
      %dma_start3A_485 = arith.constant 0 : i32
      %dma_start3A_486 = arith.constant 0 : i32
      %dma_start3A_487 = tpu.memref_slice %arg3[%run_scoped3A_432, %arg1, %run_scoped3A_433, %dma_start3A_485, %dma_start3A_486] : memref<2x16x2x125x80xi32, #tpu.memory_space<hbm>> -> memref<1x1x1x125x80xi32, #tpu.memory_space<hbm>>
      %dma_start3A_488 = tpu.memref_squeeze %dma_start3A_487 : memref<1x1x1x125x80xi32, #tpu.memory_space<hbm>> -> memref<125x80xi32, #tpu.memory_space<hbm>>
      tpu.enqueue_dma source(%dma_start3A_488 : memref<125x80xi32, #tpu.memory_space<hbm>>) target(%arg5 : memref<125x80xi32, #tpu.memory_space<vmem>>) target_semaphore(%run_scoped3A_480 : memref<!tpu.dma_semaphore, #tpu.memory_space<semaphore_mem>>)
      %dma_wait3A_489 = arith.constant 0 : i32
      %dma_wait3A_490 = arith.constant 0 : i32
      %dma_wait3A_491 = tpu.memref_slice %arg3[%run_scoped3A_432, %arg1, %run_scoped3A_433, %dma_wait3A_489, %dma_wait3A_490] : memref<2x16x2x125x80xi32, #tpu.memory_space<hbm>> -> memref<1x1x1x125x80xi32, #tpu.memory_space<hbm>>
      %dma_wait3A_492 = tpu.memref_squeeze %dma_wait3A_491 : memref<1x1x1x125x80xi32, #tpu.memory_space<hbm>> -> memref<125x80xi32, #tpu.memory_space<hbm>>
      %dma_wait3A_493 = arith.constant 0 : i32
      %dma_wait3A_494 = arith.constant 0 : i32
      %dma_wait3A_495 = tpu.memref_slice %arg3[%run_scoped3A_432, %arg1, %run_scoped3A_433, %dma_wait3A_493, %dma_wait3A_494] : memref<2x16x2x125x80xi32, #tpu.memory_space<hbm>> -> memref<1x1x1x125x80xi32, #tpu.memory_space<hbm>>
      %dma_wait3A_496 = tpu.memref_squeeze %dma_wait3A_495 : memref<1x1x1x125x80xi32, #tpu.memory_space<hbm>> -> memref<125x80xi32, #tpu.memory_space<hbm>>
      tpu.wait_dma2 semaphore(%run_scoped3A_480 : memref<!tpu.dma_semaphore, #tpu.memory_space<semaphore_mem>>) src(%dma_wait3A_496 : memref<125x80xi32, #tpu.memory_space<hbm>>) dst(%arg5 : memref<125x80xi32, #tpu.memory_space<vmem>>)
      tpu.yield
    }) : () -> ()
    %run_scoped3A_434 = arith.constant 1 : i32
    %run_scoped3A_435 = arith.constant 1 : i32
    "tpu.region"() ({
      %run_scoped3A_480 = tpu.sem_alloc : memref<!tpu.dma_semaphore, #tpu.memory_space<semaphore_mem>>
      %dma_start3A_481 = arith.constant 0 : i32
      %dma_start3A_482 = arith.constant 0 : i32
      %dma_start3A_483 = tpu.memref_slice %arg3[%run_scoped3A_434, %arg1, %run_scoped3A_435, %dma_start3A_481, %dma_start3A_482] : memref<2x16x2x125x80xi32, #tpu.memory_space<hbm>> -> memref<1x1x1x125x80xi32, #tpu.memory_space<hbm>>
      %dma_start3A_484 = tpu.memref_squeeze %dma_start3A_483 : memref<1x1x1x125x80xi32, #tpu.memory_space<hbm>> -> memref<125x80xi32, #tpu.memory_space<hbm>>
      %dma_start3A_485 = arith.constant 0 : i32
      %dma_start3A_486 = arith.constant 0 : i32
      %dma_start3A_487 = tpu.memref_slice %arg3[%run_scoped3A_434, %arg1, %run_scoped3A_435, %dma_start3A_485, %dma_start3A_486] : memref<2x16x2x125x80xi32, #tpu.memory_space<hbm>> -> memref<1x1x1x125x80xi32, #tpu.memory_space<hbm>>
      %dma_start3A_488 = tpu.memref_squeeze %dma_start3A_487 : memref<1x1x1x125x80xi32, #tpu.memory_space<hbm>> -> memref<125x80xi32, #tpu.memory_space<hbm>>
      tpu.enqueue_dma source(%dma_start3A_488 : memref<125x80xi32, #tpu.memory_space<hbm>>) target(%arg6 : memref<125x80xi32, #tpu.memory_space<vmem>>) target_semaphore(%run_scoped3A_480 : memref<!tpu.dma_semaphore, #tpu.memory_space<semaphore_mem>>)
      %dma_wait3A_489 = arith.constant 0 : i32
      %dma_wait3A_490 = arith.constant 0 : i32
      %dma_wait3A_491 = tpu.memref_slice %arg3[%run_scoped3A_434, %arg1, %run_scoped3A_435, %dma_wait3A_489, %dma_wait3A_490] : memref<2x16x2x125x80xi32, #tpu.memory_space<hbm>> -> memref<1x1x1x125x80xi32, #tpu.memory_space<hbm>>
      %dma_wait3A_492 = tpu.memref_squeeze %dma_wait3A_491 : memref<1x1x1x125x80xi32, #tpu.memory_space<hbm>> -> memref<125x80xi32, #tpu.memory_space<hbm>>
      %dma_wait3A_493 = arith.constant 0 : i32
      %dma_wait3A_494 = arith.constant 0 : i32
      %dma_wait3A_495 = tpu.memref_slice %arg3[%run_scoped3A_434, %arg1, %run_scoped3A_435, %dma_wait3A_493, %dma_wait3A_494] : memref<2x16x2x125x80xi32, #tpu.memory_space<hbm>> -> memref<1x1x1x125x80xi32, #tpu.memory_space<hbm>>
      %dma_wait3A_496 = tpu.memref_squeeze %dma_wait3A_495 : memref<1x1x1x125x80xi32, #tpu.memory_space<hbm>> -> memref<125x80xi32, #tpu.memory_space<hbm>>
      tpu.wait_dma2 semaphore(%run_scoped3A_480 : memref<!tpu.dma_semaphore, #tpu.memory_space<semaphore_mem>>) src(%dma_wait3A_496 : memref<125x80xi32, #tpu.memory_space<hbm>>) dst(%arg6 : memref<125x80xi32, #tpu.memory_space<vmem>>)
      tpu.yield
    }) : () -> ()
    %scan3A_436 = arith.constant 0 : i32
    %scan3A_437 = arith.constant 0 : i32
    %scan3A_438 = arith.constant 125 : i32
    %scan3A_439 = arith.addi %scan3A_437, %scan3A_438 : i32
    %scan3A_440 = arith.constant 1 : i32
    %scan3A_441 = scf.for %scan3A_480 = %scan3A_437 to %scan3A_439 step %scan3A_440 iter_args(%scan3A_481 = %scan3A_436) -> (i32)  : i32 {
      %get3A = arith.index_cast %scan3A_480 : i32 to index
      %get3A_482 = arith.constant 0 : index
      %get3A_483 = tpu.vector_load %arg6[%get3A, %get3A_482] {strides = array<i32>} : memref<125x80xi32, #tpu.memory_space<vmem>>, vector<1x16xi32>,
      %get3A_484 = vector.shape_cast %get3A_483 : vector<1x16xi32> to vector<16xi32>
      %sub3A = vector.broadcast %mul3A_384 : i32 to vector<16xi32>
      %sub3A_485 = arith.subi %get3A_484, %sub3A : vector<16xi32>
      %ge3A = arith.constant 0 : i32
      %ge3A_486 = vector.broadcast %ge3A : i32 to vector<16xi32>
      %ge3A_487 = arith.cmpi sge, %sub3A_485, %ge3A_486 : vector<16xi32>
      %lt3A = arith.constant 5120 : i32
      %lt3A_488 = vector.broadcast %lt3A : i32 to vector<16xi32>
      %lt3A_489 = arith.cmpi slt, %sub3A_485, %lt3A_488 : vector<16xi32>
      %and3A_490 = arith.andi %ge3A_487, %lt3A_489 : vector<16xi1>
      %select_n3A = arith.select %and3A_490, %sub3A_485, %add3A_388 : vector<16xi1>, vector<16xi32>
      %swap3A_491 = arith.index_cast %scan3A_480 : i32 to index
      %swap3A_492 = arith.constant 0 : index
      %swap3A_493 = tpu.vector_load %arg6[%swap3A_491, %swap3A_492] {strides = array<i32>} : memref<125x80xi32, #tpu.memory_space<vmem>>, vector<1x16xi32>,
      %swap3A_494 = vector.shape_cast %swap3A_493 : vector<1x16xi32> to vector<16xi32>
      %swap3A_495 = vector.shape_cast %select_n3A : vector<16xi32> to vector<1x16xi32>
      tpu.vector_store %arg6[%swap3A_491, %swap3A_492], %swap3A_495 {strides = array<i32>} : memref<125x80xi32, #tpu.memory_space<vmem>>, vector<1x16xi32>,
      %get3A_496 = arith.index_cast %scan3A_480 : i32 to index
      %get3A_497 = arith.constant 16 : index
      %get3A_498 = tpu.vector_load %arg6[%get3A_496, %get3A_497] {strides = array<i32>} : memref<125x80xi32, #tpu.memory_space<vmem>>, vector<1x16xi32>,
      %get3A_499 = vector.shape_cast %get3A_498 : vector<1x16xi32> to vector<16xi32>
      %sub3A_500 = vector.broadcast %mul3A_384 : i32 to vector<16xi32>
      %sub3A_501 = arith.subi %get3A_499, %sub3A_500 : vector<16xi32>
      %ge3A_502 = arith.constant 0 : i32
      %ge3A_503 = vector.broadcast %ge3A_502 : i32 to vector<16xi32>
      %ge3A_504 = arith.cmpi sge, %sub3A_501, %ge3A_503 : vector<16xi32>
      %lt3A_505 = arith.constant 5120 : i32
      %lt3A_506 = vector.broadcast %lt3A_505 : i32 to vector<16xi32>
      %lt3A_507 = arith.cmpi slt, %sub3A_501, %lt3A_506 : vector<16xi32>
      %and3A_508 = arith.andi %ge3A_504, %lt3A_507 : vector<16xi1>
      %select_n3A_509 = arith.select %and3A_508, %sub3A_501, %add3A_388 : vector<16xi1>, vector<16xi32>
      %swap3A_510 = arith.index_cast %scan3A_480 : i32 to index
      %swap3A_511 = arith.constant 16 : index
      %swap3A_512 = tpu.vector_load %arg6[%swap3A_510, %swap3A_511] {strides = array<i32>} : memref<125x80xi32, #tpu.memory_space<vmem>>, vector<1x16xi32>,
      %swap3A_513 = vector.shape_cast %swap3A_512 : vector<1x16xi32> to vector<16xi32>
      %swap3A_514 = vector.shape_cast %select_n3A_509 : vector<16xi32> to vector<1x16xi32>
      tpu.vector_store %arg6[%swap3A_510, %swap3A_511], %swap3A_514 {strides = array<i32>} : memref<125x80xi32, #tpu.memory_space<vmem>>, vector<1x16xi32>,
      %get3A_515 = arith.index_cast %scan3A_480 : i32 to index
      %get3A_516 = arith.constant 32 : index
      %get3A_517 = tpu.vector_load %arg6[%get3A_515, %get3A_516] {strides = array<i32>} : memref<125x80xi32, #tpu.memory_space<vmem>>, vector<1x16xi32>,
      %get3A_518 = vector.shape_cast %get3A_517 : vector<1x16xi32> to vector<16xi32>
      %sub3A_519 = vector.broadcast %mul3A_384 : i32 to vector<16xi32>
      %sub3A_520 = arith.subi %get3A_518, %sub3A_519 : vector<16xi32>
      %ge3A_521 = arith.constant 0 : i32
      %ge3A_522 = vector.broadcast %ge3A_521 : i32 to vector<16xi32>
      %ge3A_523 = arith.cmpi sge, %sub3A_520, %ge3A_522 : vector<16xi32>
      %lt3A_524 = arith.constant 5120 : i32
      %lt3A_525 = vector.broadcast %lt3A_524 : i32 to vector<16xi32>
      %lt3A_526 = arith.cmpi slt, %sub3A_520, %lt3A_525 : vector<16xi32>
      %and3A_527 = arith.andi %ge3A_523, %lt3A_526 : vector<16xi1>
      %select_n3A_528 = arith.select %and3A_527, %sub3A_520, %add3A_388 : vector<16xi1>, vector<16xi32>
      %swap3A_529 = arith.index_cast %scan3A_480 : i32 to index
      %swap3A_530 = arith.constant 32 : index
      %swap3A_531 = tpu.vector_load %arg6[%swap3A_529, %swap3A_530] {strides = array<i32>} : memref<125x80xi32, #tpu.memory_space<vmem>>, vector<1x16xi32>,
      %swap3A_532 = vector.shape_cast %swap3A_531 : vector<1x16xi32> to vector<16xi32>
      %swap3A_533 = vector.shape_cast %select_n3A_528 : vector<16xi32> to vector<1x16xi32>
      tpu.vector_store %arg6[%swap3A_529, %swap3A_530], %swap3A_533 {strides = array<i32>} : memref<125x80xi32, #tpu.memory_space<vmem>>, vector<1x16xi32>,
      %get3A_534 = arith.index_cast %scan3A_480 : i32 to index
      %get3A_535 = arith.constant 48 : index
      %get3A_536 = tpu.vector_load %arg6[%get3A_534, %get3A_535] {strides = array<i32>} : memref<125x80xi32, #tpu.memory_space<vmem>>, vector<1x16xi32>,
      %get3A_537 = vector.shape_cast %get3A_536 : vector<1x16xi32> to vector<16xi32>
      %sub3A_538 = vector.broadcast %mul3A_384 : i32 to vector<16xi32>
      %sub3A_539 = arith.subi %get3A_537, %sub3A_538 : vector<16xi32>
      %ge3A_540 = arith.constant 0 : i32
      %ge3A_541 = vector.broadcast %ge3A_540 : i32 to vector<16xi32>
      %ge3A_542 = arith.cmpi sge, %sub3A_539, %ge3A_541 : vector<16xi32>
      %lt3A_543 = arith.constant 5120 : i32
      %lt3A_544 = vector.broadcast %lt3A_543 : i32 to vector<16xi32>
      %lt3A_545 = arith.cmpi slt, %sub3A_539, %lt3A_544 : vector<16xi32>
      %and3A_546 = arith.andi %ge3A_542, %lt3A_545 : vector<16xi1>
      %select_n3A_547 = arith.select %and3A_546, %sub3A_539, %add3A_388 : vector<16xi1>, vector<16xi32>
      %swap3A_548 = arith.index_cast %scan3A_480 : i32 to index
      %swap3A_549 = arith.constant 48 : index
      %swap3A_550 = tpu.vector_load %arg6[%swap3A_548, %swap3A_549] {strides = array<i32>} : memref<125x80xi32, #tpu.memory_space<vmem>>, vector<1x16xi32>,
      %swap3A_551 = vector.shape_cast %swap3A_550 : vector<1x16xi32> to vector<16xi32>
      %swap3A_552 = vector.shape_cast %select_n3A_547 : vector<16xi32> to vector<1x16xi32>
      tpu.vector_store %arg6[%swap3A_548, %swap3A_549], %swap3A_552 {strides = array<i32>} : memref<125x80xi32, #tpu.memory_space<vmem>>, vector<1x16xi32>,
      %get3A_553 = arith.index_cast %scan3A_480 : i32 to index
      %get3A_554 = arith.constant 64 : index
      %get3A_555 = tpu.vector_load %arg6[%get3A_553, %get3A_554] {strides = array<i32>} : memref<125x80xi32, #tpu.memory_space<vmem>>, vector<1x16xi32>,
      %get3A_556 = vector.shape_cast %get3A_555 : vector<1x16xi32> to vector<16xi32>
      %sub3A_557 = vector.broadcast %mul3A_384 : i32 to vector<16xi32>
      %sub3A_558 = arith.subi %get3A_556, %sub3A_557 : vector<16xi32>
      %ge3A_559 = arith.constant 0 : i32
      %ge3A_560 = vector.broadcast %ge3A_559 : i32 to vector<16xi32>
      %ge3A_561 = arith.cmpi sge, %sub3A_558, %ge3A_560 : vector<16xi32>
      %lt3A_562 = arith.constant 5120 : i32
      %lt3A_563 = vector.broadcast %lt3A_562 : i32 to vector<16xi32>
      %lt3A_564 = arith.cmpi slt, %sub3A_558, %lt3A_563 : vector<16xi32>
      %and3A_565 = arith.andi %ge3A_561, %lt3A_564 : vector<16xi1>
      %select_n3A_566 = arith.select %and3A_565, %sub3A_558, %add3A_388 : vector<16xi1>, vector<16xi32>
      %swap3A_567 = arith.index_cast %scan3A_480 : i32 to index
      %swap3A_568 = arith.constant 64 : index
      %swap3A_569 = tpu.vector_load %arg6[%swap3A_567, %swap3A_568] {strides = array<i32>} : memref<125x80xi32, #tpu.memory_space<vmem>>, vector<1x16xi32>,
      %swap3A_570 = vector.shape_cast %swap3A_569 : vector<1x16xi32> to vector<16xi32>
      %swap3A_571 = vector.shape_cast %select_n3A_566 : vector<16xi32> to vector<1x16xi32>
      tpu.vector_store %arg6[%swap3A_567, %swap3A_568], %swap3A_571 {strides = array<i32>} : memref<125x80xi32, #tpu.memory_space<vmem>>, vector<1x16xi32>,
      %scan3A_572 = arith.constant 0 : i32
      scf.yield %scan3A_572 : i32
    }
    %scan3A_442 = arith.constant 125 : i32
    %dma_start3A_443 = arith.constant 0 : i32
    %dma_start3A_444 = arith.constant 0 : i32
    %dma_start3A_445 = tpu.memref_slice %arg5[%dma_start3A_443, %dma_start3A_444] : memref<125x80xi32, #tpu.memory_space<vmem>> -> memref<1x80xi32, #tpu.memory_space<vmem>>
    %dma_start3A_446 = tpu.memref_squeeze %dma_start3A_445 : memref<1x80xi32, #tpu.memory_space<vmem>> -> memref<80xi32, #tpu.memory_space<vmem>>
    %dma_start3A_447 = arith.constant 0 : i32
    %dma_start3A_448 = arith.constant 0 : i32
    %dma_start3A_449 = tpu.memref_slice %arg2[%dma_start3A_447, %dma_start3A_448] : memref<10000x128xf32, #tpu.memory_space<hbm>> -> memref<10000x128xf32, #tpu.memory_space<hbm>>
    tpu.enqueue_indirect_dma source(%dma_start3A_449 : memref<10000x128xf32, #tpu.memory_space<hbm>>) target(%arg7 : memref<80x128xf32, #tpu.memory_space<vmem>>) offsets(%dma_start3A_446 : memref<80xi32, #tpu.memory_space<vmem>>) semaphore(%arg13 : memref<!tpu.dma_semaphore, #tpu.memory_space<semaphore_mem>>)
    %dma_start3A_450 = arith.constant 1 : i32
    %dma_start3A_451 = arith.constant 0 : i32
    %dma_start3A_452 = tpu.memref_slice %arg5[%dma_start3A_450, %dma_start3A_451] : memref<125x80xi32, #tpu.memory_space<vmem>> -> memref<1x80xi32, #tpu.memory_space<vmem>>
    %dma_start3A_453 = tpu.memref_squeeze %dma_start3A_452 : memref<1x80xi32, #tpu.memory_space<vmem>> -> memref<80xi32, #tpu.memory_space<vmem>>
    %dma_start3A_454 = arith.constant 0 : i32
    %dma_start3A_455 = arith.constant 0 : i32
    %dma_start3A_456 = tpu.memref_slice %arg2[%dma_start3A_454, %dma_start3A_455] : memref<10000x128xf32, #tpu.memory_space<hbm>> -> memref<10000x128xf32, #tpu.memory_space<hbm>>
    tpu.enqueue_indirect_dma source(%dma_start3A_456 : memref<10000x128xf32, #tpu.memory_space<hbm>>) target(%arg8 : memref<80x128xf32, #tpu.memory_space<vmem>>) offsets(%dma_start3A_453 : memref<80xi32, #tpu.memory_space<vmem>>) semaphore(%arg14 : memref<!tpu.dma_semaphore, #tpu.memory_space<semaphore_mem>>)
    %scan3A_457 = arith.constant 0 : i32
    %scan3A_458 = arith.constant 0 : i32
    %scan3A_459 = arith.constant 31 : i32
    %scan3A_460 = arith.addi %scan3A_458, %scan3A_459 : i32
    %scan3A_461 = arith.constant 1 : i32
    %scan3A_462 = scf.for %scan3A_480 = %scan3A_458 to %scan3A_460 step %scan3A_461 iter_args(%scan3A_481 = %scan3A_457) -> (i32)  : i32 {
      %mul3A_482 = arith.constant 4 : i32
      %mul3A_483 = arith.muli %mul3A_482, %scan3A_480 : i32
      %dma_wait3A_484 = arith.constant 0 : i32
      %dma_wait3A_485 = tpu.memref_slice %arg5[%mul3A_483, %dma_wait3A_484] : memref<125x80xi32, #tpu.memory_space<vmem>> -> memref<1x80xi32, #tpu.memory_space<vmem>>
      %dma_wait3A_486 = tpu.memref_squeeze %dma_wait3A_485 : memref<1x80xi32, #tpu.memory_space<vmem>> -> memref<80xi32, #tpu.memory_space<vmem>>
      %dma_wait3A_487 = arith.constant 0 : i32
      %dma_wait3A_488 = arith.constant 0 : i32
      %dma_wait3A_489 = tpu.memref_slice %arg2[%dma_wait3A_487, %dma_wait3A_488] : memref<10000x128xf32, #tpu.memory_space<hbm>> -> memref<10000x128xf32, #tpu.memory_space<hbm>>
      tpu.wait_indirect_dma semaphore(%arg13 : memref<!tpu.dma_semaphore, #tpu.memory_space<semaphore_mem>>) src(%dma_wait3A_489 : memref<10000x128xf32, #tpu.memory_space<hbm>>) dst(%arg7 : memref<80x128xf32, #tpu.memory_space<vmem>>)
      "tpu.region"() ({
        %run_scoped3A_542 = tpu.sem_alloc : memref<!tpu.dma_semaphore, #tpu.memory_space<semaphore_mem>>
        %dma_start3A_543 = arith.constant 0 : i32
        %dma_start3A_544 = tpu.memref_slice %arg6[%mul3A_483, %dma_start3A_543] : memref<125x80xi32, #tpu.memory_space<vmem>> -> memref<1x80xi32, #tpu.memory_space<vmem>>
        %dma_start3A_545 = tpu.memref_squeeze %dma_start3A_544 : memref<1x80xi32, #tpu.memory_space<vmem>> -> memref<80xi32, #tpu.memory_space<vmem>>
        %dma_start3A_546 = arith.constant 0 : i32
        %dma_start3A_547 = arith.constant 0 : i32
        %dma_start3A_548 = tpu.memref_slice %arg12[%dma_start3A_546, %dma_start3A_547] : memref<5128x128xf32, #tpu.memory_space<vmem_shared>> -> memref<5128x128xf32, #tpu.memory_space<vmem_shared>>
        tpu.enqueue_indirect_dma source(%arg7 : memref<80x128xf32, #tpu.memory_space<vmem>>) target(%dma_start3A_548 : memref<5128x128xf32, #tpu.memory_space<vmem_shared>>) offsets(%dma_start3A_545 : memref<80xi32, #tpu.memory_space<vmem>>) semaphore(%run_scoped3A_542 : memref<!tpu.dma_semaphore, #tpu.memory_space<semaphore_mem>>) {add = true}
        %dma_wait3A_549 = arith.constant 0 : i32
        %dma_wait3A_550 = tpu.memref_slice %arg6[%mul3A_483, %dma_wait3A_549] : memref<125x80xi32, #tpu.memory_space<vmem>> -> memref<1x80xi32, #tpu.memory_space<vmem>>
        %dma_wait3A_551 = tpu.memref_squeeze %dma_wait3A_550 : memref<1x80xi32, #tpu.memory_space<vmem>> -> memref<80xi32, #tpu.memory_space<vmem>>
        %dma_wait3A_552 = arith.constant 0 : i32
        %dma_wait3A_553 = arith.constant 0 : i32
        %dma_wait3A_554 = tpu.memref_slice %arg12[%dma_wait3A_552, %dma_wait3A_553] : memref<5128x128xf32, #tpu.memory_space<vmem_shared>> -> memref<5128x128xf32, #tpu.memory_space<vmem_shared>>
        tpu.wait_indirect_dma semaphore(%run_scoped3A_542 : memref<!tpu.dma_semaphore, #tpu.memory_space<semaphore_mem>>) src(%arg7 : memref<80x128xf32, #tpu.memory_space<vmem>>) dst(%dma_wait3A_554 : memref<5128x128xf32, #tpu.memory_space<vmem_shared>>)
        tpu.yield
      }) : () -> ()
      %add3A_490 = arith.constant 2 : i32
      %add3A_491 = arith.addi %mul3A_483, %add3A_490 : i32
      %dma_start3A_492 = arith.constant 0 : i32
      %dma_start3A_493 = tpu.memref_slice %arg5[%add3A_491, %dma_start3A_492] : memref<125x80xi32, #tpu.memory_space<vmem>> -> memref<1x80xi32, #tpu.memory_space<vmem>>
      %dma_start3A_494 = tpu.memref_squeeze %dma_start3A_493 : memref<1x80xi32, #tpu.memory_space<vmem>> -> memref<80xi32, #tpu.memory_space<vmem>>
      %dma_start3A_495 = arith.constant 0 : i32
      %dma_start3A_496 = arith.constant 0 : i32
      %dma_start3A_497 = tpu.memref_slice %arg2[%dma_start3A_495, %dma_start3A_496] : memref<10000x128xf32, #tpu.memory_space<hbm>> -> memref<10000x128xf32, #tpu.memory_space<hbm>>
      tpu.enqueue_indirect_dma source(%dma_start3A_497 : memref<10000x128xf32, #tpu.memory_space<hbm>>) target(%arg9 : memref<80x128xf32, #tpu.memory_space<vmem>>) offsets(%dma_start3A_494 : memref<80xi32, #tpu.memory_space<vmem>>) semaphore(%arg15 : memref<!tpu.dma_semaphore, #tpu.memory_space<semaphore_mem>>)
      %add3A_498 = arith.constant 1 : i32
      %add3A_499 = arith.addi %mul3A_483, %add3A_498 : i32
      %dma_wait3A_500 = arith.constant 0 : i32
      %dma_wait3A_501 = tpu.memref_slice %arg5[%add3A_499, %dma_wait3A_500] : memref<125x80xi32, #tpu.memory_space<vmem>> -> memref<1x80xi32, #tpu.memory_space<vmem>>
      %dma_wait3A_502 = tpu.memref_squeeze %dma_wait3A_501 : memref<1x80xi32, #tpu.memory_space<vmem>> -> memref<80xi32, #tpu.memory_space<vmem>>
      %dma_wait3A_503 = arith.constant 0 : i32
      %dma_wait3A_504 = arith.constant 0 : i32
      %dma_wait3A_505 = tpu.memref_slice %arg2[%dma_wait3A_503, %dma_wait3A_504] : memref<10000x128xf32, #tpu.memory_space<hbm>> -> memref<10000x128xf32, #tpu.memory_space<hbm>>
      tpu.wait_indirect_dma semaphore(%arg14 : memref<!tpu.dma_semaphore, #tpu.memory_space<semaphore_mem>>) src(%dma_wait3A_505 : memref<10000x128xf32, #tpu.memory_space<hbm>>) dst(%arg8 : memref<80x128xf32, #tpu.memory_space<vmem>>)
      "tpu.region"() ({
        %run_scoped3A_542 = tpu.sem_alloc : memref<!tpu.dma_semaphore, #tpu.memory_space<semaphore_mem>>
        %dma_start3A_543 = arith.constant 0 : i32
        %dma_start3A_544 = tpu.memref_slice %arg6[%add3A_499, %dma_start3A_543] : memref<125x80xi32, #tpu.memory_space<vmem>> -> memref<1x80xi32, #tpu.memory_space<vmem>>
        %dma_start3A_545 = tpu.memref_squeeze %dma_start3A_544 : memref<1x80xi32, #tpu.memory_space<vmem>> -> memref<80xi32, #tpu.memory_space<vmem>>
        %dma_start3A_546 = arith.constant 0 : i32
        %dma_start3A_547 = arith.constant 0 : i32
        %dma_start3A_548 = tpu.memref_slice %arg12[%dma_start3A_546, %dma_start3A_547] : memref<5128x128xf32, #tpu.memory_space<vmem_shared>> -> memref<5128x128xf32, #tpu.memory_space<vmem_shared>>
        tpu.enqueue_indirect_dma source(%arg8 : memref<80x128xf32, #tpu.memory_space<vmem>>) target(%dma_start3A_548 : memref<5128x128xf32, #tpu.memory_space<vmem_shared>>) offsets(%dma_start3A_545 : memref<80xi32, #tpu.memory_space<vmem>>) semaphore(%run_scoped3A_542 : memref<!tpu.dma_semaphore, #tpu.memory_space<semaphore_mem>>) {add = true}
        %dma_wait3A_549 = arith.constant 0 : i32
        %dma_wait3A_550 = tpu.memref_slice %arg6[%add3A_499, %dma_wait3A_549] : memref<125x80xi32, #tpu.memory_space<vmem>> -> memref<1x80xi32, #tpu.memory_space<vmem>>
        %dma_wait3A_551 = tpu.memref_squeeze %dma_wait3A_550 : memref<1x80xi32, #tpu.memory_space<vmem>> -> memref<80xi32, #tpu.memory_space<vmem>>
        %dma_wait3A_552 = arith.constant 0 : i32
        %dma_wait3A_553 = arith.constant 0 : i32
        %dma_wait3A_554 = tpu.memref_slice %arg12[%dma_wait3A_552, %dma_wait3A_553] : memref<5128x128xf32, #tpu.memory_space<vmem_shared>> -> memref<5128x128xf32, #tpu.memory_space<vmem_shared>>
        tpu.wait_indirect_dma semaphore(%run_scoped3A_542 : memref<!tpu.dma_semaphore, #tpu.memory_space<semaphore_mem>>) src(%arg8 : memref<80x128xf32, #tpu.memory_space<vmem>>) dst(%dma_wait3A_554 : memref<5128x128xf32, #tpu.memory_space<vmem_shared>>)
        tpu.yield
      }) : () -> ()
      %add3A_506 = arith.constant 3 : i32
      %add3A_507 = arith.addi %mul3A_483, %add3A_506 : i32
      %dma_start3A_508 = arith.constant 0 : i32
      %dma_start3A_509 = tpu.memref_slice %arg5[%add3A_507, %dma_start3A_508] : memref<125x80xi32, #tpu.memory_space<vmem>> -> memref<1x80xi32, #tpu.memory_space<vmem>>
      %dma_start3A_510 = tpu.memref_squeeze %dma_start3A_509 : memref<1x80xi32, #tpu.memory_space<vmem>> -> memref<80xi32, #tpu.memory_space<vmem>>
      %dma_start3A_511 = arith.constant 0 : i32
      %dma_start3A_512 = arith.constant 0 : i32
      %dma_start3A_513 = tpu.memref_slice %arg2[%dma_start3A_511, %dma_start3A_512] : memref<10000x128xf32, #tpu.memory_space<hbm>> -> memref<10000x128xf32, #tpu.memory_space<hbm>>
      tpu.enqueue_indirect_dma source(%dma_start3A_513 : memref<10000x128xf32, #tpu.memory_space<hbm>>) target(%arg10 : memref<80x128xf32, #tpu.memory_space<vmem>>) offsets(%dma_start3A_510 : memref<80xi32, #tpu.memory_space<vmem>>) semaphore(%arg16 : memref<!tpu.dma_semaphore, #tpu.memory_space<semaphore_mem>>)
      %add3A_514 = arith.constant 2 : i32
      %add3A_515 = arith.addi %mul3A_483, %add3A_514 : i32
      %dma_wait3A_516 = arith.constant 0 : i32
      %dma_wait3A_517 = tpu.memref_slice %arg5[%add3A_515, %dma_wait3A_516] : memref<125x80xi32, #tpu.memory_space<vmem>> -> memref<1x80xi32, #tpu.memory_space<vmem>>
      %dma_wait3A_518 = tpu.memref_squeeze %dma_wait3A_517 : memref<1x80xi32, #tpu.memory_space<vmem>> -> memref<80xi32, #tpu.memory_space<vmem>>
      %dma_wait3A_519 = arith.constant 0 : i32
      %dma_wait3A_520 = arith.constant 0 : i32
      %dma_wait3A_521 = tpu.memref_slice %arg2[%dma_wait3A_519, %dma_wait3A_520] : memref<10000x128xf32, #tpu.memory_space<hbm>> -> memref<10000x128xf32, #tpu.memory_space<hbm>>
      tpu.wait_indirect_dma semaphore(%arg15 : memref<!tpu.dma_semaphore, #tpu.memory_space<semaphore_mem>>) src(%dma_wait3A_521 : memref<10000x128xf32, #tpu.memory_space<hbm>>) dst(%arg9 : memref<80x128xf32, #tpu.memory_space<vmem>>)
      "tpu.region"() ({
        %run_scoped3A_542 = tpu.sem_alloc : memref<!tpu.dma_semaphore, #tpu.memory_space<semaphore_mem>>
        %dma_start3A_543 = arith.constant 0 : i32
        %dma_start3A_544 = tpu.memref_slice %arg6[%add3A_515, %dma_start3A_543] : memref<125x80xi32, #tpu.memory_space<vmem>> -> memref<1x80xi32, #tpu.memory_space<vmem>>
        %dma_start3A_545 = tpu.memref_squeeze %dma_start3A_544 : memref<1x80xi32, #tpu.memory_space<vmem>> -> memref<80xi32, #tpu.memory_space<vmem>>
        %dma_start3A_546 = arith.constant 0 : i32
        %dma_start3A_547 = arith.constant 0 : i32
        %dma_start3A_548 = tpu.memref_slice %arg12[%dma_start3A_546, %dma_start3A_547] : memref<5128x128xf32, #tpu.memory_space<vmem_shared>> -> memref<5128x128xf32, #tpu.memory_space<vmem_shared>>
        tpu.enqueue_indirect_dma source(%arg9 : memref<80x128xf32, #tpu.memory_space<vmem>>) target(%dma_start3A_548 : memref<5128x128xf32, #tpu.memory_space<vmem_shared>>) offsets(%dma_start3A_545 : memref<80xi32, #tpu.memory_space<vmem>>) semaphore(%run_scoped3A_542 : memref<!tpu.dma_semaphore, #tpu.memory_space<semaphore_mem>>) {add = true}
        %dma_wait3A_549 = arith.constant 0 : i32
        %dma_wait3A_550 = tpu.memref_slice %arg6[%add3A_515, %dma_wait3A_549] : memref<125x80xi32, #tpu.memory_space<vmem>> -> memref<1x80xi32, #tpu.memory_space<vmem>>
        %dma_wait3A_551 = tpu.memref_squeeze %dma_wait3A_550 : memref<1x80xi32, #tpu.memory_space<vmem>> -> memref<80xi32, #tpu.memory_space<vmem>>
        %dma_wait3A_552 = arith.constant 0 : i32
        %dma_wait3A_553 = arith.constant 0 : i32
        %dma_wait3A_554 = tpu.memref_slice %arg12[%dma_wait3A_552, %dma_wait3A_553] : memref<5128x128xf32, #tpu.memory_space<vmem_shared>> -> memref<5128x128xf32, #tpu.memory_space<vmem_shared>>
        tpu.wait_indirect_dma semaphore(%run_scoped3A_542 : memref<!tpu.dma_semaphore, #tpu.memory_space<semaphore_mem>>) src(%arg9 : memref<80x128xf32, #tpu.memory_space<vmem>>) dst(%dma_wait3A_554 : memref<5128x128xf32, #tpu.memory_space<vmem_shared>>)
        tpu.yield
      }) : () -> ()
      %add3A_522 = arith.constant 4 : i32
      %add3A_523 = arith.addi %mul3A_483, %add3A_522 : i32
      %lt3A = arith.constant 125 : i32
      %lt3A_524 = arith.cmpi slt, %add3A_523, %lt3A : i32
      %convert_element_type3A = arith.extui %lt3A_524 : i1 to i32
      %cond3A = arith.constant 0 : i32
      %cond3A_525 = arith.cmpi ne, %convert_element_type3A, %cond3A : i32
      scf.if %cond3A_525 {
        %add3A_542 = arith.constant 4 : i32
        %add3A_543 = arith.addi %mul3A_483, %add3A_542 : i32
        %dma_start3A_544 = arith.constant 0 : i32
        %dma_start3A_545 = tpu.memref_slice %arg5[%add3A_543, %dma_start3A_544] : memref<125x80xi32, #tpu.memory_space<vmem>> -> memref<1x80xi32, #tpu.memory_space<vmem>>
        %dma_start3A_546 = tpu.memref_squeeze %dma_start3A_545 : memref<1x80xi32, #tpu.memory_space<vmem>> -> memref<80xi32, #tpu.memory_space<vmem>>
        %dma_start3A_547 = arith.constant 0 : i32
        %dma_start3A_548 = arith.constant 0 : i32
        %dma_start3A_549 = tpu.memref_slice %arg2[%dma_start3A_547, %dma_start3A_548] : memref<10000x128xf32, #tpu.memory_space<hbm>> -> memref<10000x128xf32, #tpu.memory_space<hbm>>
        tpu.enqueue_indirect_dma source(%dma_start3A_549 : memref<10000x128xf32, #tpu.memory_space<hbm>>) target(%arg7 : memref<80x128xf32, #tpu.memory_space<vmem>>) offsets(%dma_start3A_546 : memref<80xi32, #tpu.memory_space<vmem>>) semaphore(%arg13 : memref<!tpu.dma_semaphore, #tpu.memory_space<semaphore_mem>>)
      } else {
      }
      %add3A_526 = arith.constant 3 : i32
      %add3A_527 = arith.addi %mul3A_483, %add3A_526 : i32
      %dma_wait3A_528 = arith.constant 0 : i32
      %dma_wait3A_529 = tpu.memref_slice %arg5[%add3A_527, %dma_wait3A_528] : memref<125x80xi32, #tpu.memory_space<vmem>> -> memref<1x80xi32, #tpu.memory_space<vmem>>
      %dma_wait3A_530 = tpu.memref_squeeze %dma_wait3A_529 : memref<1x80xi32, #tpu.memory_space<vmem>> -> memref<80xi32, #tpu.memory_space<vmem>>
      %dma_wait3A_531 = arith.constant 0 : i32
      %dma_wait3A_532 = arith.constant 0 : i32
      %dma_wait3A_533 = tpu.memref_slice %arg2[%dma_wait3A_531, %dma_wait3A_532] : memref<10000x128xf32, #tpu.memory_space<hbm>> -> memref<10000x128xf32, #tpu.memory_space<hbm>>
      tpu.wait_indirect_dma semaphore(%arg16 : memref<!tpu.dma_semaphore, #tpu.memory_space<semaphore_mem>>) src(%dma_wait3A_533 : memref<10000x128xf32, #tpu.memory_space<hbm>>) dst(%arg10 : memref<80x128xf32, #tpu.memory_space<vmem>>)
      "tpu.region"() ({
        %run_scoped3A_542 = tpu.sem_alloc : memref<!tpu.dma_semaphore, #tpu.memory_space<semaphore_mem>>
        %dma_start3A_543 = arith.constant 0 : i32
        %dma_start3A_544 = tpu.memref_slice %arg6[%add3A_527, %dma_start3A_543] : memref<125x80xi32, #tpu.memory_space<vmem>> -> memref<1x80xi32, #tpu.memory_space<vmem>>
        %dma_start3A_545 = tpu.memref_squeeze %dma_start3A_544 : memref<1x80xi32, #tpu.memory_space<vmem>> -> memref<80xi32, #tpu.memory_space<vmem>>
        %dma_start3A_546 = arith.constant 0 : i32
        %dma_start3A_547 = arith.constant 0 : i32
        %dma_start3A_548 = tpu.memref_slice %arg12[%dma_start3A_546, %dma_start3A_547] : memref<5128x128xf32, #tpu.memory_space<vmem_shared>> -> memref<5128x128xf32, #tpu.memory_space<vmem_shared>>
        tpu.enqueue_indirect_dma source(%arg10 : memref<80x128xf32, #tpu.memory_space<vmem>>) target(%dma_start3A_548 : memref<5128x128xf32, #tpu.memory_space<vmem_shared>>) offsets(%dma_start3A_545 : memref<80xi32, #tpu.memory_space<vmem>>) semaphore(%run_scoped3A_542 : memref<!tpu.dma_semaphore, #tpu.memory_space<semaphore_mem>>) {add = true}
        %dma_wait3A_549 = arith.constant 0 : i32
        %dma_wait3A_550 = tpu.memref_slice %arg6[%add3A_527, %dma_wait3A_549] : memref<125x80xi32, #tpu.memory_space<vmem>> -> memref<1x80xi32, #tpu.memory_space<vmem>>
        %dma_wait3A_551 = tpu.memref_squeeze %dma_wait3A_550 : memref<1x80xi32, #tpu.memory_space<vmem>> -> memref<80xi32, #tpu.memory_space<vmem>>
        %dma_wait3A_552 = arith.constant 0 : i32
        %dma_wait3A_553 = arith.constant 0 : i32
        %dma_wait3A_554 = tpu.memref_slice %arg12[%dma_wait3A_552, %dma_wait3A_553] : memref<5128x128xf32, #tpu.memory_space<vmem_shared>> -> memref<5128x128xf32, #tpu.memory_space<vmem_shared>>
        tpu.wait_indirect_dma semaphore(%run_scoped3A_542 : memref<!tpu.dma_semaphore, #tpu.memory_space<semaphore_mem>>) src(%arg10 : memref<80x128xf32, #tpu.memory_space<vmem>>) dst(%dma_wait3A_554 : memref<5128x128xf32, #tpu.memory_space<vmem_shared>>)
        tpu.yield
      }) : () -> ()
      %add3A_534 = arith.constant 5 : i32
      %add3A_535 = arith.addi %mul3A_483, %add3A_534 : i32
      %lt3A_536 = arith.constant 125 : i32
      %lt3A_537 = arith.cmpi slt, %add3A_535, %lt3A_536 : i32
      %convert_element_type3A_538 = arith.extui %lt3A_537 : i1 to i32
      %cond3A_539 = arith.constant 0 : i32
      %cond3A_540 = arith.cmpi ne, %convert_element_type3A_538, %cond3A_539 : i32
      scf.if %cond3A_540 {
        %add3A_542 = arith.constant 5 : i32
        %add3A_543 = arith.addi %mul3A_483, %add3A_542 : i32
        %dma_start3A_544 = arith.constant 0 : i32
        %dma_start3A_545 = tpu.memref_slice %arg5[%add3A_543, %dma_start3A_544] : memref<125x80xi32, #tpu.memory_space<vmem>> -> memref<1x80xi32, #tpu.memory_space<vmem>>
        %dma_start3A_546 = tpu.memref_squeeze %dma_start3A_545 : memref<1x80xi32, #tpu.memory_space<vmem>> -> memref<80xi32, #tpu.memory_space<vmem>>
        %dma_start3A_547 = arith.constant 0 : i32
        %dma_start3A_548 = arith.constant 0 : i32
        %dma_start3A_549 = tpu.memref_slice %arg2[%dma_start3A_547, %dma_start3A_548] : memref<10000x128xf32, #tpu.memory_space<hbm>> -> memref<10000x128xf32, #tpu.memory_space<hbm>>
        tpu.enqueue_indirect_dma source(%dma_start3A_549 : memref<10000x128xf32, #tpu.memory_space<hbm>>) target(%arg8 : memref<80x128xf32, #tpu.memory_space<vmem>>) offsets(%dma_start3A_546 : memref<80xi32, #tpu.memory_space<vmem>>) semaphore(%arg14 : memref<!tpu.dma_semaphore, #tpu.memory_space<semaphore_mem>>)
      } else {
      }
      %scan3A_541 = arith.constant 0 : i32
      scf.yield %scan3A_541 : i32
    }
    %scan3A_463 = arith.constant 31 : i32
    %dma_wait3A_464 = arith.constant 124 : i32
    %dma_wait3A_465 = arith.constant 0 : i32
    %dma_wait3A_466 = tpu.memref_slice %arg5[%dma_wait3A_464, %dma_wait3A_465] : memref<125x80xi32, #tpu.memory_space<vmem>> -> memref<1x80xi32, #tpu.memory_space<vmem>>
    %dma_wait3A_467 = tpu.memref_squeeze %dma_wait3A_466 : memref<1x80xi32, #tpu.memory_space<vmem>> -> memref<80xi32, #tpu.memory_space<vmem>>
    %dma_wait3A_468 = arith.constant 0 : i32
    %dma_wait3A_469 = arith.constant 0 : i32
    %dma_wait3A_470 = tpu.memref_slice %arg2[%dma_wait3A_468, %dma_wait3A_469] : memref<10000x128xf32, #tpu.memory_space<hbm>> -> memref<10000x128xf32, #tpu.memory_space<hbm>>
    tpu.wait_indirect_dma semaphore(%arg13 : memref<!tpu.dma_semaphore, #tpu.memory_space<semaphore_mem>>) src(%dma_wait3A_470 : memref<10000x128xf32, #tpu.memory_space<hbm>>) dst(%arg7 : memref<80x128xf32, #tpu.memory_space<vmem>>)
    %run_scoped3A_471 = arith.constant 124 : i32
    "tpu.region"() ({
      %run_scoped3A_480 = tpu.sem_alloc : memref<!tpu.dma_semaphore, #tpu.memory_space<semaphore_mem>>
      %dma_start3A_481 = arith.constant 0 : i32
      %dma_start3A_482 = tpu.memref_slice %arg6[%run_scoped3A_471, %dma_start3A_481] : memref<125x80xi32, #tpu.memory_space<vmem>> -> memref<1x80xi32, #tpu.memory_space<vmem>>
      %dma_start3A_483 = tpu.memref_squeeze %dma_start3A_482 : memref<1x80xi32, #tpu.memory_space<vmem>> -> memref<80xi32, #tpu.memory_space<vmem>>
      %dma_start3A_484 = arith.constant 0 : i32
      %dma_start3A_485 = arith.constant 0 : i32
      %dma_start3A_486 = tpu.memref_slice %arg12[%dma_start3A_484, %dma_start3A_485] : memref<5128x128xf32, #tpu.memory_space<vmem_shared>> -> memref<5128x128xf32, #tpu.memory_space<vmem_shared>>
      tpu.enqueue_indirect_dma source(%arg7 : memref<80x128xf32, #tpu.memory_space<vmem>>) target(%dma_start3A_486 : memref<5128x128xf32, #tpu.memory_space<vmem_shared>>) offsets(%dma_start3A_483 : memref<80xi32, #tpu.memory_space<vmem>>) semaphore(%run_scoped3A_480 : memref<!tpu.dma_semaphore, #tpu.memory_space<semaphore_mem>>) {add = true}
      %dma_wait3A_487 = arith.constant 0 : i32
      %dma_wait3A_488 = tpu.memref_slice %arg6[%run_scoped3A_471, %dma_wait3A_487] : memref<125x80xi32, #tpu.memory_space<vmem>> -> memref<1x80xi32, #tpu.memory_space<vmem>>
      %dma_wait3A_489 = tpu.memref_squeeze %dma_wait3A_488 : memref<1x80xi32, #tpu.memory_space<vmem>> -> memref<80xi32, #tpu.memory_space<vmem>>
      %dma_wait3A_490 = arith.constant 0 : i32
      %dma_wait3A_491 = arith.constant 0 : i32
      %dma_wait3A_492 = tpu.memref_slice %arg12[%dma_wait3A_490, %dma_wait3A_491] : memref<5128x128xf32, #tpu.memory_space<vmem_shared>> -> memref<5128x128xf32, #tpu.memory_space<vmem_shared>>
      tpu.wait_indirect_dma semaphore(%run_scoped3A_480 : memref<!tpu.dma_semaphore, #tpu.memory_space<semaphore_mem>>) src(%arg7 : memref<80x128xf32, #tpu.memory_space<vmem>>) dst(%dma_wait3A_492 : memref<5128x128xf32, #tpu.memory_space<vmem_shared>>)
      tpu.yield
    }) : () -> ()
    %barrier3A_472 = arith.constant 0 : index
    tpu.barrier barrier_id(%barrier3A_472)
    %mul3A_473 = arith.constant 320 : i32
    %mul3A_474 = arith.muli %arg1, %mul3A_473 : i32
    %mul3A_475 = arith.constant 5120 : i32
    %mul3A_476 = arith.muli %arg0, %mul3A_475 : i32
    %mul3A_477 = arith.constant 320 : i32
    %mul3A_478 = arith.muli %arg1, %mul3A_477 : i32
    %add3A_479 = arith.addi %mul3A_476, %mul3A_478 : i32
    "tpu.region"() ({
      %run_scoped3A_480 = tpu.sem_alloc : memref<!tpu.dma_semaphore, #tpu.memory_space<semaphore_mem>>
      %dma_start3A_481 = arith.constant 0 : i32
      %dma_start3A_482 = tpu.memref_slice %arg4[%add3A_479, %dma_start3A_481] : memref<10240x128xf32, #tpu.memory_space<hbm>> -> memref<320x128xf32, #tpu.memory_space<hbm>>
      %dma_start3A_483 = arith.constant 0 : i32
      %dma_start3A_484 = tpu.memref_slice %arg12[%mul3A_474, %dma_start3A_483] : memref<5128x128xf32, #tpu.memory_space<vmem_shared>> -> memref<320x128xf32, #tpu.memory_space<vmem_shared>>
      tpu.enqueue_dma source(%dma_start3A_484 : memref<320x128xf32, #tpu.memory_space<vmem_shared>>) target(%dma_start3A_482 : memref<320x128xf32, #tpu.memory_space<hbm>>) target_semaphore(%run_scoped3A_480 : memref<!tpu.dma_semaphore, #tpu.memory_space<semaphore_mem>>)
      %dma_wait3A_485 = arith.constant 0 : i32
      %dma_wait3A_486 = tpu.memref_slice %arg4[%add3A_479, %dma_wait3A_485] : memref<10240x128xf32, #tpu.memory_space<hbm>> -> memref<320x128xf32, #tpu.memory_space<hbm>>
      %dma_wait3A_487 = arith.constant 0 : i32
      %dma_wait3A_488 = tpu.memref_slice %arg12[%mul3A_474, %dma_wait3A_487] : memref<5128x128xf32, #tpu.memory_space<vmem_shared>> -> memref<320x128xf32, #tpu.memory_space<vmem_shared>>
      tpu.wait_dma2 semaphore(%run_scoped3A_480 : memref<!tpu.dma_semaphore, #tpu.memory_space<semaphore_mem>>) src(%dma_wait3A_488 : memref<320x128xf32, #tpu.memory_space<vmem_shared>>) dst(%dma_wait3A_486 : memref<320x128xf32, #tpu.memory_space<hbm>>)
      tpu.yield
    }) : () -> ()
    return
  }
}

#map = affine_map<(d0, d1) -> (0, 0, 0, 0, 0)>
#map1 = affine_map<(d0, d1) -> (0, 0)>
module attributes {stable_mosaic.version = 14 : i64} {
  func.func @_degree_pass(%arg0: i32, %arg1: i32, %arg2: memref<2x16x2x125x80xi32, #tpu.memory_space<hbm>>, %arg3: memref<2x10240xf32, #tpu.memory_space<hbm>>, %arg4: memref<125x80xi32, #tpu.memory_space<vmem>>, %arg5: memref<125x80xi32, #tpu.memory_space<vmem>>, %arg6: memref<80xf32, #tpu.memory_space<vmem>>, %arg7: memref<640xf32, #tpu.memory_space<vmem>>, %arg8: memref<10240xf32, #tpu.memory_space<vmem_shared>>) attributes {dimension_semantics = [#tpu.dimension_semantics<core_parallel>, #tpu.dimension_semantics<subcore_parallel>], iteration_bounds = array<i64: 2, 16>, scalar_prefetch = 0 : i64, scratch_operands = 5 : i64, tpu.core_type = #tpu.core_type<sc_vector_subcore>, window_params = [{transform_indices = #map}, {transform_indices = #map1}]} {
    %run_scoped3A = arith.constant 0 : i32
    "tpu.region"() ({
      %run_scoped3A_202 = tpu.sem_alloc : memref<!tpu.dma_semaphore, #tpu.memory_space<semaphore_mem>>
      %dma_start3A = arith.constant 0 : i32
      %dma_start3A_203 = arith.constant 0 : i32
      %dma_start3A_204 = tpu.memref_slice %arg2[%arg0, %arg1, %run_scoped3A, %dma_start3A, %dma_start3A_203] : memref<2x16x2x125x80xi32, #tpu.memory_space<hbm>> -> memref<1x1x1x125x80xi32, #tpu.memory_space<hbm>>
      %dma_start3A_205 = tpu.memref_squeeze %dma_start3A_204 : memref<1x1x1x125x80xi32, #tpu.memory_space<hbm>> -> memref<125x80xi32, #tpu.memory_space<hbm>>
      %dma_start3A_206 = arith.constant 0 : i32
      %dma_start3A_207 = arith.constant 0 : i32
      %dma_start3A_208 = tpu.memref_slice %arg2[%arg0, %arg1, %run_scoped3A, %dma_start3A_206, %dma_start3A_207] : memref<2x16x2x125x80xi32, #tpu.memory_space<hbm>> -> memref<1x1x1x125x80xi32, #tpu.memory_space<hbm>>
      %dma_start3A_209 = tpu.memref_squeeze %dma_start3A_208 : memref<1x1x1x125x80xi32, #tpu.memory_space<hbm>> -> memref<125x80xi32, #tpu.memory_space<hbm>>
      tpu.enqueue_dma source(%dma_start3A_209 : memref<125x80xi32, #tpu.memory_space<hbm>>) target(%arg4 : memref<125x80xi32, #tpu.memory_space<vmem>>) target_semaphore(%run_scoped3A_202 : memref<!tpu.dma_semaphore, #tpu.memory_space<semaphore_mem>>)
      %dma_wait3A = arith.constant 0 : i32
      %dma_wait3A_210 = arith.constant 0 : i32
      %dma_wait3A_211 = tpu.memref_slice %arg2[%arg0, %arg1, %run_scoped3A, %dma_wait3A, %dma_wait3A_210] : memref<2x16x2x125x80xi32, #tpu.memory_space<hbm>> -> memref<1x1x1x125x80xi32, #tpu.memory_space<hbm>>
      %dma_wait3A_212 = tpu.memref_squeeze %dma_wait3A_211 : memref<1x1x1x125x80xi32, #tpu.memory_space<hbm>> -> memref<125x80xi32, #tpu.memory_space<hbm>>
      %dma_wait3A_213 = arith.constant 0 : i32
      %dma_wait3A_214 = arith.constant 0 : i32
      %dma_wait3A_215 = tpu.memref_slice %arg2[%arg0, %arg1, %run_scoped3A, %dma_wait3A_213, %dma_wait3A_214] : memref<2x16x2x125x80xi32, #tpu.memory_space<hbm>> -> memref<1x1x1x125x80xi32, #tpu.memory_space<hbm>>
      %dma_wait3A_216 = tpu.memref_squeeze %dma_wait3A_215 : memref<1x1x1x125x80xi32, #tpu.memory_space<hbm>> -> memref<125x80xi32, #tpu.memory_space<hbm>>
      tpu.wait_dma2 semaphore(%run_scoped3A_202 : memref<!tpu.dma_semaphore, #tpu.memory_space<semaphore_mem>>) src(%dma_wait3A_216 : memref<125x80xi32, #tpu.memory_space<hbm>>) dst(%arg4 : memref<125x80xi32, #tpu.memory_space<vmem>>)
      tpu.yield
    }) : () -> ()
    %run_scoped3A_0 = arith.constant 1 : i32
    "tpu.region"() ({
      %run_scoped3A_202 = tpu.sem_alloc : memref<!tpu.dma_semaphore, #tpu.memory_space<semaphore_mem>>
      %dma_start3A = arith.constant 0 : i32
      %dma_start3A_203 = arith.constant 0 : i32
      %dma_start3A_204 = tpu.memref_slice %arg2[%arg0, %arg1, %run_scoped3A_0, %dma_start3A, %dma_start3A_203] : memref<2x16x2x125x80xi32, #tpu.memory_space<hbm>> -> memref<1x1x1x125x80xi32, #tpu.memory_space<hbm>>
      %dma_start3A_205 = tpu.memref_squeeze %dma_start3A_204 : memref<1x1x1x125x80xi32, #tpu.memory_space<hbm>> -> memref<125x80xi32, #tpu.memory_space<hbm>>
      %dma_start3A_206 = arith.constant 0 : i32
      %dma_start3A_207 = arith.constant 0 : i32
      %dma_start3A_208 = tpu.memref_slice %arg2[%arg0, %arg1, %run_scoped3A_0, %dma_start3A_206, %dma_start3A_207] : memref<2x16x2x125x80xi32, #tpu.memory_space<hbm>> -> memref<1x1x1x125x80xi32, #tpu.memory_space<hbm>>
      %dma_start3A_209 = tpu.memref_squeeze %dma_start3A_208 : memref<1x1x1x125x80xi32, #tpu.memory_space<hbm>> -> memref<125x80xi32, #tpu.memory_space<hbm>>
      tpu.enqueue_dma source(%dma_start3A_209 : memref<125x80xi32, #tpu.memory_space<hbm>>) target(%arg5 : memref<125x80xi32, #tpu.memory_space<vmem>>) target_semaphore(%run_scoped3A_202 : memref<!tpu.dma_semaphore, #tpu.memory_space<semaphore_mem>>)
      %dma_wait3A = arith.constant 0 : i32
      %dma_wait3A_210 = arith.constant 0 : i32
      %dma_wait3A_211 = tpu.memref_slice %arg2[%arg0, %arg1, %run_scoped3A_0, %dma_wait3A, %dma_wait3A_210] : memref<2x16x2x125x80xi32, #tpu.memory_space<hbm>> -> memref<1x1x1x125x80xi32, #tpu.memory_space<hbm>>
      %dma_wait3A_212 = tpu.memref_squeeze %dma_wait3A_211 : memref<1x1x1x125x80xi32, #tpu.memory_space<hbm>> -> memref<125x80xi32, #tpu.memory_space<hbm>>
      %dma_wait3A_213 = arith.constant 0 : i32
      %dma_wait3A_214 = arith.constant 0 : i32
      %dma_wait3A_215 = tpu.memref_slice %arg2[%arg0, %arg1, %run_scoped3A_0, %dma_wait3A_213, %dma_wait3A_214] : memref<2x16x2x125x80xi32, #tpu.memory_space<hbm>> -> memref<1x1x1x125x80xi32, #tpu.memory_space<hbm>>
      %dma_wait3A_216 = tpu.memref_squeeze %dma_wait3A_215 : memref<1x1x1x125x80xi32, #tpu.memory_space<hbm>> -> memref<125x80xi32, #tpu.memory_space<hbm>>
      tpu.wait_dma2 semaphore(%run_scoped3A_202 : memref<!tpu.dma_semaphore, #tpu.memory_space<semaphore_mem>>) src(%dma_wait3A_216 : memref<125x80xi32, #tpu.memory_space<hbm>>) dst(%arg5 : memref<125x80xi32, #tpu.memory_space<vmem>>)
      tpu.yield
    }) : () -> ()
    %broadcast_in_dim3A = arith.constant 1.000000e+00 : f32
    %broadcast_in_dim3A_1 = vector.broadcast %broadcast_in_dim3A : f32 to vector<16xf32>
    %broadcast_in_dim3A_2 = arith.constant 0.000000e+00 : f32
    %broadcast_in_dim3A_3 = vector.broadcast %broadcast_in_dim3A_2 : f32 to vector<16xf32>
    %swap3A = arith.constant 0 : index
    %swap3A_4 = tpu.vector_load %arg6[%swap3A] {strides = array<i32>} : memref<80xf32, #tpu.memory_space<vmem>>, vector<16xf32>,
    %swap3A_5 = vector.shape_cast %swap3A_4 : vector<16xf32> to vector<16xf32>
    %swap3A_6 = vector.shape_cast %broadcast_in_dim3A_1 : vector<16xf32> to vector<16xf32>
    tpu.vector_store %arg6[%swap3A], %swap3A_6 {strides = array<i32>} : memref<80xf32, #tpu.memory_space<vmem>>, vector<16xf32>,
    %swap3A_7 = arith.constant 16 : index
    %swap3A_8 = tpu.vector_load %arg6[%swap3A_7] {strides = array<i32>} : memref<80xf32, #tpu.memory_space<vmem>>, vector<16xf32>,
    %swap3A_9 = vector.shape_cast %swap3A_8 : vector<16xf32> to vector<16xf32>
    %swap3A_10 = vector.shape_cast %broadcast_in_dim3A_1 : vector<16xf32> to vector<16xf32>
    tpu.vector_store %arg6[%swap3A_7], %swap3A_10 {strides = array<i32>} : memref<80xf32, #tpu.memory_space<vmem>>, vector<16xf32>,
    %swap3A_11 = arith.constant 32 : index
    %swap3A_12 = tpu.vector_load %arg6[%swap3A_11] {strides = array<i32>} : memref<80xf32, #tpu.memory_space<vmem>>, vector<16xf32>,
    %swap3A_13 = vector.shape_cast %swap3A_12 : vector<16xf32> to vector<16xf32>
    %swap3A_14 = vector.shape_cast %broadcast_in_dim3A_1 : vector<16xf32> to vector<16xf32>
    tpu.vector_store %arg6[%swap3A_11], %swap3A_14 {strides = array<i32>} : memref<80xf32, #tpu.memory_space<vmem>>, vector<16xf32>,
    %swap3A_15 = arith.constant 48 : index
    %swap3A_16 = tpu.vector_load %arg6[%swap3A_15] {strides = array<i32>} : memref<80xf32, #tpu.memory_space<vmem>>, vector<16xf32>,
    %swap3A_17 = vector.shape_cast %swap3A_16 : vector<16xf32> to vector<16xf32>
    %swap3A_18 = vector.shape_cast %broadcast_in_dim3A_1 : vector<16xf32> to vector<16xf32>
    tpu.vector_store %arg6[%swap3A_15], %swap3A_18 {strides = array<i32>} : memref<80xf32, #tpu.memory_space<vmem>>, vector<16xf32>,
    %swap3A_19 = arith.constant 64 : index
    %swap3A_20 = tpu.vector_load %arg6[%swap3A_19] {strides = array<i32>} : memref<80xf32, #tpu.memory_space<vmem>>, vector<16xf32>,
    %swap3A_21 = vector.shape_cast %swap3A_20 : vector<16xf32> to vector<16xf32>
    %swap3A_22 = vector.shape_cast %broadcast_in_dim3A_1 : vector<16xf32> to vector<16xf32>
    tpu.vector_store %arg6[%swap3A_19], %swap3A_22 {strides = array<i32>} : memref<80xf32, #tpu.memory_space<vmem>>, vector<16xf32>,
    %swap3A_23 = arith.constant 0 : index
    %swap3A_24 = tpu.vector_load %arg7[%swap3A_23] {strides = array<i32>} : memref<640xf32, #tpu.memory_space<vmem>>, vector<16xf32>,
    %swap3A_25 = vector.shape_cast %swap3A_24 : vector<16xf32> to vector<16xf32>
    %swap3A_26 = vector.shape_cast %broadcast_in_dim3A_3 : vector<16xf32> to vector<16xf32>
    tpu.vector_store %arg7[%swap3A_23], %swap3A_26 {strides = array<i32>} : memref<640xf32, #tpu.memory_space<vmem>>, vector<16xf32>,
    %swap3A_27 = arith.constant 16 : index
    %swap3A_28 = tpu.vector_load %arg7[%swap3A_27] {strides = array<i32>} : memref<640xf32, #tpu.memory_space<vmem>>, vector<16xf32>,
    %swap3A_29 = vector.shape_cast %swap3A_28 : vector<16xf32> to vector<16xf32>
    %swap3A_30 = vector.shape_cast %broadcast_in_dim3A_3 : vector<16xf32> to vector<16xf32>
    tpu.vector_store %arg7[%swap3A_27], %swap3A_30 {strides = array<i32>} : memref<640xf32, #tpu.memory_space<vmem>>, vector<16xf32>,
    %swap3A_31 = arith.constant 32 : index
    %swap3A_32 = tpu.vector_load %arg7[%swap3A_31] {strides = array<i32>} : memref<640xf32, #tpu.memory_space<vmem>>, vector<16xf32>,
    %swap3A_33 = vector.shape_cast %swap3A_32 : vector<16xf32> to vector<16xf32>
    %swap3A_34 = vector.shape_cast %broadcast_in_dim3A_3 : vector<16xf32> to vector<16xf32>
    tpu.vector_store %arg7[%swap3A_31], %swap3A_34 {strides = array<i32>} : memref<640xf32, #tpu.memory_space<vmem>>, vector<16xf32>,
    %swap3A_35 = arith.constant 48 : index
    %swap3A_36 = tpu.vector_load %arg7[%swap3A_35] {strides = array<i32>} : memref<640xf32, #tpu.memory_space<vmem>>, vector<16xf32>,
    %swap3A_37 = vector.shape_cast %swap3A_36 : vector<16xf32> to vector<16xf32>
    %swap3A_38 = vector.shape_cast %broadcast_in_dim3A_3 : vector<16xf32> to vector<16xf32>
    tpu.vector_store %arg7[%swap3A_35], %swap3A_38 {strides = array<i32>} : memref<640xf32, #tpu.memory_space<vmem>>, vector<16xf32>,
    %swap3A_39 = arith.constant 64 : index
    %swap3A_40 = tpu.vector_load %arg7[%swap3A_39] {strides = array<i32>} : memref<640xf32, #tpu.memory_space<vmem>>, vector<16xf32>,
    %swap3A_41 = vector.shape_cast %swap3A_40 : vector<16xf32> to vector<16xf32>
    %swap3A_42 = vector.shape_cast %broadcast_in_dim3A_3 : vector<16xf32> to vector<16xf32>
    tpu.vector_store %arg7[%swap3A_39], %swap3A_42 {strides = array<i32>} : memref<640xf32, #tpu.memory_space<vmem>>, vector<16xf32>,
    %swap3A_43 = arith.constant 80 : index
    %swap3A_44 = tpu.vector_load %arg7[%swap3A_43] {strides = array<i32>} : memref<640xf32, #tpu.memory_space<vmem>>, vector<16xf32>,
    %swap3A_45 = vector.shape_cast %swap3A_44 : vector<16xf32> to vector<16xf32>
    %swap3A_46 = vector.shape_cast %broadcast_in_dim3A_3 : vector<16xf32> to vector<16xf32>
    tpu.vector_store %arg7[%swap3A_43], %swap3A_46 {strides = array<i32>} : memref<640xf32, #tpu.memory_space<vmem>>, vector<16xf32>,
    %swap3A_47 = arith.constant 96 : index
    %swap3A_48 = tpu.vector_load %arg7[%swap3A_47] {strides = array<i32>} : memref<640xf32, #tpu.memory_space<vmem>>, vector<16xf32>,
    %swap3A_49 = vector.shape_cast %swap3A_48 : vector<16xf32> to vector<16xf32>
    %swap3A_50 = vector.shape_cast %broadcast_in_dim3A_3 : vector<16xf32> to vector<16xf32>
    tpu.vector_store %arg7[%swap3A_47], %swap3A_50 {strides = array<i32>} : memref<640xf32, #tpu.memory_space<vmem>>, vector<16xf32>,
    %swap3A_51 = arith.constant 112 : index
    %swap3A_52 = tpu.vector_load %arg7[%swap3A_51] {strides = array<i32>} : memref<640xf32, #tpu.memory_space<vmem>>, vector<16xf32>,
    %swap3A_53 = vector.shape_cast %swap3A_52 : vector<16xf32> to vector<16xf32>
    %swap3A_54 = vector.shape_cast %broadcast_in_dim3A_3 : vector<16xf32> to vector<16xf32>
    tpu.vector_store %arg7[%swap3A_51], %swap3A_54 {strides = array<i32>} : memref<640xf32, #tpu.memory_space<vmem>>, vector<16xf32>,
    %swap3A_55 = arith.constant 128 : index
    %swap3A_56 = tpu.vector_load %arg7[%swap3A_55] {strides = array<i32>} : memref<640xf32, #tpu.memory_space<vmem>>, vector<16xf32>,
    %swap3A_57 = vector.shape_cast %swap3A_56 : vector<16xf32> to vector<16xf32>
    %swap3A_58 = vector.shape_cast %broadcast_in_dim3A_3 : vector<16xf32> to vector<16xf32>
    tpu.vector_store %arg7[%swap3A_55], %swap3A_58 {strides = array<i32>} : memref<640xf32, #tpu.memory_space<vmem>>, vector<16xf32>,
    %swap3A_59 = arith.constant 144 : index
    %swap3A_60 = tpu.vector_load %arg7[%swap3A_59] {strides = array<i32>} : memref<640xf32, #tpu.memory_space<vmem>>, vector<16xf32>,
    %swap3A_61 = vector.shape_cast %swap3A_60 : vector<16xf32> to vector<16xf32>
    %swap3A_62 = vector.shape_cast %broadcast_in_dim3A_3 : vector<16xf32> to vector<16xf32>
    tpu.vector_store %arg7[%swap3A_59], %swap3A_62 {strides = array<i32>} : memref<640xf32, #tpu.memory_space<vmem>>, vector<16xf32>,
    %swap3A_63 = arith.constant 160 : index
    %swap3A_64 = tpu.vector_load %arg7[%swap3A_63] {strides = array<i32>} : memref<640xf32, #tpu.memory_space<vmem>>, vector<16xf32>,
    %swap3A_65 = vector.shape_cast %swap3A_64 : vector<16xf32> to vector<16xf32>
    %swap3A_66 = vector.shape_cast %broadcast_in_dim3A_3 : vector<16xf32> to vector<16xf32>
    tpu.vector_store %arg7[%swap3A_63], %swap3A_66 {strides = array<i32>} : memref<640xf32, #tpu.memory_space<vmem>>, vector<16xf32>,
    %swap3A_67 = arith.constant 176 : index
    %swap3A_68 = tpu.vector_load %arg7[%swap3A_67] {strides = array<i32>} : memref<640xf32, #tpu.memory_space<vmem>>, vector<16xf32>,
    %swap3A_69 = vector.shape_cast %swap3A_68 : vector<16xf32> to vector<16xf32>
    %swap3A_70 = vector.shape_cast %broadcast_in_dim3A_3 : vector<16xf32> to vector<16xf32>
    tpu.vector_store %arg7[%swap3A_67], %swap3A_70 {strides = array<i32>} : memref<640xf32, #tpu.memory_space<vmem>>, vector<16xf32>,
    %swap3A_71 = arith.constant 192 : index
    %swap3A_72 = tpu.vector_load %arg7[%swap3A_71] {strides = array<i32>} : memref<640xf32, #tpu.memory_space<vmem>>, vector<16xf32>,
    %swap3A_73 = vector.shape_cast %swap3A_72 : vector<16xf32> to vector<16xf32>
    %swap3A_74 = vector.shape_cast %broadcast_in_dim3A_3 : vector<16xf32> to vector<16xf32>
    tpu.vector_store %arg7[%swap3A_71], %swap3A_74 {strides = array<i32>} : memref<640xf32, #tpu.memory_space<vmem>>, vector<16xf32>,
    %swap3A_75 = arith.constant 208 : index
    %swap3A_76 = tpu.vector_load %arg7[%swap3A_75] {strides = array<i32>} : memref<640xf32, #tpu.memory_space<vmem>>, vector<16xf32>,
    %swap3A_77 = vector.shape_cast %swap3A_76 : vector<16xf32> to vector<16xf32>
    %swap3A_78 = vector.shape_cast %broadcast_in_dim3A_3 : vector<16xf32> to vector<16xf32>
    tpu.vector_store %arg7[%swap3A_75], %swap3A_78 {strides = array<i32>} : memref<640xf32, #tpu.memory_space<vmem>>, vector<16xf32>,
    %swap3A_79 = arith.constant 224 : index
    %swap3A_80 = tpu.vector_load %arg7[%swap3A_79] {strides = array<i32>} : memref<640xf32, #tpu.memory_space<vmem>>, vector<16xf32>,
    %swap3A_81 = vector.shape_cast %swap3A_80 : vector<16xf32> to vector<16xf32>
    %swap3A_82 = vector.shape_cast %broadcast_in_dim3A_3 : vector<16xf32> to vector<16xf32>
    tpu.vector_store %arg7[%swap3A_79], %swap3A_82 {strides = array<i32>} : memref<640xf32, #tpu.memory_space<vmem>>, vector<16xf32>,
    %swap3A_83 = arith.constant 240 : index
    %swap3A_84 = tpu.vector_load %arg7[%swap3A_83] {strides = array<i32>} : memref<640xf32, #tpu.memory_space<vmem>>, vector<16xf32>,
    %swap3A_85 = vector.shape_cast %swap3A_84 : vector<16xf32> to vector<16xf32>
    %swap3A_86 = vector.shape_cast %broadcast_in_dim3A_3 : vector<16xf32> to vector<16xf32>
    tpu.vector_store %arg7[%swap3A_83], %swap3A_86 {strides = array<i32>} : memref<640xf32, #tpu.memory_space<vmem>>, vector<16xf32>,
    %swap3A_87 = arith.constant 256 : index
    %swap3A_88 = tpu.vector_load %arg7[%swap3A_87] {strides = array<i32>} : memref<640xf32, #tpu.memory_space<vmem>>, vector<16xf32>,
    %swap3A_89 = vector.shape_cast %swap3A_88 : vector<16xf32> to vector<16xf32>
    %swap3A_90 = vector.shape_cast %broadcast_in_dim3A_3 : vector<16xf32> to vector<16xf32>
    tpu.vector_store %arg7[%swap3A_87], %swap3A_90 {strides = array<i32>} : memref<640xf32, #tpu.memory_space<vmem>>, vector<16xf32>,
    %swap3A_91 = arith.constant 272 : index
    %swap3A_92 = tpu.vector_load %arg7[%swap3A_91] {strides = array<i32>} : memref<640xf32, #tpu.memory_space<vmem>>, vector<16xf32>,
    %swap3A_93 = vector.shape_cast %swap3A_92 : vector<16xf32> to vector<16xf32>
    %swap3A_94 = vector.shape_cast %broadcast_in_dim3A_3 : vector<16xf32> to vector<16xf32>
    tpu.vector_store %arg7[%swap3A_91], %swap3A_94 {strides = array<i32>} : memref<640xf32, #tpu.memory_space<vmem>>, vector<16xf32>,
    %swap3A_95 = arith.constant 288 : index
    %swap3A_96 = tpu.vector_load %arg7[%swap3A_95] {strides = array<i32>} : memref<640xf32, #tpu.memory_space<vmem>>, vector<16xf32>,
    %swap3A_97 = vector.shape_cast %swap3A_96 : vector<16xf32> to vector<16xf32>
    %swap3A_98 = vector.shape_cast %broadcast_in_dim3A_3 : vector<16xf32> to vector<16xf32>
    tpu.vector_store %arg7[%swap3A_95], %swap3A_98 {strides = array<i32>} : memref<640xf32, #tpu.memory_space<vmem>>, vector<16xf32>,
    %swap3A_99 = arith.constant 304 : index
    %swap3A_100 = tpu.vector_load %arg7[%swap3A_99] {strides = array<i32>} : memref<640xf32, #tpu.memory_space<vmem>>, vector<16xf32>,
    %swap3A_101 = vector.shape_cast %swap3A_100 : vector<16xf32> to vector<16xf32>
    %swap3A_102 = vector.shape_cast %broadcast_in_dim3A_3 : vector<16xf32> to vector<16xf32>
    tpu.vector_store %arg7[%swap3A_99], %swap3A_102 {strides = array<i32>} : memref<640xf32, #tpu.memory_space<vmem>>, vector<16xf32>,
    %swap3A_103 = arith.constant 320 : index
    %swap3A_104 = tpu.vector_load %arg7[%swap3A_103] {strides = array<i32>} : memref<640xf32, #tpu.memory_space<vmem>>, vector<16xf32>,
    %swap3A_105 = vector.shape_cast %swap3A_104 : vector<16xf32> to vector<16xf32>
    %swap3A_106 = vector.shape_cast %broadcast_in_dim3A_3 : vector<16xf32> to vector<16xf32>
    tpu.vector_store %arg7[%swap3A_103], %swap3A_106 {strides = array<i32>} : memref<640xf32, #tpu.memory_space<vmem>>, vector<16xf32>,
    %swap3A_107 = arith.constant 336 : index
    %swap3A_108 = tpu.vector_load %arg7[%swap3A_107] {strides = array<i32>} : memref<640xf32, #tpu.memory_space<vmem>>, vector<16xf32>,
    %swap3A_109 = vector.shape_cast %swap3A_108 : vector<16xf32> to vector<16xf32>
    %swap3A_110 = vector.shape_cast %broadcast_in_dim3A_3 : vector<16xf32> to vector<16xf32>
    tpu.vector_store %arg7[%swap3A_107], %swap3A_110 {strides = array<i32>} : memref<640xf32, #tpu.memory_space<vmem>>, vector<16xf32>,
    %swap3A_111 = arith.constant 352 : index
    %swap3A_112 = tpu.vector_load %arg7[%swap3A_111] {strides = array<i32>} : memref<640xf32, #tpu.memory_space<vmem>>, vector<16xf32>,
    %swap3A_113 = vector.shape_cast %swap3A_112 : vector<16xf32> to vector<16xf32>
    %swap3A_114 = vector.shape_cast %broadcast_in_dim3A_3 : vector<16xf32> to vector<16xf32>
    tpu.vector_store %arg7[%swap3A_111], %swap3A_114 {strides = array<i32>} : memref<640xf32, #tpu.memory_space<vmem>>, vector<16xf32>,
    %swap3A_115 = arith.constant 368 : index
    %swap3A_116 = tpu.vector_load %arg7[%swap3A_115] {strides = array<i32>} : memref<640xf32, #tpu.memory_space<vmem>>, vector<16xf32>,
    %swap3A_117 = vector.shape_cast %swap3A_116 : vector<16xf32> to vector<16xf32>
    %swap3A_118 = vector.shape_cast %broadcast_in_dim3A_3 : vector<16xf32> to vector<16xf32>
    tpu.vector_store %arg7[%swap3A_115], %swap3A_118 {strides = array<i32>} : memref<640xf32, #tpu.memory_space<vmem>>, vector<16xf32>,
    %swap3A_119 = arith.constant 384 : index
    %swap3A_120 = tpu.vector_load %arg7[%swap3A_119] {strides = array<i32>} : memref<640xf32, #tpu.memory_space<vmem>>, vector<16xf32>,
    %swap3A_121 = vector.shape_cast %swap3A_120 : vector<16xf32> to vector<16xf32>
    %swap3A_122 = vector.shape_cast %broadcast_in_dim3A_3 : vector<16xf32> to vector<16xf32>
    tpu.vector_store %arg7[%swap3A_119], %swap3A_122 {strides = array<i32>} : memref<640xf32, #tpu.memory_space<vmem>>, vector<16xf32>,
    %swap3A_123 = arith.constant 400 : index
    %swap3A_124 = tpu.vector_load %arg7[%swap3A_123] {strides = array<i32>} : memref<640xf32, #tpu.memory_space<vmem>>, vector<16xf32>,
    %swap3A_125 = vector.shape_cast %swap3A_124 : vector<16xf32> to vector<16xf32>
    %swap3A_126 = vector.shape_cast %broadcast_in_dim3A_3 : vector<16xf32> to vector<16xf32>
    tpu.vector_store %arg7[%swap3A_123], %swap3A_126 {strides = array<i32>} : memref<640xf32, #tpu.memory_space<vmem>>, vector<16xf32>,
    %swap3A_127 = arith.constant 416 : index
    %swap3A_128 = tpu.vector_load %arg7[%swap3A_127] {strides = array<i32>} : memref<640xf32, #tpu.memory_space<vmem>>, vector<16xf32>,
    %swap3A_129 = vector.shape_cast %swap3A_128 : vector<16xf32> to vector<16xf32>
    %swap3A_130 = vector.shape_cast %broadcast_in_dim3A_3 : vector<16xf32> to vector<16xf32>
    tpu.vector_store %arg7[%swap3A_127], %swap3A_130 {strides = array<i32>} : memref<640xf32, #tpu.memory_space<vmem>>, vector<16xf32>,
    %swap3A_131 = arith.constant 432 : index
    %swap3A_132 = tpu.vector_load %arg7[%swap3A_131] {strides = array<i32>} : memref<640xf32, #tpu.memory_space<vmem>>, vector<16xf32>,
    %swap3A_133 = vector.shape_cast %swap3A_132 : vector<16xf32> to vector<16xf32>
    %swap3A_134 = vector.shape_cast %broadcast_in_dim3A_3 : vector<16xf32> to vector<16xf32>
    tpu.vector_store %arg7[%swap3A_131], %swap3A_134 {strides = array<i32>} : memref<640xf32, #tpu.memory_space<vmem>>, vector<16xf32>,
    %swap3A_135 = arith.constant 448 : index
    %swap3A_136 = tpu.vector_load %arg7[%swap3A_135] {strides = array<i32>} : memref<640xf32, #tpu.memory_space<vmem>>, vector<16xf32>,
    %swap3A_137 = vector.shape_cast %swap3A_136 : vector<16xf32> to vector<16xf32>
    %swap3A_138 = vector.shape_cast %broadcast_in_dim3A_3 : vector<16xf32> to vector<16xf32>
    tpu.vector_store %arg7[%swap3A_135], %swap3A_138 {strides = array<i32>} : memref<640xf32, #tpu.memory_space<vmem>>, vector<16xf32>,
    %swap3A_139 = arith.constant 464 : index
    %swap3A_140 = tpu.vector_load %arg7[%swap3A_139] {strides = array<i32>} : memref<640xf32, #tpu.memory_space<vmem>>, vector<16xf32>,
    %swap3A_141 = vector.shape_cast %swap3A_140 : vector<16xf32> to vector<16xf32>
    %swap3A_142 = vector.shape_cast %broadcast_in_dim3A_3 : vector<16xf32> to vector<16xf32>
    tpu.vector_store %arg7[%swap3A_139], %swap3A_142 {strides = array<i32>} : memref<640xf32, #tpu.memory_space<vmem>>, vector<16xf32>,
    %swap3A_143 = arith.constant 480 : index
    %swap3A_144 = tpu.vector_load %arg7[%swap3A_143] {strides = array<i32>} : memref<640xf32, #tpu.memory_space<vmem>>, vector<16xf32>,
    %swap3A_145 = vector.shape_cast %swap3A_144 : vector<16xf32> to vector<16xf32>
    %swap3A_146 = vector.shape_cast %broadcast_in_dim3A_3 : vector<16xf32> to vector<16xf32>
    tpu.vector_store %arg7[%swap3A_143], %swap3A_146 {strides = array<i32>} : memref<640xf32, #tpu.memory_space<vmem>>, vector<16xf32>,
    %swap3A_147 = arith.constant 496 : index
    %swap3A_148 = tpu.vector_load %arg7[%swap3A_147] {strides = array<i32>} : memref<640xf32, #tpu.memory_space<vmem>>, vector<16xf32>,
    %swap3A_149 = vector.shape_cast %swap3A_148 : vector<16xf32> to vector<16xf32>
    %swap3A_150 = vector.shape_cast %broadcast_in_dim3A_3 : vector<16xf32> to vector<16xf32>
    tpu.vector_store %arg7[%swap3A_147], %swap3A_150 {strides = array<i32>} : memref<640xf32, #tpu.memory_space<vmem>>, vector<16xf32>,
    %swap3A_151 = arith.constant 512 : index
    %swap3A_152 = tpu.vector_load %arg7[%swap3A_151] {strides = array<i32>} : memref<640xf32, #tpu.memory_space<vmem>>, vector<16xf32>,
    %swap3A_153 = vector.shape_cast %swap3A_152 : vector<16xf32> to vector<16xf32>
    %swap3A_154 = vector.shape_cast %broadcast_in_dim3A_3 : vector<16xf32> to vector<16xf32>
    tpu.vector_store %arg7[%swap3A_151], %swap3A_154 {strides = array<i32>} : memref<640xf32, #tpu.memory_space<vmem>>, vector<16xf32>,
    %swap3A_155 = arith.constant 528 : index
    %swap3A_156 = tpu.vector_load %arg7[%swap3A_155] {strides = array<i32>} : memref<640xf32, #tpu.memory_space<vmem>>, vector<16xf32>,
    %swap3A_157 = vector.shape_cast %swap3A_156 : vector<16xf32> to vector<16xf32>
    %swap3A_158 = vector.shape_cast %broadcast_in_dim3A_3 : vector<16xf32> to vector<16xf32>
    tpu.vector_store %arg7[%swap3A_155], %swap3A_158 {strides = array<i32>} : memref<640xf32, #tpu.memory_space<vmem>>, vector<16xf32>,
    %swap3A_159 = arith.constant 544 : index
    %swap3A_160 = tpu.vector_load %arg7[%swap3A_159] {strides = array<i32>} : memref<640xf32, #tpu.memory_space<vmem>>, vector<16xf32>,
    %swap3A_161 = vector.shape_cast %swap3A_160 : vector<16xf32> to vector<16xf32>
    %swap3A_162 = vector.shape_cast %broadcast_in_dim3A_3 : vector<16xf32> to vector<16xf32>
    tpu.vector_store %arg7[%swap3A_159], %swap3A_162 {strides = array<i32>} : memref<640xf32, #tpu.memory_space<vmem>>, vector<16xf32>,
    %swap3A_163 = arith.constant 560 : index
    %swap3A_164 = tpu.vector_load %arg7[%swap3A_163] {strides = array<i32>} : memref<640xf32, #tpu.memory_space<vmem>>, vector<16xf32>,
    %swap3A_165 = vector.shape_cast %swap3A_164 : vector<16xf32> to vector<16xf32>
    %swap3A_166 = vector.shape_cast %broadcast_in_dim3A_3 : vector<16xf32> to vector<16xf32>
    tpu.vector_store %arg7[%swap3A_163], %swap3A_166 {strides = array<i32>} : memref<640xf32, #tpu.memory_space<vmem>>, vector<16xf32>,
    %swap3A_167 = arith.constant 576 : index
    %swap3A_168 = tpu.vector_load %arg7[%swap3A_167] {strides = array<i32>} : memref<640xf32, #tpu.memory_space<vmem>>, vector<16xf32>,
    %swap3A_169 = vector.shape_cast %swap3A_168 : vector<16xf32> to vector<16xf32>
    %swap3A_170 = vector.shape_cast %broadcast_in_dim3A_3 : vector<16xf32> to vector<16xf32>
    tpu.vector_store %arg7[%swap3A_167], %swap3A_170 {strides = array<i32>} : memref<640xf32, #tpu.memory_space<vmem>>, vector<16xf32>,
    %swap3A_171 = arith.constant 592 : index
    %swap3A_172 = tpu.vector_load %arg7[%swap3A_171] {strides = array<i32>} : memref<640xf32, #tpu.memory_space<vmem>>, vector<16xf32>,
    %swap3A_173 = vector.shape_cast %swap3A_172 : vector<16xf32> to vector<16xf32>
    %swap3A_174 = vector.shape_cast %broadcast_in_dim3A_3 : vector<16xf32> to vector<16xf32>
    tpu.vector_store %arg7[%swap3A_171], %swap3A_174 {strides = array<i32>} : memref<640xf32, #tpu.memory_space<vmem>>, vector<16xf32>,
    %swap3A_175 = arith.constant 608 : index
    %swap3A_176 = tpu.vector_load %arg7[%swap3A_175] {strides = array<i32>} : memref<640xf32, #tpu.memory_space<vmem>>, vector<16xf32>,
    %swap3A_177 = vector.shape_cast %swap3A_176 : vector<16xf32> to vector<16xf32>
    %swap3A_178 = vector.shape_cast %broadcast_in_dim3A_3 : vector<16xf32> to vector<16xf32>
    tpu.vector_store %arg7[%swap3A_175], %swap3A_178 {strides = array<i32>} : memref<640xf32, #tpu.memory_space<vmem>>, vector<16xf32>,
    %swap3A_179 = arith.constant 624 : index
    %swap3A_180 = tpu.vector_load %arg7[%swap3A_179] {strides = array<i32>} : memref<640xf32, #tpu.memory_space<vmem>>, vector<16xf32>,
    %swap3A_181 = vector.shape_cast %swap3A_180 : vector<16xf32> to vector<16xf32>
    %swap3A_182 = vector.shape_cast %broadcast_in_dim3A_3 : vector<16xf32> to vector<16xf32>
    tpu.vector_store %arg7[%swap3A_179], %swap3A_182 {strides = array<i32>} : memref<640xf32, #tpu.memory_space<vmem>>, vector<16xf32>,
    %mul3A = arith.constant 640 : i32
    %mul3A_183 = arith.muli %arg1, %mul3A : i32
    "tpu.region"() ({
      %run_scoped3A_202 = tpu.sem_alloc : memref<!tpu.dma_semaphore, #tpu.memory_space<semaphore_mem>>
      %dma_start3A = tpu.memref_slice %arg8[%mul3A_183] : memref<10240xf32, #tpu.memory_space<vmem_shared>> -> memref<640xf32, #tpu.memory_space<vmem_shared>>
      %dma_start3A_203 = tpu.memref_slice %arg8[%mul3A_183] : memref<10240xf32, #tpu.memory_space<vmem_shared>> -> memref<640xf32, #tpu.memory_space<vmem_shared>>
      tpu.enqueue_dma source(%arg7 : memref<640xf32, #tpu.memory_space<vmem>>) target(%dma_start3A_203 : memref<640xf32, #tpu.memory_space<vmem_shared>>) target_semaphore(%run_scoped3A_202 : memref<!tpu.dma_semaphore, #tpu.memory_space<semaphore_mem>>)
      %dma_wait3A = tpu.memref_slice %arg8[%mul3A_183] : memref<10240xf32, #tpu.memory_space<vmem_shared>> -> memref<640xf32, #tpu.memory_space<vmem_shared>>
      %dma_wait3A_204 = tpu.memref_slice %arg8[%mul3A_183] : memref<10240xf32, #tpu.memory_space<vmem_shared>> -> memref<640xf32, #tpu.memory_space<vmem_shared>>
      tpu.wait_dma2 semaphore(%run_scoped3A_202 : memref<!tpu.dma_semaphore, #tpu.memory_space<semaphore_mem>>) src(%arg7 : memref<640xf32, #tpu.memory_space<vmem>>) dst(%dma_wait3A_204 : memref<640xf32, #tpu.memory_space<vmem_shared>>)
      tpu.yield
    }) : () -> ()
    %barrier3A = arith.constant 0 : index
    tpu.barrier barrier_id(%barrier3A)
    %scan3A = arith.constant 0 : i32
    %scan3A_184 = arith.constant 0 : i32
    %scan3A_185 = arith.constant 125 : i32
    %scan3A_186 = arith.addi %scan3A_184, %scan3A_185 : i32
    %scan3A_187 = arith.constant 1 : i32
    %scan3A_188 = scf.for %scan3A_202 = %scan3A_184 to %scan3A_186 step %scan3A_187 iter_args(%scan3A_203 = %scan3A) -> (i32)  : i32 {
      "tpu.region"() ({
        %run_scoped3A_205 = tpu.sem_alloc : memref<!tpu.dma_semaphore, #tpu.memory_space<semaphore_mem>>
        %dma_start3A = arith.constant 0 : i32
        %dma_start3A_206 = tpu.memref_slice %arg4[%scan3A_202, %dma_start3A] : memref<125x80xi32, #tpu.memory_space<vmem>> -> memref<1x80xi32, #tpu.memory_space<vmem>>
        %dma_start3A_207 = tpu.memref_squeeze %dma_start3A_206 : memref<1x80xi32, #tpu.memory_space<vmem>> -> memref<80xi32, #tpu.memory_space<vmem>>
        %dma_start3A_208 = arith.constant 0 : i32
        %dma_start3A_209 = tpu.memref_slice %arg8[%dma_start3A_208] : memref<10240xf32, #tpu.memory_space<vmem_shared>> -> memref<10240xf32, #tpu.memory_space<vmem_shared>>
        tpu.enqueue_indirect_dma source(%arg6 : memref<80xf32, #tpu.memory_space<vmem>>) target(%dma_start3A_209 : memref<10240xf32, #tpu.memory_space<vmem_shared>>) offsets(%dma_start3A_207 : memref<80xi32, #tpu.memory_space<vmem>>) semaphore(%run_scoped3A_205 : memref<!tpu.dma_semaphore, #tpu.memory_space<semaphore_mem>>) {add = true}
        %dma_wait3A = arith.constant 0 : i32
        %dma_wait3A_210 = tpu.memref_slice %arg4[%scan3A_202, %dma_wait3A] : memref<125x80xi32, #tpu.memory_space<vmem>> -> memref<1x80xi32, #tpu.memory_space<vmem>>
        %dma_wait3A_211 = tpu.memref_squeeze %dma_wait3A_210 : memref<1x80xi32, #tpu.memory_space<vmem>> -> memref<80xi32, #tpu.memory_space<vmem>>
        %dma_wait3A_212 = arith.constant 0 : i32
        %dma_wait3A_213 = tpu.memref_slice %arg8[%dma_wait3A_212] : memref<10240xf32, #tpu.memory_space<vmem_shared>> -> memref<10240xf32, #tpu.memory_space<vmem_shared>>
        tpu.wait_indirect_dma semaphore(%run_scoped3A_205 : memref<!tpu.dma_semaphore, #tpu.memory_space<semaphore_mem>>) src(%arg6 : memref<80xf32, #tpu.memory_space<vmem>>) dst(%dma_wait3A_213 : memref<10240xf32, #tpu.memory_space<vmem_shared>>)
        tpu.yield
      }) : () -> ()
      %scan3A_204 = arith.constant 0 : i32
      scf.yield %scan3A_204 : i32
    }
    %scan3A_189 = arith.constant 125 : i32
    %scan3A_190 = arith.constant 0 : i32
    %scan3A_191 = arith.constant 0 : i32
    %scan3A_192 = arith.constant 125 : i32
    %scan3A_193 = arith.addi %scan3A_191, %scan3A_192 : i32
    %scan3A_194 = arith.constant 1 : i32
    %scan3A_195 = scf.for %scan3A_202 = %scan3A_191 to %scan3A_193 step %scan3A_194 iter_args(%scan3A_203 = %scan3A_190) -> (i32)  : i32 {
      "tpu.region"() ({
        %run_scoped3A_205 = tpu.sem_alloc : memref<!tpu.dma_semaphore, #tpu.memory_space<semaphore_mem>>
        %dma_start3A = arith.constant 0 : i32
        %dma_start3A_206 = tpu.memref_slice %arg5[%scan3A_202, %dma_start3A] : memref<125x80xi32, #tpu.memory_space<vmem>> -> memref<1x80xi32, #tpu.memory_space<vmem>>
        %dma_start3A_207 = tpu.memref_squeeze %dma_start3A_206 : memref<1x80xi32, #tpu.memory_space<vmem>> -> memref<80xi32, #tpu.memory_space<vmem>>
        %dma_start3A_208 = arith.constant 0 : i32
        %dma_start3A_209 = tpu.memref_slice %arg8[%dma_start3A_208] : memref<10240xf32, #tpu.memory_space<vmem_shared>> -> memref<10240xf32, #tpu.memory_space<vmem_shared>>
        tpu.enqueue_indirect_dma source(%arg6 : memref<80xf32, #tpu.memory_space<vmem>>) target(%dma_start3A_209 : memref<10240xf32, #tpu.memory_space<vmem_shared>>) offsets(%dma_start3A_207 : memref<80xi32, #tpu.memory_space<vmem>>) semaphore(%run_scoped3A_205 : memref<!tpu.dma_semaphore, #tpu.memory_space<semaphore_mem>>) {add = true}
        %dma_wait3A = arith.constant 0 : i32
        %dma_wait3A_210 = tpu.memref_slice %arg5[%scan3A_202, %dma_wait3A] : memref<125x80xi32, #tpu.memory_space<vmem>> -> memref<1x80xi32, #tpu.memory_space<vmem>>
        %dma_wait3A_211 = tpu.memref_squeeze %dma_wait3A_210 : memref<1x80xi32, #tpu.memory_space<vmem>> -> memref<80xi32, #tpu.memory_space<vmem>>
        %dma_wait3A_212 = arith.constant 0 : i32
        %dma_wait3A_213 = tpu.memref_slice %arg8[%dma_wait3A_212] : memref<10240xf32, #tpu.memory_space<vmem_shared>> -> memref<10240xf32, #tpu.memory_space<vmem_shared>>
        tpu.wait_indirect_dma semaphore(%run_scoped3A_205 : memref<!tpu.dma_semaphore, #tpu.memory_space<semaphore_mem>>) src(%arg6 : memref<80xf32, #tpu.memory_space<vmem>>) dst(%dma_wait3A_213 : memref<10240xf32, #tpu.memory_space<vmem_shared>>)
        tpu.yield
      }) : () -> ()
      %scan3A_204 = arith.constant 0 : i32
      scf.yield %scan3A_204 : i32
    }
    %scan3A_196 = arith.constant 125 : i32
    %barrier3A_197 = arith.constant 0 : index
    tpu.barrier barrier_id(%barrier3A_197)
    %mul3A_198 = arith.constant 640 : i32
    %mul3A_199 = arith.muli %arg1, %mul3A_198 : i32
    %mul3A_200 = arith.constant 640 : i32
    %mul3A_201 = arith.muli %arg1, %mul3A_200 : i32
    "tpu.region"() ({
      %run_scoped3A_202 = tpu.sem_alloc : memref<!tpu.dma_semaphore, #tpu.memory_space<semaphore_mem>>
      %dma_start3A = tpu.memref_slice %arg3[%arg0, %mul3A_201] : memref<2x10240xf32, #tpu.memory_space<hbm>> -> memref<1x640xf32, #tpu.memory_space<hbm>>
      %dma_start3A_203 = tpu.memref_squeeze %dma_start3A : memref<1x640xf32, #tpu.memory_space<hbm>> -> memref<640xf32, #tpu.memory_space<hbm>>
      %dma_start3A_204 = tpu.memref_slice %arg8[%mul3A_199] : memref<10240xf32, #tpu.memory_space<vmem_shared>> -> memref<640xf32, #tpu.memory_space<vmem_shared>>
      tpu.enqueue_dma source(%dma_start3A_204 : memref<640xf32, #tpu.memory_space<vmem_shared>>) target(%dma_start3A_203 : memref<640xf32, #tpu.memory_space<hbm>>) target_semaphore(%run_scoped3A_202 : memref<!tpu.dma_semaphore, #tpu.memory_space<semaphore_mem>>)
      %dma_wait3A = tpu.memref_slice %arg3[%arg0, %mul3A_201] : memref<2x10240xf32, #tpu.memory_space<hbm>> -> memref<1x640xf32, #tpu.memory_space<hbm>>
      %dma_wait3A_205 = tpu.memref_squeeze %dma_wait3A : memref<1x640xf32, #tpu.memory_space<hbm>> -> memref<640xf32, #tpu.memory_space<hbm>>
      %dma_wait3A_206 = tpu.memref_slice %arg8[%mul3A_199] : memref<10240xf32, #tpu.memory_space<vmem_shared>> -> memref<640xf32, #tpu.memory_space<vmem_shared>>
      tpu.wait_dma2 semaphore(%run_scoped3A_202 : memref<!tpu.dma_semaphore, #tpu.memory_space<semaphore_mem>>) src(%dma_wait3A_206 : memref<640xf32, #tpu.memory_space<vmem_shared>>) dst(%dma_wait3A_205 : memref<640xf32, #tpu.memory_space<hbm>>)
      tpu.yield
    }) : () -> ()
    return
  }
}

#map = affine_map<(d0, d1) -> (0, 0)>
#map1 = affine_map<(d0, d1) -> (0, 0, 0, 0, 0)>
module attributes {stable_mosaic.version = 14 : i64} {
  func.func @_edge_pass(%arg0: i32, %arg1: i32, %arg2: memref<10000x128xf32, #tpu.memory_space<hbm>>, %arg3: memref<2x16x2x125x80xi32, #tpu.memory_space<hbm>>, %arg4: memref<10240x128xf32, #tpu.memory_space<hbm>>, %arg5: memref<125x80xi32, #tpu.memory_space<vmem>>, %arg6: memref<125x80xi32, #tpu.memory_space<vmem>>, %arg7: memref<80x128xf32, #tpu.memory_space<vmem>>, %arg8: memref<80x128xf32, #tpu.memory_space<vmem>>, %arg9: memref<80x128xf32, #tpu.memory_space<vmem>>, %arg10: memref<80x128xf32, #tpu.memory_space<vmem>>, %arg11: memref<8x128xf32, #tpu.memory_space<vmem>>, %arg12: memref<5128x128xf32, #tpu.memory_space<vmem_shared>>, %arg13: memref<!tpu.dma_semaphore, #tpu.memory_space<semaphore_mem>>, %arg14: memref<!tpu.dma_semaphore, #tpu.memory_space<semaphore_mem>>, %arg15: memref<!tpu.dma_semaphore, #tpu.memory_space<semaphore_mem>>, %arg16: memref<!tpu.dma_semaphore, #tpu.memory_space<semaphore_mem>>) attributes {dimension_semantics = [#tpu.dimension_semantics<core_parallel>, #tpu.dimension_semantics<subcore_parallel>], iteration_bounds = array<i64: 2, 16>, scalar_prefetch = 0 : i64, scratch_operands = 12 : i64, tpu.core_type = #tpu.core_type<sc_vector_subcore>, window_params = [{transform_indices = #map}, {transform_indices = #map1}, {transform_indices = #map}]} {
    %broadcast_in_dim3A = arith.constant 0.000000e+00 : f32
    %broadcast_in_dim3A_0 = vector.broadcast %broadcast_in_dim3A : f32 to vector<16xf32>
    %swap3A = arith.constant 0 : i32
    %swap3A_1 = arith.index_cast %swap3A : i32 to index
    %swap3A_2 = arith.constant 0 : index
    %swap3A_3 = tpu.vector_load %arg11[%swap3A_1, %swap3A_2] {strides = array<i32>} : memref<8x128xf32, #tpu.memory_space<vmem>>, vector<1x16xf32>,
    %swap3A_4 = vector.shape_cast %swap3A_3 : vector<1x16xf32> to vector<16xf32>
    %swap3A_5 = vector.shape_cast %broadcast_in_dim3A_0 : vector<16xf32> to vector<1x16xf32>
    tpu.vector_store %arg11[%swap3A_1, %swap3A_2], %swap3A_5 {strides = array<i32>} : memref<8x128xf32, #tpu.memory_space<vmem>>, vector<1x16xf32>,
    %swap3A_6 = arith.constant 0 : i32
    %swap3A_7 = arith.index_cast %swap3A_6 : i32 to index
    %swap3A_8 = arith.constant 16 : index
    %swap3A_9 = tpu.vector_load %arg11[%swap3A_7, %swap3A_8] {strides = array<i32>} : memref<8x128xf32, #tpu.memory_space<vmem>>, vector<1x16xf32>,
    %swap3A_10 = vector.shape_cast %swap3A_9 : vector<1x16xf32> to vector<16xf32>
    %swap3A_11 = vector.shape_cast %broadcast_in_dim3A_0 : vector<16xf32> to vector<1x16xf32>
    tpu.vector_store %arg11[%swap3A_7, %swap3A_8], %swap3A_11 {strides = array<i32>} : memref<8x128xf32, #tpu.memory_space<vmem>>, vector<1x16xf32>,
    %swap3A_12 = arith.constant 0 : i32
    %swap3A_13 = arith.index_cast %swap3A_12 : i32 to index
    %swap3A_14 = arith.constant 32 : index
    %swap3A_15 = tpu.vector_load %arg11[%swap3A_13, %swap3A_14] {strides = array<i32>} : memref<8x128xf32, #tpu.memory_space<vmem>>, vector<1x16xf32>,
    %swap3A_16 = vector.shape_cast %swap3A_15 : vector<1x16xf32> to vector<16xf32>
    %swap3A_17 = vector.shape_cast %broadcast_in_dim3A_0 : vector<16xf32> to vector<1x16xf32>
    tpu.vector_store %arg11[%swap3A_13, %swap3A_14], %swap3A_17 {strides = array<i32>} : memref<8x128xf32, #tpu.memory_space<vmem>>, vector<1x16xf32>,
    %swap3A_18 = arith.constant 0 : i32
    %swap3A_19 = arith.index_cast %swap3A_18 : i32 to index
    %swap3A_20 = arith.constant 48 : index
    %swap3A_21 = tpu.vector_load %arg11[%swap3A_19, %swap3A_20] {strides = array<i32>} : memref<8x128xf32, #tpu.memory_space<vmem>>, vector<1x16xf32>,
    %swap3A_22 = vector.shape_cast %swap3A_21 : vector<1x16xf32> to vector<16xf32>
    %swap3A_23 = vector.shape_cast %broadcast_in_dim3A_0 : vector<16xf32> to vector<1x16xf32>
    tpu.vector_store %arg11[%swap3A_19, %swap3A_20], %swap3A_23 {strides = array<i32>} : memref<8x128xf32, #tpu.memory_space<vmem>>, vector<1x16xf32>,
    %swap3A_24 = arith.constant 0 : i32
    %swap3A_25 = arith.index_cast %swap3A_24 : i32 to index
    %swap3A_26 = arith.constant 64 : index
    %swap3A_27 = tpu.vector_load %arg11[%swap3A_25, %swap3A_26] {strides = array<i32>} : memref<8x128xf32, #tpu.memory_space<vmem>>, vector<1x16xf32>,
    %swap3A_28 = vector.shape_cast %swap3A_27 : vector<1x16xf32> to vector<16xf32>
    %swap3A_29 = vector.shape_cast %broadcast_in_dim3A_0 : vector<16xf32> to vector<1x16xf32>
    tpu.vector_store %arg11[%swap3A_25, %swap3A_26], %swap3A_29 {strides = array<i32>} : memref<8x128xf32, #tpu.memory_space<vmem>>, vector<1x16xf32>,
    %swap3A_30 = arith.constant 0 : i32
    %swap3A_31 = arith.index_cast %swap3A_30 : i32 to index
    %swap3A_32 = arith.constant 80 : index
    %swap3A_33 = tpu.vector_load %arg11[%swap3A_31, %swap3A_32] {strides = array<i32>} : memref<8x128xf32, #tpu.memory_space<vmem>>, vector<1x16xf32>,
    %swap3A_34 = vector.shape_cast %swap3A_33 : vector<1x16xf32> to vector<16xf32>
    %swap3A_35 = vector.shape_cast %broadcast_in_dim3A_0 : vector<16xf32> to vector<1x16xf32>
    tpu.vector_store %arg11[%swap3A_31, %swap3A_32], %swap3A_35 {strides = array<i32>} : memref<8x128xf32, #tpu.memory_space<vmem>>, vector<1x16xf32>,
    %swap3A_36 = arith.constant 0 : i32
    %swap3A_37 = arith.index_cast %swap3A_36 : i32 to index
    %swap3A_38 = arith.constant 96 : index
    %swap3A_39 = tpu.vector_load %arg11[%swap3A_37, %swap3A_38] {strides = array<i32>} : memref<8x128xf32, #tpu.memory_space<vmem>>, vector<1x16xf32>,
    %swap3A_40 = vector.shape_cast %swap3A_39 : vector<1x16xf32> to vector<16xf32>
    %swap3A_41 = vector.shape_cast %broadcast_in_dim3A_0 : vector<16xf32> to vector<1x16xf32>
    tpu.vector_store %arg11[%swap3A_37, %swap3A_38], %swap3A_41 {strides = array<i32>} : memref<8x128xf32, #tpu.memory_space<vmem>>, vector<1x16xf32>,
    %swap3A_42 = arith.constant 0 : i32
    %swap3A_43 = arith.index_cast %swap3A_42 : i32 to index
    %swap3A_44 = arith.constant 112 : index
    %swap3A_45 = tpu.vector_load %arg11[%swap3A_43, %swap3A_44] {strides = array<i32>} : memref<8x128xf32, #tpu.memory_space<vmem>>, vector<1x16xf32>,
    %swap3A_46 = vector.shape_cast %swap3A_45 : vector<1x16xf32> to vector<16xf32>
    %swap3A_47 = vector.shape_cast %broadcast_in_dim3A_0 : vector<16xf32> to vector<1x16xf32>
    tpu.vector_store %arg11[%swap3A_43, %swap3A_44], %swap3A_47 {strides = array<i32>} : memref<8x128xf32, #tpu.memory_space<vmem>>, vector<1x16xf32>,
    %swap3A_48 = arith.constant 1 : i32
    %swap3A_49 = arith.index_cast %swap3A_48 : i32 to index
    %swap3A_50 = arith.constant 0 : index
    %swap3A_51 = tpu.vector_load %arg11[%swap3A_49, %swap3A_50] {strides = array<i32>} : memref<8x128xf32, #tpu.memory_space<vmem>>, vector<1x16xf32>,
    %swap3A_52 = vector.shape_cast %swap3A_51 : vector<1x16xf32> to vector<16xf32>
    %swap3A_53 = vector.shape_cast %broadcast_in_dim3A_0 : vector<16xf32> to vector<1x16xf32>
    tpu.vector_store %arg11[%swap3A_49, %swap3A_50], %swap3A_53 {strides = array<i32>} : memref<8x128xf32, #tpu.memory_space<vmem>>, vector<1x16xf32>,
    %swap3A_54 = arith.constant 1 : i32
    %swap3A_55 = arith.index_cast %swap3A_54 : i32 to index
    %swap3A_56 = arith.constant 16 : index
    %swap3A_57 = tpu.vector_load %arg11[%swap3A_55, %swap3A_56] {strides = array<i32>} : memref<8x128xf32, #tpu.memory_space<vmem>>, vector<1x16xf32>,
    %swap3A_58 = vector.shape_cast %swap3A_57 : vector<1x16xf32> to vector<16xf32>
    %swap3A_59 = vector.shape_cast %broadcast_in_dim3A_0 : vector<16xf32> to vector<1x16xf32>
    tpu.vector_store %arg11[%swap3A_55, %swap3A_56], %swap3A_59 {strides = array<i32>} : memref<8x128xf32, #tpu.memory_space<vmem>>, vector<1x16xf32>,
    %swap3A_60 = arith.constant 1 : i32
    %swap3A_61 = arith.index_cast %swap3A_60 : i32 to index
    %swap3A_62 = arith.constant 32 : index
    %swap3A_63 = tpu.vector_load %arg11[%swap3A_61, %swap3A_62] {strides = array<i32>} : memref<8x128xf32, #tpu.memory_space<vmem>>, vector<1x16xf32>,
    %swap3A_64 = vector.shape_cast %swap3A_63 : vector<1x16xf32> to vector<16xf32>
    %swap3A_65 = vector.shape_cast %broadcast_in_dim3A_0 : vector<16xf32> to vector<1x16xf32>
    tpu.vector_store %arg11[%swap3A_61, %swap3A_62], %swap3A_65 {strides = array<i32>} : memref<8x128xf32, #tpu.memory_space<vmem>>, vector<1x16xf32>,
    %swap3A_66 = arith.constant 1 : i32
    %swap3A_67 = arith.index_cast %swap3A_66 : i32 to index
    %swap3A_68 = arith.constant 48 : index
    %swap3A_69 = tpu.vector_load %arg11[%swap3A_67, %swap3A_68] {strides = array<i32>} : memref<8x128xf32, #tpu.memory_space<vmem>>, vector<1x16xf32>,
    %swap3A_70 = vector.shape_cast %swap3A_69 : vector<1x16xf32> to vector<16xf32>
    %swap3A_71 = vector.shape_cast %broadcast_in_dim3A_0 : vector<16xf32> to vector<1x16xf32>
    tpu.vector_store %arg11[%swap3A_67, %swap3A_68], %swap3A_71 {strides = array<i32>} : memref<8x128xf32, #tpu.memory_space<vmem>>, vector<1x16xf32>,
    %swap3A_72 = arith.constant 1 : i32
    %swap3A_73 = arith.index_cast %swap3A_72 : i32 to index
    %swap3A_74 = arith.constant 64 : index
    %swap3A_75 = tpu.vector_load %arg11[%swap3A_73, %swap3A_74] {strides = array<i32>} : memref<8x128xf32, #tpu.memory_space<vmem>>, vector<1x16xf32>,
    %swap3A_76 = vector.shape_cast %swap3A_75 : vector<1x16xf32> to vector<16xf32>
    %swap3A_77 = vector.shape_cast %broadcast_in_dim3A_0 : vector<16xf32> to vector<1x16xf32>
    tpu.vector_store %arg11[%swap3A_73, %swap3A_74], %swap3A_77 {strides = array<i32>} : memref<8x128xf32, #tpu.memory_space<vmem>>, vector<1x16xf32>,
    %swap3A_78 = arith.constant 1 : i32
    %swap3A_79 = arith.index_cast %swap3A_78 : i32 to index
    %swap3A_80 = arith.constant 80 : index
    %swap3A_81 = tpu.vector_load %arg11[%swap3A_79, %swap3A_80] {strides = array<i32>} : memref<8x128xf32, #tpu.memory_space<vmem>>, vector<1x16xf32>,
    %swap3A_82 = vector.shape_cast %swap3A_81 : vector<1x16xf32> to vector<16xf32>
    %swap3A_83 = vector.shape_cast %broadcast_in_dim3A_0 : vector<16xf32> to vector<1x16xf32>
    tpu.vector_store %arg11[%swap3A_79, %swap3A_80], %swap3A_83 {strides = array<i32>} : memref<8x128xf32, #tpu.memory_space<vmem>>, vector<1x16xf32>,
    %swap3A_84 = arith.constant 1 : i32
    %swap3A_85 = arith.index_cast %swap3A_84 : i32 to index
    %swap3A_86 = arith.constant 96 : index
    %swap3A_87 = tpu.vector_load %arg11[%swap3A_85, %swap3A_86] {strides = array<i32>} : memref<8x128xf32, #tpu.memory_space<vmem>>, vector<1x16xf32>,
    %swap3A_88 = vector.shape_cast %swap3A_87 : vector<1x16xf32> to vector<16xf32>
    %swap3A_89 = vector.shape_cast %broadcast_in_dim3A_0 : vector<16xf32> to vector<1x16xf32>
    tpu.vector_store %arg11[%swap3A_85, %swap3A_86], %swap3A_89 {strides = array<i32>} : memref<8x128xf32, #tpu.memory_space<vmem>>, vector<1x16xf32>,
    %swap3A_90 = arith.constant 1 : i32
    %swap3A_91 = arith.index_cast %swap3A_90 : i32 to index
    %swap3A_92 = arith.constant 112 : index
    %swap3A_93 = tpu.vector_load %arg11[%swap3A_91, %swap3A_92] {strides = array<i32>} : memref<8x128xf32, #tpu.memory_space<vmem>>, vector<1x16xf32>,
    %swap3A_94 = vector.shape_cast %swap3A_93 : vector<1x16xf32> to vector<16xf32>
    %swap3A_95 = vector.shape_cast %broadcast_in_dim3A_0 : vector<16xf32> to vector<1x16xf32>
    tpu.vector_store %arg11[%swap3A_91, %swap3A_92], %swap3A_95 {strides = array<i32>} : memref<8x128xf32, #tpu.memory_space<vmem>>, vector<1x16xf32>,
    %swap3A_96 = arith.constant 2 : i32
    %swap3A_97 = arith.index_cast %swap3A_96 : i32 to index
    %swap3A_98 = arith.constant 0 : index
    %swap3A_99 = tpu.vector_load %arg11[%swap3A_97, %swap3A_98] {strides = array<i32>} : memref<8x128xf32, #tpu.memory_space<vmem>>, vector<1x16xf32>,
    %swap3A_100 = vector.shape_cast %swap3A_99 : vector<1x16xf32> to vector<16xf32>
    %swap3A_101 = vector.shape_cast %broadcast_in_dim3A_0 : vector<16xf32> to vector<1x16xf32>
    tpu.vector_store %arg11[%swap3A_97, %swap3A_98], %swap3A_101 {strides = array<i32>} : memref<8x128xf32, #tpu.memory_space<vmem>>, vector<1x16xf32>,
    %swap3A_102 = arith.constant 2 : i32
    %swap3A_103 = arith.index_cast %swap3A_102 : i32 to index
    %swap3A_104 = arith.constant 16 : index
    %swap3A_105 = tpu.vector_load %arg11[%swap3A_103, %swap3A_104] {strides = array<i32>} : memref<8x128xf32, #tpu.memory_space<vmem>>, vector<1x16xf32>,
    %swap3A_106 = vector.shape_cast %swap3A_105 : vector<1x16xf32> to vector<16xf32>
    %swap3A_107 = vector.shape_cast %broadcast_in_dim3A_0 : vector<16xf32> to vector<1x16xf32>
    tpu.vector_store %arg11[%swap3A_103, %swap3A_104], %swap3A_107 {strides = array<i32>} : memref<8x128xf32, #tpu.memory_space<vmem>>, vector<1x16xf32>,
    %swap3A_108 = arith.constant 2 : i32
    %swap3A_109 = arith.index_cast %swap3A_108 : i32 to index
    %swap3A_110 = arith.constant 32 : index
    %swap3A_111 = tpu.vector_load %arg11[%swap3A_109, %swap3A_110] {strides = array<i32>} : memref<8x128xf32, #tpu.memory_space<vmem>>, vector<1x16xf32>,
    %swap3A_112 = vector.shape_cast %swap3A_111 : vector<1x16xf32> to vector<16xf32>
    %swap3A_113 = vector.shape_cast %broadcast_in_dim3A_0 : vector<16xf32> to vector<1x16xf32>
    tpu.vector_store %arg11[%swap3A_109, %swap3A_110], %swap3A_113 {strides = array<i32>} : memref<8x128xf32, #tpu.memory_space<vmem>>, vector<1x16xf32>,
    %swap3A_114 = arith.constant 2 : i32
    %swap3A_115 = arith.index_cast %swap3A_114 : i32 to index
    %swap3A_116 = arith.constant 48 : index
    %swap3A_117 = tpu.vector_load %arg11[%swap3A_115, %swap3A_116] {strides = array<i32>} : memref<8x128xf32, #tpu.memory_space<vmem>>, vector<1x16xf32>,
    %swap3A_118 = vector.shape_cast %swap3A_117 : vector<1x16xf32> to vector<16xf32>
    %swap3A_119 = vector.shape_cast %broadcast_in_dim3A_0 : vector<16xf32> to vector<1x16xf32>
    tpu.vector_store %arg11[%swap3A_115, %swap3A_116], %swap3A_119 {strides = array<i32>} : memref<8x128xf32, #tpu.memory_space<vmem>>, vector<1x16xf32>,
    %swap3A_120 = arith.constant 2 : i32
    %swap3A_121 = arith.index_cast %swap3A_120 : i32 to index
    %swap3A_122 = arith.constant 64 : index
    %swap3A_123 = tpu.vector_load %arg11[%swap3A_121, %swap3A_122] {strides = array<i32>} : memref<8x128xf32, #tpu.memory_space<vmem>>, vector<1x16xf32>,
    %swap3A_124 = vector.shape_cast %swap3A_123 : vector<1x16xf32> to vector<16xf32>
    %swap3A_125 = vector.shape_cast %broadcast_in_dim3A_0 : vector<16xf32> to vector<1x16xf32>
    tpu.vector_store %arg11[%swap3A_121, %swap3A_122], %swap3A_125 {strides = array<i32>} : memref<8x128xf32, #tpu.memory_space<vmem>>, vector<1x16xf32>,
    %swap3A_126 = arith.constant 2 : i32
    %swap3A_127 = arith.index_cast %swap3A_126 : i32 to index
    %swap3A_128 = arith.constant 80 : index
    %swap3A_129 = tpu.vector_load %arg11[%swap3A_127, %swap3A_128] {strides = array<i32>} : memref<8x128xf32, #tpu.memory_space<vmem>>, vector<1x16xf32>,
    %swap3A_130 = vector.shape_cast %swap3A_129 : vector<1x16xf32> to vector<16xf32>
    %swap3A_131 = vector.shape_cast %broadcast_in_dim3A_0 : vector<16xf32> to vector<1x16xf32>
    tpu.vector_store %arg11[%swap3A_127, %swap3A_128], %swap3A_131 {strides = array<i32>} : memref<8x128xf32, #tpu.memory_space<vmem>>, vector<1x16xf32>,
    %swap3A_132 = arith.constant 2 : i32
    %swap3A_133 = arith.index_cast %swap3A_132 : i32 to index
    %swap3A_134 = arith.constant 96 : index
    %swap3A_135 = tpu.vector_load %arg11[%swap3A_133, %swap3A_134] {strides = array<i32>} : memref<8x128xf32, #tpu.memory_space<vmem>>, vector<1x16xf32>,
    %swap3A_136 = vector.shape_cast %swap3A_135 : vector<1x16xf32> to vector<16xf32>
    %swap3A_137 = vector.shape_cast %broadcast_in_dim3A_0 : vector<16xf32> to vector<1x16xf32>
    tpu.vector_store %arg11[%swap3A_133, %swap3A_134], %swap3A_137 {strides = array<i32>} : memref<8x128xf32, #tpu.memory_space<vmem>>, vector<1x16xf32>,
    %swap3A_138 = arith.constant 2 : i32
    %swap3A_139 = arith.index_cast %swap3A_138 : i32 to index
    %swap3A_140 = arith.constant 112 : index
    %swap3A_141 = tpu.vector_load %arg11[%swap3A_139, %swap3A_140] {strides = array<i32>} : memref<8x128xf32, #tpu.memory_space<vmem>>, vector<1x16xf32>,
    %swap3A_142 = vector.shape_cast %swap3A_141 : vector<1x16xf32> to vector<16xf32>
    %swap3A_143 = vector.shape_cast %broadcast_in_dim3A_0 : vector<16xf32> to vector<1x16xf32>
    tpu.vector_store %arg11[%swap3A_139, %swap3A_140], %swap3A_143 {strides = array<i32>} : memref<8x128xf32, #tpu.memory_space<vmem>>, vector<1x16xf32>,
    %swap3A_144 = arith.constant 3 : i32
    %swap3A_145 = arith.index_cast %swap3A_144 : i32 to index
    %swap3A_146 = arith.constant 0 : index
    %swap3A_147 = tpu.vector_load %arg11[%swap3A_145, %swap3A_146] {strides = array<i32>} : memref<8x128xf32, #tpu.memory_space<vmem>>, vector<1x16xf32>,
    %swap3A_148 = vector.shape_cast %swap3A_147 : vector<1x16xf32> to vector<16xf32>
    %swap3A_149 = vector.shape_cast %broadcast_in_dim3A_0 : vector<16xf32> to vector<1x16xf32>
    tpu.vector_store %arg11[%swap3A_145, %swap3A_146], %swap3A_149 {strides = array<i32>} : memref<8x128xf32, #tpu.memory_space<vmem>>, vector<1x16xf32>,
    %swap3A_150 = arith.constant 3 : i32
    %swap3A_151 = arith.index_cast %swap3A_150 : i32 to index
    %swap3A_152 = arith.constant 16 : index
    %swap3A_153 = tpu.vector_load %arg11[%swap3A_151, %swap3A_152] {strides = array<i32>} : memref<8x128xf32, #tpu.memory_space<vmem>>, vector<1x16xf32>,
    %swap3A_154 = vector.shape_cast %swap3A_153 : vector<1x16xf32> to vector<16xf32>
    %swap3A_155 = vector.shape_cast %broadcast_in_dim3A_0 : vector<16xf32> to vector<1x16xf32>
    tpu.vector_store %arg11[%swap3A_151, %swap3A_152], %swap3A_155 {strides = array<i32>} : memref<8x128xf32, #tpu.memory_space<vmem>>, vector<1x16xf32>,
    %swap3A_156 = arith.constant 3 : i32
    %swap3A_157 = arith.index_cast %swap3A_156 : i32 to index
    %swap3A_158 = arith.constant 32 : index
    %swap3A_159 = tpu.vector_load %arg11[%swap3A_157, %swap3A_158] {strides = array<i32>} : memref<8x128xf32, #tpu.memory_space<vmem>>, vector<1x16xf32>,
    %swap3A_160 = vector.shape_cast %swap3A_159 : vector<1x16xf32> to vector<16xf32>
    %swap3A_161 = vector.shape_cast %broadcast_in_dim3A_0 : vector<16xf32> to vector<1x16xf32>
    tpu.vector_store %arg11[%swap3A_157, %swap3A_158], %swap3A_161 {strides = array<i32>} : memref<8x128xf32, #tpu.memory_space<vmem>>, vector<1x16xf32>,
    %swap3A_162 = arith.constant 3 : i32
    %swap3A_163 = arith.index_cast %swap3A_162 : i32 to index
    %swap3A_164 = arith.constant 48 : index
    %swap3A_165 = tpu.vector_load %arg11[%swap3A_163, %swap3A_164] {strides = array<i32>} : memref<8x128xf32, #tpu.memory_space<vmem>>, vector<1x16xf32>,
    %swap3A_166 = vector.shape_cast %swap3A_165 : vector<1x16xf32> to vector<16xf32>
    %swap3A_167 = vector.shape_cast %broadcast_in_dim3A_0 : vector<16xf32> to vector<1x16xf32>
    tpu.vector_store %arg11[%swap3A_163, %swap3A_164], %swap3A_167 {strides = array<i32>} : memref<8x128xf32, #tpu.memory_space<vmem>>, vector<1x16xf32>,
    %swap3A_168 = arith.constant 3 : i32
    %swap3A_169 = arith.index_cast %swap3A_168 : i32 to index
    %swap3A_170 = arith.constant 64 : index
    %swap3A_171 = tpu.vector_load %arg11[%swap3A_169, %swap3A_170] {strides = array<i32>} : memref<8x128xf32, #tpu.memory_space<vmem>>, vector<1x16xf32>,
    %swap3A_172 = vector.shape_cast %swap3A_171 : vector<1x16xf32> to vector<16xf32>
    %swap3A_173 = vector.shape_cast %broadcast_in_dim3A_0 : vector<16xf32> to vector<1x16xf32>
    tpu.vector_store %arg11[%swap3A_169, %swap3A_170], %swap3A_173 {strides = array<i32>} : memref<8x128xf32, #tpu.memory_space<vmem>>, vector<1x16xf32>,
    %swap3A_174 = arith.constant 3 : i32
    %swap3A_175 = arith.index_cast %swap3A_174 : i32 to index
    %swap3A_176 = arith.constant 80 : index
    %swap3A_177 = tpu.vector_load %arg11[%swap3A_175, %swap3A_176] {strides = array<i32>} : memref<8x128xf32, #tpu.memory_space<vmem>>, vector<1x16xf32>,
    %swap3A_178 = vector.shape_cast %swap3A_177 : vector<1x16xf32> to vector<16xf32>
    %swap3A_179 = vector.shape_cast %broadcast_in_dim3A_0 : vector<16xf32> to vector<1x16xf32>
    tpu.vector_store %arg11[%swap3A_175, %swap3A_176], %swap3A_179 {strides = array<i32>} : memref<8x128xf32, #tpu.memory_space<vmem>>, vector<1x16xf32>,
    %swap3A_180 = arith.constant 3 : i32
    %swap3A_181 = arith.index_cast %swap3A_180 : i32 to index
    %swap3A_182 = arith.constant 96 : index
    %swap3A_183 = tpu.vector_load %arg11[%swap3A_181, %swap3A_182] {strides = array<i32>} : memref<8x128xf32, #tpu.memory_space<vmem>>, vector<1x16xf32>,
    %swap3A_184 = vector.shape_cast %swap3A_183 : vector<1x16xf32> to vector<16xf32>
    %swap3A_185 = vector.shape_cast %broadcast_in_dim3A_0 : vector<16xf32> to vector<1x16xf32>
    tpu.vector_store %arg11[%swap3A_181, %swap3A_182], %swap3A_185 {strides = array<i32>} : memref<8x128xf32, #tpu.memory_space<vmem>>, vector<1x16xf32>,
    %swap3A_186 = arith.constant 3 : i32
    %swap3A_187 = arith.index_cast %swap3A_186 : i32 to index
    %swap3A_188 = arith.constant 112 : index
    %swap3A_189 = tpu.vector_load %arg11[%swap3A_187, %swap3A_188] {strides = array<i32>} : memref<8x128xf32, #tpu.memory_space<vmem>>, vector<1x16xf32>,
    %swap3A_190 = vector.shape_cast %swap3A_189 : vector<1x16xf32> to vector<16xf32>
    %swap3A_191 = vector.shape_cast %broadcast_in_dim3A_0 : vector<16xf32> to vector<1x16xf32>
    tpu.vector_store %arg11[%swap3A_187, %swap3A_188], %swap3A_191 {strides = array<i32>} : memref<8x128xf32, #tpu.memory_space<vmem>>, vector<1x16xf32>,
    %swap3A_192 = arith.constant 4 : i32
    %swap3A_193 = arith.index_cast %swap3A_192 : i32 to index
    %swap3A_194 = arith.constant 0 : index
    %swap3A_195 = tpu.vector_load %arg11[%swap3A_193, %swap3A_194] {strides = array<i32>} : memref<8x128xf32, #tpu.memory_space<vmem>>, vector<1x16xf32>,
    %swap3A_196 = vector.shape_cast %swap3A_195 : vector<1x16xf32> to vector<16xf32>
    %swap3A_197 = vector.shape_cast %broadcast_in_dim3A_0 : vector<16xf32> to vector<1x16xf32>
    tpu.vector_store %arg11[%swap3A_193, %swap3A_194], %swap3A_197 {strides = array<i32>} : memref<8x128xf32, #tpu.memory_space<vmem>>, vector<1x16xf32>,
    %swap3A_198 = arith.constant 4 : i32
    %swap3A_199 = arith.index_cast %swap3A_198 : i32 to index
    %swap3A_200 = arith.constant 16 : index
    %swap3A_201 = tpu.vector_load %arg11[%swap3A_199, %swap3A_200] {strides = array<i32>} : memref<8x128xf32, #tpu.memory_space<vmem>>, vector<1x16xf32>,
    %swap3A_202 = vector.shape_cast %swap3A_201 : vector<1x16xf32> to vector<16xf32>
    %swap3A_203 = vector.shape_cast %broadcast_in_dim3A_0 : vector<16xf32> to vector<1x16xf32>
    tpu.vector_store %arg11[%swap3A_199, %swap3A_200], %swap3A_203 {strides = array<i32>} : memref<8x128xf32, #tpu.memory_space<vmem>>, vector<1x16xf32>,
    %swap3A_204 = arith.constant 4 : i32
    %swap3A_205 = arith.index_cast %swap3A_204 : i32 to index
    %swap3A_206 = arith.constant 32 : index
    %swap3A_207 = tpu.vector_load %arg11[%swap3A_205, %swap3A_206] {strides = array<i32>} : memref<8x128xf32, #tpu.memory_space<vmem>>, vector<1x16xf32>,
    %swap3A_208 = vector.shape_cast %swap3A_207 : vector<1x16xf32> to vector<16xf32>
    %swap3A_209 = vector.shape_cast %broadcast_in_dim3A_0 : vector<16xf32> to vector<1x16xf32>
    tpu.vector_store %arg11[%swap3A_205, %swap3A_206], %swap3A_209 {strides = array<i32>} : memref<8x128xf32, #tpu.memory_space<vmem>>, vector<1x16xf32>,
    %swap3A_210 = arith.constant 4 : i32
    %swap3A_211 = arith.index_cast %swap3A_210 : i32 to index
    %swap3A_212 = arith.constant 48 : index
    %swap3A_213 = tpu.vector_load %arg11[%swap3A_211, %swap3A_212] {strides = array<i32>} : memref<8x128xf32, #tpu.memory_space<vmem>>, vector<1x16xf32>,
    %swap3A_214 = vector.shape_cast %swap3A_213 : vector<1x16xf32> to vector<16xf32>
    %swap3A_215 = vector.shape_cast %broadcast_in_dim3A_0 : vector<16xf32> to vector<1x16xf32>
    tpu.vector_store %arg11[%swap3A_211, %swap3A_212], %swap3A_215 {strides = array<i32>} : memref<8x128xf32, #tpu.memory_space<vmem>>, vector<1x16xf32>,
    %swap3A_216 = arith.constant 4 : i32
    %swap3A_217 = arith.index_cast %swap3A_216 : i32 to index
    %swap3A_218 = arith.constant 64 : index
    %swap3A_219 = tpu.vector_load %arg11[%swap3A_217, %swap3A_218] {strides = array<i32>} : memref<8x128xf32, #tpu.memory_space<vmem>>, vector<1x16xf32>,
    %swap3A_220 = vector.shape_cast %swap3A_219 : vector<1x16xf32> to vector<16xf32>
    %swap3A_221 = vector.shape_cast %broadcast_in_dim3A_0 : vector<16xf32> to vector<1x16xf32>
    tpu.vector_store %arg11[%swap3A_217, %swap3A_218], %swap3A_221 {strides = array<i32>} : memref<8x128xf32, #tpu.memory_space<vmem>>, vector<1x16xf32>,
    %swap3A_222 = arith.constant 4 : i32
    %swap3A_223 = arith.index_cast %swap3A_222 : i32 to index
    %swap3A_224 = arith.constant 80 : index
    %swap3A_225 = tpu.vector_load %arg11[%swap3A_223, %swap3A_224] {strides = array<i32>} : memref<8x128xf32, #tpu.memory_space<vmem>>, vector<1x16xf32>,
    %swap3A_226 = vector.shape_cast %swap3A_225 : vector<1x16xf32> to vector<16xf32>
    %swap3A_227 = vector.shape_cast %broadcast_in_dim3A_0 : vector<16xf32> to vector<1x16xf32>
    tpu.vector_store %arg11[%swap3A_223, %swap3A_224], %swap3A_227 {strides = array<i32>} : memref<8x128xf32, #tpu.memory_space<vmem>>, vector<1x16xf32>,
    %swap3A_228 = arith.constant 4 : i32
    %swap3A_229 = arith.index_cast %swap3A_228 : i32 to index
    %swap3A_230 = arith.constant 96 : index
    %swap3A_231 = tpu.vector_load %arg11[%swap3A_229, %swap3A_230] {strides = array<i32>} : memref<8x128xf32, #tpu.memory_space<vmem>>, vector<1x16xf32>,
    %swap3A_232 = vector.shape_cast %swap3A_231 : vector<1x16xf32> to vector<16xf32>
    %swap3A_233 = vector.shape_cast %broadcast_in_dim3A_0 : vector<16xf32> to vector<1x16xf32>
    tpu.vector_store %arg11[%swap3A_229, %swap3A_230], %swap3A_233 {strides = array<i32>} : memref<8x128xf32, #tpu.memory_space<vmem>>, vector<1x16xf32>,
    %swap3A_234 = arith.constant 4 : i32
    %swap3A_235 = arith.index_cast %swap3A_234 : i32 to index
    %swap3A_236 = arith.constant 112 : index
    %swap3A_237 = tpu.vector_load %arg11[%swap3A_235, %swap3A_236] {strides = array<i32>} : memref<8x128xf32, #tpu.memory_space<vmem>>, vector<1x16xf32>,
    %swap3A_238 = vector.shape_cast %swap3A_237 : vector<1x16xf32> to vector<16xf32>
    %swap3A_239 = vector.shape_cast %broadcast_in_dim3A_0 : vector<16xf32> to vector<1x16xf32>
    tpu.vector_store %arg11[%swap3A_235, %swap3A_236], %swap3A_239 {strides = array<i32>} : memref<8x128xf32, #tpu.memory_space<vmem>>, vector<1x16xf32>,
    %swap3A_240 = arith.constant 5 : i32
    %swap3A_241 = arith.index_cast %swap3A_240 : i32 to index
    %swap3A_242 = arith.constant 0 : index
    %swap3A_243 = tpu.vector_load %arg11[%swap3A_241, %swap3A_242] {strides = array<i32>} : memref<8x128xf32, #tpu.memory_space<vmem>>, vector<1x16xf32>,
    %swap3A_244 = vector.shape_cast %swap3A_243 : vector<1x16xf32> to vector<16xf32>
    %swap3A_245 = vector.shape_cast %broadcast_in_dim3A_0 : vector<16xf32> to vector<1x16xf32>
    tpu.vector_store %arg11[%swap3A_241, %swap3A_242], %swap3A_245 {strides = array<i32>} : memref<8x128xf32, #tpu.memory_space<vmem>>, vector<1x16xf32>,
    %swap3A_246 = arith.constant 5 : i32
    %swap3A_247 = arith.index_cast %swap3A_246 : i32 to index
    %swap3A_248 = arith.constant 16 : index
    %swap3A_249 = tpu.vector_load %arg11[%swap3A_247, %swap3A_248] {strides = array<i32>} : memref<8x128xf32, #tpu.memory_space<vmem>>, vector<1x16xf32>,
    %swap3A_250 = vector.shape_cast %swap3A_249 : vector<1x16xf32> to vector<16xf32>
    %swap3A_251 = vector.shape_cast %broadcast_in_dim3A_0 : vector<16xf32> to vector<1x16xf32>
    tpu.vector_store %arg11[%swap3A_247, %swap3A_248], %swap3A_251 {strides = array<i32>} : memref<8x128xf32, #tpu.memory_space<vmem>>, vector<1x16xf32>,
    %swap3A_252 = arith.constant 5 : i32
    %swap3A_253 = arith.index_cast %swap3A_252 : i32 to index
    %swap3A_254 = arith.constant 32 : index
    %swap3A_255 = tpu.vector_load %arg11[%swap3A_253, %swap3A_254] {strides = array<i32>} : memref<8x128xf32, #tpu.memory_space<vmem>>, vector<1x16xf32>,
    %swap3A_256 = vector.shape_cast %swap3A_255 : vector<1x16xf32> to vector<16xf32>
    %swap3A_257 = vector.shape_cast %broadcast_in_dim3A_0 : vector<16xf32> to vector<1x16xf32>
    tpu.vector_store %arg11[%swap3A_253, %swap3A_254], %swap3A_257 {strides = array<i32>} : memref<8x128xf32, #tpu.memory_space<vmem>>, vector<1x16xf32>,
    %swap3A_258 = arith.constant 5 : i32
    %swap3A_259 = arith.index_cast %swap3A_258 : i32 to index
    %swap3A_260 = arith.constant 48 : index
    %swap3A_261 = tpu.vector_load %arg11[%swap3A_259, %swap3A_260] {strides = array<i32>} : memref<8x128xf32, #tpu.memory_space<vmem>>, vector<1x16xf32>,
    %swap3A_262 = vector.shape_cast %swap3A_261 : vector<1x16xf32> to vector<16xf32>
    %swap3A_263 = vector.shape_cast %broadcast_in_dim3A_0 : vector<16xf32> to vector<1x16xf32>
    tpu.vector_store %arg11[%swap3A_259, %swap3A_260], %swap3A_263 {strides = array<i32>} : memref<8x128xf32, #tpu.memory_space<vmem>>, vector<1x16xf32>,
    %swap3A_264 = arith.constant 5 : i32
    %swap3A_265 = arith.index_cast %swap3A_264 : i32 to index
    %swap3A_266 = arith.constant 64 : index
    %swap3A_267 = tpu.vector_load %arg11[%swap3A_265, %swap3A_266] {strides = array<i32>} : memref<8x128xf32, #tpu.memory_space<vmem>>, vector<1x16xf32>,
    %swap3A_268 = vector.shape_cast %swap3A_267 : vector<1x16xf32> to vector<16xf32>
    %swap3A_269 = vector.shape_cast %broadcast_in_dim3A_0 : vector<16xf32> to vector<1x16xf32>
    tpu.vector_store %arg11[%swap3A_265, %swap3A_266], %swap3A_269 {strides = array<i32>} : memref<8x128xf32, #tpu.memory_space<vmem>>, vector<1x16xf32>,
    %swap3A_270 = arith.constant 5 : i32
    %swap3A_271 = arith.index_cast %swap3A_270 : i32 to index
    %swap3A_272 = arith.constant 80 : index
    %swap3A_273 = tpu.vector_load %arg11[%swap3A_271, %swap3A_272] {strides = array<i32>} : memref<8x128xf32, #tpu.memory_space<vmem>>, vector<1x16xf32>,
    %swap3A_274 = vector.shape_cast %swap3A_273 : vector<1x16xf32> to vector<16xf32>
    %swap3A_275 = vector.shape_cast %broadcast_in_dim3A_0 : vector<16xf32> to vector<1x16xf32>
    tpu.vector_store %arg11[%swap3A_271, %swap3A_272], %swap3A_275 {strides = array<i32>} : memref<8x128xf32, #tpu.memory_space<vmem>>, vector<1x16xf32>,
    %swap3A_276 = arith.constant 5 : i32
    %swap3A_277 = arith.index_cast %swap3A_276 : i32 to index
    %swap3A_278 = arith.constant 96 : index
    %swap3A_279 = tpu.vector_load %arg11[%swap3A_277, %swap3A_278] {strides = array<i32>} : memref<8x128xf32, #tpu.memory_space<vmem>>, vector<1x16xf32>,
    %swap3A_280 = vector.shape_cast %swap3A_279 : vector<1x16xf32> to vector<16xf32>
    %swap3A_281 = vector.shape_cast %broadcast_in_dim3A_0 : vector<16xf32> to vector<1x16xf32>
    tpu.vector_store %arg11[%swap3A_277, %swap3A_278], %swap3A_281 {strides = array<i32>} : memref<8x128xf32, #tpu.memory_space<vmem>>, vector<1x16xf32>,
    %swap3A_282 = arith.constant 5 : i32
    %swap3A_283 = arith.index_cast %swap3A_282 : i32 to index
    %swap3A_284 = arith.constant 112 : index
    %swap3A_285 = tpu.vector_load %arg11[%swap3A_283, %swap3A_284] {strides = array<i32>} : memref<8x128xf32, #tpu.memory_space<vmem>>, vector<1x16xf32>,
    %swap3A_286 = vector.shape_cast %swap3A_285 : vector<1x16xf32> to vector<16xf32>
    %swap3A_287 = vector.shape_cast %broadcast_in_dim3A_0 : vector<16xf32> to vector<1x16xf32>
    tpu.vector_store %arg11[%swap3A_283, %swap3A_284], %swap3A_287 {strides = array<i32>} : memref<8x128xf32, #tpu.memory_space<vmem>>, vector<1x16xf32>,
    %swap3A_288 = arith.constant 6 : i32
    %swap3A_289 = arith.index_cast %swap3A_288 : i32 to index
    %swap3A_290 = arith.constant 0 : index
    %swap3A_291 = tpu.vector_load %arg11[%swap3A_289, %swap3A_290] {strides = array<i32>} : memref<8x128xf32, #tpu.memory_space<vmem>>, vector<1x16xf32>,
    %swap3A_292 = vector.shape_cast %swap3A_291 : vector<1x16xf32> to vector<16xf32>
    %swap3A_293 = vector.shape_cast %broadcast_in_dim3A_0 : vector<16xf32> to vector<1x16xf32>
    tpu.vector_store %arg11[%swap3A_289, %swap3A_290], %swap3A_293 {strides = array<i32>} : memref<8x128xf32, #tpu.memory_space<vmem>>, vector<1x16xf32>,
    %swap3A_294 = arith.constant 6 : i32
    %swap3A_295 = arith.index_cast %swap3A_294 : i32 to index
    %swap3A_296 = arith.constant 16 : index
    %swap3A_297 = tpu.vector_load %arg11[%swap3A_295, %swap3A_296] {strides = array<i32>} : memref<8x128xf32, #tpu.memory_space<vmem>>, vector<1x16xf32>,
    %swap3A_298 = vector.shape_cast %swap3A_297 : vector<1x16xf32> to vector<16xf32>
    %swap3A_299 = vector.shape_cast %broadcast_in_dim3A_0 : vector<16xf32> to vector<1x16xf32>
    tpu.vector_store %arg11[%swap3A_295, %swap3A_296], %swap3A_299 {strides = array<i32>} : memref<8x128xf32, #tpu.memory_space<vmem>>, vector<1x16xf32>,
    %swap3A_300 = arith.constant 6 : i32
    %swap3A_301 = arith.index_cast %swap3A_300 : i32 to index
    %swap3A_302 = arith.constant 32 : index
    %swap3A_303 = tpu.vector_load %arg11[%swap3A_301, %swap3A_302] {strides = array<i32>} : memref<8x128xf32, #tpu.memory_space<vmem>>, vector<1x16xf32>,
    %swap3A_304 = vector.shape_cast %swap3A_303 : vector<1x16xf32> to vector<16xf32>
    %swap3A_305 = vector.shape_cast %broadcast_in_dim3A_0 : vector<16xf32> to vector<1x16xf32>
    tpu.vector_store %arg11[%swap3A_301, %swap3A_302], %swap3A_305 {strides = array<i32>} : memref<8x128xf32, #tpu.memory_space<vmem>>, vector<1x16xf32>,
    %swap3A_306 = arith.constant 6 : i32
    %swap3A_307 = arith.index_cast %swap3A_306 : i32 to index
    %swap3A_308 = arith.constant 48 : index
    %swap3A_309 = tpu.vector_load %arg11[%swap3A_307, %swap3A_308] {strides = array<i32>} : memref<8x128xf32, #tpu.memory_space<vmem>>, vector<1x16xf32>,
    %swap3A_310 = vector.shape_cast %swap3A_309 : vector<1x16xf32> to vector<16xf32>
    %swap3A_311 = vector.shape_cast %broadcast_in_dim3A_0 : vector<16xf32> to vector<1x16xf32>
    tpu.vector_store %arg11[%swap3A_307, %swap3A_308], %swap3A_311 {strides = array<i32>} : memref<8x128xf32, #tpu.memory_space<vmem>>, vector<1x16xf32>,
    %swap3A_312 = arith.constant 6 : i32
    %swap3A_313 = arith.index_cast %swap3A_312 : i32 to index
    %swap3A_314 = arith.constant 64 : index
    %swap3A_315 = tpu.vector_load %arg11[%swap3A_313, %swap3A_314] {strides = array<i32>} : memref<8x128xf32, #tpu.memory_space<vmem>>, vector<1x16xf32>,
    %swap3A_316 = vector.shape_cast %swap3A_315 : vector<1x16xf32> to vector<16xf32>
    %swap3A_317 = vector.shape_cast %broadcast_in_dim3A_0 : vector<16xf32> to vector<1x16xf32>
    tpu.vector_store %arg11[%swap3A_313, %swap3A_314], %swap3A_317 {strides = array<i32>} : memref<8x128xf32, #tpu.memory_space<vmem>>, vector<1x16xf32>,
    %swap3A_318 = arith.constant 6 : i32
    %swap3A_319 = arith.index_cast %swap3A_318 : i32 to index
    %swap3A_320 = arith.constant 80 : index
    %swap3A_321 = tpu.vector_load %arg11[%swap3A_319, %swap3A_320] {strides = array<i32>} : memref<8x128xf32, #tpu.memory_space<vmem>>, vector<1x16xf32>,
    %swap3A_322 = vector.shape_cast %swap3A_321 : vector<1x16xf32> to vector<16xf32>
    %swap3A_323 = vector.shape_cast %broadcast_in_dim3A_0 : vector<16xf32> to vector<1x16xf32>
    tpu.vector_store %arg11[%swap3A_319, %swap3A_320], %swap3A_323 {strides = array<i32>} : memref<8x128xf32, #tpu.memory_space<vmem>>, vector<1x16xf32>,
    %swap3A_324 = arith.constant 6 : i32
    %swap3A_325 = arith.index_cast %swap3A_324 : i32 to index
    %swap3A_326 = arith.constant 96 : index
    %swap3A_327 = tpu.vector_load %arg11[%swap3A_325, %swap3A_326] {strides = array<i32>} : memref<8x128xf32, #tpu.memory_space<vmem>>, vector<1x16xf32>,
    %swap3A_328 = vector.shape_cast %swap3A_327 : vector<1x16xf32> to vector<16xf32>
    %swap3A_329 = vector.shape_cast %broadcast_in_dim3A_0 : vector<16xf32> to vector<1x16xf32>
    tpu.vector_store %arg11[%swap3A_325, %swap3A_326], %swap3A_329 {strides = array<i32>} : memref<8x128xf32, #tpu.memory_space<vmem>>, vector<1x16xf32>,
    %swap3A_330 = arith.constant 6 : i32
    %swap3A_331 = arith.index_cast %swap3A_330 : i32 to index
    %swap3A_332 = arith.constant 112 : index
    %swap3A_333 = tpu.vector_load %arg11[%swap3A_331, %swap3A_332] {strides = array<i32>} : memref<8x128xf32, #tpu.memory_space<vmem>>, vector<1x16xf32>,
    %swap3A_334 = vector.shape_cast %swap3A_333 : vector<1x16xf32> to vector<16xf32>
    %swap3A_335 = vector.shape_cast %broadcast_in_dim3A_0 : vector<16xf32> to vector<1x16xf32>
    tpu.vector_store %arg11[%swap3A_331, %swap3A_332], %swap3A_335 {strides = array<i32>} : memref<8x128xf32, #tpu.memory_space<vmem>>, vector<1x16xf32>,
    %swap3A_336 = arith.constant 7 : i32
    %swap3A_337 = arith.index_cast %swap3A_336 : i32 to index
    %swap3A_338 = arith.constant 0 : index
    %swap3A_339 = tpu.vector_load %arg11[%swap3A_337, %swap3A_338] {strides = array<i32>} : memref<8x128xf32, #tpu.memory_space<vmem>>, vector<1x16xf32>,
    %swap3A_340 = vector.shape_cast %swap3A_339 : vector<1x16xf32> to vector<16xf32>
    %swap3A_341 = vector.shape_cast %broadcast_in_dim3A_0 : vector<16xf32> to vector<1x16xf32>
    tpu.vector_store %arg11[%swap3A_337, %swap3A_338], %swap3A_341 {strides = array<i32>} : memref<8x128xf32, #tpu.memory_space<vmem>>, vector<1x16xf32>,
    %swap3A_342 = arith.constant 7 : i32
    %swap3A_343 = arith.index_cast %swap3A_342 : i32 to index
    %swap3A_344 = arith.constant 16 : index
    %swap3A_345 = tpu.vector_load %arg11[%swap3A_343, %swap3A_344] {strides = array<i32>} : memref<8x128xf32, #tpu.memory_space<vmem>>, vector<1x16xf32>,
    %swap3A_346 = vector.shape_cast %swap3A_345 : vector<1x16xf32> to vector<16xf32>
    %swap3A_347 = vector.shape_cast %broadcast_in_dim3A_0 : vector<16xf32> to vector<1x16xf32>
    tpu.vector_store %arg11[%swap3A_343, %swap3A_344], %swap3A_347 {strides = array<i32>} : memref<8x128xf32, #tpu.memory_space<vmem>>, vector<1x16xf32>,
    %swap3A_348 = arith.constant 7 : i32
    %swap3A_349 = arith.index_cast %swap3A_348 : i32 to index
    %swap3A_350 = arith.constant 32 : index
    %swap3A_351 = tpu.vector_load %arg11[%swap3A_349, %swap3A_350] {strides = array<i32>} : memref<8x128xf32, #tpu.memory_space<vmem>>, vector<1x16xf32>,
    %swap3A_352 = vector.shape_cast %swap3A_351 : vector<1x16xf32> to vector<16xf32>
    %swap3A_353 = vector.shape_cast %broadcast_in_dim3A_0 : vector<16xf32> to vector<1x16xf32>
    tpu.vector_store %arg11[%swap3A_349, %swap3A_350], %swap3A_353 {strides = array<i32>} : memref<8x128xf32, #tpu.memory_space<vmem>>, vector<1x16xf32>,
    %swap3A_354 = arith.constant 7 : i32
    %swap3A_355 = arith.index_cast %swap3A_354 : i32 to index
    %swap3A_356 = arith.constant 48 : index
    %swap3A_357 = tpu.vector_load %arg11[%swap3A_355, %swap3A_356] {strides = array<i32>} : memref<8x128xf32, #tpu.memory_space<vmem>>, vector<1x16xf32>,
    %swap3A_358 = vector.shape_cast %swap3A_357 : vector<1x16xf32> to vector<16xf32>
    %swap3A_359 = vector.shape_cast %broadcast_in_dim3A_0 : vector<16xf32> to vector<1x16xf32>
    tpu.vector_store %arg11[%swap3A_355, %swap3A_356], %swap3A_359 {strides = array<i32>} : memref<8x128xf32, #tpu.memory_space<vmem>>, vector<1x16xf32>,
    %swap3A_360 = arith.constant 7 : i32
    %swap3A_361 = arith.index_cast %swap3A_360 : i32 to index
    %swap3A_362 = arith.constant 64 : index
    %swap3A_363 = tpu.vector_load %arg11[%swap3A_361, %swap3A_362] {strides = array<i32>} : memref<8x128xf32, #tpu.memory_space<vmem>>, vector<1x16xf32>,
    %swap3A_364 = vector.shape_cast %swap3A_363 : vector<1x16xf32> to vector<16xf32>
    %swap3A_365 = vector.shape_cast %broadcast_in_dim3A_0 : vector<16xf32> to vector<1x16xf32>
    tpu.vector_store %arg11[%swap3A_361, %swap3A_362], %swap3A_365 {strides = array<i32>} : memref<8x128xf32, #tpu.memory_space<vmem>>, vector<1x16xf32>,
    %swap3A_366 = arith.constant 7 : i32
    %swap3A_367 = arith.index_cast %swap3A_366 : i32 to index
    %swap3A_368 = arith.constant 80 : index
    %swap3A_369 = tpu.vector_load %arg11[%swap3A_367, %swap3A_368] {strides = array<i32>} : memref<8x128xf32, #tpu.memory_space<vmem>>, vector<1x16xf32>,
    %swap3A_370 = vector.shape_cast %swap3A_369 : vector<1x16xf32> to vector<16xf32>
    %swap3A_371 = vector.shape_cast %broadcast_in_dim3A_0 : vector<16xf32> to vector<1x16xf32>
    tpu.vector_store %arg11[%swap3A_367, %swap3A_368], %swap3A_371 {strides = array<i32>} : memref<8x128xf32, #tpu.memory_space<vmem>>, vector<1x16xf32>,
    %swap3A_372 = arith.constant 7 : i32
    %swap3A_373 = arith.index_cast %swap3A_372 : i32 to index
    %swap3A_374 = arith.constant 96 : index
    %swap3A_375 = tpu.vector_load %arg11[%swap3A_373, %swap3A_374] {strides = array<i32>} : memref<8x128xf32, #tpu.memory_space<vmem>>, vector<1x16xf32>,
    %swap3A_376 = vector.shape_cast %swap3A_375 : vector<1x16xf32> to vector<16xf32>
    %swap3A_377 = vector.shape_cast %broadcast_in_dim3A_0 : vector<16xf32> to vector<1x16xf32>
    tpu.vector_store %arg11[%swap3A_373, %swap3A_374], %swap3A_377 {strides = array<i32>} : memref<8x128xf32, #tpu.memory_space<vmem>>, vector<1x16xf32>,
    %swap3A_378 = arith.constant 7 : i32
    %swap3A_379 = arith.index_cast %swap3A_378 : i32 to index
    %swap3A_380 = arith.constant 112 : index
    %swap3A_381 = tpu.vector_load %arg11[%swap3A_379, %swap3A_380] {strides = array<i32>} : memref<8x128xf32, #tpu.memory_space<vmem>>, vector<1x16xf32>,
    %swap3A_382 = vector.shape_cast %swap3A_381 : vector<1x16xf32> to vector<16xf32>
    %swap3A_383 = vector.shape_cast %broadcast_in_dim3A_0 : vector<16xf32> to vector<1x16xf32>
    tpu.vector_store %arg11[%swap3A_379, %swap3A_380], %swap3A_383 {strides = array<i32>} : memref<8x128xf32, #tpu.memory_space<vmem>>, vector<1x16xf32>,
    %mul3A = arith.constant 5120 : i32
    %mul3A_384 = arith.muli %arg0, %mul3A : i32
    %iota3A = tpu.iota {dimensions = array<i32: 0>} : vector<16xi32>
    %and3A = arith.constant 7 : i32
    %and3A_385 = vector.broadcast %and3A : i32 to vector<16xi32>
    %and3A_386 = arith.andi %iota3A, %and3A_385 : vector<16xi32>
    %add3A = arith.constant 5120 : i32
    %add3A_387 = vector.broadcast %add3A : i32 to vector<16xi32>
    %add3A_388 = arith.addi %add3A_387, %and3A_386 : vector<16xi32>
    %run_scoped3A = arith.constant 0 : i32
    %run_scoped3A_389 = arith.constant 0 : i32
    "tpu.region"() ({
      %run_scoped3A_480 = tpu.sem_alloc : memref<!tpu.dma_semaphore, #tpu.memory_space<semaphore_mem>>
      %dma_start3A_481 = arith.constant 0 : i32
      %dma_start3A_482 = arith.constant 0 : i32
      %dma_start3A_483 = tpu.memref_slice %arg3[%run_scoped3A, %arg1, %run_scoped3A_389, %dma_start3A_481, %dma_start3A_482] : memref<2x16x2x125x80xi32, #tpu.memory_space<hbm>> -> memref<1x1x1x125x80xi32, #tpu.memory_space<hbm>>
      %dma_start3A_484 = tpu.memref_squeeze %dma_start3A_483 : memref<1x1x1x125x80xi32, #tpu.memory_space<hbm>> -> memref<125x80xi32, #tpu.memory_space<hbm>>
      %dma_start3A_485 = arith.constant 0 : i32
      %dma_start3A_486 = arith.constant 0 : i32
      %dma_start3A_487 = tpu.memref_slice %arg3[%run_scoped3A, %arg1, %run_scoped3A_389, %dma_start3A_485, %dma_start3A_486] : memref<2x16x2x125x80xi32, #tpu.memory_space<hbm>> -> memref<1x1x1x125x80xi32, #tpu.memory_space<hbm>>
      %dma_start3A_488 = tpu.memref_squeeze %dma_start3A_487 : memref<1x1x1x125x80xi32, #tpu.memory_space<hbm>> -> memref<125x80xi32, #tpu.memory_space<hbm>>
      tpu.enqueue_dma source(%dma_start3A_488 : memref<125x80xi32, #tpu.memory_space<hbm>>) target(%arg5 : memref<125x80xi32, #tpu.memory_space<vmem>>) target_semaphore(%run_scoped3A_480 : memref<!tpu.dma_semaphore, #tpu.memory_space<semaphore_mem>>)
      %dma_wait3A_489 = arith.constant 0 : i32
      %dma_wait3A_490 = arith.constant 0 : i32
      %dma_wait3A_491 = tpu.memref_slice %arg3[%run_scoped3A, %arg1, %run_scoped3A_389, %dma_wait3A_489, %dma_wait3A_490] : memref<2x16x2x125x80xi32, #tpu.memory_space<hbm>> -> memref<1x1x1x125x80xi32, #tpu.memory_space<hbm>>
      %dma_wait3A_492 = tpu.memref_squeeze %dma_wait3A_491 : memref<1x1x1x125x80xi32, #tpu.memory_space<hbm>> -> memref<125x80xi32, #tpu.memory_space<hbm>>
      %dma_wait3A_493 = arith.constant 0 : i32
      %dma_wait3A_494 = arith.constant 0 : i32
      %dma_wait3A_495 = tpu.memref_slice %arg3[%run_scoped3A, %arg1, %run_scoped3A_389, %dma_wait3A_493, %dma_wait3A_494] : memref<2x16x2x125x80xi32, #tpu.memory_space<hbm>> -> memref<1x1x1x125x80xi32, #tpu.memory_space<hbm>>
      %dma_wait3A_496 = tpu.memref_squeeze %dma_wait3A_495 : memref<1x1x1x125x80xi32, #tpu.memory_space<hbm>> -> memref<125x80xi32, #tpu.memory_space<hbm>>
      tpu.wait_dma2 semaphore(%run_scoped3A_480 : memref<!tpu.dma_semaphore, #tpu.memory_space<semaphore_mem>>) src(%dma_wait3A_496 : memref<125x80xi32, #tpu.memory_space<hbm>>) dst(%arg5 : memref<125x80xi32, #tpu.memory_space<vmem>>)
      tpu.yield
    }) : () -> ()
    %run_scoped3A_390 = arith.constant 1 : i32
    %run_scoped3A_391 = arith.constant 0 : i32
    "tpu.region"() ({
      %run_scoped3A_480 = tpu.sem_alloc : memref<!tpu.dma_semaphore, #tpu.memory_space<semaphore_mem>>
      %dma_start3A_481 = arith.constant 0 : i32
      %dma_start3A_482 = arith.constant 0 : i32
      %dma_start3A_483 = tpu.memref_slice %arg3[%run_scoped3A_390, %arg1, %run_scoped3A_391, %dma_start3A_481, %dma_start3A_482] : memref<2x16x2x125x80xi32, #tpu.memory_space<hbm>> -> memref<1x1x1x125x80xi32, #tpu.memory_space<hbm>>
      %dma_start3A_484 = tpu.memref_squeeze %dma_start3A_483 : memref<1x1x1x125x80xi32, #tpu.memory_space<hbm>> -> memref<125x80xi32, #tpu.memory_space<hbm>>
      %dma_start3A_485 = arith.constant 0 : i32
      %dma_start3A_486 = arith.constant 0 : i32
      %dma_start3A_487 = tpu.memref_slice %arg3[%run_scoped3A_390, %arg1, %run_scoped3A_391, %dma_start3A_485, %dma_start3A_486] : memref<2x16x2x125x80xi32, #tpu.memory_space<hbm>> -> memref<1x1x1x125x80xi32, #tpu.memory_space<hbm>>
      %dma_start3A_488 = tpu.memref_squeeze %dma_start3A_487 : memref<1x1x1x125x80xi32, #tpu.memory_space<hbm>> -> memref<125x80xi32, #tpu.memory_space<hbm>>
      tpu.enqueue_dma source(%dma_start3A_488 : memref<125x80xi32, #tpu.memory_space<hbm>>) target(%arg6 : memref<125x80xi32, #tpu.memory_space<vmem>>) target_semaphore(%run_scoped3A_480 : memref<!tpu.dma_semaphore, #tpu.memory_space<semaphore_mem>>)
      %dma_wait3A_489 = arith.constant 0 : i32
      %dma_wait3A_490 = arith.constant 0 : i32
      %dma_wait3A_491 = tpu.memref_slice %arg3[%run_scoped3A_390, %arg1, %run_scoped3A_391, %dma_wait3A_489, %dma_wait3A_490] : memref<2x16x2x125x80xi32, #tpu.memory_space<hbm>> -> memref<1x1x1x125x80xi32, #tpu.memory_space<hbm>>
      %dma_wait3A_492 = tpu.memref_squeeze %dma_wait3A_491 : memref<1x1x1x125x80xi32, #tpu.memory_space<hbm>> -> memref<125x80xi32, #tpu.memory_space<hbm>>
      %dma_wait3A_493 = arith.constant 0 : i32
      %dma_wait3A_494 = arith.constant 0 : i32
      %dma_wait3A_495 = tpu.memref_slice %arg3[%run_scoped3A_390, %arg1, %run_scoped3A_391, %dma_wait3A_493, %dma_wait3A_494] : memref<2x16x2x125x80xi32, #tpu.memory_space<hbm>> -> memref<1x1x1x125x80xi32, #tpu.memory_space<hbm>>
      %dma_wait3A_496 = tpu.memref_squeeze %dma_wait3A_495 : memref<1x1x1x125x80xi32, #tpu.memory_space<hbm>> -> memref<125x80xi32, #tpu.memory_space<hbm>>
      tpu.wait_dma2 semaphore(%run_scoped3A_480 : memref<!tpu.dma_semaphore, #tpu.memory_space<semaphore_mem>>) src(%dma_wait3A_496 : memref<125x80xi32, #tpu.memory_space<hbm>>) dst(%arg6 : memref<125x80xi32, #tpu.memory_space<vmem>>)
      tpu.yield
    }) : () -> ()
    %scan3A = arith.constant 0 : i32
    %scan3A_392 = arith.constant 0 : i32
    %scan3A_393 = arith.constant 125 : i32
    %scan3A_394 = arith.addi %scan3A_392, %scan3A_393 : i32
    %scan3A_395 = arith.constant 1 : i32
    %scan3A_396 = scf.for %scan3A_480 = %scan3A_392 to %scan3A_394 step %scan3A_395 iter_args(%scan3A_481 = %scan3A) -> (i32)  : i32 {
      %get3A = arith.index_cast %scan3A_480 : i32 to index
      %get3A_482 = arith.constant 0 : index
      %get3A_483 = tpu.vector_load %arg6[%get3A, %get3A_482] {strides = array<i32>} : memref<125x80xi32, #tpu.memory_space<vmem>>, vector<1x16xi32>,
      %get3A_484 = vector.shape_cast %get3A_483 : vector<1x16xi32> to vector<16xi32>
      %sub3A = vector.broadcast %mul3A_384 : i32 to vector<16xi32>
      %sub3A_485 = arith.subi %get3A_484, %sub3A : vector<16xi32>
      %ge3A = arith.constant 0 : i32
      %ge3A_486 = vector.broadcast %ge3A : i32 to vector<16xi32>
      %ge3A_487 = arith.cmpi sge, %sub3A_485, %ge3A_486 : vector<16xi32>
      %lt3A = arith.constant 5120 : i32
      %lt3A_488 = vector.broadcast %lt3A : i32 to vector<16xi32>
      %lt3A_489 = arith.cmpi slt, %sub3A_485, %lt3A_488 : vector<16xi32>
      %and3A_490 = arith.andi %ge3A_487, %lt3A_489 : vector<16xi1>
      %select_n3A = arith.select %and3A_490, %sub3A_485, %add3A_388 : vector<16xi1>, vector<16xi32>
      %swap3A_491 = arith.index_cast %scan3A_480 : i32 to index
      %swap3A_492 = arith.constant 0 : index
      %swap3A_493 = tpu.vector_load %arg6[%swap3A_491, %swap3A_492] {strides = array<i32>} : memref<125x80xi32, #tpu.memory_space<vmem>>, vector<1x16xi32>,
      %swap3A_494 = vector.shape_cast %swap3A_493 : vector<1x16xi32> to vector<16xi32>
      %swap3A_495 = vector.shape_cast %select_n3A : vector<16xi32> to vector<1x16xi32>
      tpu.vector_store %arg6[%swap3A_491, %swap3A_492], %swap3A_495 {strides = array<i32>} : memref<125x80xi32, #tpu.memory_space<vmem>>, vector<1x16xi32>,
      %get3A_496 = arith.index_cast %scan3A_480 : i32 to index
      %get3A_497 = arith.constant 16 : index
      %get3A_498 = tpu.vector_load %arg6[%get3A_496, %get3A_497] {strides = array<i32>} : memref<125x80xi32, #tpu.memory_space<vmem>>, vector<1x16xi32>,
      %get3A_499 = vector.shape_cast %get3A_498 : vector<1x16xi32> to vector<16xi32>
      %sub3A_500 = vector.broadcast %mul3A_384 : i32 to vector<16xi32>
      %sub3A_501 = arith.subi %get3A_499, %sub3A_500 : vector<16xi32>
      %ge3A_502 = arith.constant 0 : i32
      %ge3A_503 = vector.broadcast %ge3A_502 : i32 to vector<16xi32>
      %ge3A_504 = arith.cmpi sge, %sub3A_501, %ge3A_503 : vector<16xi32>
      %lt3A_505 = arith.constant 5120 : i32
      %lt3A_506 = vector.broadcast %lt3A_505 : i32 to vector<16xi32>
      %lt3A_507 = arith.cmpi slt, %sub3A_501, %lt3A_506 : vector<16xi32>
      %and3A_508 = arith.andi %ge3A_504, %lt3A_507 : vector<16xi1>
      %select_n3A_509 = arith.select %and3A_508, %sub3A_501, %add3A_388 : vector<16xi1>, vector<16xi32>
      %swap3A_510 = arith.index_cast %scan3A_480 : i32 to index
      %swap3A_511 = arith.constant 16 : index
      %swap3A_512 = tpu.vector_load %arg6[%swap3A_510, %swap3A_511] {strides = array<i32>} : memref<125x80xi32, #tpu.memory_space<vmem>>, vector<1x16xi32>,
      %swap3A_513 = vector.shape_cast %swap3A_512 : vector<1x16xi32> to vector<16xi32>
      %swap3A_514 = vector.shape_cast %select_n3A_509 : vector<16xi32> to vector<1x16xi32>
      tpu.vector_store %arg6[%swap3A_510, %swap3A_511], %swap3A_514 {strides = array<i32>} : memref<125x80xi32, #tpu.memory_space<vmem>>, vector<1x16xi32>,
      %get3A_515 = arith.index_cast %scan3A_480 : i32 to index
      %get3A_516 = arith.constant 32 : index
      %get3A_517 = tpu.vector_load %arg6[%get3A_515, %get3A_516] {strides = array<i32>} : memref<125x80xi32, #tpu.memory_space<vmem>>, vector<1x16xi32>,
      %get3A_518 = vector.shape_cast %get3A_517 : vector<1x16xi32> to vector<16xi32>
      %sub3A_519 = vector.broadcast %mul3A_384 : i32 to vector<16xi32>
      %sub3A_520 = arith.subi %get3A_518, %sub3A_519 : vector<16xi32>
      %ge3A_521 = arith.constant 0 : i32
      %ge3A_522 = vector.broadcast %ge3A_521 : i32 to vector<16xi32>
      %ge3A_523 = arith.cmpi sge, %sub3A_520, %ge3A_522 : vector<16xi32>
      %lt3A_524 = arith.constant 5120 : i32
      %lt3A_525 = vector.broadcast %lt3A_524 : i32 to vector<16xi32>
      %lt3A_526 = arith.cmpi slt, %sub3A_520, %lt3A_525 : vector<16xi32>
      %and3A_527 = arith.andi %ge3A_523, %lt3A_526 : vector<16xi1>
      %select_n3A_528 = arith.select %and3A_527, %sub3A_520, %add3A_388 : vector<16xi1>, vector<16xi32>
      %swap3A_529 = arith.index_cast %scan3A_480 : i32 to index
      %swap3A_530 = arith.constant 32 : index
      %swap3A_531 = tpu.vector_load %arg6[%swap3A_529, %swap3A_530] {strides = array<i32>} : memref<125x80xi32, #tpu.memory_space<vmem>>, vector<1x16xi32>,
      %swap3A_532 = vector.shape_cast %swap3A_531 : vector<1x16xi32> to vector<16xi32>
      %swap3A_533 = vector.shape_cast %select_n3A_528 : vector<16xi32> to vector<1x16xi32>
      tpu.vector_store %arg6[%swap3A_529, %swap3A_530], %swap3A_533 {strides = array<i32>} : memref<125x80xi32, #tpu.memory_space<vmem>>, vector<1x16xi32>,
      %get3A_534 = arith.index_cast %scan3A_480 : i32 to index
      %get3A_535 = arith.constant 48 : index
      %get3A_536 = tpu.vector_load %arg6[%get3A_534, %get3A_535] {strides = array<i32>} : memref<125x80xi32, #tpu.memory_space<vmem>>, vector<1x16xi32>,
      %get3A_537 = vector.shape_cast %get3A_536 : vector<1x16xi32> to vector<16xi32>
      %sub3A_538 = vector.broadcast %mul3A_384 : i32 to vector<16xi32>
      %sub3A_539 = arith.subi %get3A_537, %sub3A_538 : vector<16xi32>
      %ge3A_540 = arith.constant 0 : i32
      %ge3A_541 = vector.broadcast %ge3A_540 : i32 to vector<16xi32>
      %ge3A_542 = arith.cmpi sge, %sub3A_539, %ge3A_541 : vector<16xi32>
      %lt3A_543 = arith.constant 5120 : i32
      %lt3A_544 = vector.broadcast %lt3A_543 : i32 to vector<16xi32>
      %lt3A_545 = arith.cmpi slt, %sub3A_539, %lt3A_544 : vector<16xi32>
      %and3A_546 = arith.andi %ge3A_542, %lt3A_545 : vector<16xi1>
      %select_n3A_547 = arith.select %and3A_546, %sub3A_539, %add3A_388 : vector<16xi1>, vector<16xi32>
      %swap3A_548 = arith.index_cast %scan3A_480 : i32 to index
      %swap3A_549 = arith.constant 48 : index
      %swap3A_550 = tpu.vector_load %arg6[%swap3A_548, %swap3A_549] {strides = array<i32>} : memref<125x80xi32, #tpu.memory_space<vmem>>, vector<1x16xi32>,
      %swap3A_551 = vector.shape_cast %swap3A_550 : vector<1x16xi32> to vector<16xi32>
      %swap3A_552 = vector.shape_cast %select_n3A_547 : vector<16xi32> to vector<1x16xi32>
      tpu.vector_store %arg6[%swap3A_548, %swap3A_549], %swap3A_552 {strides = array<i32>} : memref<125x80xi32, #tpu.memory_space<vmem>>, vector<1x16xi32>,
      %get3A_553 = arith.index_cast %scan3A_480 : i32 to index
      %get3A_554 = arith.constant 64 : index
      %get3A_555 = tpu.vector_load %arg6[%get3A_553, %get3A_554] {strides = array<i32>} : memref<125x80xi32, #tpu.memory_space<vmem>>, vector<1x16xi32>,
      %get3A_556 = vector.shape_cast %get3A_555 : vector<1x16xi32> to vector<16xi32>
      %sub3A_557 = vector.broadcast %mul3A_384 : i32 to vector<16xi32>
      %sub3A_558 = arith.subi %get3A_556, %sub3A_557 : vector<16xi32>
      %ge3A_559 = arith.constant 0 : i32
      %ge3A_560 = vector.broadcast %ge3A_559 : i32 to vector<16xi32>
      %ge3A_561 = arith.cmpi sge, %sub3A_558, %ge3A_560 : vector<16xi32>
      %lt3A_562 = arith.constant 5120 : i32
      %lt3A_563 = vector.broadcast %lt3A_562 : i32 to vector<16xi32>
      %lt3A_564 = arith.cmpi slt, %sub3A_558, %lt3A_563 : vector<16xi32>
      %and3A_565 = arith.andi %ge3A_561, %lt3A_564 : vector<16xi1>
      %select_n3A_566 = arith.select %and3A_565, %sub3A_558, %add3A_388 : vector<16xi1>, vector<16xi32>
      %swap3A_567 = arith.index_cast %scan3A_480 : i32 to index
      %swap3A_568 = arith.constant 64 : index
      %swap3A_569 = tpu.vector_load %arg6[%swap3A_567, %swap3A_568] {strides = array<i32>} : memref<125x80xi32, #tpu.memory_space<vmem>>, vector<1x16xi32>,
      %swap3A_570 = vector.shape_cast %swap3A_569 : vector<1x16xi32> to vector<16xi32>
      %swap3A_571 = vector.shape_cast %select_n3A_566 : vector<16xi32> to vector<1x16xi32>
      tpu.vector_store %arg6[%swap3A_567, %swap3A_568], %swap3A_571 {strides = array<i32>} : memref<125x80xi32, #tpu.memory_space<vmem>>, vector<1x16xi32>,
      %scan3A_572 = arith.constant 0 : i32
      scf.yield %scan3A_572 : i32
    }
    %scan3A_397 = arith.constant 125 : i32
    %scan3A_398 = arith.constant 0 : i32
    %scan3A_399 = arith.constant 0 : i32
    %scan3A_400 = arith.constant 41 : i32
    %scan3A_401 = arith.addi %scan3A_399, %scan3A_400 : i32
    %scan3A_402 = arith.constant 1 : i32
    %scan3A_403 = scf.for %scan3A_480 = %scan3A_399 to %scan3A_401 step %scan3A_402 iter_args(%scan3A_481 = %scan3A_398) -> (i32)  : i32 {
      %mul3A_482 = arith.constant 320 : i32
      %mul3A_483 = arith.muli %arg1, %mul3A_482 : i32
      %mul3A_484 = arith.constant 8 : i32
      %mul3A_485 = arith.muli %scan3A_480, %mul3A_484 : i32
      %add3A_486 = arith.addi %mul3A_483, %mul3A_485 : i32
      "tpu.region"() ({
        %run_scoped3A_488 = tpu.sem_alloc : memref<!tpu.dma_semaphore, #tpu.memory_space<semaphore_mem>>
        %dma_start3A_489 = arith.constant 0 : i32
        %dma_start3A_490 = tpu.memref_slice %arg12[%add3A_486, %dma_start3A_489] : memref<5128x128xf32, #tpu.memory_space<vmem_shared>> -> memref<8x128xf32, #tpu.memory_space<vmem_shared>>
        %dma_start3A_491 = arith.constant 0 : i32
        %dma_start3A_492 = tpu.memref_slice %arg12[%add3A_486, %dma_start3A_491] : memref<5128x128xf32, #tpu.memory_space<vmem_shared>> -> memref<8x128xf32, #tpu.memory_space<vmem_shared>>
        tpu.enqueue_dma source(%arg11 : memref<8x128xf32, #tpu.memory_space<vmem>>) target(%dma_start3A_492 : memref<8x128xf32, #tpu.memory_space<vmem_shared>>) target_semaphore(%run_scoped3A_488 : memref<!tpu.dma_semaphore, #tpu.memory_space<semaphore_mem>>)
        %dma_wait3A_493 = arith.constant 0 : i32
        %dma_wait3A_494 = tpu.memref_slice %arg12[%add3A_486, %dma_wait3A_493] : memref<5128x128xf32, #tpu.memory_space<vmem_shared>> -> memref<8x128xf32, #tpu.memory_space<vmem_shared>>
        %dma_wait3A_495 = arith.constant 0 : i32
        %dma_wait3A_496 = tpu.memref_slice %arg12[%add3A_486, %dma_wait3A_495] : memref<5128x128xf32, #tpu.memory_space<vmem_shared>> -> memref<8x128xf32, #tpu.memory_space<vmem_shared>>
        tpu.wait_dma2 semaphore(%run_scoped3A_488 : memref<!tpu.dma_semaphore, #tpu.memory_space<semaphore_mem>>) src(%arg11 : memref<8x128xf32, #tpu.memory_space<vmem>>) dst(%dma_wait3A_496 : memref<8x128xf32, #tpu.memory_space<vmem_shared>>)
        tpu.yield
      }) : () -> ()
      %scan3A_487 = arith.constant 0 : i32
      scf.yield %scan3A_487 : i32
    }
    %scan3A_404 = arith.constant 41 : i32
    %barrier3A = arith.constant 0 : index
    tpu.barrier barrier_id(%barrier3A)
    %dma_start3A = arith.constant 0 : i32
    %dma_start3A_405 = arith.constant 0 : i32
    %dma_start3A_406 = tpu.memref_slice %arg5[%dma_start3A, %dma_start3A_405] : memref<125x80xi32, #tpu.memory_space<vmem>> -> memref<1x80xi32, #tpu.memory_space<vmem>>
    %dma_start3A_407 = tpu.memref_squeeze %dma_start3A_406 : memref<1x80xi32, #tpu.memory_space<vmem>> -> memref<80xi32, #tpu.memory_space<vmem>>
    %dma_start3A_408 = arith.constant 0 : i32
    %dma_start3A_409 = arith.constant 0 : i32
    %dma_start3A_410 = tpu.memref_slice %arg2[%dma_start3A_408, %dma_start3A_409] : memref<10000x128xf32, #tpu.memory_space<hbm>> -> memref<10000x128xf32, #tpu.memory_space<hbm>>
    tpu.enqueue_indirect_dma source(%dma_start3A_410 : memref<10000x128xf32, #tpu.memory_space<hbm>>) target(%arg7 : memref<80x128xf32, #tpu.memory_space<vmem>>) offsets(%dma_start3A_407 : memref<80xi32, #tpu.memory_space<vmem>>) semaphore(%arg13 : memref<!tpu.dma_semaphore, #tpu.memory_space<semaphore_mem>>)
    %dma_start3A_411 = arith.constant 1 : i32
    %dma_start3A_412 = arith.constant 0 : i32
    %dma_start3A_413 = tpu.memref_slice %arg5[%dma_start3A_411, %dma_start3A_412] : memref<125x80xi32, #tpu.memory_space<vmem>> -> memref<1x80xi32, #tpu.memory_space<vmem>>
    %dma_start3A_414 = tpu.memref_squeeze %dma_start3A_413 : memref<1x80xi32, #tpu.memory_space<vmem>> -> memref<80xi32, #tpu.memory_space<vmem>>
    %dma_start3A_415 = arith.constant 0 : i32
    %dma_start3A_416 = arith.constant 0 : i32
    %dma_start3A_417 = tpu.memref_slice %arg2[%dma_start3A_415, %dma_start3A_416] : memref<10000x128xf32, #tpu.memory_space<hbm>> -> memref<10000x128xf32, #tpu.memory_space<hbm>>
    tpu.enqueue_indirect_dma source(%dma_start3A_417 : memref<10000x128xf32, #tpu.memory_space<hbm>>) target(%arg8 : memref<80x128xf32, #tpu.memory_space<vmem>>) offsets(%dma_start3A_414 : memref<80xi32, #tpu.memory_space<vmem>>) semaphore(%arg14 : memref<!tpu.dma_semaphore, #tpu.memory_space<semaphore_mem>>)
    %scan3A_418 = arith.constant 0 : i32
    %scan3A_419 = arith.constant 0 : i32
    %scan3A_420 = arith.constant 31 : i32
    %scan3A_421 = arith.addi %scan3A_419, %scan3A_420 : i32
    %scan3A_422 = arith.constant 1 : i32
    %scan3A_423 = scf.for %scan3A_480 = %scan3A_419 to %scan3A_421 step %scan3A_422 iter_args(%scan3A_481 = %scan3A_418) -> (i32)  : i32 {
      %mul3A_482 = arith.constant 4 : i32
      %mul3A_483 = arith.muli %mul3A_482, %scan3A_480 : i32
      %dma_wait3A_484 = arith.constant 0 : i32
      %dma_wait3A_485 = tpu.memref_slice %arg5[%mul3A_483, %dma_wait3A_484] : memref<125x80xi32, #tpu.memory_space<vmem>> -> memref<1x80xi32, #tpu.memory_space<vmem>>
      %dma_wait3A_486 = tpu.memref_squeeze %dma_wait3A_485 : memref<1x80xi32, #tpu.memory_space<vmem>> -> memref<80xi32, #tpu.memory_space<vmem>>
      %dma_wait3A_487 = arith.constant 0 : i32
      %dma_wait3A_488 = arith.constant 0 : i32
      %dma_wait3A_489 = tpu.memref_slice %arg2[%dma_wait3A_487, %dma_wait3A_488] : memref<10000x128xf32, #tpu.memory_space<hbm>> -> memref<10000x128xf32, #tpu.memory_space<hbm>>
      tpu.wait_indirect_dma semaphore(%arg13 : memref<!tpu.dma_semaphore, #tpu.memory_space<semaphore_mem>>) src(%dma_wait3A_489 : memref<10000x128xf32, #tpu.memory_space<hbm>>) dst(%arg7 : memref<80x128xf32, #tpu.memory_space<vmem>>)
      "tpu.region"() ({
        %run_scoped3A_542 = tpu.sem_alloc : memref<!tpu.dma_semaphore, #tpu.memory_space<semaphore_mem>>
        %dma_start3A_543 = arith.constant 0 : i32
        %dma_start3A_544 = tpu.memref_slice %arg6[%mul3A_483, %dma_start3A_543] : memref<125x80xi32, #tpu.memory_space<vmem>> -> memref<1x80xi32, #tpu.memory_space<vmem>>
        %dma_start3A_545 = tpu.memref_squeeze %dma_start3A_544 : memref<1x80xi32, #tpu.memory_space<vmem>> -> memref<80xi32, #tpu.memory_space<vmem>>
        %dma_start3A_546 = arith.constant 0 : i32
        %dma_start3A_547 = arith.constant 0 : i32
        %dma_start3A_548 = tpu.memref_slice %arg12[%dma_start3A_546, %dma_start3A_547] : memref<5128x128xf32, #tpu.memory_space<vmem_shared>> -> memref<5128x128xf32, #tpu.memory_space<vmem_shared>>
        tpu.enqueue_indirect_dma source(%arg7 : memref<80x128xf32, #tpu.memory_space<vmem>>) target(%dma_start3A_548 : memref<5128x128xf32, #tpu.memory_space<vmem_shared>>) offsets(%dma_start3A_545 : memref<80xi32, #tpu.memory_space<vmem>>) semaphore(%run_scoped3A_542 : memref<!tpu.dma_semaphore, #tpu.memory_space<semaphore_mem>>) {add = true}
        %dma_wait3A_549 = arith.constant 0 : i32
        %dma_wait3A_550 = tpu.memref_slice %arg6[%mul3A_483, %dma_wait3A_549] : memref<125x80xi32, #tpu.memory_space<vmem>> -> memref<1x80xi32, #tpu.memory_space<vmem>>
        %dma_wait3A_551 = tpu.memref_squeeze %dma_wait3A_550 : memref<1x80xi32, #tpu.memory_space<vmem>> -> memref<80xi32, #tpu.memory_space<vmem>>
        %dma_wait3A_552 = arith.constant 0 : i32
        %dma_wait3A_553 = arith.constant 0 : i32
        %dma_wait3A_554 = tpu.memref_slice %arg12[%dma_wait3A_552, %dma_wait3A_553] : memref<5128x128xf32, #tpu.memory_space<vmem_shared>> -> memref<5128x128xf32, #tpu.memory_space<vmem_shared>>
        tpu.wait_indirect_dma semaphore(%run_scoped3A_542 : memref<!tpu.dma_semaphore, #tpu.memory_space<semaphore_mem>>) src(%arg7 : memref<80x128xf32, #tpu.memory_space<vmem>>) dst(%dma_wait3A_554 : memref<5128x128xf32, #tpu.memory_space<vmem_shared>>)
        tpu.yield
      }) : () -> ()
      %add3A_490 = arith.constant 2 : i32
      %add3A_491 = arith.addi %mul3A_483, %add3A_490 : i32
      %dma_start3A_492 = arith.constant 0 : i32
      %dma_start3A_493 = tpu.memref_slice %arg5[%add3A_491, %dma_start3A_492] : memref<125x80xi32, #tpu.memory_space<vmem>> -> memref<1x80xi32, #tpu.memory_space<vmem>>
      %dma_start3A_494 = tpu.memref_squeeze %dma_start3A_493 : memref<1x80xi32, #tpu.memory_space<vmem>> -> memref<80xi32, #tpu.memory_space<vmem>>
      %dma_start3A_495 = arith.constant 0 : i32
      %dma_start3A_496 = arith.constant 0 : i32
      %dma_start3A_497 = tpu.memref_slice %arg2[%dma_start3A_495, %dma_start3A_496] : memref<10000x128xf32, #tpu.memory_space<hbm>> -> memref<10000x128xf32, #tpu.memory_space<hbm>>
      tpu.enqueue_indirect_dma source(%dma_start3A_497 : memref<10000x128xf32, #tpu.memory_space<hbm>>) target(%arg9 : memref<80x128xf32, #tpu.memory_space<vmem>>) offsets(%dma_start3A_494 : memref<80xi32, #tpu.memory_space<vmem>>) semaphore(%arg15 : memref<!tpu.dma_semaphore, #tpu.memory_space<semaphore_mem>>)
      %add3A_498 = arith.constant 1 : i32
      %add3A_499 = arith.addi %mul3A_483, %add3A_498 : i32
      %dma_wait3A_500 = arith.constant 0 : i32
      %dma_wait3A_501 = tpu.memref_slice %arg5[%add3A_499, %dma_wait3A_500] : memref<125x80xi32, #tpu.memory_space<vmem>> -> memref<1x80xi32, #tpu.memory_space<vmem>>
      %dma_wait3A_502 = tpu.memref_squeeze %dma_wait3A_501 : memref<1x80xi32, #tpu.memory_space<vmem>> -> memref<80xi32, #tpu.memory_space<vmem>>
      %dma_wait3A_503 = arith.constant 0 : i32
      %dma_wait3A_504 = arith.constant 0 : i32
      %dma_wait3A_505 = tpu.memref_slice %arg2[%dma_wait3A_503, %dma_wait3A_504] : memref<10000x128xf32, #tpu.memory_space<hbm>> -> memref<10000x128xf32, #tpu.memory_space<hbm>>
      tpu.wait_indirect_dma semaphore(%arg14 : memref<!tpu.dma_semaphore, #tpu.memory_space<semaphore_mem>>) src(%dma_wait3A_505 : memref<10000x128xf32, #tpu.memory_space<hbm>>) dst(%arg8 : memref<80x128xf32, #tpu.memory_space<vmem>>)
      "tpu.region"() ({
        %run_scoped3A_542 = tpu.sem_alloc : memref<!tpu.dma_semaphore, #tpu.memory_space<semaphore_mem>>
        %dma_start3A_543 = arith.constant 0 : i32
        %dma_start3A_544 = tpu.memref_slice %arg6[%add3A_499, %dma_start3A_543] : memref<125x80xi32, #tpu.memory_space<vmem>> -> memref<1x80xi32, #tpu.memory_space<vmem>>
        %dma_start3A_545 = tpu.memref_squeeze %dma_start3A_544 : memref<1x80xi32, #tpu.memory_space<vmem>> -> memref<80xi32, #tpu.memory_space<vmem>>
        %dma_start3A_546 = arith.constant 0 : i32
        %dma_start3A_547 = arith.constant 0 : i32
        %dma_start3A_548 = tpu.memref_slice %arg12[%dma_start3A_546, %dma_start3A_547] : memref<5128x128xf32, #tpu.memory_space<vmem_shared>> -> memref<5128x128xf32, #tpu.memory_space<vmem_shared>>
        tpu.enqueue_indirect_dma source(%arg8 : memref<80x128xf32, #tpu.memory_space<vmem>>) target(%dma_start3A_548 : memref<5128x128xf32, #tpu.memory_space<vmem_shared>>) offsets(%dma_start3A_545 : memref<80xi32, #tpu.memory_space<vmem>>) semaphore(%run_scoped3A_542 : memref<!tpu.dma_semaphore, #tpu.memory_space<semaphore_mem>>) {add = true}
        %dma_wait3A_549 = arith.constant 0 : i32
        %dma_wait3A_550 = tpu.memref_slice %arg6[%add3A_499, %dma_wait3A_549] : memref<125x80xi32, #tpu.memory_space<vmem>> -> memref<1x80xi32, #tpu.memory_space<vmem>>
        %dma_wait3A_551 = tpu.memref_squeeze %dma_wait3A_550 : memref<1x80xi32, #tpu.memory_space<vmem>> -> memref<80xi32, #tpu.memory_space<vmem>>
        %dma_wait3A_552 = arith.constant 0 : i32
        %dma_wait3A_553 = arith.constant 0 : i32
        %dma_wait3A_554 = tpu.memref_slice %arg12[%dma_wait3A_552, %dma_wait3A_553] : memref<5128x128xf32, #tpu.memory_space<vmem_shared>> -> memref<5128x128xf32, #tpu.memory_space<vmem_shared>>
        tpu.wait_indirect_dma semaphore(%run_scoped3A_542 : memref<!tpu.dma_semaphore, #tpu.memory_space<semaphore_mem>>) src(%arg8 : memref<80x128xf32, #tpu.memory_space<vmem>>) dst(%dma_wait3A_554 : memref<5128x128xf32, #tpu.memory_space<vmem_shared>>)
        tpu.yield
      }) : () -> ()
      %add3A_506 = arith.constant 3 : i32
      %add3A_507 = arith.addi %mul3A_483, %add3A_506 : i32
      %dma_start3A_508 = arith.constant 0 : i32
      %dma_start3A_509 = tpu.memref_slice %arg5[%add3A_507, %dma_start3A_508] : memref<125x80xi32, #tpu.memory_space<vmem>> -> memref<1x80xi32, #tpu.memory_space<vmem>>
      %dma_start3A_510 = tpu.memref_squeeze %dma_start3A_509 : memref<1x80xi32, #tpu.memory_space<vmem>> -> memref<80xi32, #tpu.memory_space<vmem>>
      %dma_start3A_511 = arith.constant 0 : i32
      %dma_start3A_512 = arith.constant 0 : i32
      %dma_start3A_513 = tpu.memref_slice %arg2[%dma_start3A_511, %dma_start3A_512] : memref<10000x128xf32, #tpu.memory_space<hbm>> -> memref<10000x128xf32, #tpu.memory_space<hbm>>
      tpu.enqueue_indirect_dma source(%dma_start3A_513 : memref<10000x128xf32, #tpu.memory_space<hbm>>) target(%arg10 : memref<80x128xf32, #tpu.memory_space<vmem>>) offsets(%dma_start3A_510 : memref<80xi32, #tpu.memory_space<vmem>>) semaphore(%arg16 : memref<!tpu.dma_semaphore, #tpu.memory_space<semaphore_mem>>)
      %add3A_514 = arith.constant 2 : i32
      %add3A_515 = arith.addi %mul3A_483, %add3A_514 : i32
      %dma_wait3A_516 = arith.constant 0 : i32
      %dma_wait3A_517 = tpu.memref_slice %arg5[%add3A_515, %dma_wait3A_516] : memref<125x80xi32, #tpu.memory_space<vmem>> -> memref<1x80xi32, #tpu.memory_space<vmem>>
      %dma_wait3A_518 = tpu.memref_squeeze %dma_wait3A_517 : memref<1x80xi32, #tpu.memory_space<vmem>> -> memref<80xi32, #tpu.memory_space<vmem>>
      %dma_wait3A_519 = arith.constant 0 : i32
      %dma_wait3A_520 = arith.constant 0 : i32
      %dma_wait3A_521 = tpu.memref_slice %arg2[%dma_wait3A_519, %dma_wait3A_520] : memref<10000x128xf32, #tpu.memory_space<hbm>> -> memref<10000x128xf32, #tpu.memory_space<hbm>>
      tpu.wait_indirect_dma semaphore(%arg15 : memref<!tpu.dma_semaphore, #tpu.memory_space<semaphore_mem>>) src(%dma_wait3A_521 : memref<10000x128xf32, #tpu.memory_space<hbm>>) dst(%arg9 : memref<80x128xf32, #tpu.memory_space<vmem>>)
      "tpu.region"() ({
        %run_scoped3A_542 = tpu.sem_alloc : memref<!tpu.dma_semaphore, #tpu.memory_space<semaphore_mem>>
        %dma_start3A_543 = arith.constant 0 : i32
        %dma_start3A_544 = tpu.memref_slice %arg6[%add3A_515, %dma_start3A_543] : memref<125x80xi32, #tpu.memory_space<vmem>> -> memref<1x80xi32, #tpu.memory_space<vmem>>
        %dma_start3A_545 = tpu.memref_squeeze %dma_start3A_544 : memref<1x80xi32, #tpu.memory_space<vmem>> -> memref<80xi32, #tpu.memory_space<vmem>>
        %dma_start3A_546 = arith.constant 0 : i32
        %dma_start3A_547 = arith.constant 0 : i32
        %dma_start3A_548 = tpu.memref_slice %arg12[%dma_start3A_546, %dma_start3A_547] : memref<5128x128xf32, #tpu.memory_space<vmem_shared>> -> memref<5128x128xf32, #tpu.memory_space<vmem_shared>>
        tpu.enqueue_indirect_dma source(%arg9 : memref<80x128xf32, #tpu.memory_space<vmem>>) target(%dma_start3A_548 : memref<5128x128xf32, #tpu.memory_space<vmem_shared>>) offsets(%dma_start3A_545 : memref<80xi32, #tpu.memory_space<vmem>>) semaphore(%run_scoped3A_542 : memref<!tpu.dma_semaphore, #tpu.memory_space<semaphore_mem>>) {add = true}
        %dma_wait3A_549 = arith.constant 0 : i32
        %dma_wait3A_550 = tpu.memref_slice %arg6[%add3A_515, %dma_wait3A_549] : memref<125x80xi32, #tpu.memory_space<vmem>> -> memref<1x80xi32, #tpu.memory_space<vmem>>
        %dma_wait3A_551 = tpu.memref_squeeze %dma_wait3A_550 : memref<1x80xi32, #tpu.memory_space<vmem>> -> memref<80xi32, #tpu.memory_space<vmem>>
        %dma_wait3A_552 = arith.constant 0 : i32
        %dma_wait3A_553 = arith.constant 0 : i32
        %dma_wait3A_554 = tpu.memref_slice %arg12[%dma_wait3A_552, %dma_wait3A_553] : memref<5128x128xf32, #tpu.memory_space<vmem_shared>> -> memref<5128x128xf32, #tpu.memory_space<vmem_shared>>
        tpu.wait_indirect_dma semaphore(%run_scoped3A_542 : memref<!tpu.dma_semaphore, #tpu.memory_space<semaphore_mem>>) src(%arg9 : memref<80x128xf32, #tpu.memory_space<vmem>>) dst(%dma_wait3A_554 : memref<5128x128xf32, #tpu.memory_space<vmem_shared>>)
        tpu.yield
      }) : () -> ()
      %add3A_522 = arith.constant 4 : i32
      %add3A_523 = arith.addi %mul3A_483, %add3A_522 : i32
      %lt3A = arith.constant 125 : i32
      %lt3A_524 = arith.cmpi slt, %add3A_523, %lt3A : i32
      %convert_element_type3A = arith.extui %lt3A_524 : i1 to i32
      %cond3A = arith.constant 0 : i32
      %cond3A_525 = arith.cmpi ne, %convert_element_type3A, %cond3A : i32
      scf.if %cond3A_525 {
        %add3A_542 = arith.constant 4 : i32
        %add3A_543 = arith.addi %mul3A_483, %add3A_542 : i32
        %dma_start3A_544 = arith.constant 0 : i32
        %dma_start3A_545 = tpu.memref_slice %arg5[%add3A_543, %dma_start3A_544] : memref<125x80xi32, #tpu.memory_space<vmem>> -> memref<1x80xi32, #tpu.memory_space<vmem>>
        %dma_start3A_546 = tpu.memref_squeeze %dma_start3A_545 : memref<1x80xi32, #tpu.memory_space<vmem>> -> memref<80xi32, #tpu.memory_space<vmem>>
        %dma_start3A_547 = arith.constant 0 : i32
        %dma_start3A_548 = arith.constant 0 : i32
        %dma_start3A_549 = tpu.memref_slice %arg2[%dma_start3A_547, %dma_start3A_548] : memref<10000x128xf32, #tpu.memory_space<hbm>> -> memref<10000x128xf32, #tpu.memory_space<hbm>>
        tpu.enqueue_indirect_dma source(%dma_start3A_549 : memref<10000x128xf32, #tpu.memory_space<hbm>>) target(%arg7 : memref<80x128xf32, #tpu.memory_space<vmem>>) offsets(%dma_start3A_546 : memref<80xi32, #tpu.memory_space<vmem>>) semaphore(%arg13 : memref<!tpu.dma_semaphore, #tpu.memory_space<semaphore_mem>>)
      } else {
      }
      %add3A_526 = arith.constant 3 : i32
      %add3A_527 = arith.addi %mul3A_483, %add3A_526 : i32
      %dma_wait3A_528 = arith.constant 0 : i32
      %dma_wait3A_529 = tpu.memref_slice %arg5[%add3A_527, %dma_wait3A_528] : memref<125x80xi32, #tpu.memory_space<vmem>> -> memref<1x80xi32, #tpu.memory_space<vmem>>
      %dma_wait3A_530 = tpu.memref_squeeze %dma_wait3A_529 : memref<1x80xi32, #tpu.memory_space<vmem>> -> memref<80xi32, #tpu.memory_space<vmem>>
      %dma_wait3A_531 = arith.constant 0 : i32
      %dma_wait3A_532 = arith.constant 0 : i32
      %dma_wait3A_533 = tpu.memref_slice %arg2[%dma_wait3A_531, %dma_wait3A_532] : memref<10000x128xf32, #tpu.memory_space<hbm>> -> memref<10000x128xf32, #tpu.memory_space<hbm>>
      tpu.wait_indirect_dma semaphore(%arg16 : memref<!tpu.dma_semaphore, #tpu.memory_space<semaphore_mem>>) src(%dma_wait3A_533 : memref<10000x128xf32, #tpu.memory_space<hbm>>) dst(%arg10 : memref<80x128xf32, #tpu.memory_space<vmem>>)
      "tpu.region"() ({
        %run_scoped3A_542 = tpu.sem_alloc : memref<!tpu.dma_semaphore, #tpu.memory_space<semaphore_mem>>
        %dma_start3A_543 = arith.constant 0 : i32
        %dma_start3A_544 = tpu.memref_slice %arg6[%add3A_527, %dma_start3A_543] : memref<125x80xi32, #tpu.memory_space<vmem>> -> memref<1x80xi32, #tpu.memory_space<vmem>>
        %dma_start3A_545 = tpu.memref_squeeze %dma_start3A_544 : memref<1x80xi32, #tpu.memory_space<vmem>> -> memref<80xi32, #tpu.memory_space<vmem>>
        %dma_start3A_546 = arith.constant 0 : i32
        %dma_start3A_547 = arith.constant 0 : i32
        %dma_start3A_548 = tpu.memref_slice %arg12[%dma_start3A_546, %dma_start3A_547] : memref<5128x128xf32, #tpu.memory_space<vmem_shared>> -> memref<5128x128xf32, #tpu.memory_space<vmem_shared>>
        tpu.enqueue_indirect_dma source(%arg10 : memref<80x128xf32, #tpu.memory_space<vmem>>) target(%dma_start3A_548 : memref<5128x128xf32, #tpu.memory_space<vmem_shared>>) offsets(%dma_start3A_545 : memref<80xi32, #tpu.memory_space<vmem>>) semaphore(%run_scoped3A_542 : memref<!tpu.dma_semaphore, #tpu.memory_space<semaphore_mem>>) {add = true}
        %dma_wait3A_549 = arith.constant 0 : i32
        %dma_wait3A_550 = tpu.memref_slice %arg6[%add3A_527, %dma_wait3A_549] : memref<125x80xi32, #tpu.memory_space<vmem>> -> memref<1x80xi32, #tpu.memory_space<vmem>>
        %dma_wait3A_551 = tpu.memref_squeeze %dma_wait3A_550 : memref<1x80xi32, #tpu.memory_space<vmem>> -> memref<80xi32, #tpu.memory_space<vmem>>
        %dma_wait3A_552 = arith.constant 0 : i32
        %dma_wait3A_553 = arith.constant 0 : i32
        %dma_wait3A_554 = tpu.memref_slice %arg12[%dma_wait3A_552, %dma_wait3A_553] : memref<5128x128xf32, #tpu.memory_space<vmem_shared>> -> memref<5128x128xf32, #tpu.memory_space<vmem_shared>>
        tpu.wait_indirect_dma semaphore(%run_scoped3A_542 : memref<!tpu.dma_semaphore, #tpu.memory_space<semaphore_mem>>) src(%arg10 : memref<80x128xf32, #tpu.memory_space<vmem>>) dst(%dma_wait3A_554 : memref<5128x128xf32, #tpu.memory_space<vmem_shared>>)
        tpu.yield
      }) : () -> ()
      %add3A_534 = arith.constant 5 : i32
      %add3A_535 = arith.addi %mul3A_483, %add3A_534 : i32
      %lt3A_536 = arith.constant 125 : i32
      %lt3A_537 = arith.cmpi slt, %add3A_535, %lt3A_536 : i32
      %convert_element_type3A_538 = arith.extui %lt3A_537 : i1 to i32
      %cond3A_539 = arith.constant 0 : i32
      %cond3A_540 = arith.cmpi ne, %convert_element_type3A_538, %cond3A_539 : i32
      scf.if %cond3A_540 {
        %add3A_542 = arith.constant 5 : i32
        %add3A_543 = arith.addi %mul3A_483, %add3A_542 : i32
        %dma_start3A_544 = arith.constant 0 : i32
        %dma_start3A_545 = tpu.memref_slice %arg5[%add3A_543, %dma_start3A_544] : memref<125x80xi32, #tpu.memory_space<vmem>> -> memref<1x80xi32, #tpu.memory_space<vmem>>
        %dma_start3A_546 = tpu.memref_squeeze %dma_start3A_545 : memref<1x80xi32, #tpu.memory_space<vmem>> -> memref<80xi32, #tpu.memory_space<vmem>>
        %dma_start3A_547 = arith.constant 0 : i32
        %dma_start3A_548 = arith.constant 0 : i32
        %dma_start3A_549 = tpu.memref_slice %arg2[%dma_start3A_547, %dma_start3A_548] : memref<10000x128xf32, #tpu.memory_space<hbm>> -> memref<10000x128xf32, #tpu.memory_space<hbm>>
        tpu.enqueue_indirect_dma source(%dma_start3A_549 : memref<10000x128xf32, #tpu.memory_space<hbm>>) target(%arg8 : memref<80x128xf32, #tpu.memory_space<vmem>>) offsets(%dma_start3A_546 : memref<80xi32, #tpu.memory_space<vmem>>) semaphore(%arg14 : memref<!tpu.dma_semaphore, #tpu.memory_space<semaphore_mem>>)
      } else {
      }
      %scan3A_541 = arith.constant 0 : i32
      scf.yield %scan3A_541 : i32
    }
    %scan3A_424 = arith.constant 31 : i32
    %dma_wait3A = arith.constant 124 : i32
    %dma_wait3A_425 = arith.constant 0 : i32
    %dma_wait3A_426 = tpu.memref_slice %arg5[%dma_wait3A, %dma_wait3A_425] : memref<125x80xi32, #tpu.memory_space<vmem>> -> memref<1x80xi32, #tpu.memory_space<vmem>>
    %dma_wait3A_427 = tpu.memref_squeeze %dma_wait3A_426 : memref<1x80xi32, #tpu.memory_space<vmem>> -> memref<80xi32, #tpu.memory_space<vmem>>
    %dma_wait3A_428 = arith.constant 0 : i32
    %dma_wait3A_429 = arith.constant 0 : i32
    %dma_wait3A_430 = tpu.memref_slice %arg2[%dma_wait3A_428, %dma_wait3A_429] : memref<10000x128xf32, #tpu.memory_space<hbm>> -> memref<10000x128xf32, #tpu.memory_space<hbm>>
    tpu.wait_indirect_dma semaphore(%arg13 : memref<!tpu.dma_semaphore, #tpu.memory_space<semaphore_mem>>) src(%dma_wait3A_430 : memref<10000x128xf32, #tpu.memory_space<hbm>>) dst(%arg7 : memref<80x128xf32, #tpu.memory_space<vmem>>)
    %run_scoped3A_431 = arith.constant 124 : i32
    "tpu.region"() ({
      %run_scoped3A_480 = tpu.sem_alloc : memref<!tpu.dma_semaphore, #tpu.memory_space<semaphore_mem>>
      %dma_start3A_481 = arith.constant 0 : i32
      %dma_start3A_482 = tpu.memref_slice %arg6[%run_scoped3A_431, %dma_start3A_481] : memref<125x80xi32, #tpu.memory_space<vmem>> -> memref<1x80xi32, #tpu.memory_space<vmem>>
      %dma_start3A_483 = tpu.memref_squeeze %dma_start3A_482 : memref<1x80xi32, #tpu.memory_space<vmem>> -> memref<80xi32, #tpu.memory_space<vmem>>
      %dma_start3A_484 = arith.constant 0 : i32
      %dma_start3A_485 = arith.constant 0 : i32
      %dma_start3A_486 = tpu.memref_slice %arg12[%dma_start3A_484, %dma_start3A_485] : memref<5128x128xf32, #tpu.memory_space<vmem_shared>> -> memref<5128x128xf32, #tpu.memory_space<vmem_shared>>
      tpu.enqueue_indirect_dma source(%arg7 : memref<80x128xf32, #tpu.memory_space<vmem>>) target(%dma_start3A_486 : memref<5128x128xf32, #tpu.memory_space<vmem_shared>>) offsets(%dma_start3A_483 : memref<80xi32, #tpu.memory_space<vmem>>) semaphore(%run_scoped3A_480 : memref<!tpu.dma_semaphore, #tpu.memory_space<semaphore_mem>>) {add = true}
      %dma_wait3A_487 = arith.constant 0 : i32
      %dma_wait3A_488 = tpu.memref_slice %arg6[%run_scoped3A_431, %dma_wait3A_487] : memref<125x80xi32, #tpu.memory_space<vmem>> -> memref<1x80xi32, #tpu.memory_space<vmem>>
      %dma_wait3A_489 = tpu.memref_squeeze %dma_wait3A_488 : memref<1x80xi32, #tpu.memory_space<vmem>> -> memref<80xi32, #tpu.memory_space<vmem>>
      %dma_wait3A_490 = arith.constant 0 : i32
      %dma_wait3A_491 = arith.constant 0 : i32
      %dma_wait3A_492 = tpu.memref_slice %arg12[%dma_wait3A_490, %dma_wait3A_491] : memref<5128x128xf32, #tpu.memory_space<vmem_shared>> -> memref<5128x128xf32, #tpu.memory_space<vmem_shared>>
      tpu.wait_indirect_dma semaphore(%run_scoped3A_480 : memref<!tpu.dma_semaphore, #tpu.memory_space<semaphore_mem>>) src(%arg7 : memref<80x128xf32, #tpu.memory_space<vmem>>) dst(%dma_wait3A_492 : memref<5128x128xf32, #tpu.memory_space<vmem_shared>>)
      tpu.yield
    }) : () -> ()
    %run_scoped3A_432 = arith.constant 0 : i32
    %run_scoped3A_433 = arith.constant 1 : i32
    "tpu.region"() ({
      %run_scoped3A_480 = tpu.sem_alloc : memref<!tpu.dma_semaphore, #tpu.memory_space<semaphore_mem>>
      %dma_start3A_481 = arith.constant 0 : i32
      %dma_start3A_482 = arith.constant 0 : i32
      %dma_start3A_483 = tpu.memref_slice %arg3[%run_scoped3A_432, %arg1, %run_scoped3A_433, %dma_start3A_481, %dma_start3A_482] : memref<2x16x2x125x80xi32, #tpu.memory_space<hbm>> -> memref<1x1x1x125x80xi32, #tpu.memory_space<hbm>>
      %dma_start3A_484 = tpu.memref_squeeze %dma_start3A_483 : memref<1x1x1x125x80xi32, #tpu.memory_space<hbm>> -> memref<125x80xi32, #tpu.memory_space<hbm>>
      %dma_start3A_485 = arith.constant 0 : i32
      %dma_start3A_486 = arith.constant 0 : i32
      %dma_start3A_487 = tpu.memref_slice %arg3[%run_scoped3A_432, %arg1, %run_scoped3A_433, %dma_start3A_485, %dma_start3A_486] : memref<2x16x2x125x80xi32, #tpu.memory_space<hbm>> -> memref<1x1x1x125x80xi32, #tpu.memory_space<hbm>>
      %dma_start3A_488 = tpu.memref_squeeze %dma_start3A_487 : memref<1x1x1x125x80xi32, #tpu.memory_space<hbm>> -> memref<125x80xi32, #tpu.memory_space<hbm>>
      tpu.enqueue_dma source(%dma_start3A_488 : memref<125x80xi32, #tpu.memory_space<hbm>>) target(%arg5 : memref<125x80xi32, #tpu.memory_space<vmem>>) target_semaphore(%run_scoped3A_480 : memref<!tpu.dma_semaphore, #tpu.memory_space<semaphore_mem>>)
      %dma_wait3A_489 = arith.constant 0 : i32
      %dma_wait3A_490 = arith.constant 0 : i32
      %dma_wait3A_491 = tpu.memref_slice %arg3[%run_scoped3A_432, %arg1, %run_scoped3A_433, %dma_wait3A_489, %dma_wait3A_490] : memref<2x16x2x125x80xi32, #tpu.memory_space<hbm>> -> memref<1x1x1x125x80xi32, #tpu.memory_space<hbm>>
      %dma_wait3A_492 = tpu.memref_squeeze %dma_wait3A_491 : memref<1x1x1x125x80xi32, #tpu.memory_space<hbm>> -> memref<125x80xi32, #tpu.memory_space<hbm>>
      %dma_wait3A_493 = arith.constant 0 : i32
      %dma_wait3A_494 = arith.constant 0 : i32
      %dma_wait3A_495 = tpu.memref_slice %arg3[%run_scoped3A_432, %arg1, %run_scoped3A_433, %dma_wait3A_493, %dma_wait3A_494] : memref<2x16x2x125x80xi32, #tpu.memory_space<hbm>> -> memref<1x1x1x125x80xi32, #tpu.memory_space<hbm>>
      %dma_wait3A_496 = tpu.memref_squeeze %dma_wait3A_495 : memref<1x1x1x125x80xi32, #tpu.memory_space<hbm>> -> memref<125x80xi32, #tpu.memory_space<hbm>>
      tpu.wait_dma2 semaphore(%run_scoped3A_480 : memref<!tpu.dma_semaphore, #tpu.memory_space<semaphore_mem>>) src(%dma_wait3A_496 : memref<125x80xi32, #tpu.memory_space<hbm>>) dst(%arg5 : memref<125x80xi32, #tpu.memory_space<vmem>>)
      tpu.yield
    }) : () -> ()
    %run_scoped3A_434 = arith.constant 1 : i32
    %run_scoped3A_435 = arith.constant 1 : i32
    "tpu.region"() ({
      %run_scoped3A_480 = tpu.sem_alloc : memref<!tpu.dma_semaphore, #tpu.memory_space<semaphore_mem>>
      %dma_start3A_481 = arith.constant 0 : i32
      %dma_start3A_482 = arith.constant 0 : i32
      %dma_start3A_483 = tpu.memref_slice %arg3[%run_scoped3A_434, %arg1, %run_scoped3A_435, %dma_start3A_481, %dma_start3A_482] : memref<2x16x2x125x80xi32, #tpu.memory_space<hbm>> -> memref<1x1x1x125x80xi32, #tpu.memory_space<hbm>>
      %dma_start3A_484 = tpu.memref_squeeze %dma_start3A_483 : memref<1x1x1x125x80xi32, #tpu.memory_space<hbm>> -> memref<125x80xi32, #tpu.memory_space<hbm>>
      %dma_start3A_485 = arith.constant 0 : i32
      %dma_start3A_486 = arith.constant 0 : i32
      %dma_start3A_487 = tpu.memref_slice %arg3[%run_scoped3A_434, %arg1, %run_scoped3A_435, %dma_start3A_485, %dma_start3A_486] : memref<2x16x2x125x80xi32, #tpu.memory_space<hbm>> -> memref<1x1x1x125x80xi32, #tpu.memory_space<hbm>>
      %dma_start3A_488 = tpu.memref_squeeze %dma_start3A_487 : memref<1x1x1x125x80xi32, #tpu.memory_space<hbm>> -> memref<125x80xi32, #tpu.memory_space<hbm>>
      tpu.enqueue_dma source(%dma_start3A_488 : memref<125x80xi32, #tpu.memory_space<hbm>>) target(%arg6 : memref<125x80xi32, #tpu.memory_space<vmem>>) target_semaphore(%run_scoped3A_480 : memref<!tpu.dma_semaphore, #tpu.memory_space<semaphore_mem>>)
      %dma_wait3A_489 = arith.constant 0 : i32
      %dma_wait3A_490 = arith.constant 0 : i32
      %dma_wait3A_491 = tpu.memref_slice %arg3[%run_scoped3A_434, %arg1, %run_scoped3A_435, %dma_wait3A_489, %dma_wait3A_490] : memref<2x16x2x125x80xi32, #tpu.memory_space<hbm>> -> memref<1x1x1x125x80xi32, #tpu.memory_space<hbm>>
      %dma_wait3A_492 = tpu.memref_squeeze %dma_wait3A_491 : memref<1x1x1x125x80xi32, #tpu.memory_space<hbm>> -> memref<125x80xi32, #tpu.memory_space<hbm>>
      %dma_wait3A_493 = arith.constant 0 : i32
      %dma_wait3A_494 = arith.constant 0 : i32
      %dma_wait3A_495 = tpu.memref_slice %arg3[%run_scoped3A_434, %arg1, %run_scoped3A_435, %dma_wait3A_493, %dma_wait3A_494] : memref<2x16x2x125x80xi32, #tpu.memory_space<hbm>> -> memref<1x1x1x125x80xi32, #tpu.memory_space<hbm>>
      %dma_wait3A_496 = tpu.memref_squeeze %dma_wait3A_495 : memref<1x1x1x125x80xi32, #tpu.memory_space<hbm>> -> memref<125x80xi32, #tpu.memory_space<hbm>>
      tpu.wait_dma2 semaphore(%run_scoped3A_480 : memref<!tpu.dma_semaphore, #tpu.memory_space<semaphore_mem>>) src(%dma_wait3A_496 : memref<125x80xi32, #tpu.memory_space<hbm>>) dst(%arg6 : memref<125x80xi32, #tpu.memory_space<vmem>>)
      tpu.yield
    }) : () -> ()
    %scan3A_436 = arith.constant 0 : i32
    %scan3A_437 = arith.constant 0 : i32
    %scan3A_438 = arith.constant 125 : i32
    %scan3A_439 = arith.addi %scan3A_437, %scan3A_438 : i32
    %scan3A_440 = arith.constant 1 : i32
    %scan3A_441 = scf.for %scan3A_480 = %scan3A_437 to %scan3A_439 step %scan3A_440 iter_args(%scan3A_481 = %scan3A_436) -> (i32)  : i32 {
      %get3A = arith.index_cast %scan3A_480 : i32 to index
      %get3A_482 = arith.constant 0 : index
      %get3A_483 = tpu.vector_load %arg6[%get3A, %get3A_482] {strides = array<i32>} : memref<125x80xi32, #tpu.memory_space<vmem>>, vector<1x16xi32>,
      %get3A_484 = vector.shape_cast %get3A_483 : vector<1x16xi32> to vector<16xi32>
      %sub3A = vector.broadcast %mul3A_384 : i32 to vector<16xi32>
      %sub3A_485 = arith.subi %get3A_484, %sub3A : vector<16xi32>
      %ge3A = arith.constant 0 : i32
      %ge3A_486 = vector.broadcast %ge3A : i32 to vector<16xi32>
      %ge3A_487 = arith.cmpi sge, %sub3A_485, %ge3A_486 : vector<16xi32>
      %lt3A = arith.constant 5120 : i32
      %lt3A_488 = vector.broadcast %lt3A : i32 to vector<16xi32>
      %lt3A_489 = arith.cmpi slt, %sub3A_485, %lt3A_488 : vector<16xi32>
      %and3A_490 = arith.andi %ge3A_487, %lt3A_489 : vector<16xi1>
      %select_n3A = arith.select %and3A_490, %sub3A_485, %add3A_388 : vector<16xi1>, vector<16xi32>
      %swap3A_491 = arith.index_cast %scan3A_480 : i32 to index
      %swap3A_492 = arith.constant 0 : index
      %swap3A_493 = tpu.vector_load %arg6[%swap3A_491, %swap3A_492] {strides = array<i32>} : memref<125x80xi32, #tpu.memory_space<vmem>>, vector<1x16xi32>,
      %swap3A_494 = vector.shape_cast %swap3A_493 : vector<1x16xi32> to vector<16xi32>
      %swap3A_495 = vector.shape_cast %select_n3A : vector<16xi32> to vector<1x16xi32>
      tpu.vector_store %arg6[%swap3A_491, %swap3A_492], %swap3A_495 {strides = array<i32>} : memref<125x80xi32, #tpu.memory_space<vmem>>, vector<1x16xi32>,
      %get3A_496 = arith.index_cast %scan3A_480 : i32 to index
      %get3A_497 = arith.constant 16 : index
      %get3A_498 = tpu.vector_load %arg6[%get3A_496, %get3A_497] {strides = array<i32>} : memref<125x80xi32, #tpu.memory_space<vmem>>, vector<1x16xi32>,
      %get3A_499 = vector.shape_cast %get3A_498 : vector<1x16xi32> to vector<16xi32>
      %sub3A_500 = vector.broadcast %mul3A_384 : i32 to vector<16xi32>
      %sub3A_501 = arith.subi %get3A_499, %sub3A_500 : vector<16xi32>
      %ge3A_502 = arith.constant 0 : i32
      %ge3A_503 = vector.broadcast %ge3A_502 : i32 to vector<16xi32>
      %ge3A_504 = arith.cmpi sge, %sub3A_501, %ge3A_503 : vector<16xi32>
      %lt3A_505 = arith.constant 5120 : i32
      %lt3A_506 = vector.broadcast %lt3A_505 : i32 to vector<16xi32>
      %lt3A_507 = arith.cmpi slt, %sub3A_501, %lt3A_506 : vector<16xi32>
      %and3A_508 = arith.andi %ge3A_504, %lt3A_507 : vector<16xi1>
      %select_n3A_509 = arith.select %and3A_508, %sub3A_501, %add3A_388 : vector<16xi1>, vector<16xi32>
      %swap3A_510 = arith.index_cast %scan3A_480 : i32 to index
      %swap3A_511 = arith.constant 16 : index
      %swap3A_512 = tpu.vector_load %arg6[%swap3A_510, %swap3A_511] {strides = array<i32>} : memref<125x80xi32, #tpu.memory_space<vmem>>, vector<1x16xi32>,
      %swap3A_513 = vector.shape_cast %swap3A_512 : vector<1x16xi32> to vector<16xi32>
      %swap3A_514 = vector.shape_cast %select_n3A_509 : vector<16xi32> to vector<1x16xi32>
      tpu.vector_store %arg6[%swap3A_510, %swap3A_511], %swap3A_514 {strides = array<i32>} : memref<125x80xi32, #tpu.memory_space<vmem>>, vector<1x16xi32>,
      %get3A_515 = arith.index_cast %scan3A_480 : i32 to index
      %get3A_516 = arith.constant 32 : index
      %get3A_517 = tpu.vector_load %arg6[%get3A_515, %get3A_516] {strides = array<i32>} : memref<125x80xi32, #tpu.memory_space<vmem>>, vector<1x16xi32>,
      %get3A_518 = vector.shape_cast %get3A_517 : vector<1x16xi32> to vector<16xi32>
      %sub3A_519 = vector.broadcast %mul3A_384 : i32 to vector<16xi32>
      %sub3A_520 = arith.subi %get3A_518, %sub3A_519 : vector<16xi32>
      %ge3A_521 = arith.constant 0 : i32
      %ge3A_522 = vector.broadcast %ge3A_521 : i32 to vector<16xi32>
      %ge3A_523 = arith.cmpi sge, %sub3A_520, %ge3A_522 : vector<16xi32>
      %lt3A_524 = arith.constant 5120 : i32
      %lt3A_525 = vector.broadcast %lt3A_524 : i32 to vector<16xi32>
      %lt3A_526 = arith.cmpi slt, %sub3A_520, %lt3A_525 : vector<16xi32>
      %and3A_527 = arith.andi %ge3A_523, %lt3A_526 : vector<16xi1>
      %select_n3A_528 = arith.select %and3A_527, %sub3A_520, %add3A_388 : vector<16xi1>, vector<16xi32>
      %swap3A_529 = arith.index_cast %scan3A_480 : i32 to index
      %swap3A_530 = arith.constant 32 : index
      %swap3A_531 = tpu.vector_load %arg6[%swap3A_529, %swap3A_530] {strides = array<i32>} : memref<125x80xi32, #tpu.memory_space<vmem>>, vector<1x16xi32>,
      %swap3A_532 = vector.shape_cast %swap3A_531 : vector<1x16xi32> to vector<16xi32>
      %swap3A_533 = vector.shape_cast %select_n3A_528 : vector<16xi32> to vector<1x16xi32>
      tpu.vector_store %arg6[%swap3A_529, %swap3A_530], %swap3A_533 {strides = array<i32>} : memref<125x80xi32, #tpu.memory_space<vmem>>, vector<1x16xi32>,
      %get3A_534 = arith.index_cast %scan3A_480 : i32 to index
      %get3A_535 = arith.constant 48 : index
      %get3A_536 = tpu.vector_load %arg6[%get3A_534, %get3A_535] {strides = array<i32>} : memref<125x80xi32, #tpu.memory_space<vmem>>, vector<1x16xi32>,
      %get3A_537 = vector.shape_cast %get3A_536 : vector<1x16xi32> to vector<16xi32>
      %sub3A_538 = vector.broadcast %mul3A_384 : i32 to vector<16xi32>
      %sub3A_539 = arith.subi %get3A_537, %sub3A_538 : vector<16xi32>
      %ge3A_540 = arith.constant 0 : i32
      %ge3A_541 = vector.broadcast %ge3A_540 : i32 to vector<16xi32>
      %ge3A_542 = arith.cmpi sge, %sub3A_539, %ge3A_541 : vector<16xi32>
      %lt3A_543 = arith.constant 5120 : i32
      %lt3A_544 = vector.broadcast %lt3A_543 : i32 to vector<16xi32>
      %lt3A_545 = arith.cmpi slt, %sub3A_539, %lt3A_544 : vector<16xi32>
      %and3A_546 = arith.andi %ge3A_542, %lt3A_545 : vector<16xi1>
      %select_n3A_547 = arith.select %and3A_546, %sub3A_539, %add3A_388 : vector<16xi1>, vector<16xi32>
      %swap3A_548 = arith.index_cast %scan3A_480 : i32 to index
      %swap3A_549 = arith.constant 48 : index
      %swap3A_550 = tpu.vector_load %arg6[%swap3A_548, %swap3A_549] {strides = array<i32>} : memref<125x80xi32, #tpu.memory_space<vmem>>, vector<1x16xi32>,
      %swap3A_551 = vector.shape_cast %swap3A_550 : vector<1x16xi32> to vector<16xi32>
      %swap3A_552 = vector.shape_cast %select_n3A_547 : vector<16xi32> to vector<1x16xi32>
      tpu.vector_store %arg6[%swap3A_548, %swap3A_549], %swap3A_552 {strides = array<i32>} : memref<125x80xi32, #tpu.memory_space<vmem>>, vector<1x16xi32>,
      %get3A_553 = arith.index_cast %scan3A_480 : i32 to index
      %get3A_554 = arith.constant 64 : index
      %get3A_555 = tpu.vector_load %arg6[%get3A_553, %get3A_554] {strides = array<i32>} : memref<125x80xi32, #tpu.memory_space<vmem>>, vector<1x16xi32>,
      %get3A_556 = vector.shape_cast %get3A_555 : vector<1x16xi32> to vector<16xi32>
      %sub3A_557 = vector.broadcast %mul3A_384 : i32 to vector<16xi32>
      %sub3A_558 = arith.subi %get3A_556, %sub3A_557 : vector<16xi32>
      %ge3A_559 = arith.constant 0 : i32
      %ge3A_560 = vector.broadcast %ge3A_559 : i32 to vector<16xi32>
      %ge3A_561 = arith.cmpi sge, %sub3A_558, %ge3A_560 : vector<16xi32>
      %lt3A_562 = arith.constant 5120 : i32
      %lt3A_563 = vector.broadcast %lt3A_562 : i32 to vector<16xi32>
      %lt3A_564 = arith.cmpi slt, %sub3A_558, %lt3A_563 : vector<16xi32>
      %and3A_565 = arith.andi %ge3A_561, %lt3A_564 : vector<16xi1>
      %select_n3A_566 = arith.select %and3A_565, %sub3A_558, %add3A_388 : vector<16xi1>, vector<16xi32>
      %swap3A_567 = arith.index_cast %scan3A_480 : i32 to index
      %swap3A_568 = arith.constant 64 : index
      %swap3A_569 = tpu.vector_load %arg6[%swap3A_567, %swap3A_568] {strides = array<i32>} : memref<125x80xi32, #tpu.memory_space<vmem>>, vector<1x16xi32>,
      %swap3A_570 = vector.shape_cast %swap3A_569 : vector<1x16xi32> to vector<16xi32>
      %swap3A_571 = vector.shape_cast %select_n3A_566 : vector<16xi32> to vector<1x16xi32>
      tpu.vector_store %arg6[%swap3A_567, %swap3A_568], %swap3A_571 {strides = array<i32>} : memref<125x80xi32, #tpu.memory_space<vmem>>, vector<1x16xi32>,
      %scan3A_572 = arith.constant 0 : i32
      scf.yield %scan3A_572 : i32
    }
    %scan3A_442 = arith.constant 125 : i32
    %dma_start3A_443 = arith.constant 0 : i32
    %dma_start3A_444 = arith.constant 0 : i32
    %dma_start3A_445 = tpu.memref_slice %arg5[%dma_start3A_443, %dma_start3A_444] : memref<125x80xi32, #tpu.memory_space<vmem>> -> memref<1x80xi32, #tpu.memory_space<vmem>>
    %dma_start3A_446 = tpu.memref_squeeze %dma_start3A_445 : memref<1x80xi32, #tpu.memory_space<vmem>> -> memref<80xi32, #tpu.memory_space<vmem>>
    %dma_start3A_447 = arith.constant 0 : i32
    %dma_start3A_448 = arith.constant 0 : i32
    %dma_start3A_449 = tpu.memref_slice %arg2[%dma_start3A_447, %dma_start3A_448] : memref<10000x128xf32, #tpu.memory_space<hbm>> -> memref<10000x128xf32, #tpu.memory_space<hbm>>
    tpu.enqueue_indirect_dma source(%dma_start3A_449 : memref<10000x128xf32, #tpu.memory_space<hbm>>) target(%arg7 : memref<80x128xf32, #tpu.memory_space<vmem>>) offsets(%dma_start3A_446 : memref<80xi32, #tpu.memory_space<vmem>>) semaphore(%arg13 : memref<!tpu.dma_semaphore, #tpu.memory_space<semaphore_mem>>)
    %dma_start3A_450 = arith.constant 1 : i32
    %dma_start3A_451 = arith.constant 0 : i32
    %dma_start3A_452 = tpu.memref_slice %arg5[%dma_start3A_450, %dma_start3A_451] : memref<125x80xi32, #tpu.memory_space<vmem>> -> memref<1x80xi32, #tpu.memory_space<vmem>>
    %dma_start3A_453 = tpu.memref_squeeze %dma_start3A_452 : memref<1x80xi32, #tpu.memory_space<vmem>> -> memref<80xi32, #tpu.memory_space<vmem>>
    %dma_start3A_454 = arith.constant 0 : i32
    %dma_start3A_455 = arith.constant 0 : i32
    %dma_start3A_456 = tpu.memref_slice %arg2[%dma_start3A_454, %dma_start3A_455] : memref<10000x128xf32, #tpu.memory_space<hbm>> -> memref<10000x128xf32, #tpu.memory_space<hbm>>
    tpu.enqueue_indirect_dma source(%dma_start3A_456 : memref<10000x128xf32, #tpu.memory_space<hbm>>) target(%arg8 : memref<80x128xf32, #tpu.memory_space<vmem>>) offsets(%dma_start3A_453 : memref<80xi32, #tpu.memory_space<vmem>>) semaphore(%arg14 : memref<!tpu.dma_semaphore, #tpu.memory_space<semaphore_mem>>)
    %scan3A_457 = arith.constant 0 : i32
    %scan3A_458 = arith.constant 0 : i32
    %scan3A_459 = arith.constant 31 : i32
    %scan3A_460 = arith.addi %scan3A_458, %scan3A_459 : i32
    %scan3A_461 = arith.constant 1 : i32
    %scan3A_462 = scf.for %scan3A_480 = %scan3A_458 to %scan3A_460 step %scan3A_461 iter_args(%scan3A_481 = %scan3A_457) -> (i32)  : i32 {
      %mul3A_482 = arith.constant 4 : i32
      %mul3A_483 = arith.muli %mul3A_482, %scan3A_480 : i32
      %dma_wait3A_484 = arith.constant 0 : i32
      %dma_wait3A_485 = tpu.memref_slice %arg5[%mul3A_483, %dma_wait3A_484] : memref<125x80xi32, #tpu.memory_space<vmem>> -> memref<1x80xi32, #tpu.memory_space<vmem>>
      %dma_wait3A_486 = tpu.memref_squeeze %dma_wait3A_485 : memref<1x80xi32, #tpu.memory_space<vmem>> -> memref<80xi32, #tpu.memory_space<vmem>>
      %dma_wait3A_487 = arith.constant 0 : i32
      %dma_wait3A_488 = arith.constant 0 : i32
      %dma_wait3A_489 = tpu.memref_slice %arg2[%dma_wait3A_487, %dma_wait3A_488] : memref<10000x128xf32, #tpu.memory_space<hbm>> -> memref<10000x128xf32, #tpu.memory_space<hbm>>
      tpu.wait_indirect_dma semaphore(%arg13 : memref<!tpu.dma_semaphore, #tpu.memory_space<semaphore_mem>>) src(%dma_wait3A_489 : memref<10000x128xf32, #tpu.memory_space<hbm>>) dst(%arg7 : memref<80x128xf32, #tpu.memory_space<vmem>>)
      "tpu.region"() ({
        %run_scoped3A_542 = tpu.sem_alloc : memref<!tpu.dma_semaphore, #tpu.memory_space<semaphore_mem>>
        %dma_start3A_543 = arith.constant 0 : i32
        %dma_start3A_544 = tpu.memref_slice %arg6[%mul3A_483, %dma_start3A_543] : memref<125x80xi32, #tpu.memory_space<vmem>> -> memref<1x80xi32, #tpu.memory_space<vmem>>
        %dma_start3A_545 = tpu.memref_squeeze %dma_start3A_544 : memref<1x80xi32, #tpu.memory_space<vmem>> -> memref<80xi32, #tpu.memory_space<vmem>>
        %dma_start3A_546 = arith.constant 0 : i32
        %dma_start3A_547 = arith.constant 0 : i32
        %dma_start3A_548 = tpu.memref_slice %arg12[%dma_start3A_546, %dma_start3A_547] : memref<5128x128xf32, #tpu.memory_space<vmem_shared>> -> memref<5128x128xf32, #tpu.memory_space<vmem_shared>>
        tpu.enqueue_indirect_dma source(%arg7 : memref<80x128xf32, #tpu.memory_space<vmem>>) target(%dma_start3A_548 : memref<5128x128xf32, #tpu.memory_space<vmem_shared>>) offsets(%dma_start3A_545 : memref<80xi32, #tpu.memory_space<vmem>>) semaphore(%run_scoped3A_542 : memref<!tpu.dma_semaphore, #tpu.memory_space<semaphore_mem>>) {add = true}
        %dma_wait3A_549 = arith.constant 0 : i32
        %dma_wait3A_550 = tpu.memref_slice %arg6[%mul3A_483, %dma_wait3A_549] : memref<125x80xi32, #tpu.memory_space<vmem>> -> memref<1x80xi32, #tpu.memory_space<vmem>>
        %dma_wait3A_551 = tpu.memref_squeeze %dma_wait3A_550 : memref<1x80xi32, #tpu.memory_space<vmem>> -> memref<80xi32, #tpu.memory_space<vmem>>
        %dma_wait3A_552 = arith.constant 0 : i32
        %dma_wait3A_553 = arith.constant 0 : i32
        %dma_wait3A_554 = tpu.memref_slice %arg12[%dma_wait3A_552, %dma_wait3A_553] : memref<5128x128xf32, #tpu.memory_space<vmem_shared>> -> memref<5128x128xf32, #tpu.memory_space<vmem_shared>>
        tpu.wait_indirect_dma semaphore(%run_scoped3A_542 : memref<!tpu.dma_semaphore, #tpu.memory_space<semaphore_mem>>) src(%arg7 : memref<80x128xf32, #tpu.memory_space<vmem>>) dst(%dma_wait3A_554 : memref<5128x128xf32, #tpu.memory_space<vmem_shared>>)
        tpu.yield
      }) : () -> ()
      %add3A_490 = arith.constant 2 : i32
      %add3A_491 = arith.addi %mul3A_483, %add3A_490 : i32
      %dma_start3A_492 = arith.constant 0 : i32
      %dma_start3A_493 = tpu.memref_slice %arg5[%add3A_491, %dma_start3A_492] : memref<125x80xi32, #tpu.memory_space<vmem>> -> memref<1x80xi32, #tpu.memory_space<vmem>>
      %dma_start3A_494 = tpu.memref_squeeze %dma_start3A_493 : memref<1x80xi32, #tpu.memory_space<vmem>> -> memref<80xi32, #tpu.memory_space<vmem>>
      %dma_start3A_495 = arith.constant 0 : i32
      %dma_start3A_496 = arith.constant 0 : i32
      %dma_start3A_497 = tpu.memref_slice %arg2[%dma_start3A_495, %dma_start3A_496] : memref<10000x128xf32, #tpu.memory_space<hbm>> -> memref<10000x128xf32, #tpu.memory_space<hbm>>
      tpu.enqueue_indirect_dma source(%dma_start3A_497 : memref<10000x128xf32, #tpu.memory_space<hbm>>) target(%arg9 : memref<80x128xf32, #tpu.memory_space<vmem>>) offsets(%dma_start3A_494 : memref<80xi32, #tpu.memory_space<vmem>>) semaphore(%arg15 : memref<!tpu.dma_semaphore, #tpu.memory_space<semaphore_mem>>)
      %add3A_498 = arith.constant 1 : i32
      %add3A_499 = arith.addi %mul3A_483, %add3A_498 : i32
      %dma_wait3A_500 = arith.constant 0 : i32
      %dma_wait3A_501 = tpu.memref_slice %arg5[%add3A_499, %dma_wait3A_500] : memref<125x80xi32, #tpu.memory_space<vmem>> -> memref<1x80xi32, #tpu.memory_space<vmem>>
      %dma_wait3A_502 = tpu.memref_squeeze %dma_wait3A_501 : memref<1x80xi32, #tpu.memory_space<vmem>> -> memref<80xi32, #tpu.memory_space<vmem>>
      %dma_wait3A_503 = arith.constant 0 : i32
      %dma_wait3A_504 = arith.constant 0 : i32
      %dma_wait3A_505 = tpu.memref_slice %arg2[%dma_wait3A_503, %dma_wait3A_504] : memref<10000x128xf32, #tpu.memory_space<hbm>> -> memref<10000x128xf32, #tpu.memory_space<hbm>>
      tpu.wait_indirect_dma semaphore(%arg14 : memref<!tpu.dma_semaphore, #tpu.memory_space<semaphore_mem>>) src(%dma_wait3A_505 : memref<10000x128xf32, #tpu.memory_space<hbm>>) dst(%arg8 : memref<80x128xf32, #tpu.memory_space<vmem>>)
      "tpu.region"() ({
        %run_scoped3A_542 = tpu.sem_alloc : memref<!tpu.dma_semaphore, #tpu.memory_space<semaphore_mem>>
        %dma_start3A_543 = arith.constant 0 : i32
        %dma_start3A_544 = tpu.memref_slice %arg6[%add3A_499, %dma_start3A_543] : memref<125x80xi32, #tpu.memory_space<vmem>> -> memref<1x80xi32, #tpu.memory_space<vmem>>
        %dma_start3A_545 = tpu.memref_squeeze %dma_start3A_544 : memref<1x80xi32, #tpu.memory_space<vmem>> -> memref<80xi32, #tpu.memory_space<vmem>>
        %dma_start3A_546 = arith.constant 0 : i32
        %dma_start3A_547 = arith.constant 0 : i32
        %dma_start3A_548 = tpu.memref_slice %arg12[%dma_start3A_546, %dma_start3A_547] : memref<5128x128xf32, #tpu.memory_space<vmem_shared>> -> memref<5128x128xf32, #tpu.memory_space<vmem_shared>>
        tpu.enqueue_indirect_dma source(%arg8 : memref<80x128xf32, #tpu.memory_space<vmem>>) target(%dma_start3A_548 : memref<5128x128xf32, #tpu.memory_space<vmem_shared>>) offsets(%dma_start3A_545 : memref<80xi32, #tpu.memory_space<vmem>>) semaphore(%run_scoped3A_542 : memref<!tpu.dma_semaphore, #tpu.memory_space<semaphore_mem>>) {add = true}
        %dma_wait3A_549 = arith.constant 0 : i32
        %dma_wait3A_550 = tpu.memref_slice %arg6[%add3A_499, %dma_wait3A_549] : memref<125x80xi32, #tpu.memory_space<vmem>> -> memref<1x80xi32, #tpu.memory_space<vmem>>
        %dma_wait3A_551 = tpu.memref_squeeze %dma_wait3A_550 : memref<1x80xi32, #tpu.memory_space<vmem>> -> memref<80xi32, #tpu.memory_space<vmem>>
        %dma_wait3A_552 = arith.constant 0 : i32
        %dma_wait3A_553 = arith.constant 0 : i32
        %dma_wait3A_554 = tpu.memref_slice %arg12[%dma_wait3A_552, %dma_wait3A_553] : memref<5128x128xf32, #tpu.memory_space<vmem_shared>> -> memref<5128x128xf32, #tpu.memory_space<vmem_shared>>
        tpu.wait_indirect_dma semaphore(%run_scoped3A_542 : memref<!tpu.dma_semaphore, #tpu.memory_space<semaphore_mem>>) src(%arg8 : memref<80x128xf32, #tpu.memory_space<vmem>>) dst(%dma_wait3A_554 : memref<5128x128xf32, #tpu.memory_space<vmem_shared>>)
        tpu.yield
      }) : () -> ()
      %add3A_506 = arith.constant 3 : i32
      %add3A_507 = arith.addi %mul3A_483, %add3A_506 : i32
      %dma_start3A_508 = arith.constant 0 : i32
      %dma_start3A_509 = tpu.memref_slice %arg5[%add3A_507, %dma_start3A_508] : memref<125x80xi32, #tpu.memory_space<vmem>> -> memref<1x80xi32, #tpu.memory_space<vmem>>
      %dma_start3A_510 = tpu.memref_squeeze %dma_start3A_509 : memref<1x80xi32, #tpu.memory_space<vmem>> -> memref<80xi32, #tpu.memory_space<vmem>>
      %dma_start3A_511 = arith.constant 0 : i32
      %dma_start3A_512 = arith.constant 0 : i32
      %dma_start3A_513 = tpu.memref_slice %arg2[%dma_start3A_511, %dma_start3A_512] : memref<10000x128xf32, #tpu.memory_space<hbm>> -> memref<10000x128xf32, #tpu.memory_space<hbm>>
      tpu.enqueue_indirect_dma source(%dma_start3A_513 : memref<10000x128xf32, #tpu.memory_space<hbm>>) target(%arg10 : memref<80x128xf32, #tpu.memory_space<vmem>>) offsets(%dma_start3A_510 : memref<80xi32, #tpu.memory_space<vmem>>) semaphore(%arg16 : memref<!tpu.dma_semaphore, #tpu.memory_space<semaphore_mem>>)
      %add3A_514 = arith.constant 2 : i32
      %add3A_515 = arith.addi %mul3A_483, %add3A_514 : i32
      %dma_wait3A_516 = arith.constant 0 : i32
      %dma_wait3A_517 = tpu.memref_slice %arg5[%add3A_515, %dma_wait3A_516] : memref<125x80xi32, #tpu.memory_space<vmem>> -> memref<1x80xi32, #tpu.memory_space<vmem>>
      %dma_wait3A_518 = tpu.memref_squeeze %dma_wait3A_517 : memref<1x80xi32, #tpu.memory_space<vmem>> -> memref<80xi32, #tpu.memory_space<vmem>>
      %dma_wait3A_519 = arith.constant 0 : i32
      %dma_wait3A_520 = arith.constant 0 : i32
      %dma_wait3A_521 = tpu.memref_slice %arg2[%dma_wait3A_519, %dma_wait3A_520] : memref<10000x128xf32, #tpu.memory_space<hbm>> -> memref<10000x128xf32, #tpu.memory_space<hbm>>
      tpu.wait_indirect_dma semaphore(%arg15 : memref<!tpu.dma_semaphore, #tpu.memory_space<semaphore_mem>>) src(%dma_wait3A_521 : memref<10000x128xf32, #tpu.memory_space<hbm>>) dst(%arg9 : memref<80x128xf32, #tpu.memory_space<vmem>>)
      "tpu.region"() ({
        %run_scoped3A_542 = tpu.sem_alloc : memref<!tpu.dma_semaphore, #tpu.memory_space<semaphore_mem>>
        %dma_start3A_543 = arith.constant 0 : i32
        %dma_start3A_544 = tpu.memref_slice %arg6[%add3A_515, %dma_start3A_543] : memref<125x80xi32, #tpu.memory_space<vmem>> -> memref<1x80xi32, #tpu.memory_space<vmem>>
        %dma_start3A_545 = tpu.memref_squeeze %dma_start3A_544 : memref<1x80xi32, #tpu.memory_space<vmem>> -> memref<80xi32, #tpu.memory_space<vmem>>
        %dma_start3A_546 = arith.constant 0 : i32
        %dma_start3A_547 = arith.constant 0 : i32
        %dma_start3A_548 = tpu.memref_slice %arg12[%dma_start3A_546, %dma_start3A_547] : memref<5128x128xf32, #tpu.memory_space<vmem_shared>> -> memref<5128x128xf32, #tpu.memory_space<vmem_shared>>
        tpu.enqueue_indirect_dma source(%arg9 : memref<80x128xf32, #tpu.memory_space<vmem>>) target(%dma_start3A_548 : memref<5128x128xf32, #tpu.memory_space<vmem_shared>>) offsets(%dma_start3A_545 : memref<80xi32, #tpu.memory_space<vmem>>) semaphore(%run_scoped3A_542 : memref<!tpu.dma_semaphore, #tpu.memory_space<semaphore_mem>>) {add = true}
        %dma_wait3A_549 = arith.constant 0 : i32
        %dma_wait3A_550 = tpu.memref_slice %arg6[%add3A_515, %dma_wait3A_549] : memref<125x80xi32, #tpu.memory_space<vmem>> -> memref<1x80xi32, #tpu.memory_space<vmem>>
        %dma_wait3A_551 = tpu.memref_squeeze %dma_wait3A_550 : memref<1x80xi32, #tpu.memory_space<vmem>> -> memref<80xi32, #tpu.memory_space<vmem>>
        %dma_wait3A_552 = arith.constant 0 : i32
        %dma_wait3A_553 = arith.constant 0 : i32
        %dma_wait3A_554 = tpu.memref_slice %arg12[%dma_wait3A_552, %dma_wait3A_553] : memref<5128x128xf32, #tpu.memory_space<vmem_shared>> -> memref<5128x128xf32, #tpu.memory_space<vmem_shared>>
        tpu.wait_indirect_dma semaphore(%run_scoped3A_542 : memref<!tpu.dma_semaphore, #tpu.memory_space<semaphore_mem>>) src(%arg9 : memref<80x128xf32, #tpu.memory_space<vmem>>) dst(%dma_wait3A_554 : memref<5128x128xf32, #tpu.memory_space<vmem_shared>>)
        tpu.yield
      }) : () -> ()
      %add3A_522 = arith.constant 4 : i32
      %add3A_523 = arith.addi %mul3A_483, %add3A_522 : i32
      %lt3A = arith.constant 125 : i32
      %lt3A_524 = arith.cmpi slt, %add3A_523, %lt3A : i32
      %convert_element_type3A = arith.extui %lt3A_524 : i1 to i32
      %cond3A = arith.constant 0 : i32
      %cond3A_525 = arith.cmpi ne, %convert_element_type3A, %cond3A : i32
      scf.if %cond3A_525 {
        %add3A_542 = arith.constant 4 : i32
        %add3A_543 = arith.addi %mul3A_483, %add3A_542 : i32
        %dma_start3A_544 = arith.constant 0 : i32
        %dma_start3A_545 = tpu.memref_slice %arg5[%add3A_543, %dma_start3A_544] : memref<125x80xi32, #tpu.memory_space<vmem>> -> memref<1x80xi32, #tpu.memory_space<vmem>>
        %dma_start3A_546 = tpu.memref_squeeze %dma_start3A_545 : memref<1x80xi32, #tpu.memory_space<vmem>> -> memref<80xi32, #tpu.memory_space<vmem>>
        %dma_start3A_547 = arith.constant 0 : i32
        %dma_start3A_548 = arith.constant 0 : i32
        %dma_start3A_549 = tpu.memref_slice %arg2[%dma_start3A_547, %dma_start3A_548] : memref<10000x128xf32, #tpu.memory_space<hbm>> -> memref<10000x128xf32, #tpu.memory_space<hbm>>
        tpu.enqueue_indirect_dma source(%dma_start3A_549 : memref<10000x128xf32, #tpu.memory_space<hbm>>) target(%arg7 : memref<80x128xf32, #tpu.memory_space<vmem>>) offsets(%dma_start3A_546 : memref<80xi32, #tpu.memory_space<vmem>>) semaphore(%arg13 : memref<!tpu.dma_semaphore, #tpu.memory_space<semaphore_mem>>)
      } else {
      }
      %add3A_526 = arith.constant 3 : i32
      %add3A_527 = arith.addi %mul3A_483, %add3A_526 : i32
      %dma_wait3A_528 = arith.constant 0 : i32
      %dma_wait3A_529 = tpu.memref_slice %arg5[%add3A_527, %dma_wait3A_528] : memref<125x80xi32, #tpu.memory_space<vmem>> -> memref<1x80xi32, #tpu.memory_space<vmem>>
      %dma_wait3A_530 = tpu.memref_squeeze %dma_wait3A_529 : memref<1x80xi32, #tpu.memory_space<vmem>> -> memref<80xi32, #tpu.memory_space<vmem>>
      %dma_wait3A_531 = arith.constant 0 : i32
      %dma_wait3A_532 = arith.constant 0 : i32
      %dma_wait3A_533 = tpu.memref_slice %arg2[%dma_wait3A_531, %dma_wait3A_532] : memref<10000x128xf32, #tpu.memory_space<hbm>> -> memref<10000x128xf32, #tpu.memory_space<hbm>>
      tpu.wait_indirect_dma semaphore(%arg16 : memref<!tpu.dma_semaphore, #tpu.memory_space<semaphore_mem>>) src(%dma_wait3A_533 : memref<10000x128xf32, #tpu.memory_space<hbm>>) dst(%arg10 : memref<80x128xf32, #tpu.memory_space<vmem>>)
      "tpu.region"() ({
        %run_scoped3A_542 = tpu.sem_alloc : memref<!tpu.dma_semaphore, #tpu.memory_space<semaphore_mem>>
        %dma_start3A_543 = arith.constant 0 : i32
        %dma_start3A_544 = tpu.memref_slice %arg6[%add3A_527, %dma_start3A_543] : memref<125x80xi32, #tpu.memory_space<vmem>> -> memref<1x80xi32, #tpu.memory_space<vmem>>
        %dma_start3A_545 = tpu.memref_squeeze %dma_start3A_544 : memref<1x80xi32, #tpu.memory_space<vmem>> -> memref<80xi32, #tpu.memory_space<vmem>>
        %dma_start3A_546 = arith.constant 0 : i32
        %dma_start3A_547 = arith.constant 0 : i32
        %dma_start3A_548 = tpu.memref_slice %arg12[%dma_start3A_546, %dma_start3A_547] : memref<5128x128xf32, #tpu.memory_space<vmem_shared>> -> memref<5128x128xf32, #tpu.memory_space<vmem_shared>>
        tpu.enqueue_indirect_dma source(%arg10 : memref<80x128xf32, #tpu.memory_space<vmem>>) target(%dma_start3A_548 : memref<5128x128xf32, #tpu.memory_space<vmem_shared>>) offsets(%dma_start3A_545 : memref<80xi32, #tpu.memory_space<vmem>>) semaphore(%run_scoped3A_542 : memref<!tpu.dma_semaphore, #tpu.memory_space<semaphore_mem>>) {add = true}
        %dma_wait3A_549 = arith.constant 0 : i32
        %dma_wait3A_550 = tpu.memref_slice %arg6[%add3A_527, %dma_wait3A_549] : memref<125x80xi32, #tpu.memory_space<vmem>> -> memref<1x80xi32, #tpu.memory_space<vmem>>
        %dma_wait3A_551 = tpu.memref_squeeze %dma_wait3A_550 : memref<1x80xi32, #tpu.memory_space<vmem>> -> memref<80xi32, #tpu.memory_space<vmem>>
        %dma_wait3A_552 = arith.constant 0 : i32
        %dma_wait3A_553 = arith.constant 0 : i32
        %dma_wait3A_554 = tpu.memref_slice %arg12[%dma_wait3A_552, %dma_wait3A_553] : memref<5128x128xf32, #tpu.memory_space<vmem_shared>> -> memref<5128x128xf32, #tpu.memory_space<vmem_shared>>
        tpu.wait_indirect_dma semaphore(%run_scoped3A_542 : memref<!tpu.dma_semaphore, #tpu.memory_space<semaphore_mem>>) src(%arg10 : memref<80x128xf32, #tpu.memory_space<vmem>>) dst(%dma_wait3A_554 : memref<5128x128xf32, #tpu.memory_space<vmem_shared>>)
        tpu.yield
      }) : () -> ()
      %add3A_534 = arith.constant 5 : i32
      %add3A_535 = arith.addi %mul3A_483, %add3A_534 : i32
      %lt3A_536 = arith.constant 125 : i32
      %lt3A_537 = arith.cmpi slt, %add3A_535, %lt3A_536 : i32
      %convert_element_type3A_538 = arith.extui %lt3A_537 : i1 to i32
      %cond3A_539 = arith.constant 0 : i32
      %cond3A_540 = arith.cmpi ne, %convert_element_type3A_538, %cond3A_539 : i32
      scf.if %cond3A_540 {
        %add3A_542 = arith.constant 5 : i32
        %add3A_543 = arith.addi %mul3A_483, %add3A_542 : i32
        %dma_start3A_544 = arith.constant 0 : i32
        %dma_start3A_545 = tpu.memref_slice %arg5[%add3A_543, %dma_start3A_544] : memref<125x80xi32, #tpu.memory_space<vmem>> -> memref<1x80xi32, #tpu.memory_space<vmem>>
        %dma_start3A_546 = tpu.memref_squeeze %dma_start3A_545 : memref<1x80xi32, #tpu.memory_space<vmem>> -> memref<80xi32, #tpu.memory_space<vmem>>
        %dma_start3A_547 = arith.constant 0 : i32
        %dma_start3A_548 = arith.constant 0 : i32
        %dma_start3A_549 = tpu.memref_slice %arg2[%dma_start3A_547, %dma_start3A_548] : memref<10000x128xf32, #tpu.memory_space<hbm>> -> memref<10000x128xf32, #tpu.memory_space<hbm>>
        tpu.enqueue_indirect_dma source(%dma_start3A_549 : memref<10000x128xf32, #tpu.memory_space<hbm>>) target(%arg8 : memref<80x128xf32, #tpu.memory_space<vmem>>) offsets(%dma_start3A_546 : memref<80xi32, #tpu.memory_space<vmem>>) semaphore(%arg14 : memref<!tpu.dma_semaphore, #tpu.memory_space<semaphore_mem>>)
      } else {
      }
      %scan3A_541 = arith.constant 0 : i32
      scf.yield %scan3A_541 : i32
    }
    %scan3A_463 = arith.constant 31 : i32
    %dma_wait3A_464 = arith.constant 124 : i32
    %dma_wait3A_465 = arith.constant 0 : i32
    %dma_wait3A_466 = tpu.memref_slice %arg5[%dma_wait3A_464, %dma_wait3A_465] : memref<125x80xi32, #tpu.memory_space<vmem>> -> memref<1x80xi32, #tpu.memory_space<vmem>>
    %dma_wait3A_467 = tpu.memref_squeeze %dma_wait3A_466 : memref<1x80xi32, #tpu.memory_space<vmem>> -> memref<80xi32, #tpu.memory_space<vmem>>
    %dma_wait3A_468 = arith.constant 0 : i32
    %dma_wait3A_469 = arith.constant 0 : i32
    %dma_wait3A_470 = tpu.memref_slice %arg2[%dma_wait3A_468, %dma_wait3A_469] : memref<10000x128xf32, #tpu.memory_space<hbm>> -> memref<10000x128xf32, #tpu.memory_space<hbm>>
    tpu.wait_indirect_dma semaphore(%arg13 : memref<!tpu.dma_semaphore, #tpu.memory_space<semaphore_mem>>) src(%dma_wait3A_470 : memref<10000x128xf32, #tpu.memory_space<hbm>>) dst(%arg7 : memref<80x128xf32, #tpu.memory_space<vmem>>)
    %run_scoped3A_471 = arith.constant 124 : i32
    "tpu.region"() ({
      %run_scoped3A_480 = tpu.sem_alloc : memref<!tpu.dma_semaphore, #tpu.memory_space<semaphore_mem>>
      %dma_start3A_481 = arith.constant 0 : i32
      %dma_start3A_482 = tpu.memref_slice %arg6[%run_scoped3A_471, %dma_start3A_481] : memref<125x80xi32, #tpu.memory_space<vmem>> -> memref<1x80xi32, #tpu.memory_space<vmem>>
      %dma_start3A_483 = tpu.memref_squeeze %dma_start3A_482 : memref<1x80xi32, #tpu.memory_space<vmem>> -> memref<80xi32, #tpu.memory_space<vmem>>
      %dma_start3A_484 = arith.constant 0 : i32
      %dma_start3A_485 = arith.constant 0 : i32
      %dma_start3A_486 = tpu.memref_slice %arg12[%dma_start3A_484, %dma_start3A_485] : memref<5128x128xf32, #tpu.memory_space<vmem_shared>> -> memref<5128x128xf32, #tpu.memory_space<vmem_shared>>
      tpu.enqueue_indirect_dma source(%arg7 : memref<80x128xf32, #tpu.memory_space<vmem>>) target(%dma_start3A_486 : memref<5128x128xf32, #tpu.memory_space<vmem_shared>>) offsets(%dma_start3A_483 : memref<80xi32, #tpu.memory_space<vmem>>) semaphore(%run_scoped3A_480 : memref<!tpu.dma_semaphore, #tpu.memory_space<semaphore_mem>>) {add = true}
      %dma_wait3A_487 = arith.constant 0 : i32
      %dma_wait3A_488 = tpu.memref_slice %arg6[%run_scoped3A_471, %dma_wait3A_487] : memref<125x80xi32, #tpu.memory_space<vmem>> -> memref<1x80xi32, #tpu.memory_space<vmem>>
      %dma_wait3A_489 = tpu.memref_squeeze %dma_wait3A_488 : memref<1x80xi32, #tpu.memory_space<vmem>> -> memref<80xi32, #tpu.memory_space<vmem>>
      %dma_wait3A_490 = arith.constant 0 : i32
      %dma_wait3A_491 = arith.constant 0 : i32
      %dma_wait3A_492 = tpu.memref_slice %arg12[%dma_wait3A_490, %dma_wait3A_491] : memref<5128x128xf32, #tpu.memory_space<vmem_shared>> -> memref<5128x128xf32, #tpu.memory_space<vmem_shared>>
      tpu.wait_indirect_dma semaphore(%run_scoped3A_480 : memref<!tpu.dma_semaphore, #tpu.memory_space<semaphore_mem>>) src(%arg7 : memref<80x128xf32, #tpu.memory_space<vmem>>) dst(%dma_wait3A_492 : memref<5128x128xf32, #tpu.memory_space<vmem_shared>>)
      tpu.yield
    }) : () -> ()
    %barrier3A_472 = arith.constant 0 : index
    tpu.barrier barrier_id(%barrier3A_472)
    %mul3A_473 = arith.constant 320 : i32
    %mul3A_474 = arith.muli %arg1, %mul3A_473 : i32
    %mul3A_475 = arith.constant 5120 : i32
    %mul3A_476 = arith.muli %arg0, %mul3A_475 : i32
    %mul3A_477 = arith.constant 320 : i32
    %mul3A_478 = arith.muli %arg1, %mul3A_477 : i32
    %add3A_479 = arith.addi %mul3A_476, %mul3A_478 : i32
    "tpu.region"() ({
      %run_scoped3A_480 = tpu.sem_alloc : memref<!tpu.dma_semaphore, #tpu.memory_space<semaphore_mem>>
      %dma_start3A_481 = arith.constant 0 : i32
      %dma_start3A_482 = tpu.memref_slice %arg4[%add3A_479, %dma_start3A_481] : memref<10240x128xf32, #tpu.memory_space<hbm>> -> memref<320x128xf32, #tpu.memory_space<hbm>>
      %dma_start3A_483 = arith.constant 0 : i32
      %dma_start3A_484 = tpu.memref_slice %arg12[%mul3A_474, %dma_start3A_483] : memref<5128x128xf32, #tpu.memory_space<vmem_shared>> -> memref<320x128xf32, #tpu.memory_space<vmem_shared>>
      tpu.enqueue_dma source(%dma_start3A_484 : memref<320x128xf32, #tpu.memory_space<vmem_shared>>) target(%dma_start3A_482 : memref<320x128xf32, #tpu.memory_space<hbm>>) target_semaphore(%run_scoped3A_480 : memref<!tpu.dma_semaphore, #tpu.memory_space<semaphore_mem>>)
      %dma_wait3A_485 = arith.constant 0 : i32
      %dma_wait3A_486 = tpu.memref_slice %arg4[%add3A_479, %dma_wait3A_485] : memref<10240x128xf32, #tpu.memory_space<hbm>> -> memref<320x128xf32, #tpu.memory_space<hbm>>
      %dma_wait3A_487 = arith.constant 0 : i32
      %dma_wait3A_488 = tpu.memref_slice %arg12[%mul3A_474, %dma_wait3A_487] : memref<5128x128xf32, #tpu.memory_space<vmem_shared>> -> memref<320x128xf32, #tpu.memory_space<vmem_shared>>
      tpu.wait_dma2 semaphore(%run_scoped3A_480 : memref<!tpu.dma_semaphore, #tpu.memory_space<semaphore_mem>>) src(%dma_wait3A_488 : memref<320x128xf32, #tpu.memory_space<vmem_shared>>) dst(%dma_wait3A_486 : memref<320x128xf32, #tpu.memory_space<hbm>>)
      tpu.yield
    }) : () -> ()
    return
  }
}

module attributes {stable_mosaic.version = 14 : i64} {
  func.func @_scale1_body(%arg0: memref<10000x128xf32, #tpu.memory_space<vmem>>, %arg1: memref<128x128xf32, #tpu.memory_space<vmem>>, %arg2: memref<10000x1xf32, #tpu.memory_space<vmem>>, %arg3: memref<10000x128xf32, #tpu.memory_space<vmem>>) attributes {dimension_semantics = [], scalar_prefetch = 0 : i64, scratch_operands = 0 : i64, tpu.core_type = #tpu.core_type<tc>} {
    %get3A = arith.constant 0 : index
    %get3A_0 = arith.constant 0 : index
    %get3A_1 = vector.load %arg2[%get3A, %get3A_0] : memref<10000x1xf32, #tpu.memory_space<vmem>>, vector<10000x1xf32>
    %max3A = arith.constant 1.000000e+00 : f32
    %max3A_2 = vector.broadcast %max3A : f32 to vector<10000x1xf32>
    %max3A_3 = arith.maximumf %get3A_1, %max3A_2 : vector<10000x1xf32>
    %rsqrt3A = math.rsqrt %max3A_3 : vector<10000x1xf32>
    %get3A_4 = arith.constant 0 : index
    %get3A_5 = arith.constant 0 : index
    %get3A_6 = vector.load %arg0[%get3A_4, %get3A_5] : memref<10000x128xf32, #tpu.memory_space<vmem>>, vector<10000x128xf32>
    %mul3A = vector.broadcast %rsqrt3A : vector<10000x1xf32> to vector<10000x128xf32>
    %mul3A_7 = arith.mulf %get3A_6, %mul3A : vector<10000x128xf32>
    %get3A_8 = arith.constant 0 : index
    %get3A_9 = arith.constant 0 : index
    %get3A_10 = vector.load %arg1[%get3A_8, %get3A_9] : memref<128x128xf32, #tpu.memory_space<vmem>>, vector<128x128xf32>
    %dot_general3A = arith.constant dense<0.000000e+00> : vector<10000x128xf32>
    %dot_general3A_11 = tpu.matmul %mul3A_7, %get3A_10, %dot_general3A {dimension_numbers = #tpu.dot_dimension_numbers<[1], [0], [0], [1], [0, 0, 1, 1], [], []>, precision = #tpu.contract_precision<fp32>, transpose_lhs_hint = false} : vector<10000x128xf32>, vector<128x128xf32>, vector<10000x128xf32> -> vector<10000x128xf32>
    %swap3A = arith.constant 0 : index
    %swap3A_12 = arith.constant 0 : index
    %swap3A_13 = vector.load %arg3[%swap3A, %swap3A_12] : memref<10000x128xf32, #tpu.memory_space<vmem>>, vector<10000x128xf32>
    tpu.vector_store %arg3[%swap3A, %swap3A_12], %dot_general3A_11 {strides = array<i32>} : memref<10000x128xf32, #tpu.memory_space<vmem>>, vector<10000x128xf32>,
    return
  }
}

module attributes {stable_mosaic.version = 14 : i64} {
  func.func @_mid_body(%arg0: memref<10240x128xf32, #tpu.memory_space<vmem>>, %arg1: memref<10000x1xf32, #tpu.memory_space<vmem>>, %arg2: memref<10000x1xf32, #tpu.memory_space<vmem>>, %arg3: memref<1x128xf32, #tpu.memory_space<vmem>>, %arg4: memref<128x128xf32, #tpu.memory_space<vmem>>, %arg5: memref<10000x128xf32, #tpu.memory_space<vmem>>) attributes {dimension_semantics = [], scalar_prefetch = 0 : i64, scratch_operands = 0 : i64, tpu.core_type = #tpu.core_type<tc>} {
    %get3A = arith.constant 0 : index
    %get3A_0 = arith.constant 0 : index
    %get3A_1 = vector.load %arg0[%get3A, %get3A_0] : memref<10240x128xf32, #tpu.memory_space<vmem>>, vector<10000x128xf32>
    %get3A_2 = arith.constant 0 : index
    %get3A_3 = arith.constant 0 : index
    %get3A_4 = vector.load %arg2[%get3A_2, %get3A_3] : memref<10000x1xf32, #tpu.memory_space<vmem>>, vector<10000x1xf32>
    %max3A = arith.constant 1.000000e+00 : f32
    %max3A_5 = vector.broadcast %max3A : f32 to vector<10000x1xf32>
    %max3A_6 = arith.maximumf %get3A_4, %max3A_5 : vector<10000x1xf32>
    %rsqrt3A = math.rsqrt %max3A_6 : vector<10000x1xf32>
    %mul3A = vector.broadcast %rsqrt3A : vector<10000x1xf32> to vector<10000x128xf32>
    %mul3A_7 = arith.mulf %get3A_1, %mul3A : vector<10000x128xf32>
    %get3A_8 = arith.constant 0 : index
    %get3A_9 = arith.constant 0 : index
    %get3A_10 = vector.load %arg3[%get3A_8, %get3A_9] : memref<1x128xf32, #tpu.memory_space<vmem>>, vector<1x128xf32>
    %add3A = vector.broadcast %get3A_10 : vector<1x128xf32> to vector<10000x128xf32>
    %add3A_11 = arith.addf %mul3A_7, %add3A : vector<10000x128xf32>
    %max3A_12 = arith.constant 0.000000e+00 : f32
    %max3A_13 = vector.broadcast %max3A_12 : f32 to vector<10000x128xf32>
    %max3A_14 = arith.maximumf %add3A_11, %max3A_13 : vector<10000x128xf32>
    %get3A_15 = arith.constant 0 : index
    %get3A_16 = arith.constant 0 : index
    %get3A_17 = vector.load %arg1[%get3A_15, %get3A_16] : memref<10000x1xf32, #tpu.memory_space<vmem>>, vector<10000x1xf32>
    %max3A_18 = arith.constant 1.000000e+00 : f32
    %max3A_19 = vector.broadcast %max3A_18 : f32 to vector<10000x1xf32>
    %max3A_20 = arith.maximumf %get3A_17, %max3A_19 : vector<10000x1xf32>
    %rsqrt3A_21 = math.rsqrt %max3A_20 : vector<10000x1xf32>
    %mul3A_22 = vector.broadcast %rsqrt3A_21 : vector<10000x1xf32> to vector<10000x128xf32>
    %mul3A_23 = arith.mulf %max3A_14, %mul3A_22 : vector<10000x128xf32>
    %get3A_24 = arith.constant 0 : index
    %get3A_25 = arith.constant 0 : index
    %get3A_26 = vector.load %arg4[%get3A_24, %get3A_25] : memref<128x128xf32, #tpu.memory_space<vmem>>, vector<128x128xf32>
    %dot_general3A = arith.constant dense<0.000000e+00> : vector<10000x128xf32>
    %dot_general3A_27 = tpu.matmul %mul3A_23, %get3A_26, %dot_general3A {dimension_numbers = #tpu.dot_dimension_numbers<[1], [0], [0], [1], [0, 0, 1, 1], [], []>, precision = #tpu.contract_precision<fp32>, transpose_lhs_hint = false} : vector<10000x128xf32>, vector<128x128xf32>, vector<10000x128xf32> -> vector<10000x128xf32>
    %swap3A = arith.constant 0 : index
    %swap3A_28 = arith.constant 0 : index
    %swap3A_29 = vector.load %arg5[%swap3A, %swap3A_28] : memref<10000x128xf32, #tpu.memory_space<vmem>>, vector<10000x128xf32>
    tpu.vector_store %arg5[%swap3A, %swap3A_28], %dot_general3A_27 {strides = array<i32>} : memref<10000x128xf32, #tpu.memory_space<vmem>>, vector<10000x128xf32>,
    return
  }
}

module attributes {stable_mosaic.version = 14 : i64} {
  func.func @_final_body(%arg0: memref<10240x128xf32, #tpu.memory_space<vmem>>, %arg1: memref<10000x1xf32, #tpu.memory_space<vmem>>, %arg2: memref<1x128xf32, #tpu.memory_space<vmem>>, %arg3: memref<10000x128xf32, #tpu.memory_space<vmem>>) attributes {dimension_semantics = [], scalar_prefetch = 0 : i64, scratch_operands = 0 : i64, tpu.core_type = #tpu.core_type<tc>} {
    %get3A = arith.constant 0 : index
    %get3A_0 = arith.constant 0 : index
    %get3A_1 = vector.load %arg0[%get3A, %get3A_0] : memref<10240x128xf32, #tpu.memory_space<vmem>>, vector<10000x128xf32>
    %get3A_2 = arith.constant 0 : index
    %get3A_3 = arith.constant 0 : index
    %get3A_4 = vector.load %arg1[%get3A_2, %get3A_3] : memref<10000x1xf32, #tpu.memory_space<vmem>>, vector<10000x1xf32>
    %max3A = arith.constant 1.000000e+00 : f32
    %max3A_5 = vector.broadcast %max3A : f32 to vector<10000x1xf32>
    %max3A_6 = arith.maximumf %get3A_4, %max3A_5 : vector<10000x1xf32>
    %rsqrt3A = math.rsqrt %max3A_6 : vector<10000x1xf32>
    %mul3A = vector.broadcast %rsqrt3A : vector<10000x1xf32> to vector<10000x128xf32>
    %mul3A_7 = arith.mulf %get3A_1, %mul3A : vector<10000x128xf32>
    %get3A_8 = arith.constant 0 : index
    %get3A_9 = arith.constant 0 : index
    %get3A_10 = vector.load %arg2[%get3A_8, %get3A_9] : memref<1x128xf32, #tpu.memory_space<vmem>>, vector<1x128xf32>
    %add3A = vector.broadcast %get3A_10 : vector<1x128xf32> to vector<10000x128xf32>
    %add3A_11 = arith.addf %mul3A_7, %add3A : vector<10000x128xf32>
    %swap3A = arith.constant 0 : index
    %swap3A_12 = arith.constant 0 : index
    %swap3A_13 = vector.load %arg3[%swap3A, %swap3A_12] : memref<10000x128xf32, #tpu.memory_space<vmem>>, vector<10000x128xf32>
    tpu.vector_store %arg3[%swap3A, %swap3A_12], %add3A_11 {strides = array<i32>} : memref<10000x128xf32, #tpu.memory_space<vmem>>, vector<10000x128xf32>,
    return
  }
}

</mosaic_0001>

<sc_bundles>
// kernel: kernel.11.cloned.1.call-start
scs
__scs_entry_jumppad:
0x0: {  	(pc) =	sbr.rel $0x88, $3  }
0x1: {  	(tag) =	ssettag $0x0;
	lr =	simm.s32 $0x1  }
0x2: {  	[smem:$0x3F9B] =	sst lr;
	_ =	strace $0xD0000000  }
0x3: {  	_ = 	snop  }
0x4: {  	_ = 	snop  }
0x5: {  	_ = 	snop  }
0x6: {  	_ = 	snop  }
0x7: {  	_ = 	snop  }
__scs_overlays_trampoline_lowered:
0x8: {  	[smem:$0x3FAA] =	sst s0  }
0x9: {  	[smem:$0x3FAB] =	sst s1  }
0xa: {  	[smem:$0x3FAC] =	sst s2  }
0xb: {  	[smem:$0x3FAD] =	sst s3  }
0xc: {  	[smem:$0x3FAE] =	sst s4  }
0xd: {  	[smem:$0x3FAF] =	sst s5  }
0xe: {  	[smem:$0x3FB0] =	sst s6  }
0xf: {  	[smem:$0x3FB1] =	sst s7  }
0x10: {  	[smem:$0x3FB2] =	sst s8  }
0x11: {  	[smem:$0x3FB3] =	sst s9;
	s0 =	simm.s32 @!p0 $0x0  }
0x12: {  	s1 =	sld [smem:$0x3F99];
	s0 =	simm.s32 @p0 $0x1  }
0x13: {  	[smem:$0x3FB4] =	sst s0;
	s0 =	simm.s32 @!p1 $0x0  }
0x14: {  	s2 =	sld [smem:$0x3F98];
	s0 =	simm.s32 @p1 $0x1  }
0x15: {  	[smem:$0x3FB5] =	sst s0;
	s0 =	simm.s32 @!p2 $0x0  }
0x16: {  	s3 =	sld [smem:$0x3FDB];
	s0 =	simm.s32 @p2 $0x1  }
0x17: {  	s4 =	simm.s32 $0x1BF5;
	[smem:$0x3FB7] =	sst s0  }
0x18: {  	s0 =	sld [smem:$0x3F9A];
	_ =	swait.ge [sflag:s4], $0x0  }
0x19: {  	s7 =	sld [smem:$0x3F9B]  }
0x1a: {  	s8 =	sadd.s32 $0xFFFFE003, lr  }
0x1b: {  	s9 =	sadd.s32 $0xFFFFFEF7, lr;
	s5 =	simm.s32 $0xFFFFFFFF;
	p2 =	slt.u32 s8, $0xFFFFF086  }
0x1c: {  	p1 =	slt.u32 s9, $0xF7A;
	s5 =	simm.s32 @!p2 $0x0  }
0x1d: {  	s5 =	simm.s32 @p1 $0x1;
	p0 =	seq.s32 s7, s2  }
0x1e: {  	s7 =	smul.u32 @!p0 $0xF7A, s2;
	p2 =	seq.s32 @!p0 s5, $0x0  }
0x1f: {  	s9 =	smul.u32 $0xF7A, s1;
	s8 =	simm.s32 @!p0 $0x1BF5;
	p2 =	por !p2, p0  }
0x20: {  	[sflag:s8] =	ssyncset.s32 @!p0 $0xFFFFF086;
	s6 =	sadd.s32 @!p0 s3, s7;
	s7 =	simm.s32 @!p0 $0x108  }
0x21: {  	s3 =	sadd.s32 s3, s9;
	s6 =	sadd.s32 @!p0 $0x88, s6;
	s7 =	simm.s32 @p2 $0x1082  }
0x22: {  	[simem:s7], [sflag:s8] =	dma.local @!p0 [hbm:s6], $0xF7A  }
0x23: {  	s9 =	sor.u32 $0xD0000000, s2;
	s6 =	simm.s32 $0x108;
	_ =	swait.ge @!p0 [sflag:s8], $0x0  }
0x24: {  	s3 =	sadd.s32 $0x88, s3;
	s6 =	simm.s32 @!p1 $0x1082;
	[sflag:s4] =	ssyncset.s32 $0xFFFFF086  }
0x25: {  	[simem:s6], [sflag:s4] =	dma.local [hbm:s3], $0xF7A  }
0x26: {  	[smem:$0x3F9B] =	sst s1;
	(tag) =	ssettag s2;
	_ =	strace s9  }
0x27: {  	s1 =	sld [smem:$0x3FAB]  }
0x28: {  	s2 =	sld [smem:$0x3FAC]  }
0x29: {  	s4 =	sld [smem:$0x3FAE]  }
0x2a: {  	p0 =	seq.s32 s5, $0x0;
	s5 =	sld [smem:$0x3FAF]  }
0x2b: {  	s6 =	sld [smem:$0x3FB0]  }
0x2c: {  	s7 =	sld [smem:$0x3FB1]  }
0x2d: {  	s3 =	simm.s32 $0x108;
	s8 =	sld [smem:$0x3FB2]  }
0x2e: {  	s3 =	simm.s32 @!p0 $0x1082;
	s9 =	sld [smem:$0x3FB3]  }
0x2f: {  	lr =	sadd.s32 s0, s3;
	s0 =	sld [smem:$0x3FAA]  }
0x30: {  	s3 =	sld [smem:$0x3FAD]  }
0x31: {  	[smem:$0x3FB6] =	sst s10  }
0x32: {  	s10 =	sld [smem:$0x3FB4];
	_ =	sdelay $0x3  }
0x33: {  	p0 =	seq.s32 s10, $0x1;
	s10 =	sld [smem:$0x3FB6];
	_ =	sdelay $0x3  }
0x34: {  	[smem:$0x3FB6] =	sst s10  }
0x35: {  	s10 =	sld [smem:$0x3FB5];
	_ =	sdelay $0x3  }
0x36: {  	p1 =	seq.s32 s10, $0x1;
	s10 =	sld [smem:$0x3FB6];
	_ =	sdelay $0x3  }
0x37: {  	[smem:$0x3FB6] =	sst s10  }
0x38: {  	s10 =	sld [smem:$0x3FB7]  }
0x39: {  	_ = 	snop;
	(pc) =	sbr.ind lr, $3  }
0x3a: {  	_ = 	snop  }
0x3b: {  	_ = 	snop  }
0x3c: {  	p2 =	seq.s32 s10, $0x1;
	s10 =	sld [smem:$0x3FB6]  }
0x3d: {  	_ =	shalt  }
0x3e: {  	_ =	shalt  }
0x3f: {  	_ =	shalt  }
0x40: {  	_ =	shalt  }
0x41: {  	_ =	shalt  }
0x42: {  	_ =	shalt  }
0x43: {  	_ =	shalt  }
0x44: {  	_ =	shalt  }
0x45: {  	_ =	shalt  }
0x46: {  	_ =	shalt  }
0x47: {  	_ =	shalt  }
0x48: {  	_ =	shalt  }
0x49: {  	_ =	shalt  }
0x4a: {  	_ =	shalt  }
0x4b: {  	_ =	shalt  }
0x4c: {  	_ =	shalt  }
0x4d: {  	_ =	shalt  }
0x4e: {  	_ =	shalt  }
0x4f: {  	_ =	shalt  }
0x50: {  	_ =	shalt  }
0x51: {  	_ =	shalt  }
0x52: {  	_ =	shalt  }
0x53: {  	_ =	shalt  }
0x54: {  	_ =	shalt  }
0x55: {  	_ =	shalt  }
0x56: {  	_ =	shalt  }
0x57: {  	_ =	shalt  }
0x58: {  	_ =	shalt  }
0x59: {  	_ =	shalt  }
0x5a: {  	_ =	shalt  }
0x5b: {  	_ =	shalt  }
0x5c: {  	_ =	shalt  }
0x5d: {  	_ =	shalt  }
0x5e: {  	_ =	shalt  }
0x5f: {  	_ =	shalt  }
0x60: {  	_ =	shalt  }
0x61: {  	_ =	shalt  }
0x62: {  	_ =	shalt  }
0x63: {  	_ =	shalt  }
0x64: {  	_ =	shalt  }
0x65: {  	_ =	shalt  }
0x66: {  	_ =	shalt  }
0x67: {  	_ =	shalt  }
0x68: {  	_ =	shalt  }
0x69: {  	_ =	shalt  }
0x6a: {  	_ =	shalt  }
0x6b: {  	_ =	shalt  }
0x6c: {  	_ =	shalt  }
0x6d: {  	_ =	shalt  }
0x6e: {  	_ =	shalt  }
0x6f: {  	_ =	shalt  }
0x70: {  	_ =	shalt  }
0x71: {  	_ =	shalt  }
0x72: {  	_ =	shalt  }
0x73: {  	_ =	shalt  }
0x74: {  	_ =	shalt  }
0x75: {  	_ =	shalt  }
0x76: {  	_ =	shalt  }
0x77: {  	_ =	shalt  }
0x78: {  	_ =	shalt  }
0x79: {  	_ =	shalt  }
0x7a: {  	_ =	shalt  }
0x7b: {  	_ =	shalt  }
0x7c: {  	_ =	shalt  }
0x7d: {  	_ =	shalt  }
0x7e: {  	_ =	shalt  }
0x7f: {  	_ =	shalt  }
0x80: {  	_ =	shalt  }
0x81: {  	_ =	shalt  }
0x82: {  	_ =	shalt  }
0x83: {  	_ =	shalt  }
0x84: {  	_ =	shalt  }
0x85: {  	_ =	shalt  }
0x86: {  	_ =	shalt  }
0x87: {  	_ =	shalt  }
.Lfunc_end0:
.L_simem_size_0:
called_computation.1_lowered:
.L_overlay_start_0:
0x88: {  	s2 =	sld [smem:$0x3FD9]  }
0x89: {  	s3 =	sld [smem:$0x3FFE];
	_ =	sdelay $0x1  }
0x8a: {  	s1 =	srdreg.scid  }
0x8b: {  	s0 =	sand.u32 $0x1, s1  }
0x8c: {  	s17 =	sshll.u32 s0, $0xA;
	s2 =	sadd.s32 s3, s2  }
0x8d: {  	s2 =	sadd.s32 s2, s17  }
0x8e: {  	[smem:$0x3FC2] =	sst s2  }
0x8f: {  	_ = 	snop  }
0x90: {  	s2 =	sld [smem:$0x3FD0];
	(tm) =	ssettm $0x1  }
0x91: {  	s18 =	sld [smem:$0x3FFB];
	_ =	sdelay $0x3  }
0x92: {  	_ =	strace s18  }
0x93: {  	s3 =	sld [smem:$0x3FFC];
	_ =	sdelay $0x3  }
0x94: {  	_ =	strace s3  }
0x95: {  	s3 =	sld [smem:$0x3FFD];
	_ =	sdelay $0x3  }
0x96: {  	_ =	strace s3  }
0x97: {  	_ =	strace $0x8FFFFFFF  }
0x98: {  	s19 =	sld [smem:$0x3FDB];
	_ =	sdelay $0x1  }
0x99: {  	s4 =	simm.s32 $_scs_section_size  }
0x9a: {  	s5 =	simm.s32 $_size__tile_overlayer_lowered;
	s6 =	simm.s32 $_tile_overlayer_lowered  }
0x9b: {  	s22 =	simm.s32 $0x1BFF;
	s21 =	sshll.u32 s6, $0x1;
	s3 =	sadd.s32 s4, s19  }
0x9c: {  	s7 =	simm.s32 $0x0;
	s20 =	sshll.u32 s5, $0x1;
	s5 =	sadd.s32 s21, s3  }
0x9d: {  	[timem:s7], [sflag:s22] =	dma.local [hbm:s5], s20  }
0x9e: {  	_ =	swait.ge [sflag:s22], s20  }
0x9f: {  	s4 =	ssub.s32 $0x0, s20;
	[sflag:s22] =	ssyncset.done $0x0  }
0xa0: {  	[sflag:s22] =	ssyncadd.s32 s4;
	_ =	sdelay $0x1  }
0xa1: {  	s23 =	simm.s32 $0x1B8B  }
0xa2: {  	_ =	swait.ge [sflag:s23], $0x1  }
0xa3: {  	[sflag:s23] =	ssyncset.done $0x0  }
0xa4: {  	s25 =	simm.s32 $0x1B8E;
	s24 =	sld [smem:$0x3FFE];
	[sflag:s23] =	ssyncadd.s32 $0xFFFFFFFF  }
0xa5: {  	s26 =	simm.s32 $execute0_lowered;
	[smem:$0x3FD2] =	sst s25  }
0xa6: {  	s5 =	sshll.u32 s26, $0x1;
	_ =	strace $0x80000049;
	[dreg:$0x1] =	wrdreg $0xFFFFFFFF  }
0xa7: {  	s28 =	simm.s32 $_size_execute0_lowered;
	s3 =	sadd.s32 s3, s5;
	[dreg:$0x0] =	wrdreg $0x0  }
0xa8: {  	s5 =	sshll.u32 s28, $0x1;
	[dreg:$0x2] =	wrdreg s3  }
0xa9: {  	[dreg:$0x3] =	wrdreg s5  }
0xaa: {  	[dreg:$0x4] =	wrdreg $0xC0  }
0xab: {  	_ =	task [dreg:s7], $0x5FFFF  }
0xac: {  	[dreg:$0x1] =	wrdreg $0xFFFFFFFF  }
0xad: {  	[dreg:$0x0] =	wrdreg $0x60  }
0xae: {  	[dreg:$0x2] =	wrdreg s2  }
0xaf: {  	[dreg:$0x3] =	wrdreg s24  }
0xb0: {  	[dreg:$0x4] =	wrdreg $0x124000  }
0xb1: {  	[dreg:$0x5] =	wrdreg $0x9  }
0xb2: {  	_ =	task.clear_ibuf [dreg:s7], $0x6FFFF;
	_ =	strace $0x90000049  }
0xb3: {  	s29 =	simm.s32 $0x9;
	_ =	strace $0x8000004B  }
0xb4: {  	_ =	swait.ge [sflag:s29], $0x1  }
0xb5: {  	[sflag:s29] =	ssyncadd.s32 $0xFFFFFFFF  }
0xb6: {  	_ =	strace $0x9000004B  }
0xb7: {  	_ =	sfence  }
0xb8: {  	s30 =	sld [smem:$0x0];
	_ =	sdelay $0x2  }
0xb9: {  	s31 =	sshll.u32 s1, $0xD;
	s1 =	sshrl.u32 s1, $0x2  }
0xba: {  	s3 =	sand.u32 $0x4000, s31;
	s1 =	sadd.s32 s1, s30  }
0xbb: {  	s0 =	sor.u32 s3, s0;
	s1 =	sshll.u32 s1, $0x11  }
0xbc: {  	s0 =	sor.u32 s1, s0  }
0xbd: {  	s0 =	sadd.s32 $0x8F2B, s0  }
0xbe: {  	[sflag:s0] =	ssyncadd.remote.s32 $0x1  }
0xbf: {  	_ =	sfence.sel $0xFFFF  }
0xc0: {  	[dreg:$0x0] =	wrdreg $0xFFFFFFFF;
	(pc) =	sbr.abs _section_cstart, $3  }
0xc1: {  	[dreg:$0x1] =	wrdreg $0xFFFFFFFF  }
0xc2: {  	_ =	task.clear_ibuf [dreg:s7], $0x2FFFF;
	_ =	strace $0x9FFFFFFF  }
0xc3: {  	(tm) =	ssettm $0x7FFFFFFF  }
tec
execute0_lowered:
.L_overlay_start_1:
0x0: {  	(tag) =	ssettag $0x1  }
0x1: {  	s1 =	rddreg [dreg:$0x0]  }
0x2: {  	s0 =	rddreg [dreg:$0x1]  }
0x3: {  	s2 =	rddreg [dreg:$0x2]  }
0x4: {  	s3 =	srdreg.scid;
	s5 =	simm.s32 $0x0;
	s8 =	stileid.u32  }
0x5: {  	s12 =	simm.s32 $0x5;
	s14 =	simm.s32 $0x12000;
	s15 =	simm.s32 $0x50  }
0x6: {  	s16 =	simm.s32 $0x8000;
	s17 =	simm.s32 $0x80;
	s18 =	simm.s32 $0xA800  }
0x7: {  	s19 =	simm.s32 $0x1;
	s20 =	simm.s32 $0xD000;
	s21 =	simm.s32 $0x2  }
0x8: {  	s22 =	simm.s32 $0xF800;
	s28 =	simm.s32 $0x7C80;
	s29 =	simm.s32 $0x3D80  }
0x9: {  	s30 =	simm.s32 $0x7D00;
	s31 =	simm.s32 $0x3E00;
	s23 =	smul.u32 $0x140, s8  }
0xa: {  	s3 =	sand.u32 $0x1, s3;
	s6 =	sshll.u32 s8, $0xC;
	s8 =	smul.u32 $0x28000, s8  }
0xb: {  	[smem:$0x7FF] =	sst s5;
	s4 =	smul.u32 $0x1400, s3;
	s3 =	ssub.s32 $0x2, s3  }
0xc: {  	_ =	strace $0x8000004A;
	s9 =	sadd.s32 s6, s0;
	s7 =	sshrl.u32 s3, $0x1  }
0xd: {  	s24 =	sadd.s32 $0x2600, s9;
	s25 =	sadd.s32 $0x12600, s9;
	s26 =	sshrl.u32 s8, $0x2  }
0xe: {  	s8 =	sadd.s32 $0x2E00, s9;
	s9 =	sadd.s32 $0x12E00, s9;
	[dreg:$0x4] =	wrdreg s24  }
0xf: {  	s5 =	sadd.s32 s23, s4;
	s3 =	ssub.s32 s3, s7;
	[dreg:$0x5] =	wrdreg s25  }
0x10: {  	s7 =	sadd.s32 s26, s2;
	s23 =	simm.s32 $0x3;
	s24 =	simm.s32 $0x4  }
0x11: {  	v0 =	vlaneseq.u32;
	s25 =	simm.s32 $0x7C00;
	s26 =	simm.s32 $0x3D00;
	s5 =	sshll.u32 s5, $0x4  }
0x12: {  	v2 =	vand.u32 $0x7, v0;
	v0 =	vmov s4;
	s4 =	simm.s32 $0x0;
	s11 =	smax.u32 s3, $0x1;
	s0 =	sadd.s32 s5, s0  }
0x13: {  	v1 =	vimm.f32 $0.0e+00;
	v2 =	vor.u32 $0x1400, v2;
	s3 =	simm.s32 $0x7E00;
	s10 =	sadd.s32 $0x22600, s0;
	s0 =	simm.s32 $0x7D80  }
.LBB2_1:
0x14: {  	[tilespmem:$0x12000] =	vst v1  }
0x15: {  	[tilespmem:$0x12010] =	vst v1  }
0x16: {  	[tilespmem:$0x12020] =	vst v1  }
0x17: {  	[tilespmem:$0x12030] =	vst v1  }
0x18: {  	[tilespmem:$0x12040] =	vst v1  }
0x19: {  	[tilespmem:$0x12050] =	vst v1  }
0x1a: {  	[tilespmem:$0x12060] =	vst v1  }
0x1b: {  	[tilespmem:$0x12070] =	vst v1  }
0x1c: {  	[tilespmem:$0x12080] =	vst v1  }
0x1d: {  	[tilespmem:$0x12090] =	vst v1  }
0x1e: {  	[tilespmem:$0x120A0] =	vst v1  }
0x1f: {  	[tilespmem:$0x120B0] =	vst v1  }
0x20: {  	[tilespmem:$0x120C0] =	vst v1  }
0x21: {  	[tilespmem:$0x120D0] =	vst v1  }
0x22: {  	[tilespmem:$0x120E0] =	vst v1  }
0x23: {  	[tilespmem:$0x120F0] =	vst v1  }
0x24: {  	[tilespmem:$0x12100] =	vst v1  }
0x25: {  	[tilespmem:$0x12110] =	vst v1  }
0x26: {  	[tilespmem:$0x12120] =	vst v1  }
0x27: {  	[tilespmem:$0x12130] =	vst v1  }
0x28: {  	[tilespmem:$0x12140] =	vst v1  }
0x29: {  	[tilespmem:$0x12150] =	vst v1  }
0x2a: {  	[tilespmem:$0x12160] =	vst v1  }
0x2b: {  	[tilespmem:$0x12170] =	vst v1  }
0x2c: {  	[tilespmem:$0x12180] =	vst v1  }
0x2d: {  	[tilespmem:$0x12190] =	vst v1  }
0x2e: {  	[tilespmem:$0x121A0] =	vst v1  }
0x2f: {  	[tilespmem:$0x121B0] =	vst v1  }
0x30: {  	[tilespmem:$0x121C0] =	vst v1  }
0x31: {  	[tilespmem:$0x121D0] =	vst v1  }
0x32: {  	[tilespmem:$0x121E0] =	vst v1  }
0x33: {  	[tilespmem:$0x121F0] =	vst v1  }
0x34: {  	[tilespmem:$0x12200] =	vst v1  }
0x35: {  	[tilespmem:$0x12210] =	vst v1  }
0x36: {  	[tilespmem:$0x12220] =	vst v1  }
0x37: {  	[tilespmem:$0x12230] =	vst v1  }
0x38: {  	[tilespmem:$0x12240] =	vst v1  }
0x39: {  	[tilespmem:$0x12250] =	vst v1  }
0x3a: {  	[tilespmem:$0x12260] =	vst v1  }
0x3b: {  	[tilespmem:$0x12270] =	vst v1  }
0x3c: {  	[tilespmem:$0x12280] =	vst v1  }
0x3d: {  	[tilespmem:$0x12290] =	vst v1  }
0x3e: {  	[tilespmem:$0x122A0] =	vst v1  }
0x3f: {  	[tilespmem:$0x122B0] =	vst v1  }
0x40: {  	[tilespmem:$0x122C0] =	vst v1  }
0x41: {  	[tilespmem:$0x122D0] =	vst v1  }
0x42: {  	[tilespmem:$0x122E0] =	vst v1  }
0x43: {  	[tilespmem:$0x122F0] =	vst v1  }
0x44: {  	[tilespmem:$0x12300] =	vst v1  }
0x45: {  	[tilespmem:$0x12310] =	vst v1  }
0x46: {  	[tilespmem:$0x12320] =	vst v1  }
0x47: {  	[tilespmem:$0x12330] =	vst v1  }
0x48: {  	[tilespmem:$0x12340] =	vst v1  }
0x49: {  	[tilespmem:$0x12350] =	vst v1  }
0x4a: {  	[tilespmem:$0x12360] =	vst v1  }
0x4b: {  	[tilespmem:$0x12370] =	vst v1  }
0x4c: {  	[tilespmem:$0x12380] =	vst v1  }
0x4d: {  	[tilespmem:$0x12390] =	vst v1  }
0x4e: {  	[tilespmem:$0x123A0] =	vst v1  }
0x4f: {  	[tilespmem:$0x123B0] =	vst v1  }
0x50: {  	[tilespmem:$0x123C0] =	vst v1  }
0x51: {  	[tilespmem:$0x123D0] =	vst v1  }
0x52: {  	[tilespmem:$0x123E0] =	vst v1  }
0x53: {  	[tilespmem:$0x123F0] =	vst v1;
	s5 =	simm.s32 $0x0;
	s6 =	rddreg [dreg:$0x4]  }
0x54: {  	[tilespmem:s5], [sflag:$0x5] =	stream.linear.gather [hbm4b:s6+s5], $0x3E80, $0x38;
	[tilespmem:$0x1C440] =	vst v63  }
0x55: {  	_ =	swait.ge [sflag:s12], $0x3E80  }
0x56: {  	[sflag:s12] =	ssyncset.done $0x0  }
0x57: {  	s13 =	simm.s32 $0x4000;
	s6 =	rddreg [dreg:$0x5];
	[sflag:s12] =	ssyncadd.s32 $0xFFFFC180  }
0x58: {  	[tilespmem:s13], [sflag:$0x5] =	stream.linear.gather [hbm4b:s6+s5], $0x3E80, $0x38;
	[tilespmem:$0x1C440] =	vst v63  }
0x59: {  	_ =	swait.ge [sflag:s12], $0x3E80  }
0x5a: {  	[sflag:s12] =	ssyncset.done $0x0  }
0x5b: {  	s13 =	simm.s32 $0x0;
	[sflag:s12] =	ssyncadd.s32 $0xFFFFC180  }
0x5c: {  	v4 =	vld [tilespmem:s13+$0x4000]  }
0x5d: {  	v6 =	vld [tilespmem:s13+$0x4010]  }
0x5e: {  	v5 =	vld [tilespmem:s13+$0x4020]  }
0x5f: {  	s5 =	simm.s32 $0x200;
	v3 =	vld [tilespmem:s13+$0x4030]  }
.LBB2_2:
0x60: {  	p0 =	sne.s32 s5, $0xF800;
	v7 =	vld [tilespmem:s13+$0x4040]  }
0x61: {  	v4 =	vsub.s32 v4, v0  }
0x62: {  	vm0 =	vlt.u32 v4, $0x1400;
	v6 =	vsub.s32 v6, v0  }
0x63: {  	v4 =	vsel vm0, v4, v2;
	vm0 =	vlt.u32 v6, $0x1400;
	v5 =	vsub.s32 v5, v0  }
.Ltmp0:
0x64: {  	s6 =	sshra.s32 s5, $0x2;
	[tilespmem:s13+$0x4000] =	vst v4;
	v6 =	vsel vm0, v6, v2;
	vm0 =	vlt.u32 v5, $0x1400;
	v3 =	vsub.s32 v3, v0;
	(pc) =	sbr.rel @p0 .LBB2_2-.Ltmp0, $4  }
0x65: {  	v4 =	vld [tilespmem:s6+$0x4000];
	[tilespmem:s13+$0x4010] =	vst v6;
	v5 =	vsel vm0, v5, v2;
	vm0 =	vlt.u32 v3, $0x1400;
	v7 =	vsub.s32 v7, v0  }
0x66: {  	v6 =	vld [tilespmem:s6+$0x4010];
	[tilespmem:s13+$0x4020] =	vst v5;
	v3 =	vsel vm0, v3, v2;
	vm0 =	vlt.u32 v7, $0x1400  }
0x67: {  	v5 =	vld [tilespmem:s6+$0x4020];
	[tilespmem:s13+$0x4030] =	vst v3;
	v7 =	vsel vm0, v7, v2  }
0x68: {  	s5 =	sadd.s32 $0x200, s5;
	v3 =	vld [tilespmem:s6+$0x4030];
	[tilespmem:s13+$0x4040] =	vst v7;
	s13 =	smov.u32 s6  }
0x69: {  	v7 =	vld [tilespmem:s13+$0x4040]  }
0x6a: {  	v4 =	vsub.s32 v4, v0  }
0x6b: {  	vm0 =	vlt.u32 v4, $0x1400;
	v6 =	vsub.s32 v6, v0  }
0x6c: {  	v4 =	vsel vm0, v4, v2;
	vm12 =	vlt.u32 v6, $0x1400;
	v5 =	vsub.s32 v5, v0  }
0x6d: {  	[tilespmem:s13+$0x4000] =	vst v4;
	v61 =	vsel vm12, v6, v2;
	vm13 =	vlt.u32 v5, $0x1400;
	v3 =	vsub.s32 v3, v0  }
0x6e: {  	[tilespmem:s13+$0x4010] =	vst v61;
	v62 =	vsel vm13, v5, v2;
	vm14 =	vlt.u32 v3, $0x1400;
	v63 =	vsub.s32 v7, v0  }
0x6f: {  	[tilespmem:s13+$0x4020] =	vst v62;
	v3 =	vsel vm14, v3, v2;
	vm15 =	vlt.u32 v63, $0x1400  }
0x70: {  	[tilespmem:s13+$0x4030] =	vst v3;
	v3 =	vsel vm15, v63, v2  }
0x71: {  	s5 =	sadd.s32 $0x0, s7;
	[tilespmem:s13+$0x4040] =	vst v3  }
0x72: {  	[spmem:s5] =	stream.linear.scatter [tilespmem:s14], [sflag:$0x5], $0x400, $0x38;
	[tilespmem:$0x1C440] =	vst v63  }
0x73: {  	s5 =	simm.s32 $0x1000;
	_ =	swait.ge [sflag:s12], $0x400  }
.LBB2_4:
0x74: {  	s6 =	sshra.s32 s5, $0x2;
	[sflag:s12] =	ssyncset.done $0x0;
	p0 =	sne.s32 s5, $0x28000  }
.Ltmp1:
0x75: {  	s6 =	sadd.s32 s6, s7;
	[sflag:s12] =	ssyncadd.s32 $0xFFFFFC00;
	(pc) =	sbr.rel @p0 .LBB2_4-.Ltmp1, $3  }
0x76: {  	[spmem:s6] =	stream.linear.scatter [tilespmem:s14], [sflag:$0x5], $0x400, $0x38;
	[tilespmem:$0x1C440] =	vst v63  }
0x77: {  	s5 =	sadd.s32 $0x1000, s5;
	_ =	sdelay $0x1  }
0x78: {  	_ =	swait.ge [sflag:s12], $0x400  }
0x79: {  	[sflag:s12] =	ssyncset.done $0x0  }
0x7a: {  	[sflag:s12] =	ssyncadd.s32 $0xFFFFFC00  }
0x7b: {  	s5 =	simm.s32 $0x0;
	[bflag:$0x0] =	sbarrier.arrive $0xFFFF  }
0x7c: {  	[tilespmem:s16], [sflag:$0x1] =	stream.indirect.gather [hbm4b:s1+s15], $0x80, s5, s15, $0xb8;
	[tilespmem:$0x1C440] =	vst v63  }
0x7d: {  	_ = 	snop  }
0x7e: {  	[tilespmem:s18], [sflag:$0x2] =	stream.indirect.gather [hbm4b:s1+s15], $0x80, s17, s15, $0xb8;
	[tilespmem:$0x1C440] =	vst v63  }
0x7f: {  	_ =	swait.ge [sflag:s19], $0x2800  }
0x80: {  	[sflag:s19] =	ssyncset.done $0x0  }
0x81: {  	s13 =	simm.s32 $0x4000;
	[sflag:s19] =	ssyncadd.s32 $0xFFFFD800  }
0x82: {  	[spmem:s2] =	stream.indirect.scatter.add.f32 [tilespmem:s16], [sflag:$0x5], $0x80, s13, s15, $0xb8;
	[tilespmem:$0x1C440] =	vst v63  }
0x83: {  	_ =	swait.ge [sflag:s12], $0x2800  }
0x84: {  	[sflag:s12] =	ssyncset.done $0x0  }
0x85: {  	s6 =	simm.s32 $0x100;
	[sflag:s12] =	ssyncadd.s32 $0xFFFFD800  }
0x86: {  	[tilespmem:s20], [sflag:$0x3] =	stream.indirect.gather [hbm4b:s1+s15], $0x80, s6, s15, $0xb8;
	[tilespmem:$0x1C440] =	vst v63  }
0x87: {  	_ =	swait.ge [sflag:s21], $0x2800  }
0x88: {  	[sflag:s21] =	ssyncset.done $0x0  }
0x89: {  	s13 =	simm.s32 $0x4080;
	[sflag:s21] =	ssyncadd.s32 $0xFFFFD800  }
0x8a: {  	[spmem:s2] =	stream.indirect.scatter.add.f32 [tilespmem:s18], [sflag:$0x5], $0x80, s13, s15, $0xb8;
	[tilespmem:$0x1C440] =	vst v63  }
0x8b: {  	_ =	swait.ge [sflag:s12], $0x2800  }
0x8c: {  	[sflag:s12] =	ssyncset.done $0x0  }
0x8d: {  	s6 =	simm.s32 $0x180;
	[sflag:s12] =	ssyncadd.s32 $0xFFFFD800  }
0x8e: {  	[tilespmem:s22], [sflag:$0x4] =	stream.indirect.gather [hbm4b:s1+s15], $0x80, s6, s15, $0xb8;
	[tilespmem:$0x1C440] =	vst v63  }
0x8f: {  	_ =	swait.ge [sflag:s23], $0x2800  }
0x90: {  	[sflag:s23] =	ssyncset.done $0x0  }
0x91: {  	s13 =	simm.s32 $0x4100;
	[sflag:s23] =	ssyncadd.s32 $0xFFFFD800  }
0x92: {  	[spmem:s2] =	stream.indirect.scatter.add.f32 [tilespmem:s20], [sflag:$0x5], $0x80, s13, s15, $0xb8;
	[tilespmem:$0x1C440] =	vst v63  }
0x93: {  	_ =	swait.ge [sflag:s12], $0x2800  }
0x94: {  	[sflag:s12] =	ssyncset.done $0x0  }
0x95: {  	s6 =	simm.s32 $0x200;
	[sflag:s12] =	ssyncadd.s32 $0xFFFFD800  }
0x96: {  	[tilespmem:s16], [sflag:$0x1] =	stream.indirect.gather [hbm4b:s1+s15], $0x80, s6, s15, $0xb8;
	[tilespmem:$0x1C440] =	vst v63  }
0x97: {  	_ =	swait.ge [sflag:s24], $0x2800  }
0x98: {  	[sflag:s24] =	ssyncset.done $0x0  }
0x99: {  	s13 =	simm.s32 $0x4180;
	[sflag:s24] =	ssyncadd.s32 $0xFFFFD800  }
0x9a: {  	[spmem:s2] =	stream.indirect.scatter.add.f32 [tilespmem:s22], [sflag:$0x5], $0x80, s13, s15, $0xb8;
	[tilespmem:$0x1C440] =	vst v63  }
0x9b: {  	_ =	swait.ge [sflag:s12], $0x2800  }
0x9c: {  	[sflag:s12] =	ssyncset.done $0x0  }
0x9d: {  	s5 =	simm.s32 $0x280;
	s13 =	simm.s32 $0x800;
	[sflag:s12] =	ssyncadd.s32 $0xFFFFD800  }
.LBB2_6:
0x9e: {  	[tilespmem:s18], [sflag:$0x2] =	stream.indirect.gather [hbm4b:s1+s15], $0x80, s5, s15, $0xb8;
	[tilespmem:$0x1C440] =	vst v63  }
0x9f: {  	s5 =	smov.u32 s13  }
0xa0: {  	p0 =	sne.s32 s13, $0xE800;
	s13 =	sadd.s32 $0x800, s13;
	_ =	swait.ge [sflag:s19], $0x2800  }
0xa1: {  	s5 =	sshra.s32 s5, $0x2;
	[sflag:s19] =	ssyncset.done $0x0  }
0xa2: {  	s6 =	sadd.s32 $0x4000, s5;
	[sflag:s19] =	ssyncadd.s32 $0xFFFFD800  }
0xa3: {  	[spmem:s2] =	stream.indirect.scatter.add.f32 [tilespmem:s16], [sflag:$0x5], $0x80, s6, s15, $0xb8;
	[tilespmem:$0x1C440] =	vst v63  }
0xa4: {  	_ =	swait.ge [sflag:s12], $0x2800  }
0xa5: {  	[sflag:s12] =	ssyncset.done $0x0  }
0xa6: {  	s6 =	sadd.s32 $0x100, s5;
	[sflag:s12] =	ssyncadd.s32 $0xFFFFD800  }
0xa7: {  	[tilespmem:s20], [sflag:$0x3] =	stream.indirect.gather [hbm4b:s1+s15], $0x80, s6, s15, $0xb8;
	[tilespmem:$0x1C440] =	vst v63  }
0xa8: {  	_ =	swait.ge [sflag:s21], $0x2800  }
0xa9: {  	[sflag:s21] =	ssyncset.done $0x0  }
0xaa: {  	s6 =	sadd.s32 $0x4080, s5;
	[sflag:s21] =	ssyncadd.s32 $0xFFFFD800  }
0xab: {  	[spmem:s2] =	stream.indirect.scatter.add.f32 [tilespmem:s18], [sflag:$0x5], $0x80, s6, s15, $0xb8;
	[tilespmem:$0x1C440] =	vst v63  }
0xac: {  	_ =	swait.ge [sflag:s12], $0x2800  }
0xad: {  	[sflag:s12] =	ssyncset.done $0x0  }
0xae: {  	s6 =	sadd.s32 $0x180, s5;
	[sflag:s12] =	ssyncadd.s32 $0xFFFFD800  }
0xaf: {  	[tilespmem:s22], [sflag:$0x4] =	stream.indirect.gather [hbm4b:s1+s15], $0x80, s6, s15, $0xb8;
	[tilespmem:$0x1C440] =	vst v63  }
0xb0: {  	_ =	swait.ge [sflag:s23], $0x2800  }
0xb1: {  	[sflag:s23] =	ssyncset.done $0x0  }
0xb2: {  	s6 =	sadd.s32 $0x4100, s5;
	[sflag:s23] =	ssyncadd.s32 $0xFFFFD800  }
0xb3: {  	[spmem:s2] =	stream.indirect.scatter.add.f32 [tilespmem:s20], [sflag:$0x5], $0x80, s6, s15, $0xb8;
	[tilespmem:$0x1C440] =	vst v63  }
0xb4: {  	_ =	swait.ge [sflag:s12], $0x2800  }
0xb5: {  	[sflag:s12] =	ssyncset.done $0x0  }
0xb6: {  	s6 =	sadd.s32 $0x200, s5;
	[sflag:s12] =	ssyncadd.s32 $0xFFFFD800  }
0xb7: {  	[tilespmem:s16], [sflag:$0x1] =	stream.indirect.gather [hbm4b:s1+s15], $0x80, s6, s15, $0xb8;
	[tilespmem:$0x1C440] =	vst v63  }
0xb8: {  	_ =	swait.ge [sflag:s24], $0x2800  }
0xb9: {  	[sflag:s24] =	ssyncset.done $0x0  }
.Ltmp2:
0xba: {  	s6 =	sadd.s32 $0x4180, s5;
	[sflag:s24] =	ssyncadd.s32 $0xFFFFD800;
	(pc) =	sbr.rel @p0 .LBB2_6-.Ltmp2, $4  }
0xbb: {  	[spmem:s2] =	stream.indirect.scatter.add.f32 [tilespmem:s22], [sflag:$0x5], $0x80, s6, s15, $0xb8;
	[tilespmem:$0x1C440] =	vst v63  }
0xbc: {  	_ =	swait.ge [sflag:s12], $0x2800  }
0xbd: {  	[sflag:s12] =	ssyncset.done $0x0  }
0xbe: {  	s5 =	sadd.s32 $0x280, s5;
	[sflag:s12] =	ssyncadd.s32 $0xFFFFD800  }
0xbf: {  	[tilespmem:s18], [sflag:$0x2] =	stream.indirect.gather [hbm4b:s1+s15], $0x80, s5, s15, $0xb8;
	[tilespmem:$0x1C440] =	vst v63  }
0xc0: {  	_ =	swait.ge [sflag:s19], $0x2800  }
0xc1: {  	[sflag:s19] =	ssyncset.done $0x0  }
0xc2: {  	[sflag:s19] =	ssyncadd.s32 $0xFFFFD800  }
0xc3: {  	[spmem:s2] =	stream.indirect.scatter.add.f32 [tilespmem:s16], [sflag:$0x5], $0x80, s25, s15, $0xb8;
	[tilespmem:$0x1C440] =	vst v63  }
0xc4: {  	_ =	swait.ge [sflag:s12], $0x2800  }
0xc5: {  	[sflag:s12] =	ssyncset.done $0x0  }
0xc6: {  	[sflag:s12] =	ssyncadd.s32 $0xFFFFD800  }
0xc7: {  	[tilespmem:s20], [sflag:$0x3] =	stream.indirect.gather [hbm4b:s1+s15], $0x80, s26, s15, $0xb8;
	[tilespmem:$0x1C440] =	vst v63  }
0xc8: {  	_ =	swait.ge [sflag:s21], $0x2800  }
0xc9: {  	[sflag:s21] =	ssyncset.done $0x0  }
0xca: {  	[sflag:s21] =	ssyncadd.s32 $0xFFFFD800  }
0xcb: {  	[spmem:s2] =	stream.indirect.scatter.add.f32 [tilespmem:s18], [sflag:$0x5], $0x80, s28, s15, $0xb8;
	[tilespmem:$0x1C440] =	vst v63  }
0xcc: {  	_ =	swait.ge [sflag:s12], $0x2800  }
0xcd: {  	[sflag:s12] =	ssyncset.done $0x0  }
0xce: {  	[sflag:s12] =	ssyncadd.s32 $0xFFFFD800  }
0xcf: {  	[tilespmem:s22], [sflag:$0x4] =	stream.indirect.gather [hbm4b:s1+s15], $0x80, s29, s15, $0xb8;
	[tilespmem:$0x1C440] =	vst v63  }
0xd0: {  	_ =	swait.ge [sflag:s23], $0x2800  }
0xd1: {  	[sflag:s23] =	ssyncset.done $0x0  }
0xd2: {  	[sflag:s23] =	ssyncadd.s32 $0xFFFFD800  }
0xd3: {  	[spmem:s2] =	stream.indirect.scatter.add.f32 [tilespmem:s20], [sflag:$0x5], $0x80, s30, s15, $0xb8;
	[tilespmem:$0x1C440] =	vst v63  }
0xd4: {  	_ =	swait.ge [sflag:s12], $0x2800  }
0xd5: {  	[sflag:s12] =	ssyncset.done $0x0  }
0xd6: {  	[sflag:s12] =	ssyncadd.s32 $0xFFFFD800  }
0xd7: {  	[tilespmem:s16], [sflag:$0x1] =	stream.indirect.gather [hbm4b:s1+s15], $0x80, s31, s15, $0xb8;
	[tilespmem:$0x1C440] =	vst v63  }
0xd8: {  	_ =	swait.ge [sflag:s24], $0x2800  }
0xd9: {  	[sflag:s24] =	ssyncset.done $0x0  }
0xda: {  	[sflag:s24] =	ssyncadd.s32 $0xFFFFD800  }
0xdb: {  	[spmem:s2] =	stream.indirect.scatter.add.f32 [tilespmem:s22], [sflag:$0x5], $0x80, s0, s15, $0xb8;
	[tilespmem:$0x1C440] =	vst v63  }
0xdc: {  	_ =	swait.ge [sflag:s12], $0x2800  }
0xdd: {  	[sflag:s12] =	ssyncset.done $0x0  }
0xde: {  	[sflag:s12] =	ssyncadd.s32 $0xFFFFD800  }
0xdf: {  	_ =	swait.ge [sflag:s19], $0x2800  }
0xe0: {  	[sflag:s19] =	ssyncset.done $0x0  }
0xe1: {  	[sflag:s19] =	ssyncadd.s32 $0xFFFFD800  }
0xe2: {  	[spmem:s2] =	stream.indirect.scatter.add.f32 [tilespmem:s16], [sflag:$0x5], $0x80, s3, s15, $0xb8;
	[tilespmem:$0x1C440] =	vst v63  }
0xe3: {  	_ =	swait.ge [sflag:s12], $0x2800  }
0xe4: {  	[sflag:s12] =	ssyncset.done $0x0  }
0xe5: {  	s13 =	simm.s32 $0x0;
	[sflag:s12] =	ssyncadd.s32 $0xFFFFD800  }
0xe6: {  	[tilespmem:s13], [sflag:$0x5] =	stream.linear.gather [hbm4b:s8+s13], $0x3E80, $0x38;
	[tilespmem:$0x1C440] =	vst v63  }
0xe7: {  	_ =	swait.ge [sflag:s12], $0x3E80  }
0xe8: {  	[sflag:s12] =	ssyncset.done $0x0  }
0xe9: {  	s6 =	simm.s32 $0x4000;
	[sflag:s12] =	ssyncadd.s32 $0xFFFFC180  }
0xea: {  	[tilespmem:s6], [sflag:$0x5] =	stream.linear.gather [hbm4b:s9+s13], $0x3E80, $0x38;
	[tilespmem:$0x1C440] =	vst v63  }
0xeb: {  	_ =	swait.ge [sflag:s12], $0x3E80  }
0xec: {  	[sflag:s12] =	ssyncset.done $0x0  }
0xed: {  	s13 =	simm.s32 $0x0;
	[sflag:s12] =	ssyncadd.s32 $0xFFFFC180  }
0xee: {  	v4 =	vld [tilespmem:s13+$0x4000]  }
0xef: {  	v6 =	vld [tilespmem:s13+$0x4010]  }
0xf0: {  	v5 =	vld [tilespmem:s13+$0x4020]  }
0xf1: {  	s5 =	simm.s32 $0x200;
	v3 =	vld [tilespmem:s13+$0x4030]  }
.LBB2_8:
0xf2: {  	p0 =	sne.s32 s5, $0xF800;
	v7 =	vld [tilespmem:s13+$0x4040]  }
0xf3: {  	v4 =	vsub.s32 v4, v0  }
0xf4: {  	vm0 =	vlt.u32 v4, $0x1400;
	v6 =	vsub.s32 v6, v0  }
0xf5: {  	v4 =	vsel vm0, v4, v2;
	vm0 =	vlt.u32 v6, $0x1400;
	v5 =	vsub.s32 v5, v0  }
.Ltmp3:
0xf6: {  	s6 =	sshra.s32 s5, $0x2;
	[tilespmem:s13+$0x4000] =	vst v4;
	v6 =	vsel vm0, v6, v2;
	vm0 =	vlt.u32 v5, $0x1400;
	v3 =	vsub.s32 v3, v0;
	(pc) =	sbr.rel @p0 .LBB2_8-.Ltmp3, $4  }
0xf7: {  	v4 =	vld [tilespmem:s6+$0x4000];
	[tilespmem:s13+$0x4010] =	vst v6;
	v5 =	vsel vm0, v5, v2;
	vm0 =	vlt.u32 v3, $0x1400;
	v7 =	vsub.s32 v7, v0  }
0xf8: {  	v6 =	vld [tilespmem:s6+$0x4010];
	[tilespmem:s13+$0x4020] =	vst v5;
	v3 =	vsel vm0, v3, v2;
	vm0 =	vlt.u32 v7, $0x1400  }
0xf9: {  	v5 =	vld [tilespmem:s6+$0x4020];
	[tilespmem:s13+$0x4030] =	vst v3;
	v7 =	vsel vm0, v7, v2  }
0xfa: {  	s5 =	sadd.s32 $0x200, s5;
	v3 =	vld [tilespmem:s6+$0x4030];
	[tilespmem:s13+$0x4040] =	vst v7;
	s13 =	smov.u32 s6  }
0xfb: {  	v7 =	vld [tilespmem:s13+$0x4040]  }
0xfc: {  	v4 =	vsub.s32 v4, v0  }
0xfd: {  	vm0 =	vlt.u32 v4, $0x1400;
	v6 =	vsub.s32 v6, v0  }
0xfe: {  	v4 =	vsel vm0, v4, v2;
	vm12 =	vlt.u32 v6, $0x1400;
	v5 =	vsub.s32 v5, v0  }
0xff: {  	[tilespmem:s13+$0x4000] =	vst v4;
	v61 =	vsel vm12, v6, v2;
	vm13 =	vlt.u32 v5, $0x1400;
	v3 =	vsub.s32 v3, v0  }
0x100: {  	[tilespmem:s13+$0x4010] =	vst v61;
	v62 =	vsel vm13, v5, v2;
	vm14 =	vlt.u32 v3, $0x1400;
	v63 =	vsub.s32 v7, v0  }
0x101: {  	[tilespmem:s13+$0x4020] =	vst v62;
	v3 =	vsel vm14, v3, v2;
	vm15 =	vlt.u32 v63, $0x1400  }
0x102: {  	[tilespmem:s13+$0x4030] =	vst v3;
	v3 =	vsel vm15, v63, v2  }
0x103: {  	s5 =	simm.s32 $0x0;
	[tilespmem:s13+$0x4040] =	vst v3  }
0x104: {  	[tilespmem:s16], [sflag:$0x1] =	stream.indirect.gather [hbm4b:s1+s15], $0x80, s5, s15, $0xb8;
	[tilespmem:$0x1C440] =	vst v63  }
0x105: {  	_ = 	snop  }
0x106: {  	[tilespmem:s18], [sflag:$0x2] =	stream.indirect.gather [hbm4b:s1+s15], $0x80, s17, s15, $0xb8;
	[tilespmem:$0x1C440] =	vst v63  }
0x107: {  	_ =	swait.ge [sflag:s19], $0x2800  }
0x108: {  	[sflag:s19] =	ssyncset.done $0x0  }
0x109: {  	s13 =	simm.s32 $0x4000;
	[sflag:s19] =	ssyncadd.s32 $0xFFFFD800  }
0x10a: {  	[spmem:s2] =	stream.indirect.scatter.add.f32 [tilespmem:s16], [sflag:$0x5], $0x80, s13, s15, $0xb8;
	[tilespmem:$0x1C440] =	vst v63  }
0x10b: {  	_ =	swait.ge [sflag:s12], $0x2800  }
0x10c: {  	[sflag:s12] =	ssyncset.done $0x0  }
0x10d: {  	s6 =	simm.s32 $0x100;
	[sflag:s12] =	ssyncadd.s32 $0xFFFFD800  }
0x10e: {  	[tilespmem:s20], [sflag:$0x3] =	stream.indirect.gather [hbm4b:s1+s15], $0x80, s6, s15, $0xb8;
	[tilespmem:$0x1C440] =	vst v63  }
0x10f: {  	_ =	swait.ge [sflag:s21], $0x2800  }
0x110: {  	[sflag:s21] =	ssyncset.done $0x0  }
0x111: {  	s13 =	simm.s32 $0x4080;
	[sflag:s21] =	ssyncadd.s32 $0xFFFFD800  }
0x112: {  	[spmem:s2] =	stream.indirect.scatter.add.f32 [tilespmem:s18], [sflag:$0x5], $0x80, s13, s15, $0xb8;
	[tilespmem:$0x1C440] =	vst v63  }
0x113: {  	_ =	swait.ge [sflag:s12], $0x2800  }
0x114: {  	[sflag:s12] =	ssyncset.done $0x0  }
0x115: {  	s6 =	simm.s32 $0x180;
	[sflag:s12] =	ssyncadd.s32 $0xFFFFD800  }
0x116: {  	[tilespmem:s22], [sflag:$0x4] =	stream.indirect.gather [hbm4b:s1+s15], $0x80, s6, s15, $0xb8;
	[tilespmem:$0x1C440] =	vst v63  }
0x117: {  	_ =	swait.ge [sflag:s23], $0x2800  }
0x118: {  	[sflag:s23] =	ssyncset.done $0x0  }
0x119: {  	s13 =	simm.s32 $0x4100;
	[sflag:s23] =	ssyncadd.s32 $0xFFFFD800  }
0x11a: {  	[spmem:s2] =	stream.indirect.scatter.add.f32 [tilespmem:s20], [sflag:$0x5], $0x80, s13, s15, $0xb8;
	[tilespmem:$0x1C440] =	vst v63  }
0x11b: {  	_ =	swait.ge [sflag:s12], $0x2800  }
0x11c: {  	[sflag:s12] =	ssyncset.done $0x0  }
0x11d: {  	s6 =	simm.s32 $0x200;
	[sflag:s12] =	ssyncadd.s32 $0xFFFFD800  }
0x11e: {  	[tilespmem:s16], [sflag:$0x1] =	stream.indirect.gather [hbm4b:s1+s15], $0x80, s6, s15, $0xb8;
	[tilespmem:$0x1C440] =	vst v63  }
0x11f: {  	_ =	swait.ge [sflag:s24], $0x2800  }
0x120: {  	[sflag:s24] =	ssyncset.done $0x0  }
0x121: {  	s13 =	simm.s32 $0x4180;
	[sflag:s24] =	ssyncadd.s32 $0xFFFFD800  }
0x122: {  	[spmem:s2] =	stream.indirect.scatter.add.f32 [tilespmem:s22], [sflag:$0x5], $0x80, s13, s15, $0xb8;
	[tilespmem:$0x1C440] =	vst v63  }
0x123: {  	_ =	swait.ge [sflag:s12], $0x2800  }
0x124: {  	[sflag:s12] =	ssyncset.done $0x0  }
0x125: {  	s5 =	simm.s32 $0x280;
	s13 =	simm.s32 $0x800;
	[sflag:s12] =	ssyncadd.s32 $0xFFFFD800  }
.LBB2_10:
0x126: {  	[tilespmem:s18], [sflag:$0x2] =	stream.indirect.gather [hbm4b:s1+s15], $0x80, s5, s15, $0xb8;
	[tilespmem:$0x1C440] =	vst v63  }
0x127: {  	s5 =	smov.u32 s13  }
0x128: {  	p0 =	sne.s32 s13, $0xE800;
	s13 =	sadd.s32 $0x800, s13;
	_ =	swait.ge [sflag:s19], $0x2800  }
0x129: {  	s5 =	sshra.s32 s5, $0x2;
	[sflag:s19] =	ssyncset.done $0x0  }
0x12a: {  	s6 =	sadd.s32 $0x4000, s5;
	[sflag:s19] =	ssyncadd.s32 $0xFFFFD800  }
0x12b: {  	[spmem:s2] =	stream.indirect.scatter.add.f32 [tilespmem:s16], [sflag:$0x5], $0x80, s6, s15, $0xb8;
	[tilespmem:$0x1C440] =	vst v63  }
0x12c: {  	_ =	swait.ge [sflag:s12], $0x2800  }
0x12d: {  	[sflag:s12] =	ssyncset.done $0x0  }
0x12e: {  	s6 =	sadd.s32 $0x100, s5;
	[sflag:s12] =	ssyncadd.s32 $0xFFFFD800  }
0x12f: {  	[tilespmem:s20], [sflag:$0x3] =	stream.indirect.gather [hbm4b:s1+s15], $0x80, s6, s15, $0xb8;
	[tilespmem:$0x1C440] =	vst v63  }
0x130: {  	_ =	swait.ge [sflag:s21], $0x2800  }
0x131: {  	[sflag:s21] =	ssyncset.done $0x0  }
0x132: {  	s6 =	sadd.s32 $0x4080, s5;
	[sflag:s21] =	ssyncadd.s32 $0xFFFFD800  }
0x133: {  	[spmem:s2] =	stream.indirect.scatter.add.f32 [tilespmem:s18], [sflag:$0x5], $0x80, s6, s15, $0xb8;
	[tilespmem:$0x1C440] =	vst v63  }
0x134: {  	_ =	swait.ge [sflag:s12], $0x2800  }
0x135: {  	[sflag:s12] =	ssyncset.done $0x0  }
0x136: {  	s6 =	sadd.s32 $0x180, s5;
	[sflag:s12] =	ssyncadd.s32 $0xFFFFD800  }
0x137: {  	[tilespmem:s22], [sflag:$0x4] =	stream.indirect.gather [hbm4b:s1+s15], $0x80, s6, s15, $0xb8;
	[tilespmem:$0x1C440] =	vst v63  }
0x138: {  	_ =	swait.ge [sflag:s23], $0x2800  }
0x139: {  	[sflag:s23] =	ssyncset.done $0x0  }
0x13a: {  	s6 =	sadd.s32 $0x4100, s5;
	[sflag:s23] =	ssyncadd.s32 $0xFFFFD800  }
0x13b: {  	[spmem:s2] =	stream.indirect.scatter.add.f32 [tilespmem:s20], [sflag:$0x5], $0x80, s6, s15, $0xb8;
	[tilespmem:$0x1C440] =	vst v63  }
0x13c: {  	_ =	swait.ge [sflag:s12], $0x2800  }
0x13d: {  	[sflag:s12] =	ssyncset.done $0x0  }
0x13e: {  	s6 =	sadd.s32 $0x200, s5;
	[sflag:s12] =	ssyncadd.s32 $0xFFFFD800  }
0x13f: {  	[tilespmem:s16], [sflag:$0x1] =	stream.indirect.gather [hbm4b:s1+s15], $0x80, s6, s15, $0xb8;
	[tilespmem:$0x1C440] =	vst v63  }
0x140: {  	_ =	swait.ge [sflag:s24], $0x2800  }
0x141: {  	[sflag:s24] =	ssyncset.done $0x0  }
.Ltmp4:
0x142: {  	s6 =	sadd.s32 $0x4180, s5;
	[sflag:s24] =	ssyncadd.s32 $0xFFFFD800;
	(pc) =	sbr.rel @p0 .LBB2_10-.Ltmp4, $4  }
0x143: {  	[spmem:s2] =	stream.indirect.scatter.add.f32 [tilespmem:s22], [sflag:$0x5], $0x80, s6, s15, $0xb8;
	[tilespmem:$0x1C440] =	vst v63  }
0x144: {  	_ =	swait.ge [sflag:s12], $0x2800  }
0x145: {  	[sflag:s12] =	ssyncset.done $0x0  }
0x146: {  	s5 =	sadd.s32 $0x280, s5;
	[sflag:s12] =	ssyncadd.s32 $0xFFFFD800  }
0x147: {  	[tilespmem:s18], [sflag:$0x2] =	stream.indirect.gather [hbm4b:s1+s15], $0x80, s5, s15, $0xb8;
	[tilespmem:$0x1C440] =	vst v63  }
0x148: {  	_ =	swait.ge [sflag:s19], $0x2800  }
0x149: {  	[sflag:s19] =	ssyncset.done $0x0  }
0x14a: {  	[sflag:s19] =	ssyncadd.s32 $0xFFFFD800  }
0x14b: {  	[spmem:s2] =	stream.indirect.scatter.add.f32 [tilespmem:s16], [sflag:$0x5], $0x80, s25, s15, $0xb8;
	[tilespmem:$0x1C440] =	vst v63  }
0x14c: {  	_ =	swait.ge [sflag:s12], $0x2800  }
0x14d: {  	[sflag:s12] =	ssyncset.done $0x0  }
0x14e: {  	[sflag:s12] =	ssyncadd.s32 $0xFFFFD800  }
0x14f: {  	[tilespmem:s20], [sflag:$0x3] =	stream.indirect.gather [hbm4b:s1+s15], $0x80, s26, s15, $0xb8;
	[tilespmem:$0x1C440] =	vst v63  }
0x150: {  	_ =	swait.ge [sflag:s21], $0x2800  }
0x151: {  	[sflag:s21] =	ssyncset.done $0x0  }
0x152: {  	[sflag:s21] =	ssyncadd.s32 $0xFFFFD800  }
0x153: {  	[spmem:s2] =	stream.indirect.scatter.add.f32 [tilespmem:s18], [sflag:$0x5], $0x80, s28, s15, $0xb8;
	[tilespmem:$0x1C440] =	vst v63  }
0x154: {  	_ =	swait.ge [sflag:s12], $0x2800  }
0x155: {  	[sflag:s12] =	ssyncset.done $0x0  }
0x156: {  	[sflag:s12] =	ssyncadd.s32 $0xFFFFD800  }
0x157: {  	[tilespmem:s22], [sflag:$0x4] =	stream.indirect.gather [hbm4b:s1+s15], $0x80, s29, s15, $0xb8;
	[tilespmem:$0x1C440] =	vst v63  }
0x158: {  	_ =	swait.ge [sflag:s23], $0x2800  }
0x159: {  	[sflag:s23] =	ssyncset.done $0x0  }
0x15a: {  	[sflag:s23] =	ssyncadd.s32 $0xFFFFD800  }
0x15b: {  	[spmem:s2] =	stream.indirect.scatter.add.f32 [tilespmem:s20], [sflag:$0x5], $0x80, s30, s15, $0xb8;
	[tilespmem:$0x1C440] =	vst v63  }
0x15c: {  	_ =	swait.ge [sflag:s12], $0x2800  }
0x15d: {  	[sflag:s12] =	ssyncset.done $0x0  }
0x15e: {  	[sflag:s12] =	ssyncadd.s32 $0xFFFFD800  }
0x15f: {  	[tilespmem:s16], [sflag:$0x1] =	stream.indirect.gather [hbm4b:s1+s15], $0x80, s31, s15, $0xb8;
	[tilespmem:$0x1C440] =	vst v63  }
0x160: {  	_ =	swait.ge [sflag:s24], $0x2800  }
0x161: {  	[sflag:s24] =	ssyncset.done $0x0  }
0x162: {  	[sflag:s24] =	ssyncadd.s32 $0xFFFFD800  }
0x163: {  	[spmem:s2] =	stream.indirect.scatter.add.f32 [tilespmem:s22], [sflag:$0x5], $0x80, s0, s15, $0xb8;
	[tilespmem:$0x1C440] =	vst v63  }
0x164: {  	_ =	swait.ge [sflag:s12], $0x2800  }
0x165: {  	[sflag:s12] =	ssyncset.done $0x0  }
0x166: {  	[sflag:s12] =	ssyncadd.s32 $0xFFFFD800  }
0x167: {  	_ =	swait.ge [sflag:s19], $0x2800  }
0x168: {  	[sflag:s19] =	ssyncset.done $0x0  }
0x169: {  	[sflag:s19] =	ssyncadd.s32 $0xFFFFD800  }
0x16a: {  	[spmem:s2] =	stream.indirect.scatter.add.f32 [tilespmem:s16], [sflag:$0x5], $0x80, s3, s15, $0xb8;
	[tilespmem:$0x1C440] =	vst v63  }
0x16b: {  	s13 =	stileid.u32;
	_ =	swait.ge [sflag:s12], $0x2800  }
0x16c: {  	s6 =	sshrl.u32 s7, $0x3;
	s4 =	sadd.s32 $0x1, s4;
	[sflag:s12] =	ssyncset.done $0x0  }
0x16d: {  	s5 =	sshll.u32 s13, $0x6;
	p0 =	sne.s32 s4, s11;
	[sflag:s12] =	ssyncadd.s32 $0xFFFFD800  }
.Ltmp5:
0x16e: {  	s5 =	sor.u32 $0x1C05, s5;
	[bflag:$0x0] =	sbarrier.arrive $0xFFFF;
	(pc) =	sbr.rel @p0 .LBB2_1-.Ltmp5, $4  }
0x16f: {  	[hbm:s10], [sflag:s5] =	dma.local [spmem:s6], $0x1400  }
0x170: {  	_ =	swait.ge [sflag:s12], $0x1400  }
0x171: {  	[sflag:s12] =	ssyncset.done $0x0  }
0x172: {  	[sflag:s12] =	ssyncadd.s32 $0xFFFFEC00  }
0x173: {  	_ =	sfence.sel $0x180000  }
0x174: {  	[bflag:$0x0] =	sbarrier.arrive $0xFFFF  }
0x175: {  	_ =	strace $0x9000004A  }
0x176: {  	s0 =	stileid.u32;
	[bflag:$0x2] =	sbarrier.arrive $0xFFFF  }
0x177: {  	p0 =	sne.s32 s0, $0x0;
	s0 =	rddreg [dreg:$0x3]  }
0x178: {  	s0 =	sadd.s32 @!p0 $0x100000, s0  }
0x179: {  	[sflag:s0] =	ssyncadd.tile.s32 @!p0 $0x1;
	_ =	shalt  }
.Lfunc_end2:
_tile_overlayer_lowered:
.L_overlay_start_2:
0x17a: {  	(tag) =	ssettag $0x2  }
0x17b: {  	s0 =	rddreg [dreg:$0x0];
	s2 =	stileid.u32  }
0x17c: {  	s1 =	rddreg [dreg:$0x1];
	p0 =	sne.s32 s2, $0x0  }
0x17d: {  	s3 =	rddreg [dreg:$0x2];
	[bflag:$0x3] =	sbarrier.arrive $0xFFFF;
	s2 =	simm.s32 @!p0 $0x1C05  }
0x17e: {  	[timem:s3], [sflag:s2] =	dma.local @!p0 [hbm:s0], s1  }
0x17f: {  	s0 =	simm.s32 @!p0 $0x5  }
0x180: {  	_ =	swait.ge @!p0 [sflag:s0], s1  }
0x181: {  	s1 =	ssub.s32 @!p0 $0x0, s1;
	[sflag:s0] =	ssyncset.done @!p0 $0x0  }
0x182: {  	[sflag:s0] =	ssyncadd.s32 @!p0 s1  }
0x183: {  	[bflag:$0x3] =	sbarrier.arrive $0xFFFF  }
0x184: {  	_ =	shalt  }

// kernel: kernel.14.cloned.1.call-start
scs
__scs_entry_jumppad:
0x0: {  	(pc) =	sbr.rel $0x88, $3  }
0x1: {  	(tag) =	ssettag $0x0;
	lr =	simm.s32 $0x1  }
0x2: {  	[smem:$0x3F9B] =	sst lr;
	_ =	strace $0xD0000000  }
0x3: {  	_ = 	snop  }
0x4: {  	_ = 	snop  }
0x5: {  	_ = 	snop  }
0x6: {  	_ = 	snop  }
0x7: {  	_ = 	snop  }
__scs_overlays_trampoline_lowered:
0x8: {  	[smem:$0x3FAA] =	sst s0  }
0x9: {  	[smem:$0x3FAB] =	sst s1  }
0xa: {  	[smem:$0x3FAC] =	sst s2  }
0xb: {  	[smem:$0x3FAD] =	sst s3  }
0xc: {  	[smem:$0x3FAE] =	sst s4  }
0xd: {  	[smem:$0x3FAF] =	sst s5  }
0xe: {  	[smem:$0x3FB0] =	sst s6  }
0xf: {  	[smem:$0x3FB1] =	sst s7  }
0x10: {  	[smem:$0x3FB2] =	sst s8  }
0x11: {  	[smem:$0x3FB3] =	sst s9;
	s0 =	simm.s32 @!p0 $0x0  }
0x12: {  	s1 =	sld [smem:$0x3F99];
	s0 =	simm.s32 @p0 $0x1  }
0x13: {  	[smem:$0x3FB4] =	sst s0;
	s0 =	simm.s32 @!p1 $0x0  }
0x14: {  	s2 =	sld [smem:$0x3F98];
	s0 =	simm.s32 @p1 $0x1  }
0x15: {  	[smem:$0x3FB5] =	sst s0;
	s0 =	simm.s32 @!p2 $0x0  }
0x16: {  	s3 =	sld [smem:$0x3FDB];
	s0 =	simm.s32 @p2 $0x1  }
0x17: {  	s4 =	simm.s32 $0x1BF5;
	[smem:$0x3FB7] =	sst s0  }
0x18: {  	s0 =	sld [smem:$0x3F9A];
	_ =	swait.ge [sflag:s4], $0x0  }
0x19: {  	s7 =	sld [smem:$0x3F9B]  }
0x1a: {  	s8 =	sadd.s32 $0xFFFFE003, lr  }
0x1b: {  	s9 =	sadd.s32 $0xFFFFFEF7, lr;
	s5 =	simm.s32 $0xFFFFFFFF;
	p2 =	slt.u32 s8, $0xFFFFF086  }
0x1c: {  	p1 =	slt.u32 s9, $0xF7A;
	s5 =	simm.s32 @!p2 $0x0  }
0x1d: {  	s5 =	simm.s32 @p1 $0x1;
	p0 =	seq.s32 s7, s2  }
0x1e: {  	s7 =	smul.u32 @!p0 $0xF7A, s2;
	p2 =	seq.s32 @!p0 s5, $0x0  }
0x1f: {  	s9 =	smul.u32 $0xF7A, s1;
	s8 =	simm.s32 @!p0 $0x1BF5;
	p2 =	por !p2, p0  }
0x20: {  	[sflag:s8] =	ssyncset.s32 @!p0 $0xFFFFF086;
	s6 =	sadd.s32 @!p0 s3, s7;
	s7 =	simm.s32 @!p0 $0x108  }
0x21: {  	s3 =	sadd.s32 s3, s9;
	s6 =	sadd.s32 @!p0 $0x88, s6;
	s7 =	simm.s32 @p2 $0x1082  }
0x22: {  	[simem:s7], [sflag:s8] =	dma.local @!p0 [hbm:s6], $0xF7A  }
0x23: {  	s9 =	sor.u32 $0xD0000000, s2;
	s6 =	simm.s32 $0x108;
	_ =	swait.ge @!p0 [sflag:s8], $0x0  }
0x24: {  	s3 =	sadd.s32 $0x88, s3;
	s6 =	simm.s32 @!p1 $0x1082;
	[sflag:s4] =	ssyncset.s32 $0xFFFFF086  }
0x25: {  	[simem:s6], [sflag:s4] =	dma.local [hbm:s3], $0xF7A  }
0x26: {  	[smem:$0x3F9B] =	sst s1;
	(tag) =	ssettag s2;
	_ =	strace s9  }
0x27: {  	s1 =	sld [smem:$0x3FAB]  }
0x28: {  	s2 =	sld [smem:$0x3FAC]  }
0x29: {  	s4 =	sld [smem:$0x3FAE]  }
0x2a: {  	p0 =	seq.s32 s5, $0x0;
	s5 =	sld [smem:$0x3FAF]  }
0x2b: {  	s6 =	sld [smem:$0x3FB0]  }
0x2c: {  	s7 =	sld [smem:$0x3FB1]  }
0x2d: {  	s3 =	simm.s32 $0x108;
	s8 =	sld [smem:$0x3FB2]  }
0x2e: {  	s3 =	simm.s32 @!p0 $0x1082;
	s9 =	sld [smem:$0x3FB3]  }
0x2f: {  	lr =	sadd.s32 s0, s3;
	s0 =	sld [smem:$0x3FAA]  }
0x30: {  	s3 =	sld [smem:$0x3FAD]  }
0x31: {  	[smem:$0x3FB6] =	sst s10  }
0x32: {  	s10 =	sld [smem:$0x3FB4];
	_ =	sdelay $0x3  }
0x33: {  	p0 =	seq.s32 s10, $0x1;
	s10 =	sld [smem:$0x3FB6];
	_ =	sdelay $0x3  }
0x34: {  	[smem:$0x3FB6] =	sst s10  }
0x35: {  	s10 =	sld [smem:$0x3FB5];
	_ =	sdelay $0x3  }
0x36: {  	p1 =	seq.s32 s10, $0x1;
	s10 =	sld [smem:$0x3FB6];
	_ =	sdelay $0x3  }
0x37: {  	[smem:$0x3FB6] =	sst s10  }
0x38: {  	s10 =	sld [smem:$0x3FB7]  }
0x39: {  	_ = 	snop;
	(pc) =	sbr.ind lr, $3  }
0x3a: {  	_ = 	snop  }
0x3b: {  	_ = 	snop  }
0x3c: {  	p2 =	seq.s32 s10, $0x1;
	s10 =	sld [smem:$0x3FB6]  }
0x3d: {  	_ =	shalt  }
0x3e: {  	_ =	shalt  }
0x3f: {  	_ =	shalt  }
0x40: {  	_ =	shalt  }
0x41: {  	_ =	shalt  }
0x42: {  	_ =	shalt  }
0x43: {  	_ =	shalt  }
0x44: {  	_ =	shalt  }
0x45: {  	_ =	shalt  }
0x46: {  	_ =	shalt  }
0x47: {  	_ =	shalt  }
0x48: {  	_ =	shalt  }
0x49: {  	_ =	shalt  }
0x4a: {  	_ =	shalt  }
0x4b: {  	_ =	shalt  }
0x4c: {  	_ =	shalt  }
0x4d: {  	_ =	shalt  }
0x4e: {  	_ =	shalt  }
0x4f: {  	_ =	shalt  }
0x50: {  	_ =	shalt  }
0x51: {  	_ =	shalt  }
0x52: {  	_ =	shalt  }
0x53: {  	_ =	shalt  }
0x54: {  	_ =	shalt  }
0x55: {  	_ =	shalt  }
0x56: {  	_ =	shalt  }
0x57: {  	_ =	shalt  }
0x58: {  	_ =	shalt  }
0x59: {  	_ =	shalt  }
0x5a: {  	_ =	shalt  }
0x5b: {  	_ =	shalt  }
0x5c: {  	_ =	shalt  }
0x5d: {  	_ =	shalt  }
0x5e: {  	_ =	shalt  }
0x5f: {  	_ =	shalt  }
0x60: {  	_ =	shalt  }
0x61: {  	_ =	shalt  }
0x62: {  	_ =	shalt  }
0x63: {  	_ =	shalt  }
0x64: {  	_ =	shalt  }
0x65: {  	_ =	shalt  }
0x66: {  	_ =	shalt  }
0x67: {  	_ =	shalt  }
0x68: {  	_ =	shalt  }
0x69: {  	_ =	shalt  }
0x6a: {  	_ =	shalt  }
0x6b: {  	_ =	shalt  }
0x6c: {  	_ =	shalt  }
0x6d: {  	_ =	shalt  }
0x6e: {  	_ =	shalt  }
0x6f: {  	_ =	shalt  }
0x70: {  	_ =	shalt  }
0x71: {  	_ =	shalt  }
0x72: {  	_ =	shalt  }
0x73: {  	_ =	shalt  }
0x74: {  	_ =	shalt  }
0x75: {  	_ =	shalt  }
0x76: {  	_ =	shalt  }
0x77: {  	_ =	shalt  }
0x78: {  	_ =	shalt  }
0x79: {  	_ =	shalt  }
0x7a: {  	_ =	shalt  }
0x7b: {  	_ =	shalt  }
0x7c: {  	_ =	shalt  }
0x7d: {  	_ =	shalt  }
0x7e: {  	_ =	shalt  }
0x7f: {  	_ =	shalt  }
0x80: {  	_ =	shalt  }
0x81: {  	_ =	shalt  }
0x82: {  	_ =	shalt  }
0x83: {  	_ =	shalt  }
0x84: {  	_ =	shalt  }
0x85: {  	_ =	shalt  }
0x86: {  	_ =	shalt  }
0x87: {  	_ =	shalt  }
.Lfunc_end0:
.L_simem_size_0:
called_computation.2_lowered:
.L_overlay_start_0:
0x88: {  	s2 =	sld [smem:$0x3FD9]  }
0x89: {  	s3 =	sld [smem:$0x3FFE];
	_ =	sdelay $0x1  }
0x8a: {  	s1 =	srdreg.scid  }
0x8b: {  	s0 =	sand.u32 $0x1, s1  }
0x8c: {  	s17 =	sshll.u32 s0, $0xA;
	s2 =	sadd.s32 s3, s2  }
0x8d: {  	s2 =	sadd.s32 s2, s17  }
0x8e: {  	[smem:$0x3FC2] =	sst s2  }
0x8f: {  	_ = 	snop  }
0x90: {  	s2 =	sld [smem:$0x3FD0];
	(tm) =	ssettm $0x1  }
0x91: {  	s18 =	sld [smem:$0x3FFB];
	_ =	sdelay $0x3  }
0x92: {  	_ =	strace s18  }
0x93: {  	s3 =	sld [smem:$0x3FFC];
	_ =	sdelay $0x3  }
0x94: {  	_ =	strace s3  }
0x95: {  	s3 =	sld [smem:$0x3FFD];
	_ =	sdelay $0x3  }
0x96: {  	_ =	strace s3  }
0x97: {  	_ =	strace $0x8FFFFFFF  }
0x98: {  	s19 =	sld [smem:$0x3FDB];
	_ =	sdelay $0x1  }
0x99: {  	s4 =	simm.s32 $_scs_section_size  }
0x9a: {  	s5 =	simm.s32 $_size__tile_overlayer_lowered;
	s6 =	simm.s32 $_tile_overlayer_lowered  }
0x9b: {  	s22 =	simm.s32 $0x1BFF;
	s21 =	sshll.u32 s6, $0x1;
	s3 =	sadd.s32 s4, s19  }
0x9c: {  	s7 =	simm.s32 $0x0;
	s20 =	sshll.u32 s5, $0x1;
	s5 =	sadd.s32 s21, s3  }
0x9d: {  	[timem:s7], [sflag:s22] =	dma.local [hbm:s5], s20  }
0x9e: {  	_ =	swait.ge [sflag:s22], s20  }
0x9f: {  	s4 =	ssub.s32 $0x0, s20;
	[sflag:s22] =	ssyncset.done $0x0  }
0xa0: {  	[sflag:s22] =	ssyncadd.s32 s4;
	_ =	sdelay $0x1  }
0xa1: {  	s23 =	simm.s32 $0x1B8B  }
0xa2: {  	_ =	swait.ge [sflag:s23], $0x1  }
0xa3: {  	[sflag:s23] =	ssyncset.done $0x0  }
0xa4: {  	s25 =	simm.s32 $0x1B8E;
	s24 =	sld [smem:$0x3FFE];
	[sflag:s23] =	ssyncadd.s32 $0xFFFFFFFF  }
0xa5: {  	s26 =	simm.s32 $execute0_lowered;
	[smem:$0x3FD2] =	sst s25  }
0xa6: {  	s5 =	sshll.u32 s26, $0x1;
	_ =	strace $0x8000004C;
	[dreg:$0x1] =	wrdreg $0xFFFFFFFF  }
0xa7: {  	s28 =	simm.s32 $_size_execute0_lowered;
	s3 =	sadd.s32 s3, s5;
	[dreg:$0x0] =	wrdreg $0x0  }
0xa8: {  	s5 =	sshll.u32 s28, $0x1;
	[dreg:$0x2] =	wrdreg s3  }
0xa9: {  	[dreg:$0x3] =	wrdreg s5  }
0xaa: {  	[dreg:$0x4] =	wrdreg $0xC0  }
0xab: {  	_ =	task [dreg:s7], $0x5FFFF  }
0xac: {  	[dreg:$0x1] =	wrdreg $0xFFFFFFFF  }
0xad: {  	[dreg:$0x0] =	wrdreg $0x60  }
0xae: {  	[dreg:$0x2] =	wrdreg s2  }
0xaf: {  	[dreg:$0x3] =	wrdreg s24  }
0xb0: {  	[dreg:$0x4] =	wrdreg $0x124000  }
0xb1: {  	[dreg:$0x5] =	wrdreg $0x9  }
0xb2: {  	_ =	task.clear_ibuf [dreg:s7], $0x6FFFF;
	_ =	strace $0x9000004C  }
0xb3: {  	s29 =	simm.s32 $0x9;
	_ =	strace $0x8000004E  }
0xb4: {  	_ =	swait.ge [sflag:s29], $0x1  }
0xb5: {  	[sflag:s29] =	ssyncadd.s32 $0xFFFFFFFF  }
0xb6: {  	_ =	strace $0x9000004E  }
0xb7: {  	_ =	sfence  }
0xb8: {  	s30 =	sld [smem:$0x0];
	_ =	sdelay $0x2  }
0xb9: {  	s31 =	sshll.u32 s1, $0xD;
	s1 =	sshrl.u32 s1, $0x2  }
0xba: {  	s3 =	sand.u32 $0x4000, s31;
	s1 =	sadd.s32 s1, s30  }
0xbb: {  	s0 =	sor.u32 s3, s0;
	s1 =	sshll.u32 s1, $0x11  }
0xbc: {  	s0 =	sor.u32 s1, s0  }
0xbd: {  	s0 =	sadd.s32 $0x8F2B, s0  }
0xbe: {  	[sflag:s0] =	ssyncadd.remote.s32 $0x1  }
0xbf: {  	_ =	sfence.sel $0xFFFF  }
0xc0: {  	[dreg:$0x0] =	wrdreg $0xFFFFFFFF;
	(pc) =	sbr.abs _section_cstart, $3  }
0xc1: {  	[dreg:$0x1] =	wrdreg $0xFFFFFFFF  }
0xc2: {  	_ =	task.clear_ibuf [dreg:s7], $0x2FFFF;
	_ =	strace $0x9FFFFFFF  }
0xc3: {  	(tm) =	ssettm $0x7FFFFFFF  }
tec
execute0_lowered:
.L_overlay_start_1:
0x0: {  	(tag) =	ssettag $0x1  }
0x1: {  	s1 =	rddreg [dreg:$0x0]  }
0x2: {  	s0 =	rddreg [dreg:$0x1]  }
0x3: {  	s2 =	rddreg [dreg:$0x2]  }
0x4: {  	s3 =	srdreg.scid;
	s5 =	simm.s32 $0x0;
	s8 =	stileid.u32  }
0x5: {  	s12 =	simm.s32 $0x5;
	s14 =	simm.s32 $0x12000;
	s15 =	simm.s32 $0x50  }
0x6: {  	s16 =	simm.s32 $0x8000;
	s17 =	simm.s32 $0x80;
	s18 =	simm.s32 $0xA800  }
0x7: {  	s19 =	simm.s32 $0x1;
	s20 =	simm.s32 $0xD000;
	s21 =	simm.s32 $0x2  }
0x8: {  	s22 =	simm.s32 $0xF800;
	s28 =	simm.s32 $0x7C80;
	s29 =	simm.s32 $0x3D80  }
0x9: {  	s30 =	simm.s32 $0x7D00;
	s31 =	simm.s32 $0x3E00;
	s23 =	smul.u32 $0x140, s8  }
0xa: {  	s3 =	sand.u32 $0x1, s3;
	s6 =	sshll.u32 s8, $0xC;
	s8 =	smul.u32 $0x28000, s8  }
0xb: {  	[smem:$0x7FF] =	sst s5;
	s4 =	smul.u32 $0x1400, s3;
	s3 =	ssub.s32 $0x2, s3  }
0xc: {  	_ =	strace $0x8000004D;
	s9 =	sadd.s32 s6, s0;
	s7 =	sshrl.u32 s3, $0x1  }
0xd: {  	s24 =	sadd.s32 $0x2600, s9;
	s25 =	sadd.s32 $0x12600, s9;
	s26 =	sshrl.u32 s8, $0x2  }
0xe: {  	s8 =	sadd.s32 $0x2E00, s9;
	s9 =	sadd.s32 $0x12E00, s9;
	[dreg:$0x4] =	wrdreg s24  }
0xf: {  	s5 =	sadd.s32 s23, s4;
	s3 =	ssub.s32 s3, s7;
	[dreg:$0x5] =	wrdreg s25  }
0x10: {  	s7 =	sadd.s32 s26, s2;
	s23 =	simm.s32 $0x3;
	s24 =	simm.s32 $0x4  }
0x11: {  	v0 =	vlaneseq.u32;
	s25 =	simm.s32 $0x7C00;
	s26 =	simm.s32 $0x3D00;
	s5 =	sshll.u32 s5, $0x4  }
0x12: {  	v2 =	vand.u32 $0x7, v0;
	v0 =	vmov s4;
	s4 =	simm.s32 $0x0;
	s11 =	smax.u32 s3, $0x1;
	s0 =	sadd.s32 s5, s0  }
0x13: {  	v1 =	vimm.f32 $0.0e+00;
	v2 =	vor.u32 $0x1400, v2;
	s3 =	simm.s32 $0x7E00;
	s10 =	sadd.s32 $0x22600, s0;
	s0 =	simm.s32 $0x7D80  }
.LBB2_1:
0x14: {  	[tilespmem:$0x12000] =	vst v1  }
0x15: {  	[tilespmem:$0x12010] =	vst v1  }
0x16: {  	[tilespmem:$0x12020] =	vst v1  }
0x17: {  	[tilespmem:$0x12030] =	vst v1  }
0x18: {  	[tilespmem:$0x12040] =	vst v1  }
0x19: {  	[tilespmem:$0x12050] =	vst v1  }
0x1a: {  	[tilespmem:$0x12060] =	vst v1  }
0x1b: {  	[tilespmem:$0x12070] =	vst v1  }
0x1c: {  	[tilespmem:$0x12080] =	vst v1  }
0x1d: {  	[tilespmem:$0x12090] =	vst v1  }
0x1e: {  	[tilespmem:$0x120A0] =	vst v1  }
0x1f: {  	[tilespmem:$0x120B0] =	vst v1  }
0x20: {  	[tilespmem:$0x120C0] =	vst v1  }
0x21: {  	[tilespmem:$0x120D0] =	vst v1  }
0x22: {  	[tilespmem:$0x120E0] =	vst v1  }
0x23: {  	[tilespmem:$0x120F0] =	vst v1  }
0x24: {  	[tilespmem:$0x12100] =	vst v1  }
0x25: {  	[tilespmem:$0x12110] =	vst v1  }
0x26: {  	[tilespmem:$0x12120] =	vst v1  }
0x27: {  	[tilespmem:$0x12130] =	vst v1  }
0x28: {  	[tilespmem:$0x12140] =	vst v1  }
0x29: {  	[tilespmem:$0x12150] =	vst v1  }
0x2a: {  	[tilespmem:$0x12160] =	vst v1  }
0x2b: {  	[tilespmem:$0x12170] =	vst v1  }
0x2c: {  	[tilespmem:$0x12180] =	vst v1  }
0x2d: {  	[tilespmem:$0x12190] =	vst v1  }
0x2e: {  	[tilespmem:$0x121A0] =	vst v1  }
0x2f: {  	[tilespmem:$0x121B0] =	vst v1  }
0x30: {  	[tilespmem:$0x121C0] =	vst v1  }
0x31: {  	[tilespmem:$0x121D0] =	vst v1  }
0x32: {  	[tilespmem:$0x121E0] =	vst v1  }
0x33: {  	[tilespmem:$0x121F0] =	vst v1  }
0x34: {  	[tilespmem:$0x12200] =	vst v1  }
0x35: {  	[tilespmem:$0x12210] =	vst v1  }
0x36: {  	[tilespmem:$0x12220] =	vst v1  }
0x37: {  	[tilespmem:$0x12230] =	vst v1  }
0x38: {  	[tilespmem:$0x12240] =	vst v1  }
0x39: {  	[tilespmem:$0x12250] =	vst v1  }
0x3a: {  	[tilespmem:$0x12260] =	vst v1  }
0x3b: {  	[tilespmem:$0x12270] =	vst v1  }
0x3c: {  	[tilespmem:$0x12280] =	vst v1  }
0x3d: {  	[tilespmem:$0x12290] =	vst v1  }
0x3e: {  	[tilespmem:$0x122A0] =	vst v1  }
0x3f: {  	[tilespmem:$0x122B0] =	vst v1  }
0x40: {  	[tilespmem:$0x122C0] =	vst v1  }
0x41: {  	[tilespmem:$0x122D0] =	vst v1  }
0x42: {  	[tilespmem:$0x122E0] =	vst v1  }
0x43: {  	[tilespmem:$0x122F0] =	vst v1  }
0x44: {  	[tilespmem:$0x12300] =	vst v1  }
0x45: {  	[tilespmem:$0x12310] =	vst v1  }
0x46: {  	[tilespmem:$0x12320] =	vst v1  }
0x47: {  	[tilespmem:$0x12330] =	vst v1  }
0x48: {  	[tilespmem:$0x12340] =	vst v1  }
0x49: {  	[tilespmem:$0x12350] =	vst v1  }
0x4a: {  	[tilespmem:$0x12360] =	vst v1  }
0x4b: {  	[tilespmem:$0x12370] =	vst v1  }
0x4c: {  	[tilespmem:$0x12380] =	vst v1  }
0x4d: {  	[tilespmem:$0x12390] =	vst v1  }
0x4e: {  	[tilespmem:$0x123A0] =	vst v1  }
0x4f: {  	[tilespmem:$0x123B0] =	vst v1  }
0x50: {  	[tilespmem:$0x123C0] =	vst v1  }
0x51: {  	[tilespmem:$0x123D0] =	vst v1  }
0x52: {  	[tilespmem:$0x123E0] =	vst v1  }
0x53: {  	[tilespmem:$0x123F0] =	vst v1;
	s5 =	simm.s32 $0x0;
	s6 =	rddreg [dreg:$0x4]  }
0x54: {  	[tilespmem:s5], [sflag:$0x5] =	stream.linear.gather [hbm4b:s6+s5], $0x3E80, $0x38;
	[tilespmem:$0x1C440] =	vst v63  }
0x55: {  	_ =	swait.ge [sflag:s12], $0x3E80  }
0x56: {  	[sflag:s12] =	ssyncset.done $0x0  }
0x57: {  	s13 =	simm.s32 $0x4000;
	s6 =	rddreg [dreg:$0x5];
	[sflag:s12] =	ssyncadd.s32 $0xFFFFC180  }
0x58: {  	[tilespmem:s13], [sflag:$0x5] =	stream.linear.gather [hbm4b:s6+s5], $0x3E80, $0x38;
	[tilespmem:$0x1C440] =	vst v63  }
0x59: {  	_ =	swait.ge [sflag:s12], $0x3E80  }
0x5a: {  	[sflag:s12] =	ssyncset.done $0x0  }
0x5b: {  	s13 =	simm.s32 $0x0;
	[sflag:s12] =	ssyncadd.s32 $0xFFFFC180  }
0x5c: {  	v4 =	vld [tilespmem:s13+$0x4000]  }
0x5d: {  	v6 =	vld [tilespmem:s13+$0x4010]  }
0x5e: {  	v5 =	vld [tilespmem:s13+$0x4020]  }
0x5f: {  	s5 =	simm.s32 $0x200;
	v3 =	vld [tilespmem:s13+$0x4030]  }
.LBB2_2:
0x60: {  	p0 =	sne.s32 s5, $0xF800;
	v7 =	vld [tilespmem:s13+$0x4040]  }
0x61: {  	v4 =	vsub.s32 v4, v0  }
0x62: {  	vm0 =	vlt.u32 v4, $0x1400;
	v6 =	vsub.s32 v6, v0  }
0x63: {  	v4 =	vsel vm0, v4, v2;
	vm0 =	vlt.u32 v6, $0x1400;
	v5 =	vsub.s32 v5, v0  }
.Ltmp0:
0x64: {  	s6 =	sshra.s32 s5, $0x2;
	[tilespmem:s13+$0x4000] =	vst v4;
	v6 =	vsel vm0, v6, v2;
	vm0 =	vlt.u32 v5, $0x1400;
	v3 =	vsub.s32 v3, v0;
	(pc) =	sbr.rel @p0 .LBB2_2-.Ltmp0, $4  }
0x65: {  	v4 =	vld [tilespmem:s6+$0x4000];
	[tilespmem:s13+$0x4010] =	vst v6;
	v5 =	vsel vm0, v5, v2;
	vm0 =	vlt.u32 v3, $0x1400;
	v7 =	vsub.s32 v7, v0  }
0x66: {  	v6 =	vld [tilespmem:s6+$0x4010];
	[tilespmem:s13+$0x4020] =	vst v5;
	v3 =	vsel vm0, v3, v2;
	vm0 =	vlt.u32 v7, $0x1400  }
0x67: {  	v5 =	vld [tilespmem:s6+$0x4020];
	[tilespmem:s13+$0x4030] =	vst v3;
	v7 =	vsel vm0, v7, v2  }
0x68: {  	s5 =	sadd.s32 $0x200, s5;
	v3 =	vld [tilespmem:s6+$0x4030];
	[tilespmem:s13+$0x4040] =	vst v7;
	s13 =	smov.u32 s6  }
0x69: {  	v7 =	vld [tilespmem:s13+$0x4040]  }
0x6a: {  	v4 =	vsub.s32 v4, v0  }
0x6b: {  	vm0 =	vlt.u32 v4, $0x1400;
	v6 =	vsub.s32 v6, v0  }
0x6c: {  	v4 =	vsel vm0, v4, v2;
	vm12 =	vlt.u32 v6, $0x1400;
	v5 =	vsub.s32 v5, v0  }
0x6d: {  	[tilespmem:s13+$0x4000] =	vst v4;
	v61 =	vsel vm12, v6, v2;
	vm13 =	vlt.u32 v5, $0x1400;
	v3 =	vsub.s32 v3, v0  }
0x6e: {  	[tilespmem:s13+$0x4010] =	vst v61;
	v62 =	vsel vm13, v5, v2;
	vm14 =	vlt.u32 v3, $0x1400;
	v63 =	vsub.s32 v7, v0  }
0x6f: {  	[tilespmem:s13+$0x4020] =	vst v62;
	v3 =	vsel vm14, v3, v2;
	vm15 =	vlt.u32 v63, $0x1400  }
0x70: {  	[tilespmem:s13+$0x4030] =	vst v3;
	v3 =	vsel vm15, v63, v2  }
0x71: {  	s5 =	sadd.s32 $0x0, s7;
	[tilespmem:s13+$0x4040] =	vst v3  }
0x72: {  	[spmem:s5] =	stream.linear.scatter [tilespmem:s14], [sflag:$0x5], $0x400, $0x38;
	[tilespmem:$0x1C440] =	vst v63  }
0x73: {  	s5 =	simm.s32 $0x1000;
	_ =	swait.ge [sflag:s12], $0x400  }
.LBB2_4:
0x74: {  	s6 =	sshra.s32 s5, $0x2;
	[sflag:s12] =	ssyncset.done $0x0;
	p0 =	sne.s32 s5, $0x28000  }
.Ltmp1:
0x75: {  	s6 =	sadd.s32 s6, s7;
	[sflag:s12] =	ssyncadd.s32 $0xFFFFFC00;
	(pc) =	sbr.rel @p0 .LBB2_4-.Ltmp1, $3  }
0x76: {  	[spmem:s6] =	stream.linear.scatter [tilespmem:s14], [sflag:$0x5], $0x400, $0x38;
	[tilespmem:$0x1C440] =	vst v63  }
0x77: {  	s5 =	sadd.s32 $0x1000, s5;
	_ =	sdelay $0x1  }
0x78: {  	_ =	swait.ge [sflag:s12], $0x400  }
0x79: {  	[sflag:s12] =	ssyncset.done $0x0  }
0x7a: {  	[sflag:s12] =	ssyncadd.s32 $0xFFFFFC00  }
0x7b: {  	s5 =	simm.s32 $0x0;
	[bflag:$0x0] =	sbarrier.arrive $0xFFFF  }
0x7c: {  	[tilespmem:s16], [sflag:$0x1] =	stream.indirect.gather [hbm4b:s1+s15], $0x80, s5, s15, $0xb8;
	[tilespmem:$0x1C440] =	vst v63  }
0x7d: {  	_ = 	snop  }
0x7e: {  	[tilespmem:s18], [sflag:$0x2] =	stream.indirect.gather [hbm4b:s1+s15], $0x80, s17, s15, $0xb8;
	[tilespmem:$0x1C440] =	vst v63  }
0x7f: {  	_ =	swait.ge [sflag:s19], $0x2800  }
0x80: {  	[sflag:s19] =	ssyncset.done $0x0  }
0x81: {  	s13 =	simm.s32 $0x4000;
	[sflag:s19] =	ssyncadd.s32 $0xFFFFD800  }
0x82: {  	[spmem:s2] =	stream.indirect.scatter.add.f32 [tilespmem:s16], [sflag:$0x5], $0x80, s13, s15, $0xb8;
	[tilespmem:$0x1C440] =	vst v63  }
0x83: {  	_ =	swait.ge [sflag:s12], $0x2800  }
0x84: {  	[sflag:s12] =	ssyncset.done $0x0  }
0x85: {  	s6 =	simm.s32 $0x100;
	[sflag:s12] =	ssyncadd.s32 $0xFFFFD800  }
0x86: {  	[tilespmem:s20], [sflag:$0x3] =	stream.indirect.gather [hbm4b:s1+s15], $0x80, s6, s15, $0xb8;
	[tilespmem:$0x1C440] =	vst v63  }
0x87: {  	_ =	swait.ge [sflag:s21], $0x2800  }
0x88: {  	[sflag:s21] =	ssyncset.done $0x0  }
0x89: {  	s13 =	simm.s32 $0x4080;
	[sflag:s21] =	ssyncadd.s32 $0xFFFFD800  }
0x8a: {  	[spmem:s2] =	stream.indirect.scatter.add.f32 [tilespmem:s18], [sflag:$0x5], $0x80, s13, s15, $0xb8;
	[tilespmem:$0x1C440] =	vst v63  }
0x8b: {  	_ =	swait.ge [sflag:s12], $0x2800  }
0x8c: {  	[sflag:s12] =	ssyncset.done $0x0  }
0x8d: {  	s6 =	simm.s32 $0x180;
	[sflag:s12] =	ssyncadd.s32 $0xFFFFD800  }
0x8e: {  	[tilespmem:s22], [sflag:$0x4] =	stream.indirect.gather [hbm4b:s1+s15], $0x80, s6, s15, $0xb8;
	[tilespmem:$0x1C440] =	vst v63  }
0x8f: {  	_ =	swait.ge [sflag:s23], $0x2800  }
0x90: {  	[sflag:s23] =	ssyncset.done $0x0  }
0x91: {  	s13 =	simm.s32 $0x4100;
	[sflag:s23] =	ssyncadd.s32 $0xFFFFD800  }
0x92: {  	[spmem:s2] =	stream.indirect.scatter.add.f32 [tilespmem:s20], [sflag:$0x5], $0x80, s13, s15, $0xb8;
	[tilespmem:$0x1C440] =	vst v63  }
0x93: {  	_ =	swait.ge [sflag:s12], $0x2800  }
0x94: {  	[sflag:s12] =	ssyncset.done $0x0  }
0x95: {  	s6 =	simm.s32 $0x200;
	[sflag:s12] =	ssyncadd.s32 $0xFFFFD800  }
0x96: {  	[tilespmem:s16], [sflag:$0x1] =	stream.indirect.gather [hbm4b:s1+s15], $0x80, s6, s15, $0xb8;
	[tilespmem:$0x1C440] =	vst v63  }
0x97: {  	_ =	swait.ge [sflag:s24], $0x2800  }
0x98: {  	[sflag:s24] =	ssyncset.done $0x0  }
0x99: {  	s13 =	simm.s32 $0x4180;
	[sflag:s24] =	ssyncadd.s32 $0xFFFFD800  }
0x9a: {  	[spmem:s2] =	stream.indirect.scatter.add.f32 [tilespmem:s22], [sflag:$0x5], $0x80, s13, s15, $0xb8;
	[tilespmem:$0x1C440] =	vst v63  }
0x9b: {  	_ =	swait.ge [sflag:s12], $0x2800  }
0x9c: {  	[sflag:s12] =	ssyncset.done $0x0  }
0x9d: {  	s5 =	simm.s32 $0x280;
	s13 =	simm.s32 $0x800;
	[sflag:s12] =	ssyncadd.s32 $0xFFFFD800  }
.LBB2_6:
0x9e: {  	[tilespmem:s18], [sflag:$0x2] =	stream.indirect.gather [hbm4b:s1+s15], $0x80, s5, s15, $0xb8;
	[tilespmem:$0x1C440] =	vst v63  }
0x9f: {  	s5 =	smov.u32 s13  }
0xa0: {  	p0 =	sne.s32 s13, $0xE800;
	s13 =	sadd.s32 $0x800, s13;
	_ =	swait.ge [sflag:s19], $0x2800  }
0xa1: {  	s5 =	sshra.s32 s5, $0x2;
	[sflag:s19] =	ssyncset.done $0x0  }
0xa2: {  	s6 =	sadd.s32 $0x4000, s5;
	[sflag:s19] =	ssyncadd.s32 $0xFFFFD800  }
0xa3: {  	[spmem:s2] =	stream.indirect.scatter.add.f32 [tilespmem:s16], [sflag:$0x5], $0x80, s6, s15, $0xb8;
	[tilespmem:$0x1C440] =	vst v63  }
0xa4: {  	_ =	swait.ge [sflag:s12], $0x2800  }
0xa5: {  	[sflag:s12] =	ssyncset.done $0x0  }
0xa6: {  	s6 =	sadd.s32 $0x100, s5;
	[sflag:s12] =	ssyncadd.s32 $0xFFFFD800  }
0xa7: {  	[tilespmem:s20], [sflag:$0x3] =	stream.indirect.gather [hbm4b:s1+s15], $0x80, s6, s15, $0xb8;
	[tilespmem:$0x1C440] =	vst v63  }
0xa8: {  	_ =	swait.ge [sflag:s21], $0x2800  }
0xa9: {  	[sflag:s21] =	ssyncset.done $0x0  }
0xaa: {  	s6 =	sadd.s32 $0x4080, s5;
	[sflag:s21] =	ssyncadd.s32 $0xFFFFD800  }
0xab: {  	[spmem:s2] =	stream.indirect.scatter.add.f32 [tilespmem:s18], [sflag:$0x5], $0x80, s6, s15, $0xb8;
	[tilespmem:$0x1C440] =	vst v63  }
0xac: {  	_ =	swait.ge [sflag:s12], $0x2800  }
0xad: {  	[sflag:s12] =	ssyncset.done $0x0  }
0xae: {  	s6 =	sadd.s32 $0x180, s5;
	[sflag:s12] =	ssyncadd.s32 $0xFFFFD800  }
0xaf: {  	[tilespmem:s22], [sflag:$0x4] =	stream.indirect.gather [hbm4b:s1+s15], $0x80, s6, s15, $0xb8;
	[tilespmem:$0x1C440] =	vst v63  }
0xb0: {  	_ =	swait.ge [sflag:s23], $0x2800  }
0xb1: {  	[sflag:s23] =	ssyncset.done $0x0  }
0xb2: {  	s6 =	sadd.s32 $0x4100, s5;
	[sflag:s23] =	ssyncadd.s32 $0xFFFFD800  }
0xb3: {  	[spmem:s2] =	stream.indirect.scatter.add.f32 [tilespmem:s20], [sflag:$0x5], $0x80, s6, s15, $0xb8;
	[tilespmem:$0x1C440] =	vst v63  }
0xb4: {  	_ =	swait.ge [sflag:s12], $0x2800  }
0xb5: {  	[sflag:s12] =	ssyncset.done $0x0  }
0xb6: {  	s6 =	sadd.s32 $0x200, s5;
	[sflag:s12] =	ssyncadd.s32 $0xFFFFD800  }
0xb7: {  	[tilespmem:s16], [sflag:$0x1] =	stream.indirect.gather [hbm4b:s1+s15], $0x80, s6, s15, $0xb8;
	[tilespmem:$0x1C440] =	vst v63  }
0xb8: {  	_ =	swait.ge [sflag:s24], $0x2800  }
0xb9: {  	[sflag:s24] =	ssyncset.done $0x0  }
.Ltmp2:
0xba: {  	s6 =	sadd.s32 $0x4180, s5;
	[sflag:s24] =	ssyncadd.s32 $0xFFFFD800;
	(pc) =	sbr.rel @p0 .LBB2_6-.Ltmp2, $4  }
0xbb: {  	[spmem:s2] =	stream.indirect.scatter.add.f32 [tilespmem:s22], [sflag:$0x5], $0x80, s6, s15, $0xb8;
	[tilespmem:$0x1C440] =	vst v63  }
0xbc: {  	_ =	swait.ge [sflag:s12], $0x2800  }
0xbd: {  	[sflag:s12] =	ssyncset.done $0x0  }
0xbe: {  	s5 =	sadd.s32 $0x280, s5;
	[sflag:s12] =	ssyncadd.s32 $0xFFFFD800  }
0xbf: {  	[tilespmem:s18], [sflag:$0x2] =	stream.indirect.gather [hbm4b:s1+s15], $0x80, s5, s15, $0xb8;
	[tilespmem:$0x1C440] =	vst v63  }
0xc0: {  	_ =	swait.ge [sflag:s19], $0x2800  }
0xc1: {  	[sflag:s19] =	ssyncset.done $0x0  }
0xc2: {  	[sflag:s19] =	ssyncadd.s32 $0xFFFFD800  }
0xc3: {  	[spmem:s2] =	stream.indirect.scatter.add.f32 [tilespmem:s16], [sflag:$0x5], $0x80, s25, s15, $0xb8;
	[tilespmem:$0x1C440] =	vst v63  }
0xc4: {  	_ =	swait.ge [sflag:s12], $0x2800  }
0xc5: {  	[sflag:s12] =	ssyncset.done $0x0  }
0xc6: {  	[sflag:s12] =	ssyncadd.s32 $0xFFFFD800  }
0xc7: {  	[tilespmem:s20], [sflag:$0x3] =	stream.indirect.gather [hbm4b:s1+s15], $0x80, s26, s15, $0xb8;
	[tilespmem:$0x1C440] =	vst v63  }
0xc8: {  	_ =	swait.ge [sflag:s21], $0x2800  }
0xc9: {  	[sflag:s21] =	ssyncset.done $0x0  }
0xca: {  	[sflag:s21] =	ssyncadd.s32 $0xFFFFD800  }
0xcb: {  	[spmem:s2] =	stream.indirect.scatter.add.f32 [tilespmem:s18], [sflag:$0x5], $0x80, s28, s15, $0xb8;
	[tilespmem:$0x1C440] =	vst v63  }
0xcc: {  	_ =	swait.ge [sflag:s12], $0x2800  }
0xcd: {  	[sflag:s12] =	ssyncset.done $0x0  }
0xce: {  	[sflag:s12] =	ssyncadd.s32 $0xFFFFD800  }
0xcf: {  	[tilespmem:s22], [sflag:$0x4] =	stream.indirect.gather [hbm4b:s1+s15], $0x80, s29, s15, $0xb8;
	[tilespmem:$0x1C440] =	vst v63  }
0xd0: {  	_ =	swait.ge [sflag:s23], $0x2800  }
0xd1: {  	[sflag:s23] =	ssyncset.done $0x0  }
0xd2: {  	[sflag:s23] =	ssyncadd.s32 $0xFFFFD800  }
0xd3: {  	[spmem:s2] =	stream.indirect.scatter.add.f32 [tilespmem:s20], [sflag:$0x5], $0x80, s30, s15, $0xb8;
	[tilespmem:$0x1C440] =	vst v63  }
0xd4: {  	_ =	swait.ge [sflag:s12], $0x2800  }
0xd5: {  	[sflag:s12] =	ssyncset.done $0x0  }
0xd6: {  	[sflag:s12] =	ssyncadd.s32 $0xFFFFD800  }
0xd7: {  	[tilespmem:s16], [sflag:$0x1] =	stream.indirect.gather [hbm4b:s1+s15], $0x80, s31, s15, $0xb8;
	[tilespmem:$0x1C440] =	vst v63  }
0xd8: {  	_ =	swait.ge [sflag:s24], $0x2800  }
0xd9: {  	[sflag:s24] =	ssyncset.done $0x0  }
0xda: {  	[sflag:s24] =	ssyncadd.s32 $0xFFFFD800  }
0xdb: {  	[spmem:s2] =	stream.indirect.scatter.add.f32 [tilespmem:s22], [sflag:$0x5], $0x80, s0, s15, $0xb8;
	[tilespmem:$0x1C440] =	vst v63  }
0xdc: {  	_ =	swait.ge [sflag:s12], $0x2800  }
0xdd: {  	[sflag:s12] =	ssyncset.done $0x0  }
0xde: {  	[sflag:s12] =	ssyncadd.s32 $0xFFFFD800  }
0xdf: {  	_ =	swait.ge [sflag:s19], $0x2800  }
0xe0: {  	[sflag:s19] =	ssyncset.done $0x0  }
0xe1: {  	[sflag:s19] =	ssyncadd.s32 $0xFFFFD800  }
0xe2: {  	[spmem:s2] =	stream.indirect.scatter.add.f32 [tilespmem:s16], [sflag:$0x5], $0x80, s3, s15, $0xb8;
	[tilespmem:$0x1C440] =	vst v63  }
0xe3: {  	_ =	swait.ge [sflag:s12], $0x2800  }
0xe4: {  	[sflag:s12] =	ssyncset.done $0x0  }
0xe5: {  	s13 =	simm.s32 $0x0;
	[sflag:s12] =	ssyncadd.s32 $0xFFFFD800  }
0xe6: {  	[tilespmem:s13], [sflag:$0x5] =	stream.linear.gather [hbm4b:s8+s13], $0x3E80, $0x38;
	[tilespmem:$0x1C440] =	vst v63  }
0xe7: {  	_ =	swait.ge [sflag:s12], $0x3E80  }
0xe8: {  	[sflag:s12] =	ssyncset.done $0x0  }
0xe9: {  	s6 =	simm.s32 $0x4000;
	[sflag:s12] =	ssyncadd.s32 $0xFFFFC180  }
0xea: {  	[tilespmem:s6], [sflag:$0x5] =	stream.linear.gather [hbm4b:s9+s13], $0x3E80, $0x38;
	[tilespmem:$0x1C440] =	vst v63  }
0xeb: {  	_ =	swait.ge [sflag:s12], $0x3E80  }
0xec: {  	[sflag:s12] =	ssyncset.done $0x0  }
0xed: {  	s13 =	simm.s32 $0x0;
	[sflag:s12] =	ssyncadd.s32 $0xFFFFC180  }
0xee: {  	v4 =	vld [tilespmem:s13+$0x4000]  }
0xef: {  	v6 =	vld [tilespmem:s13+$0x4010]  }
0xf0: {  	v5 =	vld [tilespmem:s13+$0x4020]  }
0xf1: {  	s5 =	simm.s32 $0x200;
	v3 =	vld [tilespmem:s13+$0x4030]  }
.LBB2_8:
0xf2: {  	p0 =	sne.s32 s5, $0xF800;
	v7 =	vld [tilespmem:s13+$0x4040]  }
0xf3: {  	v4 =	vsub.s32 v4, v0  }
0xf4: {  	vm0 =	vlt.u32 v4, $0x1400;
	v6 =	vsub.s32 v6, v0  }
0xf5: {  	v4 =	vsel vm0, v4, v2;
	vm0 =	vlt.u32 v6, $0x1400;
	v5 =	vsub.s32 v5, v0  }
.Ltmp3:
0xf6: {  	s6 =	sshra.s32 s5, $0x2;
	[tilespmem:s13+$0x4000] =	vst v4;
	v6 =	vsel vm0, v6, v2;
	vm0 =	vlt.u32 v5, $0x1400;
	v3 =	vsub.s32 v3, v0;
	(pc) =	sbr.rel @p0 .LBB2_8-.Ltmp3, $4  }
0xf7: {  	v4 =	vld [tilespmem:s6+$0x4000];
	[tilespmem:s13+$0x4010] =	vst v6;
	v5 =	vsel vm0, v5, v2;
	vm0 =	vlt.u32 v3, $0x1400;
	v7 =	vsub.s32 v7, v0  }
0xf8: {  	v6 =	vld [tilespmem:s6+$0x4010];
	[tilespmem:s13+$0x4020] =	vst v5;
	v3 =	vsel vm0, v3, v2;
	vm0 =	vlt.u32 v7, $0x1400  }
0xf9: {  	v5 =	vld [tilespmem:s6+$0x4020];
	[tilespmem:s13+$0x4030] =	vst v3;
	v7 =	vsel vm0, v7, v2  }
0xfa: {  	s5 =	sadd.s32 $0x200, s5;
	v3 =	vld [tilespmem:s6+$0x4030];
	[tilespmem:s13+$0x4040] =	vst v7;
	s13 =	smov.u32 s6  }
0xfb: {  	v7 =	vld [tilespmem:s13+$0x4040]  }
0xfc: {  	v4 =	vsub.s32 v4, v0  }
0xfd: {  	vm0 =	vlt.u32 v4, $0x1400;
	v6 =	vsub.s32 v6, v0  }
0xfe: {  	v4 =	vsel vm0, v4, v2;
	vm12 =	vlt.u32 v6, $0x1400;
	v5 =	vsub.s32 v5, v0  }
0xff: {  	[tilespmem:s13+$0x4000] =	vst v4;
	v61 =	vsel vm12, v6, v2;
	vm13 =	vlt.u32 v5, $0x1400;
	v3 =	vsub.s32 v3, v0  }
0x100: {  	[tilespmem:s13+$0x4010] =	vst v61;
	v62 =	vsel vm13, v5, v2;
	vm14 =	vlt.u32 v3, $0x1400;
	v63 =	vsub.s32 v7, v0  }
0x101: {  	[tilespmem:s13+$0x4020] =	vst v62;
	v3 =	vsel vm14, v3, v2;
	vm15 =	vlt.u32 v63, $0x1400  }
0x102: {  	[tilespmem:s13+$0x4030] =	vst v3;
	v3 =	vsel vm15, v63, v2  }
0x103: {  	s5 =	simm.s32 $0x0;
	[tilespmem:s13+$0x4040] =	vst v3  }
0x104: {  	[tilespmem:s16], [sflag:$0x1] =	stream.indirect.gather [hbm4b:s1+s15], $0x80, s5, s15, $0xb8;
	[tilespmem:$0x1C440] =	vst v63  }
0x105: {  	_ = 	snop  }
0x106: {  	[tilespmem:s18], [sflag:$0x2] =	stream.indirect.gather [hbm4b:s1+s15], $0x80, s17, s15, $0xb8;
	[tilespmem:$0x1C440] =	vst v63  }
0x107: {  	_ =	swait.ge [sflag:s19], $0x2800  }
0x108: {  	[sflag:s19] =	ssyncset.done $0x0  }
0x109: {  	s13 =	simm.s32 $0x4000;
	[sflag:s19] =	ssyncadd.s32 $0xFFFFD800  }
0x10a: {  	[spmem:s2] =	stream.indirect.scatter.add.f32 [tilespmem:s16], [sflag:$0x5], $0x80, s13, s15, $0xb8;
	[tilespmem:$0x1C440] =	vst v63  }
0x10b: {  	_ =	swait.ge [sflag:s12], $0x2800  }
0x10c: {  	[sflag:s12] =	ssyncset.done $0x0  }
0x10d: {  	s6 =	simm.s32 $0x100;
	[sflag:s12] =	ssyncadd.s32 $0xFFFFD800  }
0x10e: {  	[tilespmem:s20], [sflag:$0x3] =	stream.indirect.gather [hbm4b:s1+s15], $0x80, s6, s15, $0xb8;
	[tilespmem:$0x1C440] =	vst v63  }
0x10f: {  	_ =	swait.ge [sflag:s21], $0x2800  }
0x110: {  	[sflag:s21] =	ssyncset.done $0x0  }
0x111: {  	s13 =	simm.s32 $0x4080;
	[sflag:s21] =	ssyncadd.s32 $0xFFFFD800  }
0x112: {  	[spmem:s2] =	stream.indirect.scatter.add.f32 [tilespmem:s18], [sflag:$0x5], $0x80, s13, s15, $0xb8;
	[tilespmem:$0x1C440] =	vst v63  }
0x113: {  	_ =	swait.ge [sflag:s12], $0x2800  }
0x114: {  	[sflag:s12] =	ssyncset.done $0x0  }
0x115: {  	s6 =	simm.s32 $0x180;
	[sflag:s12] =	ssyncadd.s32 $0xFFFFD800  }
0x116: {  	[tilespmem:s22], [sflag:$0x4] =	stream.indirect.gather [hbm4b:s1+s15], $0x80, s6, s15, $0xb8;
	[tilespmem:$0x1C440] =	vst v63  }
0x117: {  	_ =	swait.ge [sflag:s23], $0x2800  }
0x118: {  	[sflag:s23] =	ssyncset.done $0x0  }
0x119: {  	s13 =	simm.s32 $0x4100;
	[sflag:s23] =	ssyncadd.s32 $0xFFFFD800  }
0x11a: {  	[spmem:s2] =	stream.indirect.scatter.add.f32 [tilespmem:s20], [sflag:$0x5], $0x80, s13, s15, $0xb8;
	[tilespmem:$0x1C440] =	vst v63  }
0x11b: {  	_ =	swait.ge [sflag:s12], $0x2800  }
0x11c: {  	[sflag:s12] =	ssyncset.done $0x0  }
0x11d: {  	s6 =	simm.s32 $0x200;
	[sflag:s12] =	ssyncadd.s32 $0xFFFFD800  }
0x11e: {  	[tilespmem:s16], [sflag:$0x1] =	stream.indirect.gather [hbm4b:s1+s15], $0x80, s6, s15, $0xb8;
	[tilespmem:$0x1C440] =	vst v63  }
0x11f: {  	_ =	swait.ge [sflag:s24], $0x2800  }
0x120: {  	[sflag:s24] =	ssyncset.done $0x0  }
0x121: {  	s13 =	simm.s32 $0x4180;
	[sflag:s24] =	ssyncadd.s32 $0xFFFFD800  }
0x122: {  	[spmem:s2] =	stream.indirect.scatter.add.f32 [tilespmem:s22], [sflag:$0x5], $0x80, s13, s15, $0xb8;
	[tilespmem:$0x1C440] =	vst v63  }
0x123: {  	_ =	swait.ge [sflag:s12], $0x2800  }
0x124: {  	[sflag:s12] =	ssyncset.done $0x0  }
0x125: {  	s5 =	simm.s32 $0x280;
	s13 =	simm.s32 $0x800;
	[sflag:s12] =	ssyncadd.s32 $0xFFFFD800  }
.LBB2_10:
0x126: {  	[tilespmem:s18], [sflag:$0x2] =	stream.indirect.gather [hbm4b:s1+s15], $0x80, s5, s15, $0xb8;
	[tilespmem:$0x1C440] =	vst v63  }
0x127: {  	s5 =	smov.u32 s13  }
0x128: {  	p0 =	sne.s32 s13, $0xE800;
	s13 =	sadd.s32 $0x800, s13;
	_ =	swait.ge [sflag:s19], $0x2800  }
0x129: {  	s5 =	sshra.s32 s5, $0x2;
	[sflag:s19] =	ssyncset.done $0x0  }
0x12a: {  	s6 =	sadd.s32 $0x4000, s5;
	[sflag:s19] =	ssyncadd.s32 $0xFFFFD800  }
0x12b: {  	[spmem:s2] =	stream.indirect.scatter.add.f32 [tilespmem:s16], [sflag:$0x5], $0x80, s6, s15, $0xb8;
	[tilespmem:$0x1C440] =	vst v63  }
0x12c: {  	_ =	swait.ge [sflag:s12], $0x2800  }
0x12d: {  	[sflag:s12] =	ssyncset.done $0x0  }
0x12e: {  	s6 =	sadd.s32 $0x100, s5;
	[sflag:s12] =	ssyncadd.s32 $0xFFFFD800  }
0x12f: {  	[tilespmem:s20], [sflag:$0x3] =	stream.indirect.gather [hbm4b:s1+s15], $0x80, s6, s15, $0xb8;
	[tilespmem:$0x1C440] =	vst v63  }
0x130: {  	_ =	swait.ge [sflag:s21], $0x2800  }
0x131: {  	[sflag:s21] =	ssyncset.done $0x0  }
0x132: {  	s6 =	sadd.s32 $0x4080, s5;
	[sflag:s21] =	ssyncadd.s32 $0xFFFFD800  }
0x133: {  	[spmem:s2] =	stream.indirect.scatter.add.f32 [tilespmem:s18], [sflag:$0x5], $0x80, s6, s15, $0xb8;
	[tilespmem:$0x1C440] =	vst v63  }
0x134: {  	_ =	swait.ge [sflag:s12], $0x2800  }
0x135: {  	[sflag:s12] =	ssyncset.done $0x0  }
0x136: {  	s6 =	sadd.s32 $0x180, s5;
	[sflag:s12] =	ssyncadd.s32 $0xFFFFD800  }
0x137: {  	[tilespmem:s22], [sflag:$0x4] =	stream.indirect.gather [hbm4b:s1+s15], $0x80, s6, s15, $0xb8;
	[tilespmem:$0x1C440] =	vst v63  }
0x138: {  	_ =	swait.ge [sflag:s23], $0x2800  }
0x139: {  	[sflag:s23] =	ssyncset.done $0x0  }
0x13a: {  	s6 =	sadd.s32 $0x4100, s5;
	[sflag:s23] =	ssyncadd.s32 $0xFFFFD800  }
0x13b: {  	[spmem:s2] =	stream.indirect.scatter.add.f32 [tilespmem:s20], [sflag:$0x5], $0x80, s6, s15, $0xb8;
	[tilespmem:$0x1C440] =	vst v63  }
0x13c: {  	_ =	swait.ge [sflag:s12], $0x2800  }
0x13d: {  	[sflag:s12] =	ssyncset.done $0x0  }
0x13e: {  	s6 =	sadd.s32 $0x200, s5;
	[sflag:s12] =	ssyncadd.s32 $0xFFFFD800  }
0x13f: {  	[tilespmem:s16], [sflag:$0x1] =	stream.indirect.gather [hbm4b:s1+s15], $0x80, s6, s15, $0xb8;
	[tilespmem:$0x1C440] =	vst v63  }
0x140: {  	_ =	swait.ge [sflag:s24], $0x2800  }
0x141: {  	[sflag:s24] =	ssyncset.done $0x0  }
.Ltmp4:
0x142: {  	s6 =	sadd.s32 $0x4180, s5;
	[sflag:s24] =	ssyncadd.s32 $0xFFFFD800;
	(pc) =	sbr.rel @p0 .LBB2_10-.Ltmp4, $4  }
0x143: {  	[spmem:s2] =	stream.indirect.scatter.add.f32 [tilespmem:s22], [sflag:$0x5], $0x80, s6, s15, $0xb8;
	[tilespmem:$0x1C440] =	vst v63  }
0x144: {  	_ =	swait.ge [sflag:s12], $0x2800  }
0x145: {  	[sflag:s12] =	ssyncset.done $0x0  }
0x146: {  	s5 =	sadd.s32 $0x280, s5;
	[sflag:s12] =	ssyncadd.s32 $0xFFFFD800  }
0x147: {  	[tilespmem:s18], [sflag:$0x2] =	stream.indirect.gather [hbm4b:s1+s15], $0x80, s5, s15, $0xb8;
	[tilespmem:$0x1C440] =	vst v63  }
0x148: {  	_ =	swait.ge [sflag:s19], $0x2800  }
0x149: {  	[sflag:s19] =	ssyncset.done $0x0  }
0x14a: {  	[sflag:s19] =	ssyncadd.s32 $0xFFFFD800  }
0x14b: {  	[spmem:s2] =	stream.indirect.scatter.add.f32 [tilespmem:s16], [sflag:$0x5], $0x80, s25, s15, $0xb8;
	[tilespmem:$0x1C440] =	vst v63  }
0x14c: {  	_ =	swait.ge [sflag:s12], $0x2800  }
0x14d: {  	[sflag:s12] =	ssyncset.done $0x0  }
0x14e: {  	[sflag:s12] =	ssyncadd.s32 $0xFFFFD800  }
0x14f: {  	[tilespmem:s20], [sflag:$0x3] =	stream.indirect.gather [hbm4b:s1+s15], $0x80, s26, s15, $0xb8;
	[tilespmem:$0x1C440] =	vst v63  }
0x150: {  	_ =	swait.ge [sflag:s21], $0x2800  }
0x151: {  	[sflag:s21] =	ssyncset.done $0x0  }
0x152: {  	[sflag:s21] =	ssyncadd.s32 $0xFFFFD800  }
0x153: {  	[spmem:s2] =	stream.indirect.scatter.add.f32 [tilespmem:s18], [sflag:$0x5], $0x80, s28, s15, $0xb8;
	[tilespmem:$0x1C440] =	vst v63  }
0x154: {  	_ =	swait.ge [sflag:s12], $0x2800  }
0x155: {  	[sflag:s12] =	ssyncset.done $0x0  }
0x156: {  	[sflag:s12] =	ssyncadd.s32 $0xFFFFD800  }
0x157: {  	[tilespmem:s22], [sflag:$0x4] =	stream.indirect.gather [hbm4b:s1+s15], $0x80, s29, s15, $0xb8;
	[tilespmem:$0x1C440] =	vst v63  }
0x158: {  	_ =	swait.ge [sflag:s23], $0x2800  }
0x159: {  	[sflag:s23] =	ssyncset.done $0x0  }
0x15a: {  	[sflag:s23] =	ssyncadd.s32 $0xFFFFD800  }
0x15b: {  	[spmem:s2] =	stream.indirect.scatter.add.f32 [tilespmem:s20], [sflag:$0x5], $0x80, s30, s15, $0xb8;
	[tilespmem:$0x1C440] =	vst v63  }
0x15c: {  	_ =	swait.ge [sflag:s12], $0x2800  }
0x15d: {  	[sflag:s12] =	ssyncset.done $0x0  }
0x15e: {  	[sflag:s12] =	ssyncadd.s32 $0xFFFFD800  }
0x15f: {  	[tilespmem:s16], [sflag:$0x1] =	stream.indirect.gather [hbm4b:s1+s15], $0x80, s31, s15, $0xb8;
	[tilespmem:$0x1C440] =	vst v63  }
0x160: {  	_ =	swait.ge [sflag:s24], $0x2800  }
0x161: {  	[sflag:s24] =	ssyncset.done $0x0  }
0x162: {  	[sflag:s24] =	ssyncadd.s32 $0xFFFFD800  }
0x163: {  	[spmem:s2] =	stream.indirect.scatter.add.f32 [tilespmem:s22], [sflag:$0x5], $0x80, s0, s15, $0xb8;
	[tilespmem:$0x1C440] =	vst v63  }
0x164: {  	_ =	swait.ge [sflag:s12], $0x2800  }
0x165: {  	[sflag:s12] =	ssyncset.done $0x0  }
0x166: {  	[sflag:s12] =	ssyncadd.s32 $0xFFFFD800  }
0x167: {  	_ =	swait.ge [sflag:s19], $0x2800  }
0x168: {  	[sflag:s19] =	ssyncset.done $0x0  }
0x169: {  	[sflag:s19] =	ssyncadd.s32 $0xFFFFD800  }
0x16a: {  	[spmem:s2] =	stream.indirect.scatter.add.f32 [tilespmem:s16], [sflag:$0x5], $0x80, s3, s15, $0xb8;
	[tilespmem:$0x1C440] =	vst v63  }
0x16b: {  	s13 =	stileid.u32;
	_ =	swait.ge [sflag:s12], $0x2800  }
0x16c: {  	s6 =	sshrl.u32 s7, $0x3;
	s4 =	sadd.s32 $0x1, s4;
	[sflag:s12] =	ssyncset.done $0x0  }
0x16d: {  	s5 =	sshll.u32 s13, $0x6;
	p0 =	sne.s32 s4, s11;
	[sflag:s12] =	ssyncadd.s32 $0xFFFFD800  }
.Ltmp5:
0x16e: {  	s5 =	sor.u32 $0x1C05, s5;
	[bflag:$0x0] =	sbarrier.arrive $0xFFFF;
	(pc) =	sbr.rel @p0 .LBB2_1-.Ltmp5, $4  }
0x16f: {  	[hbm:s10], [sflag:s5] =	dma.local [spmem:s6], $0x1400  }
0x170: {  	_ =	swait.ge [sflag:s12], $0x1400  }
0x171: {  	[sflag:s12] =	ssyncset.done $0x0  }
0x172: {  	[sflag:s12] =	ssyncadd.s32 $0xFFFFEC00  }
0x173: {  	_ =	sfence.sel $0x180000  }
0x174: {  	[bflag:$0x0] =	sbarrier.arrive $0xFFFF  }
0x175: {  	_ =	strace $0x9000004D  }
0x176: {  	s0 =	stileid.u32;
	[bflag:$0x2] =	sbarrier.arrive $0xFFFF  }
0x177: {  	p0 =	sne.s32 s0, $0x0;
	s0 =	rddreg [dreg:$0x3]  }
0x178: {  	s0 =	sadd.s32 @!p0 $0x100000, s0  }
0x179: {  	[sflag:s0] =	ssyncadd.tile.s32 @!p0 $0x1;
	_ =	shalt  }
.Lfunc_end2:
_tile_overlayer_lowered:
.L_overlay_start_2:
0x17a: {  	(tag) =	ssettag $0x2  }
0x17b: {  	s0 =	rddreg [dreg:$0x0];
	s2 =	stileid.u32  }
0x17c: {  	s1 =	rddreg [dreg:$0x1];
	p0 =	sne.s32 s2, $0x0  }
0x17d: {  	s3 =	rddreg [dreg:$0x2];
	[bflag:$0x3] =	sbarrier.arrive $0xFFFF;
	s2 =	simm.s32 @!p0 $0x1C05  }
0x17e: {  	[timem:s3], [sflag:s2] =	dma.local @!p0 [hbm:s0], s1  }
0x17f: {  	s0 =	simm.s32 @!p0 $0x5  }
0x180: {  	_ =	swait.ge @!p0 [sflag:s0], s1  }
0x181: {  	s1 =	ssub.s32 @!p0 $0x0, s1;
	[sflag:s0] =	ssyncset.done @!p0 $0x0  }
0x182: {  	[sflag:s0] =	ssyncadd.s32 @!p0 s1  }
0x183: {  	[bflag:$0x3] =	sbarrier.arrive $0xFFFF  }
0x184: {  	_ =	shalt  }

// kernel: kernel.8.cloned.1.call-start
scs
__scs_entry_jumppad:
0x0: {  	(pc) =	sbr.rel $0x88, $3  }
0x1: {  	(tag) =	ssettag $0x0;
	lr =	simm.s32 $0x1  }
0x2: {  	[smem:$0x3F9B] =	sst lr;
	_ =	strace $0xD0000000  }
0x3: {  	_ = 	snop  }
0x4: {  	_ = 	snop  }
0x5: {  	_ = 	snop  }
0x6: {  	_ = 	snop  }
0x7: {  	_ = 	snop  }
__scs_overlays_trampoline_lowered:
0x8: {  	[smem:$0x3FAA] =	sst s0  }
0x9: {  	[smem:$0x3FAB] =	sst s1  }
0xa: {  	[smem:$0x3FAC] =	sst s2  }
0xb: {  	[smem:$0x3FAD] =	sst s3  }
0xc: {  	[smem:$0x3FAE] =	sst s4  }
0xd: {  	[smem:$0x3FAF] =	sst s5  }
0xe: {  	[smem:$0x3FB0] =	sst s6  }
0xf: {  	[smem:$0x3FB1] =	sst s7  }
0x10: {  	[smem:$0x3FB2] =	sst s8  }
0x11: {  	[smem:$0x3FB3] =	sst s9;
	s0 =	simm.s32 @!p0 $0x0  }
0x12: {  	s1 =	sld [smem:$0x3F99];
	s0 =	simm.s32 @p0 $0x1  }
0x13: {  	[smem:$0x3FB4] =	sst s0;
	s0 =	simm.s32 @!p1 $0x0  }
0x14: {  	s2 =	sld [smem:$0x3F98];
	s0 =	simm.s32 @p1 $0x1  }
0x15: {  	[smem:$0x3FB5] =	sst s0;
	s0 =	simm.s32 @!p2 $0x0  }
0x16: {  	s3 =	sld [smem:$0x3FDB];
	s0 =	simm.s32 @p2 $0x1  }
0x17: {  	s4 =	simm.s32 $0x1BF5;
	[smem:$0x3FB7] =	sst s0  }
0x18: {  	s0 =	sld [smem:$0x3F9A];
	_ =	swait.ge [sflag:s4], $0x0  }
0x19: {  	s7 =	sld [smem:$0x3F9B]  }
0x1a: {  	s8 =	sadd.s32 $0xFFFFE003, lr  }
0x1b: {  	s9 =	sadd.s32 $0xFFFFFEF7, lr;
	s5 =	simm.s32 $0xFFFFFFFF;
	p2 =	slt.u32 s8, $0xFFFFF086  }
0x1c: {  	p1 =	slt.u32 s9, $0xF7A;
	s5 =	simm.s32 @!p2 $0x0  }
0x1d: {  	s5 =	simm.s32 @p1 $0x1;
	p0 =	seq.s32 s7, s2  }
0x1e: {  	s7 =	smul.u32 @!p0 $0xF7A, s2;
	p2 =	seq.s32 @!p0 s5, $0x0  }
0x1f: {  	s9 =	smul.u32 $0xF7A, s1;
	s8 =	simm.s32 @!p0 $0x1BF5;
	p2 =	por !p2, p0  }
0x20: {  	[sflag:s8] =	ssyncset.s32 @!p0 $0xFFFFF086;
	s6 =	sadd.s32 @!p0 s3, s7;
	s7 =	simm.s32 @!p0 $0x108  }
0x21: {  	s3 =	sadd.s32 s3, s9;
	s6 =	sadd.s32 @!p0 $0x88, s6;
	s7 =	simm.s32 @p2 $0x1082  }
0x22: {  	[simem:s7], [sflag:s8] =	dma.local @!p0 [hbm:s6], $0xF7A  }
0x23: {  	s9 =	sor.u32 $0xD0000000, s2;
	s6 =	simm.s32 $0x108;
	_ =	swait.ge @!p0 [sflag:s8], $0x0  }
0x24: {  	s3 =	sadd.s32 $0x88, s3;
	s6 =	simm.s32 @!p1 $0x1082;
	[sflag:s4] =	ssyncset.s32 $0xFFFFF086  }
0x25: {  	[simem:s6], [sflag:s4] =	dma.local [hbm:s3], $0xF7A  }
0x26: {  	[smem:$0x3F9B] =	sst s1;
	(tag) =	ssettag s2;
	_ =	strace s9  }
0x27: {  	s1 =	sld [smem:$0x3FAB]  }
0x28: {  	s2 =	sld [smem:$0x3FAC]  }
0x29: {  	s4 =	sld [smem:$0x3FAE]  }
0x2a: {  	p0 =	seq.s32 s5, $0x0;
	s5 =	sld [smem:$0x3FAF]  }
0x2b: {  	s6 =	sld [smem:$0x3FB0]  }
0x2c: {  	s7 =	sld [smem:$0x3FB1]  }
0x2d: {  	s3 =	simm.s32 $0x108;
	s8 =	sld [smem:$0x3FB2]  }
0x2e: {  	s3 =	simm.s32 @!p0 $0x1082;
	s9 =	sld [smem:$0x3FB3]  }
0x2f: {  	lr =	sadd.s32 s0, s3;
	s0 =	sld [smem:$0x3FAA]  }
0x30: {  	s3 =	sld [smem:$0x3FAD]  }
0x31: {  	[smem:$0x3FB6] =	sst s10  }
0x32: {  	s10 =	sld [smem:$0x3FB4];
	_ =	sdelay $0x3  }
0x33: {  	p0 =	seq.s32 s10, $0x1;
	s10 =	sld [smem:$0x3FB6];
	_ =	sdelay $0x3  }
0x34: {  	[smem:$0x3FB6] =	sst s10  }
0x35: {  	s10 =	sld [smem:$0x3FB5];
	_ =	sdelay $0x3  }
0x36: {  	p1 =	seq.s32 s10, $0x1;
	s10 =	sld [smem:$0x3FB6];
	_ =	sdelay $0x3  }
0x37: {  	[smem:$0x3FB6] =	sst s10  }
0x38: {  	s10 =	sld [smem:$0x3FB7]  }
0x39: {  	_ = 	snop;
	(pc) =	sbr.ind lr, $3  }
0x3a: {  	_ = 	snop  }
0x3b: {  	_ = 	snop  }
0x3c: {  	p2 =	seq.s32 s10, $0x1;
	s10 =	sld [smem:$0x3FB6]  }
0x3d: {  	_ =	shalt  }
0x3e: {  	_ =	shalt  }
0x3f: {  	_ =	shalt  }
0x40: {  	_ =	shalt  }
0x41: {  	_ =	shalt  }
0x42: {  	_ =	shalt  }
0x43: {  	_ =	shalt  }
0x44: {  	_ =	shalt  }
0x45: {  	_ =	shalt  }
0x46: {  	_ =	shalt  }
0x47: {  	_ =	shalt  }
0x48: {  	_ =	shalt  }
0x49: {  	_ =	shalt  }
0x4a: {  	_ =	shalt  }
0x4b: {  	_ =	shalt  }
0x4c: {  	_ =	shalt  }
0x4d: {  	_ =	shalt  }
0x4e: {  	_ =	shalt  }
0x4f: {  	_ =	shalt  }
0x50: {  	_ =	shalt  }
0x51: {  	_ =	shalt  }
0x52: {  	_ =	shalt  }
0x53: {  	_ =	shalt  }
0x54: {  	_ =	shalt  }
0x55: {  	_ =	shalt  }
0x56: {  	_ =	shalt  }
0x57: {  	_ =	shalt  }
0x58: {  	_ =	shalt  }
0x59: {  	_ =	shalt  }
0x5a: {  	_ =	shalt  }
0x5b: {  	_ =	shalt  }
0x5c: {  	_ =	shalt  }
0x5d: {  	_ =	shalt  }
0x5e: {  	_ =	shalt  }
0x5f: {  	_ =	shalt  }
0x60: {  	_ =	shalt  }
0x61: {  	_ =	shalt  }
0x62: {  	_ =	shalt  }
0x63: {  	_ =	shalt  }
0x64: {  	_ =	shalt  }
0x65: {  	_ =	shalt  }
0x66: {  	_ =	shalt  }
0x67: {  	_ =	shalt  }
0x68: {  	_ =	shalt  }
0x69: {  	_ =	shalt  }
0x6a: {  	_ =	shalt  }
0x6b: {  	_ =	shalt  }
0x6c: {  	_ =	shalt  }
0x6d: {  	_ =	shalt  }
0x6e: {  	_ =	shalt  }
0x6f: {  	_ =	shalt  }
0x70: {  	_ =	shalt  }
0x71: {  	_ =	shalt  }
0x72: {  	_ =	shalt  }
0x73: {  	_ =	shalt  }
0x74: {  	_ =	shalt  }
0x75: {  	_ =	shalt  }
0x76: {  	_ =	shalt  }
0x77: {  	_ =	shalt  }
0x78: {  	_ =	shalt  }
0x79: {  	_ =	shalt  }
0x7a: {  	_ =	shalt  }
0x7b: {  	_ =	shalt  }
0x7c: {  	_ =	shalt  }
0x7d: {  	_ =	shalt  }
0x7e: {  	_ =	shalt  }
0x7f: {  	_ =	shalt  }
0x80: {  	_ =	shalt  }
0x81: {  	_ =	shalt  }
0x82: {  	_ =	shalt  }
0x83: {  	_ =	shalt  }
0x84: {  	_ =	shalt  }
0x85: {  	_ =	shalt  }
0x86: {  	_ =	shalt  }
0x87: {  	_ =	shalt  }
.Lfunc_end0:
.L_simem_size_0:
called_computation_lowered:
.L_overlay_start_0:
0x88: {  	s2 =	sld [smem:$0x3FD9]  }
0x89: {  	s3 =	sld [smem:$0x3FFE];
	_ =	sdelay $0x1  }
0x8a: {  	s1 =	srdreg.scid  }
0x8b: {  	s0 =	sand.u32 $0x1, s1  }
0x8c: {  	s17 =	sshll.u32 s0, $0xA;
	s2 =	sadd.s32 s3, s2  }
0x8d: {  	s2 =	sadd.s32 s2, s17  }
0x8e: {  	[smem:$0x3FC2] =	sst s2  }
0x8f: {  	_ = 	snop  }
0x90: {  	s2 =	sld [smem:$0x3FD0];
	(tm) =	ssettm $0x1  }
0x91: {  	s18 =	sld [smem:$0x3FFB];
	_ =	sdelay $0x3  }
0x92: {  	_ =	strace s18  }
0x93: {  	s3 =	sld [smem:$0x3FFC];
	_ =	sdelay $0x3  }
0x94: {  	_ =	strace s3  }
0x95: {  	s3 =	sld [smem:$0x3FFD];
	_ =	sdelay $0x3  }
0x96: {  	_ =	strace s3  }
0x97: {  	_ =	strace $0x8FFFFFFF  }
0x98: {  	s19 =	sld [smem:$0x3FDB];
	_ =	sdelay $0x1  }
0x99: {  	s4 =	simm.s32 $_scs_section_size  }
0x9a: {  	s5 =	simm.s32 $_size__tile_overlayer_lowered;
	s6 =	simm.s32 $_tile_overlayer_lowered  }
0x9b: {  	s22 =	simm.s32 $0x1BFF;
	s21 =	sshll.u32 s6, $0x1;
	s3 =	sadd.s32 s4, s19  }
0x9c: {  	s7 =	simm.s32 $0x0;
	s20 =	sshll.u32 s5, $0x1;
	s5 =	sadd.s32 s21, s3  }
0x9d: {  	[timem:s7], [sflag:s22] =	dma.local [hbm:s5], s20  }
0x9e: {  	_ =	swait.ge [sflag:s22], s20  }
0x9f: {  	s4 =	ssub.s32 $0x0, s20;
	[sflag:s22] =	ssyncset.done $0x0  }
0xa0: {  	[sflag:s22] =	ssyncadd.s32 s4;
	_ =	sdelay $0x1  }
0xa1: {  	s23 =	simm.s32 $0x1B8B  }
0xa2: {  	_ =	swait.ge [sflag:s23], $0x1  }
0xa3: {  	[sflag:s23] =	ssyncset.done $0x0  }
0xa4: {  	s25 =	simm.s32 $0x1B8E;
	s24 =	sld [smem:$0x3FFE];
	[sflag:s23] =	ssyncadd.s32 $0xFFFFFFFF  }
0xa5: {  	s26 =	simm.s32 $execute0_lowered;
	[smem:$0x3FD2] =	sst s25  }
0xa6: {  	s5 =	sshll.u32 s26, $0x1;
	_ =	strace $0x80000046;
	[dreg:$0x1] =	wrdreg $0xFFFFFFFF  }
0xa7: {  	s28 =	simm.s32 $_size_execute0_lowered;
	s3 =	sadd.s32 s3, s5;
	[dreg:$0x0] =	wrdreg $0x0  }
0xa8: {  	s5 =	sshll.u32 s28, $0x1;
	[dreg:$0x2] =	wrdreg s3  }
0xa9: {  	[dreg:$0x3] =	wrdreg s5  }
0xaa: {  	[dreg:$0x4] =	wrdreg $0xC0  }
0xab: {  	_ =	task [dreg:s7], $0x5FFFF  }
0xac: {  	[dreg:$0x1] =	wrdreg $0xFFFFFFFF  }
0xad: {  	[dreg:$0x0] =	wrdreg $0x60  }
0xae: {  	[dreg:$0x2] =	wrdreg s24  }
0xaf: {  	[dreg:$0x3] =	wrdreg s2  }
0xb0: {  	[dreg:$0x4] =	wrdreg $0x83000  }
0xb1: {  	[dreg:$0x5] =	wrdreg $0x9  }
0xb2: {  	_ =	task.clear_ibuf [dreg:s7], $0x6FFFF;
	_ =	strace $0x90000046  }
0xb3: {  	s29 =	simm.s32 $0x9;
	_ =	strace $0x80000048  }
0xb4: {  	_ =	swait.ge [sflag:s29], $0x1  }
0xb5: {  	[sflag:s29] =	ssyncadd.s32 $0xFFFFFFFF  }
0xb6: {  	_ =	strace $0x90000048  }
0xb7: {  	_ =	sfence  }
0xb8: {  	s30 =	sld [smem:$0x0];
	_ =	sdelay $0x2  }
0xb9: {  	s31 =	sshll.u32 s1, $0xD;
	s1 =	sshrl.u32 s1, $0x2  }
0xba: {  	s3 =	sand.u32 $0x4000, s31;
	s1 =	sadd.s32 s1, s30  }
0xbb: {  	s0 =	sor.u32 s3, s0;
	s1 =	sshll.u32 s1, $0x11  }
0xbc: {  	s0 =	sor.u32 s1, s0  }
0xbd: {  	s0 =	sadd.s32 $0x8F2B, s0  }
0xbe: {  	[sflag:s0] =	ssyncadd.remote.s32 $0x1  }
0xbf: {  	_ =	sfence.sel $0xFFFF  }
0xc0: {  	[dreg:$0x0] =	wrdreg $0xFFFFFFFF;
	(pc) =	sbr.abs _section_cstart, $3  }
0xc1: {  	[dreg:$0x1] =	wrdreg $0xFFFFFFFF  }
0xc2: {  	_ =	task.clear_ibuf [dreg:s7], $0x2FFFF;
	_ =	strace $0x9FFFFFFF  }
0xc3: {  	(tm) =	ssettm $0x7FFFFFFF  }
tec
execute0_lowered:
.L_overlay_start_1:
0x0: {  	(tag) =	ssettag $0x1  }
0x1: {  	s4 =	rddreg [dreg:$0x0]  }
0x2: {  	s7 =	rddreg [dreg:$0x1]  }
0x3: {  	s1 =	rddreg [dreg:$0x2]  }
0x4: {  	s0 =	rddreg [dreg:$0x3];
	s3 =	simm.s32 $0x0;
	s5 =	srdreg.scid  }
0x5: {  	s2 =	stileid.u32;
	s12 =	simm.s32 $0x50;
	s13 =	simm.s32 $0x8000  }
0x6: {  	s16 =	simm.s32 $0x20;
	s17 =	simm.s32 $0x10;
	s18 =	simm.s32 $0x0  }
0x7: {  	[smem:$0x7FF] =	sst s3;
	s5 =	sand.u32 $0x1, s5;
	s9 =	smul.u32 $0x500, s2  }
0x8: {  	s8 =	sshll.u32 s2, $0xC;
	s11 =	smul.u32 $0xA00, s2;
	s14 =	sshll.u32 s2, $0x6  }
0x9: {  	_ =	strace $0x80000047;
	s6 =	sshll.u32 s5, $0x10;
	s29 =	ssub.s32 $0x2, s5  }
0xa: {  	s5 =	sshll.u32 s5, $0x7;
	s14 =	sor.u32 $0x1C01, s14;
	s6 =	sor.u32 s8, s6  }
0xb: {  	s10 =	sshrl.u32 s29, $0x1;
	s5 =	sor.u32 s5, s9;
	s30 =	sshrl.u32 s11, $0x2  }
0xc: {  	s9 =	simm.s32 $0x1;
	s11 =	simm.s32 $0x8080;
	s6 =	sadd.s32 s6, s4  }
0xd: {  	s8 =	ssub.s32 s29, s10;
	s31 =	sshrl.u32 s5, $0x3;
	s10 =	simm.s32 $0x4000  }
0xe: {  	s4 =	sadd.s32 $0x2600, s6;
	s5 =	sadd.s32 $0x2E00, s6;
	s6 =	sadd.s32 s30, s1  }
0xf: {  	v0 =	vimm.f32 $1.000000000e+00;
	v1 =	vimm.f32 $0.0e+00;
	s7 =	sadd.s32 s7, s31;
	s8 =	smax.u32 s8, $0x1;
	s15 =	sshrl.u32 s6, $0x3  }
.LBB2_1:
0x10: {  	[tilespmem:s3], [sflag:$0x1] =	stream.linear.gather [hbm4b:s4+s3], $0x3E80, $0x38;
	[tilespmem:$0x8580] =	vst v63  }
0x11: {  	_ =	swait.ge [sflag:s9], $0x3E80  }
0x12: {  	[sflag:s9] =	ssyncset.done $0x0  }
0x13: {  	[sflag:s9] =	ssyncadd.s32 $0xFFFFC180  }
0x14: {  	[tilespmem:s10], [sflag:$0x1] =	stream.linear.gather [hbm4b:s5+s3], $0x3E80, $0x38;
	[tilespmem:$0x8580] =	vst v63  }
0x15: {  	_ =	swait.ge [sflag:s9], $0x3E80  }
0x16: {  	[sflag:s9] =	ssyncset.done $0x0  }
0x17: {  	[sflag:s9] =	ssyncadd.s32 $0xFFFFC180  }
0x18: {  	[tilespmem:$0x8000] =	vst v0  }
0x19: {  	[tilespmem:$0x8010] =	vst v0  }
0x1a: {  	[tilespmem:$0x8020] =	vst v0  }
0x1b: {  	[tilespmem:$0x8030] =	vst v0  }
0x1c: {  	[tilespmem:$0x8040] =	vst v0  }
0x1d: {  	[tilespmem:$0x8080] =	vst v1  }
0x1e: {  	[tilespmem:$0x8090] =	vst v1  }
0x1f: {  	[tilespmem:$0x80A0] =	vst v1  }
0x20: {  	[tilespmem:$0x80B0] =	vst v1  }
0x21: {  	[tilespmem:$0x80C0] =	vst v1  }
0x22: {  	[tilespmem:$0x80D0] =	vst v1  }
0x23: {  	[tilespmem:$0x80E0] =	vst v1  }
0x24: {  	[tilespmem:$0x80F0] =	vst v1  }
0x25: {  	[tilespmem:$0x8100] =	vst v1  }
0x26: {  	[tilespmem:$0x8110] =	vst v1  }
0x27: {  	[tilespmem:$0x8120] =	vst v1  }
0x28: {  	[tilespmem:$0x8130] =	vst v1  }
0x29: {  	[tilespmem:$0x8140] =	vst v1  }
0x2a: {  	[tilespmem:$0x8150] =	vst v1  }
0x2b: {  	[tilespmem:$0x8160] =	vst v1  }
0x2c: {  	[tilespmem:$0x8170] =	vst v1  }
0x2d: {  	[tilespmem:$0x8180] =	vst v1  }
0x2e: {  	[tilespmem:$0x8190] =	vst v1  }
0x2f: {  	[tilespmem:$0x81A0] =	vst v1  }
0x30: {  	[tilespmem:$0x81B0] =	vst v1  }
0x31: {  	[tilespmem:$0x81C0] =	vst v1  }
0x32: {  	[tilespmem:$0x81D0] =	vst v1  }
0x33: {  	[tilespmem:$0x81E0] =	vst v1  }
0x34: {  	[tilespmem:$0x81F0] =	vst v1  }
0x35: {  	[tilespmem:$0x8200] =	vst v1  }
0x36: {  	[tilespmem:$0x8210] =	vst v1  }
0x37: {  	[tilespmem:$0x8220] =	vst v1  }
0x38: {  	[tilespmem:$0x8230] =	vst v1  }
0x39: {  	[tilespmem:$0x8240] =	vst v1  }
0x3a: {  	[tilespmem:$0x8250] =	vst v1  }
0x3b: {  	[tilespmem:$0x8260] =	vst v1  }
0x3c: {  	[tilespmem:$0x8270] =	vst v1  }
0x3d: {  	[tilespmem:$0x8280] =	vst v1  }
0x3e: {  	[tilespmem:$0x8290] =	vst v1  }
0x3f: {  	[tilespmem:$0x82A0] =	vst v1  }
0x40: {  	[tilespmem:$0x82B0] =	vst v1  }
0x41: {  	[tilespmem:$0x82C0] =	vst v1  }
0x42: {  	[tilespmem:$0x82D0] =	vst v1  }
0x43: {  	[tilespmem:$0x82E0] =	vst v1  }
0x44: {  	[tilespmem:$0x82F0] =	vst v1  }
0x45: {  	[spmem:s6] =	stream.linear.scatter [tilespmem:s11], [sflag:$0x1], $0x280, $0x38;
	[tilespmem:$0x8580] =	vst v63  }
0x46: {  	_ =	swait.ge [sflag:s9], $0x280  }
0x47: {  	[sflag:s9] =	ssyncset.done $0x0  }
0x48: {  	[sflag:s9] =	ssyncadd.s32 $0xFFFFFD80  }
0x49: {  	s19 =	simm.s32 $0x0;
	[bflag:$0x0] =	sbarrier.arrive $0xFFFF  }
.LBB2_2:
0x4a: {  	p0 =	sne.s32 s19, $0xF800  }
.Ltmp0:
0x4b: {  	s20 =	sshra.s32 s19, $0x2;
	(pc) =	sbr.rel @p0 .LBB2_2-.Ltmp0, $4  }
0x4c: {  	[spmem:s1] =	stream.indirect.scatter.add.f32 [tilespmem:s13], [sflag:$0x1], $0x1, s20, s12, $0xb8;
	[tilespmem:$0x8580] =	vst v63  }
0x4d: {  	_ =	swait.ge [sflag:s9], $0x50  }
0x4e: {  	[sflag:s9] =	ssyncset.done $0x0  }
0x4f: {  	s19 =	sadd.s32 $0x200, s19;
	[sflag:s9] =	ssyncadd.s32 $0xFFFFFFB0  }
0x50: {  	s19 =	simm.s32 $0x4000  }
0x51: {  	[spmem:s1] =	stream.indirect.scatter.add.f32 [tilespmem:s13], [sflag:$0x1], $0x1, s19, s12, $0xb8;
	[tilespmem:$0x8580] =	vst v63  }
0x52: {  	s19 =	simm.s32 $0x200;
	_ =	swait.ge [sflag:s9], $0x50  }
.LBB2_4:
0x53: {  	s20 =	sshra.s32 s19, $0x2;
	[sflag:s9] =	ssyncset.done $0x0;
	p0 =	sne.s32 s19, $0xF800  }
.Ltmp1:
0x54: {  	s20 =	sadd.s32 $0x4000, s20;
	[sflag:s9] =	ssyncadd.s32 $0xFFFFFFB0;
	(pc) =	sbr.rel @p0 .LBB2_4-.Ltmp1, $3  }
0x55: {  	[spmem:s1] =	stream.indirect.scatter.add.f32 [tilespmem:s13], [sflag:$0x1], $0x1, s20, s12, $0xb8;
	[tilespmem:$0x8580] =	vst v63  }
0x56: {  	s19 =	sadd.s32 $0x200, s19;
	_ =	sdelay $0x1  }
0x57: {  	_ =	swait.ge [sflag:s9], $0x50  }
0x58: {  	[sflag:s9] =	ssyncset.done $0x0;
	s18 =	sadd.s32 $0x1, s18  }
0x59: {  	[sflag:s9] =	ssyncadd.s32 $0xFFFFFFB0;
	p0 =	sne.s32 s18, s8  }
.Ltmp2:
0x5a: {  	[bflag:$0x0] =	sbarrier.arrive $0xFFFF;
	(pc) =	sbr.rel @p0 .LBB2_1-.Ltmp2, $4  }
0x5b: {  	[hbm:s7@s16], [sflag:s14] =	dma.strided [spmem:s15@s17], $0x50, s9, $0x10   }
0x5c: {  	_ =	swait.ge [sflag:s9], $0x50  }
0x5d: {  	[sflag:s9] =	ssyncset.done $0x0  }
0x5e: {  	[sflag:s9] =	ssyncadd.s32 $0xFFFFFFB0  }
0x5f: {  	_ =	sfence.sel $0x180000  }
0x60: {  	[bflag:$0x0] =	sbarrier.arrive $0xFFFF  }
0x61: {  	p0 =	sne.s32 s2, $0x0;
	_ =	strace $0x90000047  }
0x62: {  	s0 =	sadd.s32 @!p0 $0x100000, s0;
	[bflag:$0x2] =	sbarrier.arrive $0xFFFF  }
0x63: {  	[sflag:s0] =	ssyncadd.tile.s32 @!p0 $0x1;
	_ =	shalt  }
.Lfunc_end2:
_tile_overlayer_lowered:
.L_overlay_start_2:
0x64: {  	(tag) =	ssettag $0x2  }
0x65: {  	s0 =	rddreg [dreg:$0x0];
	s2 =	stileid.u32  }
0x66: {  	s1 =	rddreg [dreg:$0x1];
	p0 =	sne.s32 s2, $0x0  }
0x67: {  	s3 =	rddreg [dreg:$0x2];
	[bflag:$0x3] =	sbarrier.arrive $0xFFFF;
	s2 =	simm.s32 @!p0 $0x1C01  }
0x68: {  	[timem:s3], [sflag:s2] =	dma.local @!p0 [hbm:s0], s1  }
0x69: {  	s0 =	simm.s32 @!p0 $0x1  }
0x6a: {  	_ =	swait.ge @!p0 [sflag:s0], s1  }
0x6b: {  	s1 =	ssub.s32 @!p0 $0x0, s1;
	[sflag:s0] =	ssyncset.done @!p0 $0x0  }
0x6c: {  	[sflag:s0] =	ssyncadd.s32 @!p0 s1  }
0x6d: {  	[bflag:$0x3] =	sbarrier.arrive $0xFFFF  }
0x6e: {  	_ =	shalt  }

</sc_bundles>
